<compile_context>
chip_gen: v7x
topology: tpu7x:2x2x1
jax: 0.10.2.dev20260603
libtpu: 0.0.44.dev20260713+nightly
codegen_flags: <defaults>
</compile_context>

<pallas_src>
import jax
import jax.numpy as jnp
from jax import lax
from jax.experimental import pallas as pl
from jax.experimental.pallas import tpu as pltpu
from jax.experimental.pallas import tpu_sc as plsc

N = 10000
E = 320000
G = 32
IN = 128
HID = 16
HEADS = 8
HC = HEADS * HID
AG = 5

NP = 10112
K = 64
EPT = NP
NCH = EPT // K
E_PAD = 32 * EPT
ROWW = 144
RPT = NP // 16

_f32 = jnp.float32
_i32 = jnp.int32


def _bcast16(v, idx):
  return lax.gather(
      v, idx[:, None],
      dimension_numbers=lax.GatherDimensionNumbers(
          offset_dims=(), collapsed_slice_dims=(0,), start_index_map=(0,)),
      slice_sizes=(1,),
      mode=lax.GatherScatterMode.PROMISE_IN_BOUNDS)


def _edge_body(src_hbm, dst_hbm, ea_hbm, nf_hbm, xt_hbm, cv_hbm, out_hbm,
               accum, srcb, dstb, eab, nfsb, nfdb, xtb, rows, cvb,
               sem1, sem2, sem3):
  c = lax.axis_index("c")
  s = lax.axis_index("s")
  wid = c * 16 + s

  def _zf(i, _):
    for j in range(ROWW // 16):
      rows[i, pl.ds(j * 16, 16)] = jnp.zeros((16,), _f32)
    return 0
  lax.fori_loop(0, K, _zf, 0)
  base = s * RPT
  nfull = RPT // K
  for k in range(nfull):
    pltpu.sync_copy(rows, accum.at[pl.ds(base + k * K, K)])
  rem = RPT - nfull * K
  if rem:
    pltpu.sync_copy(rows.at[pl.ds(0, rem)],
                    accum.at[pl.ds(base + nfull * K, rem)])
  pltpu.sync_copy(cv_hbm, cvb)
  plsc.subcore_barrier()

  def _chunk(g, _c):
    off = wid * EPT + g * K
    a1 = pltpu.async_copy(src_hbm.at[pl.ds(off, K)], srcb.at[0], sem1)
    a2 = pltpu.async_copy(dst_hbm.at[pl.ds(off, K)], dstb.at[0], sem1)
    a3 = pltpu.async_copy(ea_hbm.at[pl.ds(off, K)], eab, sem1)
    a1.wait()
    a2.wait()
    a3.wait()
    b1 = pltpu.async_copy(nf_hbm.at[srcb.at[0]], nfsb, sem2)
    b2 = pltpu.async_copy(nf_hbm.at[dstb.at[0]], nfdb, sem2)
    b3 = pltpu.async_copy(xt_hbm.at[srcb.at[0]], xtb, sem3)
    b1.wait()
    b2.wait()
    b3.wait()

    def _edge(e, _):
      nfs = nfsb[e]
      nfd = nfdb[e]
      iota_l = lax.iota(_i32, 16)
      rot_l = lax.rem(iota_l + 8, jnp.full((16,), 16, _i32))
      eav = _bcast16(eab[...], jnp.full((16,), e, _i32))
      alpha = nfs + _bcast16(nfd, rot_l) + eav * cvb[...]
      alpha = jnp.where(alpha > 0, alpha, 0.2 * alpha)
      p = jnp.exp(alpha)
      rows[e, pl.ds(128, 16)] = (
          jnp.where(iota_l < 8, p, 0.0)
          + jnp.where(iota_l == 8, eav, 0.0)
          + jnp.where(iota_l == 9, 1.0, 0.0))
      for h in range(HEADS):
        ph = _bcast16(p, jnp.full((16,), h, _i32))
        rows[e, pl.ds(h * HID, HID)] = xtb[e, h] * ph
      return 0
    lax.fori_loop(0, K, _edge, 0)

    pltpu.sync_copy(rows, accum.at[dstb.at[0]], add=True)
    return 0
  lax.fori_loop(0, NCH, _chunk, 0)

  plsc.subcore_barrier()
  for k in range(nfull):
    pltpu.sync_copy(accum.at[pl.ds(base + k * K, K)],
                    out_hbm.at[c, pl.ds(base + k * K, K)])
  if rem:
    pltpu.sync_copy(accum.at[pl.ds(base + nfull * K, rem)],
                    out_hbm.at[c, pl.ds(base + nfull * K, rem)])


_edge_call = pl.kernel(
    _edge_body,
    mesh=plsc.VectorSubcoreMesh(core_axis_name="c", subcore_axis_name="s"),
    compiler_params=pltpu.CompilerParams(use_tc_tiling_on_sc=False),
    out_type=jax.ShapeDtypeStruct((2, NP, ROWW), _f32),
    scratch_types=[
        pltpu.VMEM_SHARED((NP, ROWW), _f32),
        pltpu.VMEM((1, K), _i32),
        pltpu.VMEM((1, K), _i32),
        pltpu.VMEM((K,), _f32),
        pltpu.VMEM((K, 16), _f32),
        pltpu.VMEM((K, 16), _f32),
        pltpu.VMEM((K, HEADS, HID), _f32),
        pltpu.VMEM((K, ROWW), _f32),
        pltpu.VMEM((16,), _f32),
        pltpu.SemaphoreType.DMA,
        pltpu.SemaphoreType.DMA,
        pltpu.SemaphoreType.DMA,
    ],
)


def _a_body(h_ref, w_ref, asf_ref, adf_ref, sa_ref, sd_ref, xt_ref, nf_ref):
  h = h_ref[...]
  xt = jnp.dot(h, w_ref[...], preferred_element_type=_f32, precision=lax.Precision.HIGHEST)
  xt_ref[...] = xt
  nf_ref[...] = (
      jnp.dot(xt * asf_ref[...], sa_ref[...], preferred_element_type=_f32, precision=lax.Precision.HIGHEST)
      + jnp.dot(xt * adf_ref[...], sd_ref[...], preferred_element_type=_f32, precision=lax.Precision.HIGHEST))


def _call_a(h, W, asf, adf, sa, sd):
  return pl.pallas_call(
      _a_body,
      out_shape=[jax.ShapeDtypeStruct((NP, HC), _f32),
                 jax.ShapeDtypeStruct((NP, 16), _f32)],
  )(h, W, asf, adf, sa, sd)


def _c_body(o0_ref, o1_ref, xt_ref, nf_ref, loop_ref, c8_ref, b_ref,
            r8_ref, mo_ref, md_ref, ms_ref, mc_ref, mn_ref, sl_ref,
            h_ref, loop_out_ref):
  acc = o0_ref[...] + o1_ref[...]
  outun = jnp.dot(acc, mo_ref[...], preferred_element_type=_f32, precision=lax.Precision.HIGHEST)
  den = jnp.dot(acc, md_ref[...], preferred_element_type=_f32, precision=lax.Precision.HIGHEST)
  sea = jnp.dot(acc, ms_ref[...], preferred_element_type=_f32, precision=lax.Precision.HIGHEST)
  cnt = jnp.dot(acc, mc_ref[...], preferred_element_type=_f32, precision=lax.Precision.HIGHEST)
  loop_out_ref[...] = sea / jnp.maximum(cnt, 1.0)
  r8 = r8_ref[...]
  sl = sl_ref[0, 0]
  a = (jnp.dot(nf_ref[...], mn_ref[...], preferred_element_type=_f32, precision=lax.Precision.HIGHEST)
       + loop_ref[...] * c8_ref[...])
  selfp = jnp.exp(jnp.where(a > 0, a, 0.2 * a)) * sl
  recip = 1.0 / (den + selfp + 1e-16)
  outun = outun + jnp.dot(selfp, r8, preferred_element_type=_f32, precision=lax.Precision.HIGHEST) * xt_ref[...]
  out = outun * jnp.dot(recip, r8, preferred_element_type=_f32, precision=lax.Precision.HIGHEST)
  h_ref[...] = jnp.maximum(out + b_ref[...], 0.0)


_CBR = NP // 4


def _call_c(o0, o1, xt, nf, loopv, c8, b, r8, mo, md, ms, mc, mn, sl):
  def row(w):
    return pl.BlockSpec((_CBR, w), lambda i: (i, 0))

  def full(a):
    return pl.BlockSpec(a.shape, lambda i: (0,) * a.ndim)

  return pl.pallas_call(
      _c_body,
      grid=(4,),
      in_specs=[row(ROWW), row(ROWW), row(HC), row(16), row(8),
                full(c8), full(b), full(r8), full(mo), full(md),
                full(ms), full(mc), full(mn), full(sl)],
      out_specs=[row(HC), row(8)],
      out_shape=[jax.ShapeDtypeStruct((NP, HC), _f32),
                 jax.ShapeDtypeStruct((NP, 8), _f32)],
  )(o0, o1, xt, nf, loopv, c8, b, r8, mo, md, ms, mc, mn, sl)


def _f_body(h_ref, batch_ref, rep_ref, offs_ref, w1a_ref, w1b_ref, b1_ref,
            w2_ref, b2_ref, out_ref):
  h = h_ref[...]
  bi = batch_ref[...]
  gi = lax.broadcasted_iota(_i32, (G, NP), 0)
  eq = (gi == bi).astype(_f32)
  lt = (bi < gi).astype(_f32)
  gsum = jnp.dot(eq, h, preferred_element_type=_f32, precision=lax.Precision.HIGHEST)
  cnt = jnp.sum(eq, axis=1, keepdims=True)
  starts = jnp.sum(lt, axis=1, keepdims=True)
  gemb = gsum / jnp.maximum(cnt, 1.0)
  rep = rep_ref[...]
  grep = jnp.dot(rep, gemb, preferred_element_type=_f32, precision=lax.Precision.HIGHEST)
  st160 = jnp.dot(rep, jnp.broadcast_to(starts, (G, 128)),
                  preferred_element_type=_f32, precision=lax.Precision.HIGHEST)[:, :1]
  idx = jnp.minimum(st160 + offs_ref[...], float(N - 1)).astype(_i32)
  ni = lax.broadcasted_iota(_i32, (G * AG, NP), 1)
  aoh = (ni == idx).astype(_f32)
  aemb = jnp.dot(aoh, h, preferred_element_type=_f32, precision=lax.Precision.HIGHEST)
  z = (jnp.dot(aemb, w1a_ref[...], preferred_element_type=_f32, precision=lax.Precision.HIGHEST)
       + jnp.dot(grep, w1b_ref[...], preferred_element_type=_f32, precision=lax.Precision.HIGHEST)
       + b1_ref[...])
  z = jnp.maximum(z, 0.0)
  out_ref[...] = (jnp.dot(z, w2_ref[...], preferred_element_type=_f32, precision=lax.Precision.HIGHEST)
                  + b2_ref[...])


def _call_f(h, batch2d, rep, offs, w1a, w1b, b1, w2, b2):
  return pl.pallas_call(
      _f_body,
      out_shape=jax.ShapeDtypeStruct((G * AG, 128), _f32),
  )(h, batch2d, rep, offs, w1a, w1b, b1, w2, b2)


def _cvec(We, ae):
  return (We.reshape(1, HEADS, HID) * ae).sum(-1).reshape(1, HEADS)


def kernel(x, edge_index, edge_attr, batch, num_graphs, W1, as1, ad1, We1,
           ae1, b1, W2, as2, ad2, We2, ae2, b2, W3, as3, ad3, We3, ae3, b3,
           fcW1, fcb1, fcW2, fcb2):
  src = edge_index[0]
  dst = edge_index[1]
  pad_e = E_PAD - E
  srcp = jnp.concatenate([src, jnp.full((pad_e,), N, _i32)])
  dstp = jnp.concatenate([dst, jnp.full((pad_e,), N, _i32)])
  eap = jnp.concatenate([edge_attr[:, 0], jnp.zeros((pad_e,), _f32)])
  xp = jnp.concatenate([x, jnp.zeros((NP - N, IN), _f32)])

  hsel = jnp.arange(HC, dtype=_i32) // HID
  hid8 = jnp.arange(HEADS, dtype=_i32)
  oh = (hsel[:, None] == hid8[None, :]).astype(_f32)
  sa = jnp.concatenate([oh, jnp.zeros((HC, 8), _f32)], axis=1)
  sd = jnp.concatenate([jnp.zeros((HC, 8), _f32), oh], axis=1)
  r8 = oh.T
  mo = jnp.concatenate([jnp.eye(HC, dtype=_f32),
                        jnp.zeros((ROWW - HC, HC), _f32)], axis=0)
  ar8 = jnp.arange(8)
  md = jnp.zeros((ROWW, 8), _f32).at[128 + ar8, ar8].set(1.0)
  ms = jnp.zeros((ROWW, 8), _f32).at[136, :].set(1.0)
  mc = jnp.zeros((ROWW, 8), _f32).at[137, :].set(1.0)
  mn = jnp.concatenate([jnp.eye(8, dtype=_f32),
                        jnp.eye(8, dtype=_f32)], axis=0)
  rep = (jnp.arange(G * AG, dtype=_i32)[:, None] // AG
         == jnp.arange(G, dtype=_i32)[None, :]).astype(_f32)
  offs = (jnp.arange(G * AG, dtype=_i32) % AG).astype(_f32)[:, None]
  batch2d = jnp.concatenate([batch, jnp.full((NP - N,), 1000, _i32)])
  batch2d = batch2d.reshape(1, NP)
  w1a = jnp.pad(fcW1[:HC], ((0, 0), (0, 128 - fcW1.shape[1])))
  w1b = jnp.pad(fcW1[HC:], ((0, 0), (0, 128 - fcW1.shape[1])))
  b1p = jnp.pad(fcb1, (0, 128 - fcb1.shape[0])).reshape(1, 128)
  w2p = jnp.pad(fcW2, ((0, 128 - fcW2.shape[0]), (0, 128 - fcW2.shape[1])))
  b2p = jnp.pad(fcb2, (0, 128 - fcb2.shape[0])).reshape(1, 128)

  layers = [
      (W1, as1, ad1, We1, ae1, b1, 0.0),
      (W2, as2, ad2, We2, ae2, b2, 1.0),
      (W3, as3, ad3, We3, ae3, b3, 1.0),
  ]

  h = xp
  loopv = jnp.zeros((NP, 8), _f32)
  for (W, a_s, a_d, We, a_e, b, sl) in layers:
    asf = a_s.reshape(1, HC)
    adf = a_d.reshape(1, HC)
    c8 = _cvec(We, a_e)
    cv16 = jnp.concatenate([c8[0], c8[0]])
    bp = b.reshape(1, HC)
    slv = jnp.full((1, 1), sl, _f32)
    xt, nf = _call_a(h, W, asf, adf, sa, sd)
    parts = _edge_call(srcp, dstp, eap, nf,
                       xt.reshape(NP, HEADS, HID), cv16)
    h, loopv = _call_c(parts[0], parts[1], xt, nf, loopv, c8, bp, r8,
                       mo, md, ms, mc, mn, slv)

  pred = _call_f(h, batch2d, rep, offs, w1a, w1b, b1p, w2p, b2p)
  return pred[:, :2].reshape(G, AG, 2)

# --- scband reference (transcript-rebuilt; emitter-appended) ---
"""Pipeline reference for scband-gatmodel-28114855919705 (READ-ONLY COPY).

The authoritative reference and input builder live on the scoring server;
editing this copy changes nothing except your own understanding.
"""

import jax, jax.numpy as jnp
import numpy as np

N = 10000; E = 320000; G = 32; IN = 128; HID = 16; HEADS = 8; OUT = 2; AG = 5
HC = HEADS * HID

def _p(k, shape, scale=0.1):
    return jax.random.normal(k, shape, dtype=jnp.float32) * scale

def setup_inputs(seed: int = 0) -> dict:
    key = jax.random.key(seed)
    ks = jax.random.split(key, 40)
    x = jax.random.normal(ks[0], (N, IN), dtype=jnp.float32)
    edge_index = jax.random.randint(ks[1], (2, E), 0, N, dtype=jnp.int32)
    edge_attr = jax.random.normal(ks[2], (E, 1), dtype=jnp.float32)
    batch = jnp.sort(jax.random.randint(ks[3], (N,), 0, G, dtype=jnp.int32))
    params = {}
    i = 4
    dims = [(IN, HC), (HC, HC), (HC, HC)]
    for l, (din, dout) in enumerate(dims, start=1):
        params['W%d' % l] = _p(ks[i], (din, dout)); i += 1
        params['as%d' % l] = _p(ks[i], (1, HEADS, HID)); i += 1
        params['ad%d' % l] = _p(ks[i], (1, HEADS, HID)); i += 1
        params['We%d' % l] = _p(ks[i], (1, dout)); i += 1
        params['ae%d' % l] = _p(ks[i], (1, HEADS, HID)); i += 1
        params['b%d' % l] = jnp.zeros((dout,), dtype=jnp.float32)
    params['fcW1'] = _p(ks[i], (HID * 16, HID * 4)); i += 1
    params['fcb1'] = jnp.zeros((HID * 4,), dtype=jnp.float32)
    params['fcW2'] = _p(ks[i], (HID * 4, OUT)); i += 1
    params['fcb2'] = jnp.zeros((OUT,), dtype=jnp.float32)
    out = {'x': x, 'edge_index': edge_index, 'edge_attr': edge_attr, 'batch': batch, 'num_graphs': G}
    out.update(params)
    return out

def _gat(x, src, dst, ea, W, a_s, a_d, We, a_e, b, self_loops):
    n = x.shape[0]
    if self_loops:
        cnt = jax.ops.segment_sum(jnp.ones((src.shape[0],), jnp.float32), dst, num_segments=n)
        sm = jax.ops.segment_sum(ea, dst, num_segments=n)
        loop = sm / jnp.maximum(cnt, 1.0)[:, None]
        ea = jnp.concatenate([ea, loop], axis=0)
        ar = jnp.arange(n, dtype=src.dtype)
        src = jnp.concatenate([src, ar]); dst = jnp.concatenate([dst, ar])
    xt = (x @ W).reshape(n, HEADS, HID)
    asc = (xt * a_s).sum(-1)
    adc = (xt * a_d).sum(-1)
    alpha = asc[src] + adc[dst]
    ee = (ea @ We).reshape(-1, HEADS, HID)
    alpha = alpha + (ee * a_e).sum(-1)
    alpha = jax.nn.leaky_relu(alpha, 0.2)
    mx = jax.ops.segment_max(alpha, dst, num_segments=n)
    mx = jnp.where(jnp.isfinite(mx), mx, 0.0)
    al = jnp.exp(alpha - mx[dst])
    den = jax.ops.segment_sum(al, dst, num_segments=n)
    al = al / (den[dst] + 1e-16)
    out = jax.ops.segment_sum(al[:, :, None] * xt[src], dst, num_segments=n)
    return out.reshape(n, HC) + b

def reference(x, edge_index, edge_attr, batch, num_graphs, W1, as1, ad1, We1, ae1, b1, W2, as2, ad2, We2, ae2, b2, W3, as3, ad3, We3, ae3, b3, fcW1, fcb1, fcW2, fcb2):
    ng = G
    src, dst = edge_index[0], edge_index[1]
    h = jax.nn.relu(_gat(x, src, dst, edge_attr, W1, as1, ad1, We1, ae1, b1, False))
    h = jax.nn.relu(_gat(h, src, dst, edge_attr, W2, as2, ad2, We2, ae2, b2, True))
    h = jax.nn.relu(_gat(h, src, dst, edge_attr, W3, as3, ad3, We3, ae3, b3, True))
    cnt = jax.ops.segment_sum(jnp.ones((h.shape[0],), jnp.float32), batch, num_segments=ng)
    gsum = jax.ops.segment_sum(h, batch, num_segments=ng)
    gemb = gsum / jnp.maximum(cnt, 1.0)[:, None]
    starts = jnp.searchsorted(batch, jnp.arange(ng, dtype=batch.dtype))
    idx = (starts[:, None] + jnp.arange(AG)).reshape(-1)
    aemb = h[idx]
    grep = jnp.repeat(gemb, AG, axis=0)
    comb = jnp.concatenate([aemb, grep], axis=1)
    comb = jax.nn.relu(comb @ fcW1 + fcb1)
    pred = comb @ fcW2 + fcb2
    pred = pred + jnp.zeros((), pred.dtype) * num_graphs
    return pred.reshape(ng, AG, -1)

if __name__ == "__main__":
    import jax
    _d = setup_inputs()
    print(jax.jit(kernel)(*tuple(_d.values())))

</pallas_src>

<mosaic_0001>
#map = affine_map<(d0, d1) -> (0)>
#map1 = affine_map<(d0, d1) -> (0, 0)>
#map2 = affine_map<(d0, d1) -> (0, 0, 0)>
module attributes {stable_mosaic.version = 14 : i64} {
  func.func @_edge_body(%arg0: i32, %arg1: i32, %arg2: memref<323584xi32, #tpu.memory_space<hbm>>, %arg3: memref<323584xi32, #tpu.memory_space<hbm>>, %arg4: memref<323584xf32, #tpu.memory_space<hbm>>, %arg5: memref<10112x16xf32, #tpu.memory_space<hbm>>, %arg6: memref<10112x8x16xf32, #tpu.memory_space<hbm>>, %arg7: memref<16xf32, #tpu.memory_space<hbm>>, %arg8: memref<2x10112x144xf32, #tpu.memory_space<hbm>>, %arg9: memref<10112x144xf32, #tpu.memory_space<vmem_shared>>, %arg10: memref<1x64xi32, #tpu.memory_space<vmem>>, %arg11: memref<1x64xi32, #tpu.memory_space<vmem>>, %arg12: memref<64xf32, #tpu.memory_space<vmem>>, %arg13: memref<64x16xf32, #tpu.memory_space<vmem>>, %arg14: memref<64x16xf32, #tpu.memory_space<vmem>>, %arg15: memref<64x8x16xf32, #tpu.memory_space<vmem>>, %arg16: memref<64x144xf32, #tpu.memory_space<vmem>>, %arg17: memref<16xf32, #tpu.memory_space<vmem>>, %arg18: memref<!tpu.dma_semaphore, #tpu.memory_space<semaphore_mem>>, %arg19: memref<!tpu.dma_semaphore, #tpu.memory_space<semaphore_mem>>, %arg20: memref<!tpu.dma_semaphore, #tpu.memory_space<semaphore_mem>>) attributes {dimension_semantics = [#tpu.dimension_semantics<core_parallel>, #tpu.dimension_semantics<subcore_parallel>], iteration_bounds = array<i64: 2, 16>, scalar_prefetch = 0 : i64, scratch_operands = 12 : i64, tpu.core_type = #tpu.core_type<sc_vector_subcore>, window_params = [{transform_indices = #map}, {transform_indices = #map}, {transform_indices = #map}, {transform_indices = #map1}, {transform_indices = #map2}, {transform_indices = #map}, {transform_indices = #map2}]} {
    %mul3A = arith.constant 16 : i32
    %mul3A_0 = arith.muli %arg0, %mul3A : i32
    %add3A = arith.addi %mul3A_0, %arg1 : i32
    %scan3A = arith.constant 0 : i32
    %scan3A_1 = arith.constant 0 : i32
    %scan3A_2 = arith.constant 64 : i32
    %scan3A_3 = arith.addi %scan3A_1, %scan3A_2 : i32
    %scan3A_4 = arith.constant 1 : i32
    %scan3A_5 = scf.for %scan3A_77 = %scan3A_1 to %scan3A_3 step %scan3A_4 iter_args(%scan3A_78 = %scan3A) -> (i32)  : i32 {
      %broadcast_in_dim3A = arith.constant 0.000000e+00 : f32
      %broadcast_in_dim3A_79 = vector.broadcast %broadcast_in_dim3A : f32 to vector<16xf32>
      %swap3A = arith.index_cast %scan3A_77 : i32 to index
      %swap3A_80 = arith.constant 0 : index
      %swap3A_81 = tpu.vector_load %arg16[%swap3A, %swap3A_80] {strides = array<i32>} : memref<64x144xf32, #tpu.memory_space<vmem>>, vector<1x16xf32>,
      %swap3A_82 = vector.shape_cast %swap3A_81 : vector<1x16xf32> to vector<16xf32>
      %swap3A_83 = vector.shape_cast %broadcast_in_dim3A_79 : vector<16xf32> to vector<1x16xf32>
      tpu.vector_store %arg16[%swap3A, %swap3A_80], %swap3A_83 {strides = array<i32>} : memref<64x144xf32, #tpu.memory_space<vmem>>, vector<1x16xf32>,
      %broadcast_in_dim3A_84 = arith.constant 0.000000e+00 : f32
      %broadcast_in_dim3A_85 = vector.broadcast %broadcast_in_dim3A_84 : f32 to vector<16xf32>
      %swap3A_86 = arith.index_cast %scan3A_77 : i32 to index
      %swap3A_87 = arith.constant 16 : index
      %swap3A_88 = tpu.vector_load %arg16[%swap3A_86, %swap3A_87] {strides = array<i32>} : memref<64x144xf32, #tpu.memory_space<vmem>>, vector<1x16xf32>,
      %swap3A_89 = vector.shape_cast %swap3A_88 : vector<1x16xf32> to vector<16xf32>
      %swap3A_90 = vector.shape_cast %broadcast_in_dim3A_85 : vector<16xf32> to vector<1x16xf32>
      tpu.vector_store %arg16[%swap3A_86, %swap3A_87], %swap3A_90 {strides = array<i32>} : memref<64x144xf32, #tpu.memory_space<vmem>>, vector<1x16xf32>,
      %broadcast_in_dim3A_91 = arith.constant 0.000000e+00 : f32
      %broadcast_in_dim3A_92 = vector.broadcast %broadcast_in_dim3A_91 : f32 to vector<16xf32>
      %swap3A_93 = arith.index_cast %scan3A_77 : i32 to index
      %swap3A_94 = arith.constant 32 : index
      %swap3A_95 = tpu.vector_load %arg16[%swap3A_93, %swap3A_94] {strides = array<i32>} : memref<64x144xf32, #tpu.memory_space<vmem>>, vector<1x16xf32>,
      %swap3A_96 = vector.shape_cast %swap3A_95 : vector<1x16xf32> to vector<16xf32>
      %swap3A_97 = vector.shape_cast %broadcast_in_dim3A_92 : vector<16xf32> to vector<1x16xf32>
      tpu.vector_store %arg16[%swap3A_93, %swap3A_94], %swap3A_97 {strides = array<i32>} : memref<64x144xf32, #tpu.memory_space<vmem>>, vector<1x16xf32>,
      %broadcast_in_dim3A_98 = arith.constant 0.000000e+00 : f32
      %broadcast_in_dim3A_99 = vector.broadcast %broadcast_in_dim3A_98 : f32 to vector<16xf32>
      %swap3A_100 = arith.index_cast %scan3A_77 : i32 to index
      %swap3A_101 = arith.constant 48 : index
      %swap3A_102 = tpu.vector_load %arg16[%swap3A_100, %swap3A_101] {strides = array<i32>} : memref<64x144xf32, #tpu.memory_space<vmem>>, vector<1x16xf32>,
      %swap3A_103 = vector.shape_cast %swap3A_102 : vector<1x16xf32> to vector<16xf32>
      %swap3A_104 = vector.shape_cast %broadcast_in_dim3A_99 : vector<16xf32> to vector<1x16xf32>
      tpu.vector_store %arg16[%swap3A_100, %swap3A_101], %swap3A_104 {strides = array<i32>} : memref<64x144xf32, #tpu.memory_space<vmem>>, vector<1x16xf32>,
      %broadcast_in_dim3A_105 = arith.constant 0.000000e+00 : f32
      %broadcast_in_dim3A_106 = vector.broadcast %broadcast_in_dim3A_105 : f32 to vector<16xf32>
      %swap3A_107 = arith.index_cast %scan3A_77 : i32 to index
      %swap3A_108 = arith.constant 64 : index
      %swap3A_109 = tpu.vector_load %arg16[%swap3A_107, %swap3A_108] {strides = array<i32>} : memref<64x144xf32, #tpu.memory_space<vmem>>, vector<1x16xf32>,
      %swap3A_110 = vector.shape_cast %swap3A_109 : vector<1x16xf32> to vector<16xf32>
      %swap3A_111 = vector.shape_cast %broadcast_in_dim3A_106 : vector<16xf32> to vector<1x16xf32>
      tpu.vector_store %arg16[%swap3A_107, %swap3A_108], %swap3A_111 {strides = array<i32>} : memref<64x144xf32, #tpu.memory_space<vmem>>, vector<1x16xf32>,
      %broadcast_in_dim3A_112 = arith.constant 0.000000e+00 : f32
      %broadcast_in_dim3A_113 = vector.broadcast %broadcast_in_dim3A_112 : f32 to vector<16xf32>
      %swap3A_114 = arith.index_cast %scan3A_77 : i32 to index
      %swap3A_115 = arith.constant 80 : index
      %swap3A_116 = tpu.vector_load %arg16[%swap3A_114, %swap3A_115] {strides = array<i32>} : memref<64x144xf32, #tpu.memory_space<vmem>>, vector<1x16xf32>,
      %swap3A_117 = vector.shape_cast %swap3A_116 : vector<1x16xf32> to vector<16xf32>
      %swap3A_118 = vector.shape_cast %broadcast_in_dim3A_113 : vector<16xf32> to vector<1x16xf32>
      tpu.vector_store %arg16[%swap3A_114, %swap3A_115], %swap3A_118 {strides = array<i32>} : memref<64x144xf32, #tpu.memory_space<vmem>>, vector<1x16xf32>,
      %broadcast_in_dim3A_119 = arith.constant 0.000000e+00 : f32
      %broadcast_in_dim3A_120 = vector.broadcast %broadcast_in_dim3A_119 : f32 to vector<16xf32>
      %swap3A_121 = arith.index_cast %scan3A_77 : i32 to index
      %swap3A_122 = arith.constant 96 : index
      %swap3A_123 = tpu.vector_load %arg16[%swap3A_121, %swap3A_122] {strides = array<i32>} : memref<64x144xf32, #tpu.memory_space<vmem>>, vector<1x16xf32>,
      %swap3A_124 = vector.shape_cast %swap3A_123 : vector<1x16xf32> to vector<16xf32>
      %swap3A_125 = vector.shape_cast %broadcast_in_dim3A_120 : vector<16xf32> to vector<1x16xf32>
      tpu.vector_store %arg16[%swap3A_121, %swap3A_122], %swap3A_125 {strides = array<i32>} : memref<64x144xf32, #tpu.memory_space<vmem>>, vector<1x16xf32>,
      %broadcast_in_dim3A_126 = arith.constant 0.000000e+00 : f32
      %broadcast_in_dim3A_127 = vector.broadcast %broadcast_in_dim3A_126 : f32 to vector<16xf32>
      %swap3A_128 = arith.index_cast %scan3A_77 : i32 to index
      %swap3A_129 = arith.constant 112 : index
      %swap3A_130 = tpu.vector_load %arg16[%swap3A_128, %swap3A_129] {strides = array<i32>} : memref<64x144xf32, #tpu.memory_space<vmem>>, vector<1x16xf32>,
      %swap3A_131 = vector.shape_cast %swap3A_130 : vector<1x16xf32> to vector<16xf32>
      %swap3A_132 = vector.shape_cast %broadcast_in_dim3A_127 : vector<16xf32> to vector<1x16xf32>
      tpu.vector_store %arg16[%swap3A_128, %swap3A_129], %swap3A_132 {strides = array<i32>} : memref<64x144xf32, #tpu.memory_space<vmem>>, vector<1x16xf32>,
      %broadcast_in_dim3A_133 = arith.constant 0.000000e+00 : f32
      %broadcast_in_dim3A_134 = vector.broadcast %broadcast_in_dim3A_133 : f32 to vector<16xf32>
      %swap3A_135 = arith.index_cast %scan3A_77 : i32 to index
      %swap3A_136 = arith.constant 128 : index
      %swap3A_137 = tpu.vector_load %arg16[%swap3A_135, %swap3A_136] {strides = array<i32>} : memref<64x144xf32, #tpu.memory_space<vmem>>, vector<1x16xf32>,
      %swap3A_138 = vector.shape_cast %swap3A_137 : vector<1x16xf32> to vector<16xf32>
      %swap3A_139 = vector.shape_cast %broadcast_in_dim3A_134 : vector<16xf32> to vector<1x16xf32>
      tpu.vector_store %arg16[%swap3A_135, %swap3A_136], %swap3A_139 {strides = array<i32>} : memref<64x144xf32, #tpu.memory_space<vmem>>, vector<1x16xf32>,
      %scan3A_140 = arith.constant 0 : i32
      scf.yield %scan3A_140 : i32
    }
    %scan3A_6 = arith.constant 64 : i32
    %mul3A_7 = arith.constant 632 : i32
    %mul3A_8 = arith.muli %arg1, %mul3A_7 : i32
    %add3A_9 = arith.constant 0 : i32
    %add3A_10 = arith.addi %mul3A_8, %add3A_9 : i32
    "tpu.region"() ({
      %run_scoped3A = tpu.sem_alloc : memref<!tpu.dma_semaphore, #tpu.memory_space<semaphore_mem>>
      %dma_start3A = arith.constant 0 : i32
      %dma_start3A_77 = tpu.memref_slice %arg9[%add3A_10, %dma_start3A] : memref<10112x144xf32, #tpu.memory_space<vmem_shared>> -> memref<64x144xf32, #tpu.memory_space<vmem_shared>>
      %dma_start3A_78 = arith.constant 0 : i32
      %dma_start3A_79 = tpu.memref_slice %arg9[%add3A_10, %dma_start3A_78] : memref<10112x144xf32, #tpu.memory_space<vmem_shared>> -> memref<64x144xf32, #tpu.memory_space<vmem_shared>>
      tpu.enqueue_dma source(%arg16 : memref<64x144xf32, #tpu.memory_space<vmem>>) target(%dma_start3A_79 : memref<64x144xf32, #tpu.memory_space<vmem_shared>>) target_semaphore(%run_scoped3A : memref<!tpu.dma_semaphore, #tpu.memory_space<semaphore_mem>>)
      %dma_wait3A = arith.constant 0 : i32
      %dma_wait3A_80 = tpu.memref_slice %arg9[%add3A_10, %dma_wait3A] : memref<10112x144xf32, #tpu.memory_space<vmem_shared>> -> memref<64x144xf32, #tpu.memory_space<vmem_shared>>
      %dma_wait3A_81 = arith.constant 0 : i32
      %dma_wait3A_82 = tpu.memref_slice %arg9[%add3A_10, %dma_wait3A_81] : memref<10112x144xf32, #tpu.memory_space<vmem_shared>> -> memref<64x144xf32, #tpu.memory_space<vmem_shared>>
      tpu.wait_dma2 semaphore(%run_scoped3A : memref<!tpu.dma_semaphore, #tpu.memory_space<semaphore_mem>>) src(%arg16 : memref<64x144xf32, #tpu.memory_space<vmem>>) dst(%dma_wait3A_82 : memref<64x144xf32, #tpu.memory_space<vmem_shared>>)
      tpu.yield
    }) : () -> ()
    %add3A_11 = arith.constant 64 : i32
    %add3A_12 = arith.addi %mul3A_8, %add3A_11 : i32
    "tpu.region"() ({
      %run_scoped3A = tpu.sem_alloc : memref<!tpu.dma_semaphore, #tpu.memory_space<semaphore_mem>>
      %dma_start3A = arith.constant 0 : i32
      %dma_start3A_77 = tpu.memref_slice %arg9[%add3A_12, %dma_start3A] : memref<10112x144xf32, #tpu.memory_space<vmem_shared>> -> memref<64x144xf32, #tpu.memory_space<vmem_shared>>
      %dma_start3A_78 = arith.constant 0 : i32
      %dma_start3A_79 = tpu.memref_slice %arg9[%add3A_12, %dma_start3A_78] : memref<10112x144xf32, #tpu.memory_space<vmem_shared>> -> memref<64x144xf32, #tpu.memory_space<vmem_shared>>
      tpu.enqueue_dma source(%arg16 : memref<64x144xf32, #tpu.memory_space<vmem>>) target(%dma_start3A_79 : memref<64x144xf32, #tpu.memory_space<vmem_shared>>) target_semaphore(%run_scoped3A : memref<!tpu.dma_semaphore, #tpu.memory_space<semaphore_mem>>)
      %dma_wait3A = arith.constant 0 : i32
      %dma_wait3A_80 = tpu.memref_slice %arg9[%add3A_12, %dma_wait3A] : memref<10112x144xf32, #tpu.memory_space<vmem_shared>> -> memref<64x144xf32, #tpu.memory_space<vmem_shared>>
      %dma_wait3A_81 = arith.constant 0 : i32
      %dma_wait3A_82 = tpu.memref_slice %arg9[%add3A_12, %dma_wait3A_81] : memref<10112x144xf32, #tpu.memory_space<vmem_shared>> -> memref<64x144xf32, #tpu.memory_space<vmem_shared>>
      tpu.wait_dma2 semaphore(%run_scoped3A : memref<!tpu.dma_semaphore, #tpu.memory_space<semaphore_mem>>) src(%arg16 : memref<64x144xf32, #tpu.memory_space<vmem>>) dst(%dma_wait3A_82 : memref<64x144xf32, #tpu.memory_space<vmem_shared>>)
      tpu.yield
    }) : () -> ()
    %add3A_13 = arith.constant 128 : i32
    %add3A_14 = arith.addi %mul3A_8, %add3A_13 : i32
    "tpu.region"() ({
      %run_scoped3A = tpu.sem_alloc : memref<!tpu.dma_semaphore, #tpu.memory_space<semaphore_mem>>
      %dma_start3A = arith.constant 0 : i32
      %dma_start3A_77 = tpu.memref_slice %arg9[%add3A_14, %dma_start3A] : memref<10112x144xf32, #tpu.memory_space<vmem_shared>> -> memref<64x144xf32, #tpu.memory_space<vmem_shared>>
      %dma_start3A_78 = arith.constant 0 : i32
      %dma_start3A_79 = tpu.memref_slice %arg9[%add3A_14, %dma_start3A_78] : memref<10112x144xf32, #tpu.memory_space<vmem_shared>> -> memref<64x144xf32, #tpu.memory_space<vmem_shared>>
      tpu.enqueue_dma source(%arg16 : memref<64x144xf32, #tpu.memory_space<vmem>>) target(%dma_start3A_79 : memref<64x144xf32, #tpu.memory_space<vmem_shared>>) target_semaphore(%run_scoped3A : memref<!tpu.dma_semaphore, #tpu.memory_space<semaphore_mem>>)
      %dma_wait3A = arith.constant 0 : i32
      %dma_wait3A_80 = tpu.memref_slice %arg9[%add3A_14, %dma_wait3A] : memref<10112x144xf32, #tpu.memory_space<vmem_shared>> -> memref<64x144xf32, #tpu.memory_space<vmem_shared>>
      %dma_wait3A_81 = arith.constant 0 : i32
      %dma_wait3A_82 = tpu.memref_slice %arg9[%add3A_14, %dma_wait3A_81] : memref<10112x144xf32, #tpu.memory_space<vmem_shared>> -> memref<64x144xf32, #tpu.memory_space<vmem_shared>>
      tpu.wait_dma2 semaphore(%run_scoped3A : memref<!tpu.dma_semaphore, #tpu.memory_space<semaphore_mem>>) src(%arg16 : memref<64x144xf32, #tpu.memory_space<vmem>>) dst(%dma_wait3A_82 : memref<64x144xf32, #tpu.memory_space<vmem_shared>>)
      tpu.yield
    }) : () -> ()
    %add3A_15 = arith.constant 192 : i32
    %add3A_16 = arith.addi %mul3A_8, %add3A_15 : i32
    "tpu.region"() ({
      %run_scoped3A = tpu.sem_alloc : memref<!tpu.dma_semaphore, #tpu.memory_space<semaphore_mem>>
      %dma_start3A = arith.constant 0 : i32
      %dma_start3A_77 = tpu.memref_slice %arg9[%add3A_16, %dma_start3A] : memref<10112x144xf32, #tpu.memory_space<vmem_shared>> -> memref<64x144xf32, #tpu.memory_space<vmem_shared>>
      %dma_start3A_78 = arith.constant 0 : i32
      %dma_start3A_79 = tpu.memref_slice %arg9[%add3A_16, %dma_start3A_78] : memref<10112x144xf32, #tpu.memory_space<vmem_shared>> -> memref<64x144xf32, #tpu.memory_space<vmem_shared>>
      tpu.enqueue_dma source(%arg16 : memref<64x144xf32, #tpu.memory_space<vmem>>) target(%dma_start3A_79 : memref<64x144xf32, #tpu.memory_space<vmem_shared>>) target_semaphore(%run_scoped3A : memref<!tpu.dma_semaphore, #tpu.memory_space<semaphore_mem>>)
      %dma_wait3A = arith.constant 0 : i32
      %dma_wait3A_80 = tpu.memref_slice %arg9[%add3A_16, %dma_wait3A] : memref<10112x144xf32, #tpu.memory_space<vmem_shared>> -> memref<64x144xf32, #tpu.memory_space<vmem_shared>>
      %dma_wait3A_81 = arith.constant 0 : i32
      %dma_wait3A_82 = tpu.memref_slice %arg9[%add3A_16, %dma_wait3A_81] : memref<10112x144xf32, #tpu.memory_space<vmem_shared>> -> memref<64x144xf32, #tpu.memory_space<vmem_shared>>
      tpu.wait_dma2 semaphore(%run_scoped3A : memref<!tpu.dma_semaphore, #tpu.memory_space<semaphore_mem>>) src(%arg16 : memref<64x144xf32, #tpu.memory_space<vmem>>) dst(%dma_wait3A_82 : memref<64x144xf32, #tpu.memory_space<vmem_shared>>)
      tpu.yield
    }) : () -> ()
    %add3A_17 = arith.constant 256 : i32
    %add3A_18 = arith.addi %mul3A_8, %add3A_17 : i32
    "tpu.region"() ({
      %run_scoped3A = tpu.sem_alloc : memref<!tpu.dma_semaphore, #tpu.memory_space<semaphore_mem>>
      %dma_start3A = arith.constant 0 : i32
      %dma_start3A_77 = tpu.memref_slice %arg9[%add3A_18, %dma_start3A] : memref<10112x144xf32, #tpu.memory_space<vmem_shared>> -> memref<64x144xf32, #tpu.memory_space<vmem_shared>>
      %dma_start3A_78 = arith.constant 0 : i32
      %dma_start3A_79 = tpu.memref_slice %arg9[%add3A_18, %dma_start3A_78] : memref<10112x144xf32, #tpu.memory_space<vmem_shared>> -> memref<64x144xf32, #tpu.memory_space<vmem_shared>>
      tpu.enqueue_dma source(%arg16 : memref<64x144xf32, #tpu.memory_space<vmem>>) target(%dma_start3A_79 : memref<64x144xf32, #tpu.memory_space<vmem_shared>>) target_semaphore(%run_scoped3A : memref<!tpu.dma_semaphore, #tpu.memory_space<semaphore_mem>>)
      %dma_wait3A = arith.constant 0 : i32
      %dma_wait3A_80 = tpu.memref_slice %arg9[%add3A_18, %dma_wait3A] : memref<10112x144xf32, #tpu.memory_space<vmem_shared>> -> memref<64x144xf32, #tpu.memory_space<vmem_shared>>
      %dma_wait3A_81 = arith.constant 0 : i32
      %dma_wait3A_82 = tpu.memref_slice %arg9[%add3A_18, %dma_wait3A_81] : memref<10112x144xf32, #tpu.memory_space<vmem_shared>> -> memref<64x144xf32, #tpu.memory_space<vmem_shared>>
      tpu.wait_dma2 semaphore(%run_scoped3A : memref<!tpu.dma_semaphore, #tpu.memory_space<semaphore_mem>>) src(%arg16 : memref<64x144xf32, #tpu.memory_space<vmem>>) dst(%dma_wait3A_82 : memref<64x144xf32, #tpu.memory_space<vmem_shared>>)
      tpu.yield
    }) : () -> ()
    %add3A_19 = arith.constant 320 : i32
    %add3A_20 = arith.addi %mul3A_8, %add3A_19 : i32
    "tpu.region"() ({
      %run_scoped3A = tpu.sem_alloc : memref<!tpu.dma_semaphore, #tpu.memory_space<semaphore_mem>>
      %dma_start3A = arith.constant 0 : i32
      %dma_start3A_77 = tpu.memref_slice %arg9[%add3A_20, %dma_start3A] : memref<10112x144xf32, #tpu.memory_space<vmem_shared>> -> memref<64x144xf32, #tpu.memory_space<vmem_shared>>
      %dma_start3A_78 = arith.constant 0 : i32
      %dma_start3A_79 = tpu.memref_slice %arg9[%add3A_20, %dma_start3A_78] : memref<10112x144xf32, #tpu.memory_space<vmem_shared>> -> memref<64x144xf32, #tpu.memory_space<vmem_shared>>
      tpu.enqueue_dma source(%arg16 : memref<64x144xf32, #tpu.memory_space<vmem>>) target(%dma_start3A_79 : memref<64x144xf32, #tpu.memory_space<vmem_shared>>) target_semaphore(%run_scoped3A : memref<!tpu.dma_semaphore, #tpu.memory_space<semaphore_mem>>)
      %dma_wait3A = arith.constant 0 : i32
      %dma_wait3A_80 = tpu.memref_slice %arg9[%add3A_20, %dma_wait3A] : memref<10112x144xf32, #tpu.memory_space<vmem_shared>> -> memref<64x144xf32, #tpu.memory_space<vmem_shared>>
      %dma_wait3A_81 = arith.constant 0 : i32
      %dma_wait3A_82 = tpu.memref_slice %arg9[%add3A_20, %dma_wait3A_81] : memref<10112x144xf32, #tpu.memory_space<vmem_shared>> -> memref<64x144xf32, #tpu.memory_space<vmem_shared>>
      tpu.wait_dma2 semaphore(%run_scoped3A : memref<!tpu.dma_semaphore, #tpu.memory_space<semaphore_mem>>) src(%arg16 : memref<64x144xf32, #tpu.memory_space<vmem>>) dst(%dma_wait3A_82 : memref<64x144xf32, #tpu.memory_space<vmem_shared>>)
      tpu.yield
    }) : () -> ()
    %add3A_21 = arith.constant 384 : i32
    %add3A_22 = arith.addi %mul3A_8, %add3A_21 : i32
    "tpu.region"() ({
      %run_scoped3A = tpu.sem_alloc : memref<!tpu.dma_semaphore, #tpu.memory_space<semaphore_mem>>
      %dma_start3A = arith.constant 0 : i32
      %dma_start3A_77 = tpu.memref_slice %arg9[%add3A_22, %dma_start3A] : memref<10112x144xf32, #tpu.memory_space<vmem_shared>> -> memref<64x144xf32, #tpu.memory_space<vmem_shared>>
      %dma_start3A_78 = arith.constant 0 : i32
      %dma_start3A_79 = tpu.memref_slice %arg9[%add3A_22, %dma_start3A_78] : memref<10112x144xf32, #tpu.memory_space<vmem_shared>> -> memref<64x144xf32, #tpu.memory_space<vmem_shared>>
      tpu.enqueue_dma source(%arg16 : memref<64x144xf32, #tpu.memory_space<vmem>>) target(%dma_start3A_79 : memref<64x144xf32, #tpu.memory_space<vmem_shared>>) target_semaphore(%run_scoped3A : memref<!tpu.dma_semaphore, #tpu.memory_space<semaphore_mem>>)
      %dma_wait3A = arith.constant 0 : i32
      %dma_wait3A_80 = tpu.memref_slice %arg9[%add3A_22, %dma_wait3A] : memref<10112x144xf32, #tpu.memory_space<vmem_shared>> -> memref<64x144xf32, #tpu.memory_space<vmem_shared>>
      %dma_wait3A_81 = arith.constant 0 : i32
      %dma_wait3A_82 = tpu.memref_slice %arg9[%add3A_22, %dma_wait3A_81] : memref<10112x144xf32, #tpu.memory_space<vmem_shared>> -> memref<64x144xf32, #tpu.memory_space<vmem_shared>>
      tpu.wait_dma2 semaphore(%run_scoped3A : memref<!tpu.dma_semaphore, #tpu.memory_space<semaphore_mem>>) src(%arg16 : memref<64x144xf32, #tpu.memory_space<vmem>>) dst(%dma_wait3A_82 : memref<64x144xf32, #tpu.memory_space<vmem_shared>>)
      tpu.yield
    }) : () -> ()
    %add3A_23 = arith.constant 448 : i32
    %add3A_24 = arith.addi %mul3A_8, %add3A_23 : i32
    "tpu.region"() ({
      %run_scoped3A = tpu.sem_alloc : memref<!tpu.dma_semaphore, #tpu.memory_space<semaphore_mem>>
      %dma_start3A = arith.constant 0 : i32
      %dma_start3A_77 = tpu.memref_slice %arg9[%add3A_24, %dma_start3A] : memref<10112x144xf32, #tpu.memory_space<vmem_shared>> -> memref<64x144xf32, #tpu.memory_space<vmem_shared>>
      %dma_start3A_78 = arith.constant 0 : i32
      %dma_start3A_79 = tpu.memref_slice %arg9[%add3A_24, %dma_start3A_78] : memref<10112x144xf32, #tpu.memory_space<vmem_shared>> -> memref<64x144xf32, #tpu.memory_space<vmem_shared>>
      tpu.enqueue_dma source(%arg16 : memref<64x144xf32, #tpu.memory_space<vmem>>) target(%dma_start3A_79 : memref<64x144xf32, #tpu.memory_space<vmem_shared>>) target_semaphore(%run_scoped3A : memref<!tpu.dma_semaphore, #tpu.memory_space<semaphore_mem>>)
      %dma_wait3A = arith.constant 0 : i32
      %dma_wait3A_80 = tpu.memref_slice %arg9[%add3A_24, %dma_wait3A] : memref<10112x144xf32, #tpu.memory_space<vmem_shared>> -> memref<64x144xf32, #tpu.memory_space<vmem_shared>>
      %dma_wait3A_81 = arith.constant 0 : i32
      %dma_wait3A_82 = tpu.memref_slice %arg9[%add3A_24, %dma_wait3A_81] : memref<10112x144xf32, #tpu.memory_space<vmem_shared>> -> memref<64x144xf32, #tpu.memory_space<vmem_shared>>
      tpu.wait_dma2 semaphore(%run_scoped3A : memref<!tpu.dma_semaphore, #tpu.memory_space<semaphore_mem>>) src(%arg16 : memref<64x144xf32, #tpu.memory_space<vmem>>) dst(%dma_wait3A_82 : memref<64x144xf32, #tpu.memory_space<vmem_shared>>)
      tpu.yield
    }) : () -> ()
    %add3A_25 = arith.constant 512 : i32
    %add3A_26 = arith.addi %mul3A_8, %add3A_25 : i32
    "tpu.region"() ({
      %run_scoped3A = tpu.sem_alloc : memref<!tpu.dma_semaphore, #tpu.memory_space<semaphore_mem>>
      %dma_start3A = arith.constant 0 : i32
      %dma_start3A_77 = tpu.memref_slice %arg9[%add3A_26, %dma_start3A] : memref<10112x144xf32, #tpu.memory_space<vmem_shared>> -> memref<64x144xf32, #tpu.memory_space<vmem_shared>>
      %dma_start3A_78 = arith.constant 0 : i32
      %dma_start3A_79 = tpu.memref_slice %arg9[%add3A_26, %dma_start3A_78] : memref<10112x144xf32, #tpu.memory_space<vmem_shared>> -> memref<64x144xf32, #tpu.memory_space<vmem_shared>>
      tpu.enqueue_dma source(%arg16 : memref<64x144xf32, #tpu.memory_space<vmem>>) target(%dma_start3A_79 : memref<64x144xf32, #tpu.memory_space<vmem_shared>>) target_semaphore(%run_scoped3A : memref<!tpu.dma_semaphore, #tpu.memory_space<semaphore_mem>>)
      %dma_wait3A = arith.constant 0 : i32
      %dma_wait3A_80 = tpu.memref_slice %arg9[%add3A_26, %dma_wait3A] : memref<10112x144xf32, #tpu.memory_space<vmem_shared>> -> memref<64x144xf32, #tpu.memory_space<vmem_shared>>
      %dma_wait3A_81 = arith.constant 0 : i32
      %dma_wait3A_82 = tpu.memref_slice %arg9[%add3A_26, %dma_wait3A_81] : memref<10112x144xf32, #tpu.memory_space<vmem_shared>> -> memref<64x144xf32, #tpu.memory_space<vmem_shared>>
      tpu.wait_dma2 semaphore(%run_scoped3A : memref<!tpu.dma_semaphore, #tpu.memory_space<semaphore_mem>>) src(%arg16 : memref<64x144xf32, #tpu.memory_space<vmem>>) dst(%dma_wait3A_82 : memref<64x144xf32, #tpu.memory_space<vmem_shared>>)
      tpu.yield
    }) : () -> ()
    %add3A_27 = arith.constant 576 : i32
    %add3A_28 = arith.addi %mul3A_8, %add3A_27 : i32
    "tpu.region"() ({
      %run_scoped3A = tpu.sem_alloc : memref<!tpu.dma_semaphore, #tpu.memory_space<semaphore_mem>>
      %dma_start3A = arith.constant 0 : i32
      %dma_start3A_77 = arith.constant 0 : i32
      %dma_start3A_78 = tpu.memref_slice %arg16[%dma_start3A, %dma_start3A_77] : memref<64x144xf32, #tpu.memory_space<vmem>> -> memref<56x144xf32, #tpu.memory_space<vmem>>
      %dma_start3A_79 = arith.constant 0 : i32
      %dma_start3A_80 = tpu.memref_slice %arg9[%add3A_28, %dma_start3A_79] : memref<10112x144xf32, #tpu.memory_space<vmem_shared>> -> memref<56x144xf32, #tpu.memory_space<vmem_shared>>
      %dma_start3A_81 = arith.constant 0 : i32
      %dma_start3A_82 = tpu.memref_slice %arg9[%add3A_28, %dma_start3A_81] : memref<10112x144xf32, #tpu.memory_space<vmem_shared>> -> memref<56x144xf32, #tpu.memory_space<vmem_shared>>
      %dma_start3A_83 = arith.constant 0 : i32
      %dma_start3A_84 = arith.constant 0 : i32
      %dma_start3A_85 = tpu.memref_slice %arg16[%dma_start3A_83, %dma_start3A_84] : memref<64x144xf32, #tpu.memory_space<vmem>> -> memref<56x144xf32, #tpu.memory_space<vmem>>
      tpu.enqueue_dma source(%dma_start3A_85 : memref<56x144xf32, #tpu.memory_space<vmem>>) target(%dma_start3A_82 : memref<56x144xf32, #tpu.memory_space<vmem_shared>>) target_semaphore(%run_scoped3A : memref<!tpu.dma_semaphore, #tpu.memory_space<semaphore_mem>>)
      %dma_wait3A = arith.constant 0 : i32
      %dma_wait3A_86 = arith.constant 0 : i32
      %dma_wait3A_87 = tpu.memref_slice %arg16[%dma_wait3A, %dma_wait3A_86] : memref<64x144xf32, #tpu.memory_space<vmem>> -> memref<56x144xf32, #tpu.memory_space<vmem>>
      %dma_wait3A_88 = arith.constant 0 : i32
      %dma_wait3A_89 = tpu.memref_slice %arg9[%add3A_28, %dma_wait3A_88] : memref<10112x144xf32, #tpu.memory_space<vmem_shared>> -> memref<56x144xf32, #tpu.memory_space<vmem_shared>>
      %dma_wait3A_90 = arith.constant 0 : i32
      %dma_wait3A_91 = tpu.memref_slice %arg9[%add3A_28, %dma_wait3A_90] : memref<10112x144xf32, #tpu.memory_space<vmem_shared>> -> memref<56x144xf32, #tpu.memory_space<vmem_shared>>
      %dma_wait3A_92 = arith.constant 0 : i32
      %dma_wait3A_93 = arith.constant 0 : i32
      %dma_wait3A_94 = tpu.memref_slice %arg16[%dma_wait3A_92, %dma_wait3A_93] : memref<64x144xf32, #tpu.memory_space<vmem>> -> memref<56x144xf32, #tpu.memory_space<vmem>>
      tpu.wait_dma2 semaphore(%run_scoped3A : memref<!tpu.dma_semaphore, #tpu.memory_space<semaphore_mem>>) src(%dma_wait3A_94 : memref<56x144xf32, #tpu.memory_space<vmem>>) dst(%dma_wait3A_91 : memref<56x144xf32, #tpu.memory_space<vmem_shared>>)
      tpu.yield
    }) : () -> ()
    "tpu.region"() ({
      %run_scoped3A = tpu.sem_alloc : memref<!tpu.dma_semaphore, #tpu.memory_space<semaphore_mem>>
      tpu.enqueue_dma source(%arg7 : memref<16xf32, #tpu.memory_space<hbm>>) target(%arg17 : memref<16xf32, #tpu.memory_space<vmem>>) target_semaphore(%run_scoped3A : memref<!tpu.dma_semaphore, #tpu.memory_space<semaphore_mem>>)
      tpu.wait_dma2 semaphore(%run_scoped3A : memref<!tpu.dma_semaphore, #tpu.memory_space<semaphore_mem>>) src(%arg7 : memref<16xf32, #tpu.memory_space<hbm>>) dst(%arg17 : memref<16xf32, #tpu.memory_space<vmem>>)
      tpu.yield
    }) : () -> ()
    %barrier3A = arith.constant 0 : index
    tpu.barrier barrier_id(%barrier3A)
    %scan3A_29 = arith.constant 0 : i32
    %scan3A_30 = arith.constant 0 : i32
    %scan3A_31 = arith.constant 158 : i32
    %scan3A_32 = arith.addi %scan3A_30, %scan3A_31 : i32
    %scan3A_33 = arith.constant 1 : i32
    %scan3A_34 = scf.for %scan3A_77 = %scan3A_30 to %scan3A_32 step %scan3A_33 iter_args(%scan3A_78 = %scan3A_29) -> (i32)  : i32 {
      %mul3A_79 = arith.constant 10112 : i32
      %mul3A_80 = arith.muli %add3A, %mul3A_79 : i32
      %mul3A_81 = arith.constant 64 : i32
      %mul3A_82 = arith.muli %scan3A_77, %mul3A_81 : i32
      %add3A_83 = arith.addi %mul3A_80, %mul3A_82 : i32
      %dma_start3A = arith.constant 0 : i32
      %dma_start3A_84 = arith.constant 0 : i32
      %dma_start3A_85 = tpu.memref_slice %arg10[%dma_start3A, %dma_start3A_84] : memref<1x64xi32, #tpu.memory_space<vmem>> -> memref<1x64xi32, #tpu.memory_space<vmem>>
      %dma_start3A_86 = tpu.memref_squeeze %dma_start3A_85 : memref<1x64xi32, #tpu.memory_space<vmem>> -> memref<64xi32, #tpu.memory_space<vmem>>
      %dma_start3A_87 = tpu.memref_slice %arg2[%add3A_83] : memref<323584xi32, #tpu.memory_space<hbm>> -> memref<64xi32, #tpu.memory_space<hbm>>
      %dma_start3A_88 = arith.constant 0 : i32
      %dma_start3A_89 = tpu.memref_slice %arg10[%dma_start3A, %dma_start3A_88] : memref<1x64xi32, #tpu.memory_space<vmem>> -> memref<1x64xi32, #tpu.memory_space<vmem>>
      %dma_start3A_90 = tpu.memref_squeeze %dma_start3A_89 : memref<1x64xi32, #tpu.memory_space<vmem>> -> memref<64xi32, #tpu.memory_space<vmem>>
      %dma_start3A_91 = tpu.memref_slice %arg2[%add3A_83] : memref<323584xi32, #tpu.memory_space<hbm>> -> memref<64xi32, #tpu.memory_space<hbm>>
      tpu.enqueue_dma source(%dma_start3A_91 : memref<64xi32, #tpu.memory_space<hbm>>) target(%dma_start3A_90 : memref<64xi32, #tpu.memory_space<vmem>>) target_semaphore(%arg18 : memref<!tpu.dma_semaphore, #tpu.memory_space<semaphore_mem>>)
      %dma_start3A_92 = arith.constant 0 : i32
      %dma_start3A_93 = arith.constant 0 : i32
      %dma_start3A_94 = tpu.memref_slice %arg11[%dma_start3A_92, %dma_start3A_93] : memref<1x64xi32, #tpu.memory_space<vmem>> -> memref<1x64xi32, #tpu.memory_space<vmem>>
      %dma_start3A_95 = tpu.memref_squeeze %dma_start3A_94 : memref<1x64xi32, #tpu.memory_space<vmem>> -> memref<64xi32, #tpu.memory_space<vmem>>
      %dma_start3A_96 = tpu.memref_slice %arg3[%add3A_83] : memref<323584xi32, #tpu.memory_space<hbm>> -> memref<64xi32, #tpu.memory_space<hbm>>
      %dma_start3A_97 = arith.constant 0 : i32
      %dma_start3A_98 = tpu.memref_slice %arg11[%dma_start3A_92, %dma_start3A_97] : memref<1x64xi32, #tpu.memory_space<vmem>> -> memref<1x64xi32, #tpu.memory_space<vmem>>
      %dma_start3A_99 = tpu.memref_squeeze %dma_start3A_98 : memref<1x64xi32, #tpu.memory_space<vmem>> -> memref<64xi32, #tpu.memory_space<vmem>>
      %dma_start3A_100 = tpu.memref_slice %arg3[%add3A_83] : memref<323584xi32, #tpu.memory_space<hbm>> -> memref<64xi32, #tpu.memory_space<hbm>>
      tpu.enqueue_dma source(%dma_start3A_100 : memref<64xi32, #tpu.memory_space<hbm>>) target(%dma_start3A_99 : memref<64xi32, #tpu.memory_space<vmem>>) target_semaphore(%arg18 : memref<!tpu.dma_semaphore, #tpu.memory_space<semaphore_mem>>)
      %dma_start3A_101 = tpu.memref_slice %arg4[%add3A_83] : memref<323584xf32, #tpu.memory_space<hbm>> -> memref<64xf32, #tpu.memory_space<hbm>>
      %dma_start3A_102 = tpu.memref_slice %arg4[%add3A_83] : memref<323584xf32, #tpu.memory_space<hbm>> -> memref<64xf32, #tpu.memory_space<hbm>>
      tpu.enqueue_dma source(%dma_start3A_102 : memref<64xf32, #tpu.memory_space<hbm>>) target(%arg12 : memref<64xf32, #tpu.memory_space<vmem>>) target_semaphore(%arg18 : memref<!tpu.dma_semaphore, #tpu.memory_space<semaphore_mem>>)
      %dma_wait3A = arith.constant 0 : i32
      %dma_wait3A_103 = arith.constant 0 : i32
      %dma_wait3A_104 = tpu.memref_slice %arg10[%dma_wait3A, %dma_wait3A_103] : memref<1x64xi32, #tpu.memory_space<vmem>> -> memref<1x64xi32, #tpu.memory_space<vmem>>
      %dma_wait3A_105 = tpu.memref_squeeze %dma_wait3A_104 : memref<1x64xi32, #tpu.memory_space<vmem>> -> memref<64xi32, #tpu.memory_space<vmem>>
      %dma_wait3A_106 = tpu.memref_slice %arg2[%add3A_83] : memref<323584xi32, #tpu.memory_space<hbm>> -> memref<64xi32, #tpu.memory_space<hbm>>
      %dma_wait3A_107 = arith.constant 0 : i32
      %dma_wait3A_108 = tpu.memref_slice %arg10[%dma_wait3A, %dma_wait3A_107] : memref<1x64xi32, #tpu.memory_space<vmem>> -> memref<1x64xi32, #tpu.memory_space<vmem>>
      %dma_wait3A_109 = tpu.memref_squeeze %dma_wait3A_108 : memref<1x64xi32, #tpu.memory_space<vmem>> -> memref<64xi32, #tpu.memory_space<vmem>>
      %dma_wait3A_110 = tpu.memref_slice %arg2[%add3A_83] : memref<323584xi32, #tpu.memory_space<hbm>> -> memref<64xi32, #tpu.memory_space<hbm>>
      tpu.wait_dma2 semaphore(%arg18 : memref<!tpu.dma_semaphore, #tpu.memory_space<semaphore_mem>>) src(%dma_wait3A_110 : memref<64xi32, #tpu.memory_space<hbm>>) dst(%dma_wait3A_109 : memref<64xi32, #tpu.memory_space<vmem>>)
      %dma_wait3A_111 = arith.constant 0 : i32
      %dma_wait3A_112 = arith.constant 0 : i32
      %dma_wait3A_113 = tpu.memref_slice %arg11[%dma_wait3A_111, %dma_wait3A_112] : memref<1x64xi32, #tpu.memory_space<vmem>> -> memref<1x64xi32, #tpu.memory_space<vmem>>
      %dma_wait3A_114 = tpu.memref_squeeze %dma_wait3A_113 : memref<1x64xi32, #tpu.memory_space<vmem>> -> memref<64xi32, #tpu.memory_space<vmem>>
      %dma_wait3A_115 = tpu.memref_slice %arg3[%add3A_83] : memref<323584xi32, #tpu.memory_space<hbm>> -> memref<64xi32, #tpu.memory_space<hbm>>
      %dma_wait3A_116 = arith.constant 0 : i32
      %dma_wait3A_117 = tpu.memref_slice %arg11[%dma_wait3A_111, %dma_wait3A_116] : memref<1x64xi32, #tpu.memory_space<vmem>> -> memref<1x64xi32, #tpu.memory_space<vmem>>
      %dma_wait3A_118 = tpu.memref_squeeze %dma_wait3A_117 : memref<1x64xi32, #tpu.memory_space<vmem>> -> memref<64xi32, #tpu.memory_space<vmem>>
      %dma_wait3A_119 = tpu.memref_slice %arg3[%add3A_83] : memref<323584xi32, #tpu.memory_space<hbm>> -> memref<64xi32, #tpu.memory_space<hbm>>
      tpu.wait_dma2 semaphore(%arg18 : memref<!tpu.dma_semaphore, #tpu.memory_space<semaphore_mem>>) src(%dma_wait3A_119 : memref<64xi32, #tpu.memory_space<hbm>>) dst(%dma_wait3A_118 : memref<64xi32, #tpu.memory_space<vmem>>)
      %dma_wait3A_120 = tpu.memref_slice %arg4[%add3A_83] : memref<323584xf32, #tpu.memory_space<hbm>> -> memref<64xf32, #tpu.memory_space<hbm>>
      %dma_wait3A_121 = tpu.memref_slice %arg4[%add3A_83] : memref<323584xf32, #tpu.memory_space<hbm>> -> memref<64xf32, #tpu.memory_space<hbm>>
      tpu.wait_dma2 semaphore(%arg18 : memref<!tpu.dma_semaphore, #tpu.memory_space<semaphore_mem>>) src(%dma_wait3A_121 : memref<64xf32, #tpu.memory_space<hbm>>) dst(%arg12 : memref<64xf32, #tpu.memory_space<vmem>>)
      %dma_start3A_122 = arith.constant 0 : i32
      %dma_start3A_123 = arith.constant 0 : i32
      %dma_start3A_124 = tpu.memref_slice %arg10[%dma_start3A_122, %dma_start3A_123] : memref<1x64xi32, #tpu.memory_space<vmem>> -> memref<1x64xi32, #tpu.memory_space<vmem>>
      %dma_start3A_125 = tpu.memref_squeeze %dma_start3A_124 : memref<1x64xi32, #tpu.memory_space<vmem>> -> memref<64xi32, #tpu.memory_space<vmem>>
      %dma_start3A_126 = arith.constant 0 : i32
      %dma_start3A_127 = arith.constant 0 : i32
      %dma_start3A_128 = tpu.memref_slice %arg5[%dma_start3A_126, %dma_start3A_127] : memref<10112x16xf32, #tpu.memory_space<hbm>> -> memref<10112x16xf32, #tpu.memory_space<hbm>>
      tpu.enqueue_indirect_dma source(%dma_start3A_128 : memref<10112x16xf32, #tpu.memory_space<hbm>>) target(%arg13 : memref<64x16xf32, #tpu.memory_space<vmem>>) offsets(%dma_start3A_125 : memref<64xi32, #tpu.memory_space<vmem>>) semaphore(%arg19 : memref<!tpu.dma_semaphore, #tpu.memory_space<semaphore_mem>>)
      %dma_start3A_129 = arith.constant 0 : i32
      %dma_start3A_130 = arith.constant 0 : i32
      %dma_start3A_131 = tpu.memref_slice %arg11[%dma_start3A_129, %dma_start3A_130] : memref<1x64xi32, #tpu.memory_space<vmem>> -> memref<1x64xi32, #tpu.memory_space<vmem>>
      %dma_start3A_132 = tpu.memref_squeeze %dma_start3A_131 : memref<1x64xi32, #tpu.memory_space<vmem>> -> memref<64xi32, #tpu.memory_space<vmem>>
      %dma_start3A_133 = arith.constant 0 : i32
      %dma_start3A_134 = arith.constant 0 : i32
      %dma_start3A_135 = tpu.memref_slice %arg5[%dma_start3A_133, %dma_start3A_134] : memref<10112x16xf32, #tpu.memory_space<hbm>> -> memref<10112x16xf32, #tpu.memory_space<hbm>>
      tpu.enqueue_indirect_dma source(%dma_start3A_135 : memref<10112x16xf32, #tpu.memory_space<hbm>>) target(%arg14 : memref<64x16xf32, #tpu.memory_space<vmem>>) offsets(%dma_start3A_132 : memref<64xi32, #tpu.memory_space<vmem>>) semaphore(%arg19 : memref<!tpu.dma_semaphore, #tpu.memory_space<semaphore_mem>>)
      %dma_start3A_136 = arith.constant 0 : i32
      %dma_start3A_137 = arith.constant 0 : i32
      %dma_start3A_138 = tpu.memref_slice %arg10[%dma_start3A_136, %dma_start3A_137] : memref<1x64xi32, #tpu.memory_space<vmem>> -> memref<1x64xi32, #tpu.memory_space<vmem>>
      %dma_start3A_139 = tpu.memref_squeeze %dma_start3A_138 : memref<1x64xi32, #tpu.memory_space<vmem>> -> memref<64xi32, #tpu.memory_space<vmem>>
      %dma_start3A_140 = arith.constant 0 : i32
      %dma_start3A_141 = arith.constant 0 : i32
      %dma_start3A_142 = arith.constant 0 : i32
      %dma_start3A_143 = tpu.memref_slice %arg6[%dma_start3A_140, %dma_start3A_141, %dma_start3A_142] : memref<10112x8x16xf32, #tpu.memory_space<hbm>> -> memref<10112x8x16xf32, #tpu.memory_space<hbm>>
      tpu.enqueue_indirect_dma source(%dma_start3A_143 : memref<10112x8x16xf32, #tpu.memory_space<hbm>>) target(%arg15 : memref<64x8x16xf32, #tpu.memory_space<vmem>>) offsets(%dma_start3A_139 : memref<64xi32, #tpu.memory_space<vmem>>) semaphore(%arg20 : memref<!tpu.dma_semaphore, #tpu.memory_space<semaphore_mem>>)
      %dma_wait3A_144 = arith.constant 0 : i32
      %dma_wait3A_145 = arith.constant 0 : i32
      %dma_wait3A_146 = tpu.memref_slice %arg10[%dma_wait3A_144, %dma_wait3A_145] : memref<1x64xi32, #tpu.memory_space<vmem>> -> memref<1x64xi32, #tpu.memory_space<vmem>>
      %dma_wait3A_147 = tpu.memref_squeeze %dma_wait3A_146 : memref<1x64xi32, #tpu.memory_space<vmem>> -> memref<64xi32, #tpu.memory_space<vmem>>
      %dma_wait3A_148 = arith.constant 0 : i32
      %dma_wait3A_149 = arith.constant 0 : i32
      %dma_wait3A_150 = tpu.memref_slice %arg5[%dma_wait3A_148, %dma_wait3A_149] : memref<10112x16xf32, #tpu.memory_space<hbm>> -> memref<10112x16xf32, #tpu.memory_space<hbm>>
      tpu.wait_indirect_dma semaphore(%arg19 : memref<!tpu.dma_semaphore, #tpu.memory_space<semaphore_mem>>) src(%dma_wait3A_150 : memref<10112x16xf32, #tpu.memory_space<hbm>>) dst(%arg13 : memref<64x16xf32, #tpu.memory_space<vmem>>)
      %dma_wait3A_151 = arith.constant 0 : i32
      %dma_wait3A_152 = arith.constant 0 : i32
      %dma_wait3A_153 = tpu.memref_slice %arg11[%dma_wait3A_151, %dma_wait3A_152] : memref<1x64xi32, #tpu.memory_space<vmem>> -> memref<1x64xi32, #tpu.memory_space<vmem>>
      %dma_wait3A_154 = tpu.memref_squeeze %dma_wait3A_153 : memref<1x64xi32, #tpu.memory_space<vmem>> -> memref<64xi32, #tpu.memory_space<vmem>>
      %dma_wait3A_155 = arith.constant 0 : i32
      %dma_wait3A_156 = arith.constant 0 : i32
      %dma_wait3A_157 = tpu.memref_slice %arg5[%dma_wait3A_155, %dma_wait3A_156] : memref<10112x16xf32, #tpu.memory_space<hbm>> -> memref<10112x16xf32, #tpu.memory_space<hbm>>
      tpu.wait_indirect_dma semaphore(%arg19 : memref<!tpu.dma_semaphore, #tpu.memory_space<semaphore_mem>>) src(%dma_wait3A_157 : memref<10112x16xf32, #tpu.memory_space<hbm>>) dst(%arg14 : memref<64x16xf32, #tpu.memory_space<vmem>>)
      %dma_wait3A_158 = arith.constant 0 : i32
      %dma_wait3A_159 = arith.constant 0 : i32
      %dma_wait3A_160 = tpu.memref_slice %arg10[%dma_wait3A_158, %dma_wait3A_159] : memref<1x64xi32, #tpu.memory_space<vmem>> -> memref<1x64xi32, #tpu.memory_space<vmem>>
      %dma_wait3A_161 = tpu.memref_squeeze %dma_wait3A_160 : memref<1x64xi32, #tpu.memory_space<vmem>> -> memref<64xi32, #tpu.memory_space<vmem>>
      %dma_wait3A_162 = arith.constant 0 : i32
      %dma_wait3A_163 = arith.constant 0 : i32
      %dma_wait3A_164 = arith.constant 0 : i32
      %dma_wait3A_165 = tpu.memref_slice %arg6[%dma_wait3A_162, %dma_wait3A_163, %dma_wait3A_164] : memref<10112x8x16xf32, #tpu.memory_space<hbm>> -> memref<10112x8x16xf32, #tpu.memory_space<hbm>>
      tpu.wait_indirect_dma semaphore(%arg20 : memref<!tpu.dma_semaphore, #tpu.memory_space<semaphore_mem>>) src(%dma_wait3A_165 : memref<10112x8x16xf32, #tpu.memory_space<hbm>>) dst(%arg15 : memref<64x8x16xf32, #tpu.memory_space<vmem>>)
      %scan3A_166 = arith.constant 0 : i32
      %scan3A_167 = arith.constant 0 : i32
      %scan3A_168 = arith.constant 64 : i32
      %scan3A_169 = arith.addi %scan3A_167, %scan3A_168 : i32
      %scan3A_170 = arith.constant 1 : i32
      %scan3A_171 = scf.for %scan3A_174 = %scan3A_167 to %scan3A_169 step %scan3A_170 iter_args(%scan3A_175 = %scan3A_166) -> (i32)  : i32 {
        %get3A = arith.index_cast %scan3A_174 : i32 to index
        %get3A_176 = arith.constant 0 : index
        %get3A_177 = tpu.vector_load %arg13[%get3A, %get3A_176] {strides = array<i32>} : memref<64x16xf32, #tpu.memory_space<vmem>>, vector<1x16xf32>,
        %get3A_178 = vector.shape_cast %get3A_177 : vector<1x16xf32> to vector<16xf32>
        %get3A_179 = arith.index_cast %scan3A_174 : i32 to index
        %get3A_180 = arith.constant 0 : index
        %get3A_181 = tpu.vector_load %arg14[%get3A_179, %get3A_180] {strides = array<i32>} : memref<64x16xf32, #tpu.memory_space<vmem>>, vector<1x16xf32>,
        %get3A_182 = vector.shape_cast %get3A_181 : vector<1x16xf32> to vector<16xf32>
        %iota3A = tpu.iota {dimensions = array<i32: 0>} : vector<16xi32>
        %add3A_183 = arith.constant 8 : i32
        %add3A_184 = vector.broadcast %add3A_183 : i32 to vector<16xi32>
        %add3A_185 = arith.addi %iota3A, %add3A_184 : vector<16xi32>
        %broadcast_in_dim3A = arith.constant 16 : i32
        %broadcast_in_dim3A_186 = vector.broadcast %broadcast_in_dim3A : i32 to vector<16xi32>
        %rem3A = arith.remsi %add3A_185, %broadcast_in_dim3A_186 : vector<16xi32>
        %get3A_187 = arith.constant 0 : index
        %get3A_188 = tpu.vector_load %arg12[%get3A_187] {strides = array<i32>} : memref<64xf32, #tpu.memory_space<vmem>>, vector<64xf32>,
        %get3A_189 = vector.shape_cast %get3A_188 : vector<64xf32> to vector<64xf32>
        %broadcast_in_dim3A_190 = vector.broadcast %scan3A_174 : i32 to vector<16xi32>
        %broadcast_in_dim3A_191 = vector.shape_cast %broadcast_in_dim3A_190 : vector<16xi32> to vector<16x1xi32>
        %gather3A = vector.shape_cast %broadcast_in_dim3A_191 : vector<16x1xi32> to vector<16xi32>
        %gather3A_192 = tpu.dynamic_gather %get3A_189[%gather3A] in [0] : vector<64xf32>, vector<16xi32> -> vector<16xf32>
        %broadcast_in_dim3A_193 = vector.shape_cast %rem3A : vector<16xi32> to vector<16x1xi32>
        %gather3A_194 = vector.shape_cast %broadcast_in_dim3A_193 : vector<16x1xi32> to vector<16xi32>
        %gather3A_195 = tpu.dynamic_gather %get3A_182[%gather3A_194] in [0] : vector<16xf32>, vector<16xi32> -> vector<16xf32>
        %add3A_196 = arith.addf %get3A_178, %gather3A_195 : vector<16xf32>
        %get3A_197 = arith.constant 0 : index
        %get3A_198 = tpu.vector_load %arg17[%get3A_197] {strides = array<i32>} : memref<16xf32, #tpu.memory_space<vmem>>, vector<16xf32>,
        %get3A_199 = vector.shape_cast %get3A_198 : vector<16xf32> to vector<16xf32>
        %mul3A_200 = arith.mulf %gather3A_192, %get3A_199 : vector<16xf32>
        %add3A_201 = arith.addf %add3A_196, %mul3A_200 : vector<16xf32>
        %gt3A = arith.constant 0.000000e+00 : f32
        %gt3A_202 = vector.broadcast %gt3A : f32 to vector<16xf32>
        %gt3A_203 = arith.cmpf ogt, %add3A_201, %gt3A_202 : vector<16xf32>
        %mul3A_204 = arith.constant 2.000000e-01 : f32
        %mul3A_205 = vector.broadcast %mul3A_204 : f32 to vector<16xf32>
        %mul3A_206 = arith.mulf %mul3A_205, %add3A_201 : vector<16xf32>
        %select_n3A = arith.select %gt3A_203, %add3A_201, %mul3A_206 : vector<16xi1>, vector<16xf32>
        %exp3A = math.exp %select_n3A : vector<16xf32>
        %lt3A = arith.constant 8 : i32
        %lt3A_207 = vector.broadcast %lt3A : i32 to vector<16xi32>
        %lt3A_208 = arith.cmpi slt, %iota3A, %lt3A_207 : vector<16xi32>
        %jit3A = arith.constant 0.000000e+00 : f32
        %broadcast_in_dim3A_209 = vector.broadcast %jit3A : f32 to vector<16xf32>
        %select_n3A_210 = arith.select %lt3A_208, %exp3A, %broadcast_in_dim3A_209 : vector<16xi1>, vector<16xf32>
        %eq3A = arith.constant 8 : i32
        %eq3A_211 = vector.broadcast %eq3A : i32 to vector<16xi32>
        %eq3A_212 = arith.cmpi eq, %iota3A, %eq3A_211 : vector<16xi32>
        %jit3A_213 = arith.constant 0.000000e+00 : f32
        %broadcast_in_dim3A_214 = vector.broadcast %jit3A_213 : f32 to vector<16xf32>
        %select_n3A_215 = arith.select %eq3A_212, %gather3A_192, %broadcast_in_dim3A_214 : vector<16xi1>, vector<16xf32>
        %add3A_216 = arith.addf %select_n3A_210, %select_n3A_215 : vector<16xf32>
        %eq3A_217 = arith.constant 9 : i32
        %eq3A_218 = vector.broadcast %eq3A_217 : i32 to vector<16xi32>
        %eq3A_219 = arith.cmpi eq, %iota3A, %eq3A_218 : vector<16xi32>
        %jit3A_220 = arith.constant 1.000000e+00 : f32
        %jit3A_221 = arith.constant 0.000000e+00 : f32
        %broadcast_in_dim3A_222 = vector.broadcast %jit3A_220 : f32 to vector<16xf32>
        %broadcast_in_dim3A_223 = vector.broadcast %jit3A_221 : f32 to vector<16xf32>
        %select_n3A_224 = arith.select %eq3A_219, %broadcast_in_dim3A_222, %broadcast_in_dim3A_223 : vector<16xi1>, vector<16xf32>
        %add3A_225 = arith.addf %add3A_216, %select_n3A_224 : vector<16xf32>
        %swap3A = arith.index_cast %scan3A_174 : i32 to index
        %swap3A_226 = arith.constant 128 : index
        %swap3A_227 = tpu.vector_load %arg16[%swap3A, %swap3A_226] {strides = array<i32>} : memref<64x144xf32, #tpu.memory_space<vmem>>, vector<1x16xf32>,
        %swap3A_228 = vector.shape_cast %swap3A_227 : vector<1x16xf32> to vector<16xf32>
        %swap3A_229 = vector.shape_cast %add3A_225 : vector<16xf32> to vector<1x16xf32>
        tpu.vector_store %arg16[%swap3A, %swap3A_226], %swap3A_229 {strides = array<i32>} : memref<64x144xf32, #tpu.memory_space<vmem>>, vector<1x16xf32>,
        %broadcast_in_dim3A_230 = arith.constant 0 : i32
        %broadcast_in_dim3A_231 = vector.broadcast %broadcast_in_dim3A_230 : i32 to vector<16xi32>
        %broadcast_in_dim3A_232 = vector.shape_cast %broadcast_in_dim3A_231 : vector<16xi32> to vector<16x1xi32>
        %gather3A_233 = vector.shape_cast %broadcast_in_dim3A_232 : vector<16x1xi32> to vector<16xi32>
        %gather3A_234 = tpu.dynamic_gather %exp3A[%gather3A_233] in [0] : vector<16xf32>, vector<16xi32> -> vector<16xf32>
        %get3A_235 = arith.constant 0 : i32
        %get3A_236 = arith.index_cast %scan3A_174 : i32 to index
        %get3A_237 = arith.index_cast %get3A_235 : i32 to index
        %get3A_238 = arith.constant 0 : index
        %get3A_239 = tpu.vector_load %arg15[%get3A_236, %get3A_237, %get3A_238] {strides = array<i32>} : memref<64x8x16xf32, #tpu.memory_space<vmem>>, vector<1x1x16xf32>,
        %get3A_240 = vector.shape_cast %get3A_239 : vector<1x1x16xf32> to vector<16xf32>
        %mul3A_241 = arith.mulf %get3A_240, %gather3A_234 : vector<16xf32>
        %swap3A_242 = arith.index_cast %scan3A_174 : i32 to index
        %swap3A_243 = arith.constant 0 : index
        %swap3A_244 = tpu.vector_load %arg16[%swap3A_242, %swap3A_243] {strides = array<i32>} : memref<64x144xf32, #tpu.memory_space<vmem>>, vector<1x16xf32>,
        %swap3A_245 = vector.shape_cast %swap3A_244 : vector<1x16xf32> to vector<16xf32>
        %swap3A_246 = vector.shape_cast %mul3A_241 : vector<16xf32> to vector<1x16xf32>
        tpu.vector_store %arg16[%swap3A_242, %swap3A_243], %swap3A_246 {strides = array<i32>} : memref<64x144xf32, #tpu.memory_space<vmem>>, vector<1x16xf32>,
        %broadcast_in_dim3A_247 = arith.constant 1 : i32
        %broadcast_in_dim3A_248 = vector.broadcast %broadcast_in_dim3A_247 : i32 to vector<16xi32>
        %broadcast_in_dim3A_249 = vector.shape_cast %broadcast_in_dim3A_248 : vector<16xi32> to vector<16x1xi32>
        %gather3A_250 = vector.shape_cast %broadcast_in_dim3A_249 : vector<16x1xi32> to vector<16xi32>
        %gather3A_251 = tpu.dynamic_gather %exp3A[%gather3A_250] in [0] : vector<16xf32>, vector<16xi32> -> vector<16xf32>
        %get3A_252 = arith.constant 1 : i32
        %get3A_253 = arith.index_cast %scan3A_174 : i32 to index
        %get3A_254 = arith.index_cast %get3A_252 : i32 to index
        %get3A_255 = arith.constant 0 : index
        %get3A_256 = tpu.vector_load %arg15[%get3A_253, %get3A_254, %get3A_255] {strides = array<i32>} : memref<64x8x16xf32, #tpu.memory_space<vmem>>, vector<1x1x16xf32>,
        %get3A_257 = vector.shape_cast %get3A_256 : vector<1x1x16xf32> to vector<16xf32>
        %mul3A_258 = arith.mulf %get3A_257, %gather3A_251 : vector<16xf32>
        %swap3A_259 = arith.index_cast %scan3A_174 : i32 to index
        %swap3A_260 = arith.constant 16 : index
        %swap3A_261 = tpu.vector_load %arg16[%swap3A_259, %swap3A_260] {strides = array<i32>} : memref<64x144xf32, #tpu.memory_space<vmem>>, vector<1x16xf32>,
        %swap3A_262 = vector.shape_cast %swap3A_261 : vector<1x16xf32> to vector<16xf32>
        %swap3A_263 = vector.shape_cast %mul3A_258 : vector<16xf32> to vector<1x16xf32>
        tpu.vector_store %arg16[%swap3A_259, %swap3A_260], %swap3A_263 {strides = array<i32>} : memref<64x144xf32, #tpu.memory_space<vmem>>, vector<1x16xf32>,
        %broadcast_in_dim3A_264 = arith.constant 2 : i32
        %broadcast_in_dim3A_265 = vector.broadcast %broadcast_in_dim3A_264 : i32 to vector<16xi32>
        %broadcast_in_dim3A_266 = vector.shape_cast %broadcast_in_dim3A_265 : vector<16xi32> to vector<16x1xi32>
        %gather3A_267 = vector.shape_cast %broadcast_in_dim3A_266 : vector<16x1xi32> to vector<16xi32>
        %gather3A_268 = tpu.dynamic_gather %exp3A[%gather3A_267] in [0] : vector<16xf32>, vector<16xi32> -> vector<16xf32>
        %get3A_269 = arith.constant 2 : i32
        %get3A_270 = arith.index_cast %scan3A_174 : i32 to index
        %get3A_271 = arith.index_cast %get3A_269 : i32 to index
        %get3A_272 = arith.constant 0 : index
        %get3A_273 = tpu.vector_load %arg15[%get3A_270, %get3A_271, %get3A_272] {strides = array<i32>} : memref<64x8x16xf32, #tpu.memory_space<vmem>>, vector<1x1x16xf32>,
        %get3A_274 = vector.shape_cast %get3A_273 : vector<1x1x16xf32> to vector<16xf32>
        %mul3A_275 = arith.mulf %get3A_274, %gather3A_268 : vector<16xf32>
        %swap3A_276 = arith.index_cast %scan3A_174 : i32 to index
        %swap3A_277 = arith.constant 32 : index
        %swap3A_278 = tpu.vector_load %arg16[%swap3A_276, %swap3A_277] {strides = array<i32>} : memref<64x144xf32, #tpu.memory_space<vmem>>, vector<1x16xf32>,
        %swap3A_279 = vector.shape_cast %swap3A_278 : vector<1x16xf32> to vector<16xf32>
        %swap3A_280 = vector.shape_cast %mul3A_275 : vector<16xf32> to vector<1x16xf32>
        tpu.vector_store %arg16[%swap3A_276, %swap3A_277], %swap3A_280 {strides = array<i32>} : memref<64x144xf32, #tpu.memory_space<vmem>>, vector<1x16xf32>,
        %broadcast_in_dim3A_281 = arith.constant 3 : i32
        %broadcast_in_dim3A_282 = vector.broadcast %broadcast_in_dim3A_281 : i32 to vector<16xi32>
        %broadcast_in_dim3A_283 = vector.shape_cast %broadcast_in_dim3A_282 : vector<16xi32> to vector<16x1xi32>
        %gather3A_284 = vector.shape_cast %broadcast_in_dim3A_283 : vector<16x1xi32> to vector<16xi32>
        %gather3A_285 = tpu.dynamic_gather %exp3A[%gather3A_284] in [0] : vector<16xf32>, vector<16xi32> -> vector<16xf32>
        %get3A_286 = arith.constant 3 : i32
        %get3A_287 = arith.index_cast %scan3A_174 : i32 to index
        %get3A_288 = arith.index_cast %get3A_286 : i32 to index
        %get3A_289 = arith.constant 0 : index
        %get3A_290 = tpu.vector_load %arg15[%get3A_287, %get3A_288, %get3A_289] {strides = array<i32>} : memref<64x8x16xf32, #tpu.memory_space<vmem>>, vector<1x1x16xf32>,
        %get3A_291 = vector.shape_cast %get3A_290 : vector<1x1x16xf32> to vector<16xf32>
        %mul3A_292 = arith.mulf %get3A_291, %gather3A_285 : vector<16xf32>
        %swap3A_293 = arith.index_cast %scan3A_174 : i32 to index
        %swap3A_294 = arith.constant 48 : index
        %swap3A_295 = tpu.vector_load %arg16[%swap3A_293, %swap3A_294] {strides = array<i32>} : memref<64x144xf32, #tpu.memory_space<vmem>>, vector<1x16xf32>,
        %swap3A_296 = vector.shape_cast %swap3A_295 : vector<1x16xf32> to vector<16xf32>
        %swap3A_297 = vector.shape_cast %mul3A_292 : vector<16xf32> to vector<1x16xf32>
        tpu.vector_store %arg16[%swap3A_293, %swap3A_294], %swap3A_297 {strides = array<i32>} : memref<64x144xf32, #tpu.memory_space<vmem>>, vector<1x16xf32>,
        %broadcast_in_dim3A_298 = arith.constant 4 : i32
        %broadcast_in_dim3A_299 = vector.broadcast %broadcast_in_dim3A_298 : i32 to vector<16xi32>
        %broadcast_in_dim3A_300 = vector.shape_cast %broadcast_in_dim3A_299 : vector<16xi32> to vector<16x1xi32>
        %gather3A_301 = vector.shape_cast %broadcast_in_dim3A_300 : vector<16x1xi32> to vector<16xi32>
        %gather3A_302 = tpu.dynamic_gather %exp3A[%gather3A_301] in [0] : vector<16xf32>, vector<16xi32> -> vector<16xf32>
        %get3A_303 = arith.constant 4 : i32
        %get3A_304 = arith.index_cast %scan3A_174 : i32 to index
        %get3A_305 = arith.index_cast %get3A_303 : i32 to index
        %get3A_306 = arith.constant 0 : index
        %get3A_307 = tpu.vector_load %arg15[%get3A_304, %get3A_305, %get3A_306] {strides = array<i32>} : memref<64x8x16xf32, #tpu.memory_space<vmem>>, vector<1x1x16xf32>,
        %get3A_308 = vector.shape_cast %get3A_307 : vector<1x1x16xf32> to vector<16xf32>
        %mul3A_309 = arith.mulf %get3A_308, %gather3A_302 : vector<16xf32>
        %swap3A_310 = arith.index_cast %scan3A_174 : i32 to index
        %swap3A_311 = arith.constant 64 : index
        %swap3A_312 = tpu.vector_load %arg16[%swap3A_310, %swap3A_311] {strides = array<i32>} : memref<64x144xf32, #tpu.memory_space<vmem>>, vector<1x16xf32>,
        %swap3A_313 = vector.shape_cast %swap3A_312 : vector<1x16xf32> to vector<16xf32>
        %swap3A_314 = vector.shape_cast %mul3A_309 : vector<16xf32> to vector<1x16xf32>
        tpu.vector_store %arg16[%swap3A_310, %swap3A_311], %swap3A_314 {strides = array<i32>} : memref<64x144xf32, #tpu.memory_space<vmem>>, vector<1x16xf32>,
        %broadcast_in_dim3A_315 = arith.constant 5 : i32
        %broadcast_in_dim3A_316 = vector.broadcast %broadcast_in_dim3A_315 : i32 to vector<16xi32>
        %broadcast_in_dim3A_317 = vector.shape_cast %broadcast_in_dim3A_316 : vector<16xi32> to vector<16x1xi32>
        %gather3A_318 = vector.shape_cast %broadcast_in_dim3A_317 : vector<16x1xi32> to vector<16xi32>
        %gather3A_319 = tpu.dynamic_gather %exp3A[%gather3A_318] in [0] : vector<16xf32>, vector<16xi32> -> vector<16xf32>
        %get3A_320 = arith.constant 5 : i32
        %get3A_321 = arith.index_cast %scan3A_174 : i32 to index
        %get3A_322 = arith.index_cast %get3A_320 : i32 to index
        %get3A_323 = arith.constant 0 : index
        %get3A_324 = tpu.vector_load %arg15[%get3A_321, %get3A_322, %get3A_323] {strides = array<i32>} : memref<64x8x16xf32, #tpu.memory_space<vmem>>, vector<1x1x16xf32>,
        %get3A_325 = vector.shape_cast %get3A_324 : vector<1x1x16xf32> to vector<16xf32>
        %mul3A_326 = arith.mulf %get3A_325, %gather3A_319 : vector<16xf32>
        %swap3A_327 = arith.index_cast %scan3A_174 : i32 to index
        %swap3A_328 = arith.constant 80 : index
        %swap3A_329 = tpu.vector_load %arg16[%swap3A_327, %swap3A_328] {strides = array<i32>} : memref<64x144xf32, #tpu.memory_space<vmem>>, vector<1x16xf32>,
        %swap3A_330 = vector.shape_cast %swap3A_329 : vector<1x16xf32> to vector<16xf32>
        %swap3A_331 = vector.shape_cast %mul3A_326 : vector<16xf32> to vector<1x16xf32>
        tpu.vector_store %arg16[%swap3A_327, %swap3A_328], %swap3A_331 {strides = array<i32>} : memref<64x144xf32, #tpu.memory_space<vmem>>, vector<1x16xf32>,
        %broadcast_in_dim3A_332 = arith.constant 6 : i32
        %broadcast_in_dim3A_333 = vector.broadcast %broadcast_in_dim3A_332 : i32 to vector<16xi32>
        %broadcast_in_dim3A_334 = vector.shape_cast %broadcast_in_dim3A_333 : vector<16xi32> to vector<16x1xi32>
        %gather3A_335 = vector.shape_cast %broadcast_in_dim3A_334 : vector<16x1xi32> to vector<16xi32>
        %gather3A_336 = tpu.dynamic_gather %exp3A[%gather3A_335] in [0] : vector<16xf32>, vector<16xi32> -> vector<16xf32>
        %get3A_337 = arith.constant 6 : i32
        %get3A_338 = arith.index_cast %scan3A_174 : i32 to index
        %get3A_339 = arith.index_cast %get3A_337 : i32 to index
        %get3A_340 = arith.constant 0 : index
        %get3A_341 = tpu.vector_load %arg15[%get3A_338, %get3A_339, %get3A_340] {strides = array<i32>} : memref<64x8x16xf32, #tpu.memory_space<vmem>>, vector<1x1x16xf32>,
        %get3A_342 = vector.shape_cast %get3A_341 : vector<1x1x16xf32> to vector<16xf32>
        %mul3A_343 = arith.mulf %get3A_342, %gather3A_336 : vector<16xf32>
        %swap3A_344 = arith.index_cast %scan3A_174 : i32 to index
        %swap3A_345 = arith.constant 96 : index
        %swap3A_346 = tpu.vector_load %arg16[%swap3A_344, %swap3A_345] {strides = array<i32>} : memref<64x144xf32, #tpu.memory_space<vmem>>, vector<1x16xf32>,
        %swap3A_347 = vector.shape_cast %swap3A_346 : vector<1x16xf32> to vector<16xf32>
        %swap3A_348 = vector.shape_cast %mul3A_343 : vector<16xf32> to vector<1x16xf32>
        tpu.vector_store %arg16[%swap3A_344, %swap3A_345], %swap3A_348 {strides = array<i32>} : memref<64x144xf32, #tpu.memory_space<vmem>>, vector<1x16xf32>,
        %broadcast_in_dim3A_349 = arith.constant 7 : i32
        %broadcast_in_dim3A_350 = vector.broadcast %broadcast_in_dim3A_349 : i32 to vector<16xi32>
        %broadcast_in_dim3A_351 = vector.shape_cast %broadcast_in_dim3A_350 : vector<16xi32> to vector<16x1xi32>
        %gather3A_352 = vector.shape_cast %broadcast_in_dim3A_351 : vector<16x1xi32> to vector<16xi32>
        %gather3A_353 = tpu.dynamic_gather %exp3A[%gather3A_352] in [0] : vector<16xf32>, vector<16xi32> -> vector<16xf32>
        %get3A_354 = arith.constant 7 : i32
        %get3A_355 = arith.index_cast %scan3A_174 : i32 to index
        %get3A_356 = arith.index_cast %get3A_354 : i32 to index
        %get3A_357 = arith.constant 0 : index
        %get3A_358 = tpu.vector_load %arg15[%get3A_355, %get3A_356, %get3A_357] {strides = array<i32>} : memref<64x8x16xf32, #tpu.memory_space<vmem>>, vector<1x1x16xf32>,
        %get3A_359 = vector.shape_cast %get3A_358 : vector<1x1x16xf32> to vector<16xf32>
        %mul3A_360 = arith.mulf %get3A_359, %gather3A_353 : vector<16xf32>
        %swap3A_361 = arith.index_cast %scan3A_174 : i32 to index
        %swap3A_362 = arith.constant 112 : index
        %swap3A_363 = tpu.vector_load %arg16[%swap3A_361, %swap3A_362] {strides = array<i32>} : memref<64x144xf32, #tpu.memory_space<vmem>>, vector<1x16xf32>,
        %swap3A_364 = vector.shape_cast %swap3A_363 : vector<1x16xf32> to vector<16xf32>
        %swap3A_365 = vector.shape_cast %mul3A_360 : vector<16xf32> to vector<1x16xf32>
        tpu.vector_store %arg16[%swap3A_361, %swap3A_362], %swap3A_365 {strides = array<i32>} : memref<64x144xf32, #tpu.memory_space<vmem>>, vector<1x16xf32>,
        %scan3A_366 = arith.constant 0 : i32
        scf.yield %scan3A_366 : i32
      }
      %scan3A_172 = arith.constant 64 : i32
      %run_scoped3A = arith.constant 0 : i32
      "tpu.region"() ({
        %run_scoped3A_174 = tpu.sem_alloc : memref<!tpu.dma_semaphore, #tpu.memory_space<semaphore_mem>>
        %dma_start3A_175 = arith.constant 0 : i32
        %dma_start3A_176 = tpu.memref_slice %arg11[%run_scoped3A, %dma_start3A_175] : memref<1x64xi32, #tpu.memory_space<vmem>> -> memref<1x64xi32, #tpu.memory_space<vmem>>
        %dma_start3A_177 = tpu.memref_squeeze %dma_start3A_176 : memref<1x64xi32, #tpu.memory_space<vmem>> -> memref<64xi32, #tpu.memory_space<vmem>>
        %dma_start3A_178 = arith.constant 0 : i32
        %dma_start3A_179 = arith.constant 0 : i32
        %dma_start3A_180 = tpu.memref_slice %arg9[%dma_start3A_178, %dma_start3A_179] : memref<10112x144xf32, #tpu.memory_space<vmem_shared>> -> memref<10112x144xf32, #tpu.memory_space<vmem_shared>>
        tpu.enqueue_indirect_dma source(%arg16 : memref<64x144xf32, #tpu.memory_space<vmem>>) target(%dma_start3A_180 : memref<10112x144xf32, #tpu.memory_space<vmem_shared>>) offsets(%dma_start3A_177 : memref<64xi32, #tpu.memory_space<vmem>>) semaphore(%run_scoped3A_174 : memref<!tpu.dma_semaphore, #tpu.memory_space<semaphore_mem>>) {add = true}
        %dma_wait3A_181 = arith.constant 0 : i32
        %dma_wait3A_182 = tpu.memref_slice %arg11[%run_scoped3A, %dma_wait3A_181] : memref<1x64xi32, #tpu.memory_space<vmem>> -> memref<1x64xi32, #tpu.memory_space<vmem>>
        %dma_wait3A_183 = tpu.memref_squeeze %dma_wait3A_182 : memref<1x64xi32, #tpu.memory_space<vmem>> -> memref<64xi32, #tpu.memory_space<vmem>>
        %dma_wait3A_184 = arith.constant 0 : i32
        %dma_wait3A_185 = arith.constant 0 : i32
        %dma_wait3A_186 = tpu.memref_slice %arg9[%dma_wait3A_184, %dma_wait3A_185] : memref<10112x144xf32, #tpu.memory_space<vmem_shared>> -> memref<10112x144xf32, #tpu.memory_space<vmem_shared>>
        tpu.wait_indirect_dma semaphore(%run_scoped3A_174 : memref<!tpu.dma_semaphore, #tpu.memory_space<semaphore_mem>>) src(%arg16 : memref<64x144xf32, #tpu.memory_space<vmem>>) dst(%dma_wait3A_186 : memref<10112x144xf32, #tpu.memory_space<vmem_shared>>)
        tpu.yield
      }) : () -> ()
      %scan3A_173 = arith.constant 0 : i32
      scf.yield %scan3A_173 : i32
    }
    %scan3A_35 = arith.constant 158 : i32
    %barrier3A_36 = arith.constant 0 : index
    tpu.barrier barrier_id(%barrier3A_36)
    %add3A_37 = arith.constant 0 : i32
    %add3A_38 = arith.addi %mul3A_8, %add3A_37 : i32
    %add3A_39 = arith.constant 0 : i32
    %add3A_40 = arith.addi %mul3A_8, %add3A_39 : i32
    "tpu.region"() ({
      %run_scoped3A = tpu.sem_alloc : memref<!tpu.dma_semaphore, #tpu.memory_space<semaphore_mem>>
      %dma_start3A = arith.constant 0 : i32
      %dma_start3A_77 = tpu.memref_slice %arg8[%arg0, %add3A_40, %dma_start3A] : memref<2x10112x144xf32, #tpu.memory_space<hbm>> -> memref<1x64x144xf32, #tpu.memory_space<hbm>>
      %dma_start3A_78 = tpu.memref_squeeze %dma_start3A_77 : memref<1x64x144xf32, #tpu.memory_space<hbm>> -> memref<64x144xf32, #tpu.memory_space<hbm>>
      %dma_start3A_79 = arith.constant 0 : i32
      %dma_start3A_80 = tpu.memref_slice %arg9[%add3A_38, %dma_start3A_79] : memref<10112x144xf32, #tpu.memory_space<vmem_shared>> -> memref<64x144xf32, #tpu.memory_space<vmem_shared>>
      tpu.enqueue_dma source(%dma_start3A_80 : memref<64x144xf32, #tpu.memory_space<vmem_shared>>) target(%dma_start3A_78 : memref<64x144xf32, #tpu.memory_space<hbm>>) target_semaphore(%run_scoped3A : memref<!tpu.dma_semaphore, #tpu.memory_space<semaphore_mem>>)
      %dma_wait3A = arith.constant 0 : i32
      %dma_wait3A_81 = tpu.memref_slice %arg8[%arg0, %add3A_40, %dma_wait3A] : memref<2x10112x144xf32, #tpu.memory_space<hbm>> -> memref<1x64x144xf32, #tpu.memory_space<hbm>>
      %dma_wait3A_82 = tpu.memref_squeeze %dma_wait3A_81 : memref<1x64x144xf32, #tpu.memory_space<hbm>> -> memref<64x144xf32, #tpu.memory_space<hbm>>
      %dma_wait3A_83 = arith.constant 0 : i32
      %dma_wait3A_84 = tpu.memref_slice %arg9[%add3A_38, %dma_wait3A_83] : memref<10112x144xf32, #tpu.memory_space<vmem_shared>> -> memref<64x144xf32, #tpu.memory_space<vmem_shared>>
      tpu.wait_dma2 semaphore(%run_scoped3A : memref<!tpu.dma_semaphore, #tpu.memory_space<semaphore_mem>>) src(%dma_wait3A_84 : memref<64x144xf32, #tpu.memory_space<vmem_shared>>) dst(%dma_wait3A_82 : memref<64x144xf32, #tpu.memory_space<hbm>>)
      tpu.yield
    }) : () -> ()
    %add3A_41 = arith.constant 64 : i32
    %add3A_42 = arith.addi %mul3A_8, %add3A_41 : i32
    %add3A_43 = arith.constant 64 : i32
    %add3A_44 = arith.addi %mul3A_8, %add3A_43 : i32
    "tpu.region"() ({
      %run_scoped3A = tpu.sem_alloc : memref<!tpu.dma_semaphore, #tpu.memory_space<semaphore_mem>>
      %dma_start3A = arith.constant 0 : i32
      %dma_start3A_77 = tpu.memref_slice %arg8[%arg0, %add3A_44, %dma_start3A] : memref<2x10112x144xf32, #tpu.memory_space<hbm>> -> memref<1x64x144xf32, #tpu.memory_space<hbm>>
      %dma_start3A_78 = tpu.memref_squeeze %dma_start3A_77 : memref<1x64x144xf32, #tpu.memory_space<hbm>> -> memref<64x144xf32, #tpu.memory_space<hbm>>
      %dma_start3A_79 = arith.constant 0 : i32
      %dma_start3A_80 = tpu.memref_slice %arg9[%add3A_42, %dma_start3A_79] : memref<10112x144xf32, #tpu.memory_space<vmem_shared>> -> memref<64x144xf32, #tpu.memory_space<vmem_shared>>
      tpu.enqueue_dma source(%dma_start3A_80 : memref<64x144xf32, #tpu.memory_space<vmem_shared>>) target(%dma_start3A_78 : memref<64x144xf32, #tpu.memory_space<hbm>>) target_semaphore(%run_scoped3A : memref<!tpu.dma_semaphore, #tpu.memory_space<semaphore_mem>>)
      %dma_wait3A = arith.constant 0 : i32
      %dma_wait3A_81 = tpu.memref_slice %arg8[%arg0, %add3A_44, %dma_wait3A] : memref<2x10112x144xf32, #tpu.memory_space<hbm>> -> memref<1x64x144xf32, #tpu.memory_space<hbm>>
      %dma_wait3A_82 = tpu.memref_squeeze %dma_wait3A_81 : memref<1x64x144xf32, #tpu.memory_space<hbm>> -> memref<64x144xf32, #tpu.memory_space<hbm>>
      %dma_wait3A_83 = arith.constant 0 : i32
      %dma_wait3A_84 = tpu.memref_slice %arg9[%add3A_42, %dma_wait3A_83] : memref<10112x144xf32, #tpu.memory_space<vmem_shared>> -> memref<64x144xf32, #tpu.memory_space<vmem_shared>>
      tpu.wait_dma2 semaphore(%run_scoped3A : memref<!tpu.dma_semaphore, #tpu.memory_space<semaphore_mem>>) src(%dma_wait3A_84 : memref<64x144xf32, #tpu.memory_space<vmem_shared>>) dst(%dma_wait3A_82 : memref<64x144xf32, #tpu.memory_space<hbm>>)
      tpu.yield
    }) : () -> ()
    %add3A_45 = arith.constant 128 : i32
    %add3A_46 = arith.addi %mul3A_8, %add3A_45 : i32
    %add3A_47 = arith.constant 128 : i32
    %add3A_48 = arith.addi %mul3A_8, %add3A_47 : i32
    "tpu.region"() ({
      %run_scoped3A = tpu.sem_alloc : memref<!tpu.dma_semaphore, #tpu.memory_space<semaphore_mem>>
      %dma_start3A = arith.constant 0 : i32
      %dma_start3A_77 = tpu.memref_slice %arg8[%arg0, %add3A_48, %dma_start3A] : memref<2x10112x144xf32, #tpu.memory_space<hbm>> -> memref<1x64x144xf32, #tpu.memory_space<hbm>>
      %dma_start3A_78 = tpu.memref_squeeze %dma_start3A_77 : memref<1x64x144xf32, #tpu.memory_space<hbm>> -> memref<64x144xf32, #tpu.memory_space<hbm>>
      %dma_start3A_79 = arith.constant 0 : i32
      %dma_start3A_80 = tpu.memref_slice %arg9[%add3A_46, %dma_start3A_79] : memref<10112x144xf32, #tpu.memory_space<vmem_shared>> -> memref<64x144xf32, #tpu.memory_space<vmem_shared>>
      tpu.enqueue_dma source(%dma_start3A_80 : memref<64x144xf32, #tpu.memory_space<vmem_shared>>) target(%dma_start3A_78 : memref<64x144xf32, #tpu.memory_space<hbm>>) target_semaphore(%run_scoped3A : memref<!tpu.dma_semaphore, #tpu.memory_space<semaphore_mem>>)
      %dma_wait3A = arith.constant 0 : i32
      %dma_wait3A_81 = tpu.memref_slice %arg8[%arg0, %add3A_48, %dma_wait3A] : memref<2x10112x144xf32, #tpu.memory_space<hbm>> -> memref<1x64x144xf32, #tpu.memory_space<hbm>>
      %dma_wait3A_82 = tpu.memref_squeeze %dma_wait3A_81 : memref<1x64x144xf32, #tpu.memory_space<hbm>> -> memref<64x144xf32, #tpu.memory_space<hbm>>
      %dma_wait3A_83 = arith.constant 0 : i32
      %dma_wait3A_84 = tpu.memref_slice %arg9[%add3A_46, %dma_wait3A_83] : memref<10112x144xf32, #tpu.memory_space<vmem_shared>> -> memref<64x144xf32, #tpu.memory_space<vmem_shared>>
      tpu.wait_dma2 semaphore(%run_scoped3A : memref<!tpu.dma_semaphore, #tpu.memory_space<semaphore_mem>>) src(%dma_wait3A_84 : memref<64x144xf32, #tpu.memory_space<vmem_shared>>) dst(%dma_wait3A_82 : memref<64x144xf32, #tpu.memory_space<hbm>>)
      tpu.yield
    }) : () -> ()
    %add3A_49 = arith.constant 192 : i32
    %add3A_50 = arith.addi %mul3A_8, %add3A_49 : i32
    %add3A_51 = arith.constant 192 : i32
    %add3A_52 = arith.addi %mul3A_8, %add3A_51 : i32
    "tpu.region"() ({
      %run_scoped3A = tpu.sem_alloc : memref<!tpu.dma_semaphore, #tpu.memory_space<semaphore_mem>>
      %dma_start3A = arith.constant 0 : i32
      %dma_start3A_77 = tpu.memref_slice %arg8[%arg0, %add3A_52, %dma_start3A] : memref<2x10112x144xf32, #tpu.memory_space<hbm>> -> memref<1x64x144xf32, #tpu.memory_space<hbm>>
      %dma_start3A_78 = tpu.memref_squeeze %dma_start3A_77 : memref<1x64x144xf32, #tpu.memory_space<hbm>> -> memref<64x144xf32, #tpu.memory_space<hbm>>
      %dma_start3A_79 = arith.constant 0 : i32
      %dma_start3A_80 = tpu.memref_slice %arg9[%add3A_50, %dma_start3A_79] : memref<10112x144xf32, #tpu.memory_space<vmem_shared>> -> memref<64x144xf32, #tpu.memory_space<vmem_shared>>
      tpu.enqueue_dma source(%dma_start3A_80 : memref<64x144xf32, #tpu.memory_space<vmem_shared>>) target(%dma_start3A_78 : memref<64x144xf32, #tpu.memory_space<hbm>>) target_semaphore(%run_scoped3A : memref<!tpu.dma_semaphore, #tpu.memory_space<semaphore_mem>>)
      %dma_wait3A = arith.constant 0 : i32
      %dma_wait3A_81 = tpu.memref_slice %arg8[%arg0, %add3A_52, %dma_wait3A] : memref<2x10112x144xf32, #tpu.memory_space<hbm>> -> memref<1x64x144xf32, #tpu.memory_space<hbm>>
      %dma_wait3A_82 = tpu.memref_squeeze %dma_wait3A_81 : memref<1x64x144xf32, #tpu.memory_space<hbm>> -> memref<64x144xf32, #tpu.memory_space<hbm>>
      %dma_wait3A_83 = arith.constant 0 : i32
      %dma_wait3A_84 = tpu.memref_slice %arg9[%add3A_50, %dma_wait3A_83] : memref<10112x144xf32, #tpu.memory_space<vmem_shared>> -> memref<64x144xf32, #tpu.memory_space<vmem_shared>>
      tpu.wait_dma2 semaphore(%run_scoped3A : memref<!tpu.dma_semaphore, #tpu.memory_space<semaphore_mem>>) src(%dma_wait3A_84 : memref<64x144xf32, #tpu.memory_space<vmem_shared>>) dst(%dma_wait3A_82 : memref<64x144xf32, #tpu.memory_space<hbm>>)
      tpu.yield
    }) : () -> ()
    %add3A_53 = arith.constant 256 : i32
    %add3A_54 = arith.addi %mul3A_8, %add3A_53 : i32
    %add3A_55 = arith.constant 256 : i32
    %add3A_56 = arith.addi %mul3A_8, %add3A_55 : i32
    "tpu.region"() ({
      %run_scoped3A = tpu.sem_alloc : memref<!tpu.dma_semaphore, #tpu.memory_space<semaphore_mem>>
      %dma_start3A = arith.constant 0 : i32
      %dma_start3A_77 = tpu.memref_slice %arg8[%arg0, %add3A_56, %dma_start3A] : memref<2x10112x144xf32, #tpu.memory_space<hbm>> -> memref<1x64x144xf32, #tpu.memory_space<hbm>>
      %dma_start3A_78 = tpu.memref_squeeze %dma_start3A_77 : memref<1x64x144xf32, #tpu.memory_space<hbm>> -> memref<64x144xf32, #tpu.memory_space<hbm>>
      %dma_start3A_79 = arith.constant 0 : i32
      %dma_start3A_80 = tpu.memref_slice %arg9[%add3A_54, %dma_start3A_79] : memref<10112x144xf32, #tpu.memory_space<vmem_shared>> -> memref<64x144xf32, #tpu.memory_space<vmem_shared>>
      tpu.enqueue_dma source(%dma_start3A_80 : memref<64x144xf32, #tpu.memory_space<vmem_shared>>) target(%dma_start3A_78 : memref<64x144xf32, #tpu.memory_space<hbm>>) target_semaphore(%run_scoped3A : memref<!tpu.dma_semaphore, #tpu.memory_space<semaphore_mem>>)
      %dma_wait3A = arith.constant 0 : i32
      %dma_wait3A_81 = tpu.memref_slice %arg8[%arg0, %add3A_56, %dma_wait3A] : memref<2x10112x144xf32, #tpu.memory_space<hbm>> -> memref<1x64x144xf32, #tpu.memory_space<hbm>>
      %dma_wait3A_82 = tpu.memref_squeeze %dma_wait3A_81 : memref<1x64x144xf32, #tpu.memory_space<hbm>> -> memref<64x144xf32, #tpu.memory_space<hbm>>
      %dma_wait3A_83 = arith.constant 0 : i32
      %dma_wait3A_84 = tpu.memref_slice %arg9[%add3A_54, %dma_wait3A_83] : memref<10112x144xf32, #tpu.memory_space<vmem_shared>> -> memref<64x144xf32, #tpu.memory_space<vmem_shared>>
      tpu.wait_dma2 semaphore(%run_scoped3A : memref<!tpu.dma_semaphore, #tpu.memory_space<semaphore_mem>>) src(%dma_wait3A_84 : memref<64x144xf32, #tpu.memory_space<vmem_shared>>) dst(%dma_wait3A_82 : memref<64x144xf32, #tpu.memory_space<hbm>>)
      tpu.yield
    }) : () -> ()
    %add3A_57 = arith.constant 320 : i32
    %add3A_58 = arith.addi %mul3A_8, %add3A_57 : i32
    %add3A_59 = arith.constant 320 : i32
    %add3A_60 = arith.addi %mul3A_8, %add3A_59 : i32
    "tpu.region"() ({
      %run_scoped3A = tpu.sem_alloc : memref<!tpu.dma_semaphore, #tpu.memory_space<semaphore_mem>>
      %dma_start3A = arith.constant 0 : i32
      %dma_start3A_77 = tpu.memref_slice %arg8[%arg0, %add3A_60, %dma_start3A] : memref<2x10112x144xf32, #tpu.memory_space<hbm>> -> memref<1x64x144xf32, #tpu.memory_space<hbm>>
      %dma_start3A_78 = tpu.memref_squeeze %dma_start3A_77 : memref<1x64x144xf32, #tpu.memory_space<hbm>> -> memref<64x144xf32, #tpu.memory_space<hbm>>
      %dma_start3A_79 = arith.constant 0 : i32
      %dma_start3A_80 = tpu.memref_slice %arg9[%add3A_58, %dma_start3A_79] : memref<10112x144xf32, #tpu.memory_space<vmem_shared>> -> memref<64x144xf32, #tpu.memory_space<vmem_shared>>
      tpu.enqueue_dma source(%dma_start3A_80 : memref<64x144xf32, #tpu.memory_space<vmem_shared>>) target(%dma_start3A_78 : memref<64x144xf32, #tpu.memory_space<hbm>>) target_semaphore(%run_scoped3A : memref<!tpu.dma_semaphore, #tpu.memory_space<semaphore_mem>>)
      %dma_wait3A = arith.constant 0 : i32
      %dma_wait3A_81 = tpu.memref_slice %arg8[%arg0, %add3A_60, %dma_wait3A] : memref<2x10112x144xf32, #tpu.memory_space<hbm>> -> memref<1x64x144xf32, #tpu.memory_space<hbm>>
      %dma_wait3A_82 = tpu.memref_squeeze %dma_wait3A_81 : memref<1x64x144xf32, #tpu.memory_space<hbm>> -> memref<64x144xf32, #tpu.memory_space<hbm>>
      %dma_wait3A_83 = arith.constant 0 : i32
      %dma_wait3A_84 = tpu.memref_slice %arg9[%add3A_58, %dma_wait3A_83] : memref<10112x144xf32, #tpu.memory_space<vmem_shared>> -> memref<64x144xf32, #tpu.memory_space<vmem_shared>>
      tpu.wait_dma2 semaphore(%run_scoped3A : memref<!tpu.dma_semaphore, #tpu.memory_space<semaphore_mem>>) src(%dma_wait3A_84 : memref<64x144xf32, #tpu.memory_space<vmem_shared>>) dst(%dma_wait3A_82 : memref<64x144xf32, #tpu.memory_space<hbm>>)
      tpu.yield
    }) : () -> ()
    %add3A_61 = arith.constant 384 : i32
    %add3A_62 = arith.addi %mul3A_8, %add3A_61 : i32
    %add3A_63 = arith.constant 384 : i32
    %add3A_64 = arith.addi %mul3A_8, %add3A_63 : i32
    "tpu.region"() ({
      %run_scoped3A = tpu.sem_alloc : memref<!tpu.dma_semaphore, #tpu.memory_space<semaphore_mem>>
      %dma_start3A = arith.constant 0 : i32
      %dma_start3A_77 = tpu.memref_slice %arg8[%arg0, %add3A_64, %dma_start3A] : memref<2x10112x144xf32, #tpu.memory_space<hbm>> -> memref<1x64x144xf32, #tpu.memory_space<hbm>>
      %dma_start3A_78 = tpu.memref_squeeze %dma_start3A_77 : memref<1x64x144xf32, #tpu.memory_space<hbm>> -> memref<64x144xf32, #tpu.memory_space<hbm>>
      %dma_start3A_79 = arith.constant 0 : i32
      %dma_start3A_80 = tpu.memref_slice %arg9[%add3A_62, %dma_start3A_79] : memref<10112x144xf32, #tpu.memory_space<vmem_shared>> -> memref<64x144xf32, #tpu.memory_space<vmem_shared>>
      tpu.enqueue_dma source(%dma_start3A_80 : memref<64x144xf32, #tpu.memory_space<vmem_shared>>) target(%dma_start3A_78 : memref<64x144xf32, #tpu.memory_space<hbm>>) target_semaphore(%run_scoped3A : memref<!tpu.dma_semaphore, #tpu.memory_space<semaphore_mem>>)
      %dma_wait3A = arith.constant 0 : i32
      %dma_wait3A_81 = tpu.memref_slice %arg8[%arg0, %add3A_64, %dma_wait3A] : memref<2x10112x144xf32, #tpu.memory_space<hbm>> -> memref<1x64x144xf32, #tpu.memory_space<hbm>>
      %dma_wait3A_82 = tpu.memref_squeeze %dma_wait3A_81 : memref<1x64x144xf32, #tpu.memory_space<hbm>> -> memref<64x144xf32, #tpu.memory_space<hbm>>
      %dma_wait3A_83 = arith.constant 0 : i32
      %dma_wait3A_84 = tpu.memref_slice %arg9[%add3A_62, %dma_wait3A_83] : memref<10112x144xf32, #tpu.memory_space<vmem_shared>> -> memref<64x144xf32, #tpu.memory_space<vmem_shared>>
      tpu.wait_dma2 semaphore(%run_scoped3A : memref<!tpu.dma_semaphore, #tpu.memory_space<semaphore_mem>>) src(%dma_wait3A_84 : memref<64x144xf32, #tpu.memory_space<vmem_shared>>) dst(%dma_wait3A_82 : memref<64x144xf32, #tpu.memory_space<hbm>>)
      tpu.yield
    }) : () -> ()
    %add3A_65 = arith.constant 448 : i32
    %add3A_66 = arith.addi %mul3A_8, %add3A_65 : i32
    %add3A_67 = arith.constant 448 : i32
    %add3A_68 = arith.addi %mul3A_8, %add3A_67 : i32
    "tpu.region"() ({
      %run_scoped3A = tpu.sem_alloc : memref<!tpu.dma_semaphore, #tpu.memory_space<semaphore_mem>>
      %dma_start3A = arith.constant 0 : i32
      %dma_start3A_77 = tpu.memref_slice %arg8[%arg0, %add3A_68, %dma_start3A] : memref<2x10112x144xf32, #tpu.memory_space<hbm>> -> memref<1x64x144xf32, #tpu.memory_space<hbm>>
      %dma_start3A_78 = tpu.memref_squeeze %dma_start3A_77 : memref<1x64x144xf32, #tpu.memory_space<hbm>> -> memref<64x144xf32, #tpu.memory_space<hbm>>
      %dma_start3A_79 = arith.constant 0 : i32
      %dma_start3A_80 = tpu.memref_slice %arg9[%add3A_66, %dma_start3A_79] : memref<10112x144xf32, #tpu.memory_space<vmem_shared>> -> memref<64x144xf32, #tpu.memory_space<vmem_shared>>
      tpu.enqueue_dma source(%dma_start3A_80 : memref<64x144xf32, #tpu.memory_space<vmem_shared>>) target(%dma_start3A_78 : memref<64x144xf32, #tpu.memory_space<hbm>>) target_semaphore(%run_scoped3A : memref<!tpu.dma_semaphore, #tpu.memory_space<semaphore_mem>>)
      %dma_wait3A = arith.constant 0 : i32
      %dma_wait3A_81 = tpu.memref_slice %arg8[%arg0, %add3A_68, %dma_wait3A] : memref<2x10112x144xf32, #tpu.memory_space<hbm>> -> memref<1x64x144xf32, #tpu.memory_space<hbm>>
      %dma_wait3A_82 = tpu.memref_squeeze %dma_wait3A_81 : memref<1x64x144xf32, #tpu.memory_space<hbm>> -> memref<64x144xf32, #tpu.memory_space<hbm>>
      %dma_wait3A_83 = arith.constant 0 : i32
      %dma_wait3A_84 = tpu.memref_slice %arg9[%add3A_66, %dma_wait3A_83] : memref<10112x144xf32, #tpu.memory_space<vmem_shared>> -> memref<64x144xf32, #tpu.memory_space<vmem_shared>>
      tpu.wait_dma2 semaphore(%run_scoped3A : memref<!tpu.dma_semaphore, #tpu.memory_space<semaphore_mem>>) src(%dma_wait3A_84 : memref<64x144xf32, #tpu.memory_space<vmem_shared>>) dst(%dma_wait3A_82 : memref<64x144xf32, #tpu.memory_space<hbm>>)
      tpu.yield
    }) : () -> ()
    %add3A_69 = arith.constant 512 : i32
    %add3A_70 = arith.addi %mul3A_8, %add3A_69 : i32
    %add3A_71 = arith.constant 512 : i32
    %add3A_72 = arith.addi %mul3A_8, %add3A_71 : i32
    "tpu.region"() ({
      %run_scoped3A = tpu.sem_alloc : memref<!tpu.dma_semaphore, #tpu.memory_space<semaphore_mem>>
      %dma_start3A = arith.constant 0 : i32
      %dma_start3A_77 = tpu.memref_slice %arg8[%arg0, %add3A_72, %dma_start3A] : memref<2x10112x144xf32, #tpu.memory_space<hbm>> -> memref<1x64x144xf32, #tpu.memory_space<hbm>>
      %dma_start3A_78 = tpu.memref_squeeze %dma_start3A_77 : memref<1x64x144xf32, #tpu.memory_space<hbm>> -> memref<64x144xf32, #tpu.memory_space<hbm>>
      %dma_start3A_79 = arith.constant 0 : i32
      %dma_start3A_80 = tpu.memref_slice %arg9[%add3A_70, %dma_start3A_79] : memref<10112x144xf32, #tpu.memory_space<vmem_shared>> -> memref<64x144xf32, #tpu.memory_space<vmem_shared>>
      tpu.enqueue_dma source(%dma_start3A_80 : memref<64x144xf32, #tpu.memory_space<vmem_shared>>) target(%dma_start3A_78 : memref<64x144xf32, #tpu.memory_space<hbm>>) target_semaphore(%run_scoped3A : memref<!tpu.dma_semaphore, #tpu.memory_space<semaphore_mem>>)
      %dma_wait3A = arith.constant 0 : i32
      %dma_wait3A_81 = tpu.memref_slice %arg8[%arg0, %add3A_72, %dma_wait3A] : memref<2x10112x144xf32, #tpu.memory_space<hbm>> -> memref<1x64x144xf32, #tpu.memory_space<hbm>>
      %dma_wait3A_82 = tpu.memref_squeeze %dma_wait3A_81 : memref<1x64x144xf32, #tpu.memory_space<hbm>> -> memref<64x144xf32, #tpu.memory_space<hbm>>
      %dma_wait3A_83 = arith.constant 0 : i32
      %dma_wait3A_84 = tpu.memref_slice %arg9[%add3A_70, %dma_wait3A_83] : memref<10112x144xf32, #tpu.memory_space<vmem_shared>> -> memref<64x144xf32, #tpu.memory_space<vmem_shared>>
      tpu.wait_dma2 semaphore(%run_scoped3A : memref<!tpu.dma_semaphore, #tpu.memory_space<semaphore_mem>>) src(%dma_wait3A_84 : memref<64x144xf32, #tpu.memory_space<vmem_shared>>) dst(%dma_wait3A_82 : memref<64x144xf32, #tpu.memory_space<hbm>>)
      tpu.yield
    }) : () -> ()
    %add3A_73 = arith.constant 576 : i32
    %add3A_74 = arith.addi %mul3A_8, %add3A_73 : i32
    %add3A_75 = arith.constant 576 : i32
    %add3A_76 = arith.addi %mul3A_8, %add3A_75 : i32
    "tpu.region"() ({
      %run_scoped3A = tpu.sem_alloc : memref<!tpu.dma_semaphore, #tpu.memory_space<semaphore_mem>>
      %dma_start3A = arith.constant 0 : i32
      %dma_start3A_77 = tpu.memref_slice %arg8[%arg0, %add3A_76, %dma_start3A] : memref<2x10112x144xf32, #tpu.memory_space<hbm>> -> memref<1x56x144xf32, #tpu.memory_space<hbm>>
      %dma_start3A_78 = tpu.memref_squeeze %dma_start3A_77 : memref<1x56x144xf32, #tpu.memory_space<hbm>> -> memref<56x144xf32, #tpu.memory_space<hbm>>
      %dma_start3A_79 = arith.constant 0 : i32
      %dma_start3A_80 = tpu.memref_slice %arg9[%add3A_74, %dma_start3A_79] : memref<10112x144xf32, #tpu.memory_space<vmem_shared>> -> memref<56x144xf32, #tpu.memory_space<vmem_shared>>
      tpu.enqueue_dma source(%dma_start3A_80 : memref<56x144xf32, #tpu.memory_space<vmem_shared>>) target(%dma_start3A_78 : memref<56x144xf32, #tpu.memory_space<hbm>>) target_semaphore(%run_scoped3A : memref<!tpu.dma_semaphore, #tpu.memory_space<semaphore_mem>>)
      %dma_wait3A = arith.constant 0 : i32
      %dma_wait3A_81 = tpu.memref_slice %arg8[%arg0, %add3A_76, %dma_wait3A] : memref<2x10112x144xf32, #tpu.memory_space<hbm>> -> memref<1x56x144xf32, #tpu.memory_space<hbm>>
      %dma_wait3A_82 = tpu.memref_squeeze %dma_wait3A_81 : memref<1x56x144xf32, #tpu.memory_space<hbm>> -> memref<56x144xf32, #tpu.memory_space<hbm>>
      %dma_wait3A_83 = arith.constant 0 : i32
      %dma_wait3A_84 = tpu.memref_slice %arg9[%add3A_74, %dma_wait3A_83] : memref<10112x144xf32, #tpu.memory_space<vmem_shared>> -> memref<56x144xf32, #tpu.memory_space<vmem_shared>>
      tpu.wait_dma2 semaphore(%run_scoped3A : memref<!tpu.dma_semaphore, #tpu.memory_space<semaphore_mem>>) src(%dma_wait3A_84 : memref<56x144xf32, #tpu.memory_space<vmem_shared>>) dst(%dma_wait3A_82 : memref<56x144xf32, #tpu.memory_space<hbm>>)
      tpu.yield
    }) : () -> ()
    return
  }
}

#map = affine_map<(d0, d1) -> (0)>
#map1 = affine_map<(d0, d1) -> (0, 0)>
#map2 = affine_map<(d0, d1) -> (0, 0, 0)>
module attributes {stable_mosaic.version = 14 : i64} {
  func.func @_edge_body(%arg0: i32, %arg1: i32, %arg2: memref<323584xi32, #tpu.memory_space<hbm>>, %arg3: memref<323584xi32, #tpu.memory_space<hbm>>, %arg4: memref<323584xf32, #tpu.memory_space<hbm>>, %arg5: memref<10112x16xf32, #tpu.memory_space<hbm>>, %arg6: memref<10112x8x16xf32, #tpu.memory_space<hbm>>, %arg7: memref<16xf32, #tpu.memory_space<hbm>>, %arg8: memref<2x10112x144xf32, #tpu.memory_space<hbm>>, %arg9: memref<10112x144xf32, #tpu.memory_space<vmem_shared>>, %arg10: memref<1x64xi32, #tpu.memory_space<vmem>>, %arg11: memref<1x64xi32, #tpu.memory_space<vmem>>, %arg12: memref<64xf32, #tpu.memory_space<vmem>>, %arg13: memref<64x16xf32, #tpu.memory_space<vmem>>, %arg14: memref<64x16xf32, #tpu.memory_space<vmem>>, %arg15: memref<64x8x16xf32, #tpu.memory_space<vmem>>, %arg16: memref<64x144xf32, #tpu.memory_space<vmem>>, %arg17: memref<16xf32, #tpu.memory_space<vmem>>, %arg18: memref<!tpu.dma_semaphore, #tpu.memory_space<semaphore_mem>>, %arg19: memref<!tpu.dma_semaphore, #tpu.memory_space<semaphore_mem>>, %arg20: memref<!tpu.dma_semaphore, #tpu.memory_space<semaphore_mem>>) attributes {dimension_semantics = [#tpu.dimension_semantics<core_parallel>, #tpu.dimension_semantics<subcore_parallel>], iteration_bounds = array<i64: 2, 16>, scalar_prefetch = 0 : i64, scratch_operands = 12 : i64, tpu.core_type = #tpu.core_type<sc_vector_subcore>, window_params = [{transform_indices = #map}, {transform_indices = #map}, {transform_indices = #map}, {transform_indices = #map1}, {transform_indices = #map2}, {transform_indices = #map}, {transform_indices = #map2}]} {
    %mul3A = arith.constant 16 : i32
    %mul3A_0 = arith.muli %arg0, %mul3A : i32
    %add3A = arith.addi %mul3A_0, %arg1 : i32
    %scan3A = arith.constant 0 : i32
    %scan3A_1 = arith.constant 0 : i32
    %scan3A_2 = arith.constant 64 : i32
    %scan3A_3 = arith.addi %scan3A_1, %scan3A_2 : i32
    %scan3A_4 = arith.constant 1 : i32
    %scan3A_5 = scf.for %scan3A_77 = %scan3A_1 to %scan3A_3 step %scan3A_4 iter_args(%scan3A_78 = %scan3A) -> (i32)  : i32 {
      %broadcast_in_dim3A = arith.constant 0.000000e+00 : f32
      %broadcast_in_dim3A_79 = vector.broadcast %broadcast_in_dim3A : f32 to vector<16xf32>
      %swap3A = arith.index_cast %scan3A_77 : i32 to index
      %swap3A_80 = arith.constant 0 : index
      %swap3A_81 = tpu.vector_load %arg16[%swap3A, %swap3A_80] {strides = array<i32>} : memref<64x144xf32, #tpu.memory_space<vmem>>, vector<1x16xf32>,
      %swap3A_82 = vector.shape_cast %swap3A_81 : vector<1x16xf32> to vector<16xf32>
      %swap3A_83 = vector.shape_cast %broadcast_in_dim3A_79 : vector<16xf32> to vector<1x16xf32>
      tpu.vector_store %arg16[%swap3A, %swap3A_80], %swap3A_83 {strides = array<i32>} : memref<64x144xf32, #tpu.memory_space<vmem>>, vector<1x16xf32>,
      %broadcast_in_dim3A_84 = arith.constant 0.000000e+00 : f32
      %broadcast_in_dim3A_85 = vector.broadcast %broadcast_in_dim3A_84 : f32 to vector<16xf32>
      %swap3A_86 = arith.index_cast %scan3A_77 : i32 to index
      %swap3A_87 = arith.constant 16 : index
      %swap3A_88 = tpu.vector_load %arg16[%swap3A_86, %swap3A_87] {strides = array<i32>} : memref<64x144xf32, #tpu.memory_space<vmem>>, vector<1x16xf32>,
      %swap3A_89 = vector.shape_cast %swap3A_88 : vector<1x16xf32> to vector<16xf32>
      %swap3A_90 = vector.shape_cast %broadcast_in_dim3A_85 : vector<16xf32> to vector<1x16xf32>
      tpu.vector_store %arg16[%swap3A_86, %swap3A_87], %swap3A_90 {strides = array<i32>} : memref<64x144xf32, #tpu.memory_space<vmem>>, vector<1x16xf32>,
      %broadcast_in_dim3A_91 = arith.constant 0.000000e+00 : f32
      %broadcast_in_dim3A_92 = vector.broadcast %broadcast_in_dim3A_91 : f32 to vector<16xf32>
      %swap3A_93 = arith.index_cast %scan3A_77 : i32 to index
      %swap3A_94 = arith.constant 32 : index
      %swap3A_95 = tpu.vector_load %arg16[%swap3A_93, %swap3A_94] {strides = array<i32>} : memref<64x144xf32, #tpu.memory_space<vmem>>, vector<1x16xf32>,
      %swap3A_96 = vector.shape_cast %swap3A_95 : vector<1x16xf32> to vector<16xf32>
      %swap3A_97 = vector.shape_cast %broadcast_in_dim3A_92 : vector<16xf32> to vector<1x16xf32>
      tpu.vector_store %arg16[%swap3A_93, %swap3A_94], %swap3A_97 {strides = array<i32>} : memref<64x144xf32, #tpu.memory_space<vmem>>, vector<1x16xf32>,
      %broadcast_in_dim3A_98 = arith.constant 0.000000e+00 : f32
      %broadcast_in_dim3A_99 = vector.broadcast %broadcast_in_dim3A_98 : f32 to vector<16xf32>
      %swap3A_100 = arith.index_cast %scan3A_77 : i32 to index
      %swap3A_101 = arith.constant 48 : index
      %swap3A_102 = tpu.vector_load %arg16[%swap3A_100, %swap3A_101] {strides = array<i32>} : memref<64x144xf32, #tpu.memory_space<vmem>>, vector<1x16xf32>,
      %swap3A_103 = vector.shape_cast %swap3A_102 : vector<1x16xf32> to vector<16xf32>
      %swap3A_104 = vector.shape_cast %broadcast_in_dim3A_99 : vector<16xf32> to vector<1x16xf32>
      tpu.vector_store %arg16[%swap3A_100, %swap3A_101], %swap3A_104 {strides = array<i32>} : memref<64x144xf32, #tpu.memory_space<vmem>>, vector<1x16xf32>,
      %broadcast_in_dim3A_105 = arith.constant 0.000000e+00 : f32
      %broadcast_in_dim3A_106 = vector.broadcast %broadcast_in_dim3A_105 : f32 to vector<16xf32>
      %swap3A_107 = arith.index_cast %scan3A_77 : i32 to index
      %swap3A_108 = arith.constant 64 : index
      %swap3A_109 = tpu.vector_load %arg16[%swap3A_107, %swap3A_108] {strides = array<i32>} : memref<64x144xf32, #tpu.memory_space<vmem>>, vector<1x16xf32>,
      %swap3A_110 = vector.shape_cast %swap3A_109 : vector<1x16xf32> to vector<16xf32>
      %swap3A_111 = vector.shape_cast %broadcast_in_dim3A_106 : vector<16xf32> to vector<1x16xf32>
      tpu.vector_store %arg16[%swap3A_107, %swap3A_108], %swap3A_111 {strides = array<i32>} : memref<64x144xf32, #tpu.memory_space<vmem>>, vector<1x16xf32>,
      %broadcast_in_dim3A_112 = arith.constant 0.000000e+00 : f32
      %broadcast_in_dim3A_113 = vector.broadcast %broadcast_in_dim3A_112 : f32 to vector<16xf32>
      %swap3A_114 = arith.index_cast %scan3A_77 : i32 to index
      %swap3A_115 = arith.constant 80 : index
      %swap3A_116 = tpu.vector_load %arg16[%swap3A_114, %swap3A_115] {strides = array<i32>} : memref<64x144xf32, #tpu.memory_space<vmem>>, vector<1x16xf32>,
      %swap3A_117 = vector.shape_cast %swap3A_116 : vector<1x16xf32> to vector<16xf32>
      %swap3A_118 = vector.shape_cast %broadcast_in_dim3A_113 : vector<16xf32> to vector<1x16xf32>
      tpu.vector_store %arg16[%swap3A_114, %swap3A_115], %swap3A_118 {strides = array<i32>} : memref<64x144xf32, #tpu.memory_space<vmem>>, vector<1x16xf32>,
      %broadcast_in_dim3A_119 = arith.constant 0.000000e+00 : f32
      %broadcast_in_dim3A_120 = vector.broadcast %broadcast_in_dim3A_119 : f32 to vector<16xf32>
      %swap3A_121 = arith.index_cast %scan3A_77 : i32 to index
      %swap3A_122 = arith.constant 96 : index
      %swap3A_123 = tpu.vector_load %arg16[%swap3A_121, %swap3A_122] {strides = array<i32>} : memref<64x144xf32, #tpu.memory_space<vmem>>, vector<1x16xf32>,
      %swap3A_124 = vector.shape_cast %swap3A_123 : vector<1x16xf32> to vector<16xf32>
      %swap3A_125 = vector.shape_cast %broadcast_in_dim3A_120 : vector<16xf32> to vector<1x16xf32>
      tpu.vector_store %arg16[%swap3A_121, %swap3A_122], %swap3A_125 {strides = array<i32>} : memref<64x144xf32, #tpu.memory_space<vmem>>, vector<1x16xf32>,
      %broadcast_in_dim3A_126 = arith.constant 0.000000e+00 : f32
      %broadcast_in_dim3A_127 = vector.broadcast %broadcast_in_dim3A_126 : f32 to vector<16xf32>
      %swap3A_128 = arith.index_cast %scan3A_77 : i32 to index
      %swap3A_129 = arith.constant 112 : index
      %swap3A_130 = tpu.vector_load %arg16[%swap3A_128, %swap3A_129] {strides = array<i32>} : memref<64x144xf32, #tpu.memory_space<vmem>>, vector<1x16xf32>,
      %swap3A_131 = vector.shape_cast %swap3A_130 : vector<1x16xf32> to vector<16xf32>
      %swap3A_132 = vector.shape_cast %broadcast_in_dim3A_127 : vector<16xf32> to vector<1x16xf32>
      tpu.vector_store %arg16[%swap3A_128, %swap3A_129], %swap3A_132 {strides = array<i32>} : memref<64x144xf32, #tpu.memory_space<vmem>>, vector<1x16xf32>,
      %broadcast_in_dim3A_133 = arith.constant 0.000000e+00 : f32
      %broadcast_in_dim3A_134 = vector.broadcast %broadcast_in_dim3A_133 : f32 to vector<16xf32>
      %swap3A_135 = arith.index_cast %scan3A_77 : i32 to index
      %swap3A_136 = arith.constant 128 : index
      %swap3A_137 = tpu.vector_load %arg16[%swap3A_135, %swap3A_136] {strides = array<i32>} : memref<64x144xf32, #tpu.memory_space<vmem>>, vector<1x16xf32>,
      %swap3A_138 = vector.shape_cast %swap3A_137 : vector<1x16xf32> to vector<16xf32>
      %swap3A_139 = vector.shape_cast %broadcast_in_dim3A_134 : vector<16xf32> to vector<1x16xf32>
      tpu.vector_store %arg16[%swap3A_135, %swap3A_136], %swap3A_139 {strides = array<i32>} : memref<64x144xf32, #tpu.memory_space<vmem>>, vector<1x16xf32>,
      %scan3A_140 = arith.constant 0 : i32
      scf.yield %scan3A_140 : i32
    }
    %scan3A_6 = arith.constant 64 : i32
    %mul3A_7 = arith.constant 632 : i32
    %mul3A_8 = arith.muli %arg1, %mul3A_7 : i32
    %add3A_9 = arith.constant 0 : i32
    %add3A_10 = arith.addi %mul3A_8, %add3A_9 : i32
    "tpu.region"() ({
      %run_scoped3A = tpu.sem_alloc : memref<!tpu.dma_semaphore, #tpu.memory_space<semaphore_mem>>
      %dma_start3A = arith.constant 0 : i32
      %dma_start3A_77 = tpu.memref_slice %arg9[%add3A_10, %dma_start3A] : memref<10112x144xf32, #tpu.memory_space<vmem_shared>> -> memref<64x144xf32, #tpu.memory_space<vmem_shared>>
      %dma_start3A_78 = arith.constant 0 : i32
      %dma_start3A_79 = tpu.memref_slice %arg9[%add3A_10, %dma_start3A_78] : memref<10112x144xf32, #tpu.memory_space<vmem_shared>> -> memref<64x144xf32, #tpu.memory_space<vmem_shared>>
      tpu.enqueue_dma source(%arg16 : memref<64x144xf32, #tpu.memory_space<vmem>>) target(%dma_start3A_79 : memref<64x144xf32, #tpu.memory_space<vmem_shared>>) target_semaphore(%run_scoped3A : memref<!tpu.dma_semaphore, #tpu.memory_space<semaphore_mem>>)
      %dma_wait3A = arith.constant 0 : i32
      %dma_wait3A_80 = tpu.memref_slice %arg9[%add3A_10, %dma_wait3A] : memref<10112x144xf32, #tpu.memory_space<vmem_shared>> -> memref<64x144xf32, #tpu.memory_space<vmem_shared>>
      %dma_wait3A_81 = arith.constant 0 : i32
      %dma_wait3A_82 = tpu.memref_slice %arg9[%add3A_10, %dma_wait3A_81] : memref<10112x144xf32, #tpu.memory_space<vmem_shared>> -> memref<64x144xf32, #tpu.memory_space<vmem_shared>>
      tpu.wait_dma2 semaphore(%run_scoped3A : memref<!tpu.dma_semaphore, #tpu.memory_space<semaphore_mem>>) src(%arg16 : memref<64x144xf32, #tpu.memory_space<vmem>>) dst(%dma_wait3A_82 : memref<64x144xf32, #tpu.memory_space<vmem_shared>>)
      tpu.yield
    }) : () -> ()
    %add3A_11 = arith.constant 64 : i32
    %add3A_12 = arith.addi %mul3A_8, %add3A_11 : i32
    "tpu.region"() ({
      %run_scoped3A = tpu.sem_alloc : memref<!tpu.dma_semaphore, #tpu.memory_space<semaphore_mem>>
      %dma_start3A = arith.constant 0 : i32
      %dma_start3A_77 = tpu.memref_slice %arg9[%add3A_12, %dma_start3A] : memref<10112x144xf32, #tpu.memory_space<vmem_shared>> -> memref<64x144xf32, #tpu.memory_space<vmem_shared>>
      %dma_start3A_78 = arith.constant 0 : i32
      %dma_start3A_79 = tpu.memref_slice %arg9[%add3A_12, %dma_start3A_78] : memref<10112x144xf32, #tpu.memory_space<vmem_shared>> -> memref<64x144xf32, #tpu.memory_space<vmem_shared>>
      tpu.enqueue_dma source(%arg16 : memref<64x144xf32, #tpu.memory_space<vmem>>) target(%dma_start3A_79 : memref<64x144xf32, #tpu.memory_space<vmem_shared>>) target_semaphore(%run_scoped3A : memref<!tpu.dma_semaphore, #tpu.memory_space<semaphore_mem>>)
      %dma_wait3A = arith.constant 0 : i32
      %dma_wait3A_80 = tpu.memref_slice %arg9[%add3A_12, %dma_wait3A] : memref<10112x144xf32, #tpu.memory_space<vmem_shared>> -> memref<64x144xf32, #tpu.memory_space<vmem_shared>>
      %dma_wait3A_81 = arith.constant 0 : i32
      %dma_wait3A_82 = tpu.memref_slice %arg9[%add3A_12, %dma_wait3A_81] : memref<10112x144xf32, #tpu.memory_space<vmem_shared>> -> memref<64x144xf32, #tpu.memory_space<vmem_shared>>
      tpu.wait_dma2 semaphore(%run_scoped3A : memref<!tpu.dma_semaphore, #tpu.memory_space<semaphore_mem>>) src(%arg16 : memref<64x144xf32, #tpu.memory_space<vmem>>) dst(%dma_wait3A_82 : memref<64x144xf32, #tpu.memory_space<vmem_shared>>)
      tpu.yield
    }) : () -> ()
    %add3A_13 = arith.constant 128 : i32
    %add3A_14 = arith.addi %mul3A_8, %add3A_13 : i32
    "tpu.region"() ({
      %run_scoped3A = tpu.sem_alloc : memref<!tpu.dma_semaphore, #tpu.memory_space<semaphore_mem>>
      %dma_start3A = arith.constant 0 : i32
      %dma_start3A_77 = tpu.memref_slice %arg9[%add3A_14, %dma_start3A] : memref<10112x144xf32, #tpu.memory_space<vmem_shared>> -> memref<64x144xf32, #tpu.memory_space<vmem_shared>>
      %dma_start3A_78 = arith.constant 0 : i32
      %dma_start3A_79 = tpu.memref_slice %arg9[%add3A_14, %dma_start3A_78] : memref<10112x144xf32, #tpu.memory_space<vmem_shared>> -> memref<64x144xf32, #tpu.memory_space<vmem_shared>>
      tpu.enqueue_dma source(%arg16 : memref<64x144xf32, #tpu.memory_space<vmem>>) target(%dma_start3A_79 : memref<64x144xf32, #tpu.memory_space<vmem_shared>>) target_semaphore(%run_scoped3A : memref<!tpu.dma_semaphore, #tpu.memory_space<semaphore_mem>>)
      %dma_wait3A = arith.constant 0 : i32
      %dma_wait3A_80 = tpu.memref_slice %arg9[%add3A_14, %dma_wait3A] : memref<10112x144xf32, #tpu.memory_space<vmem_shared>> -> memref<64x144xf32, #tpu.memory_space<vmem_shared>>
      %dma_wait3A_81 = arith.constant 0 : i32
      %dma_wait3A_82 = tpu.memref_slice %arg9[%add3A_14, %dma_wait3A_81] : memref<10112x144xf32, #tpu.memory_space<vmem_shared>> -> memref<64x144xf32, #tpu.memory_space<vmem_shared>>
      tpu.wait_dma2 semaphore(%run_scoped3A : memref<!tpu.dma_semaphore, #tpu.memory_space<semaphore_mem>>) src(%arg16 : memref<64x144xf32, #tpu.memory_space<vmem>>) dst(%dma_wait3A_82 : memref<64x144xf32, #tpu.memory_space<vmem_shared>>)
      tpu.yield
    }) : () -> ()
    %add3A_15 = arith.constant 192 : i32
    %add3A_16 = arith.addi %mul3A_8, %add3A_15 : i32
    "tpu.region"() ({
      %run_scoped3A = tpu.sem_alloc : memref<!tpu.dma_semaphore, #tpu.memory_space<semaphore_mem>>
      %dma_start3A = arith.constant 0 : i32
      %dma_start3A_77 = tpu.memref_slice %arg9[%add3A_16, %dma_start3A] : memref<10112x144xf32, #tpu.memory_space<vmem_shared>> -> memref<64x144xf32, #tpu.memory_space<vmem_shared>>
      %dma_start3A_78 = arith.constant 0 : i32
      %dma_start3A_79 = tpu.memref_slice %arg9[%add3A_16, %dma_start3A_78] : memref<10112x144xf32, #tpu.memory_space<vmem_shared>> -> memref<64x144xf32, #tpu.memory_space<vmem_shared>>
      tpu.enqueue_dma source(%arg16 : memref<64x144xf32, #tpu.memory_space<vmem>>) target(%dma_start3A_79 : memref<64x144xf32, #tpu.memory_space<vmem_shared>>) target_semaphore(%run_scoped3A : memref<!tpu.dma_semaphore, #tpu.memory_space<semaphore_mem>>)
      %dma_wait3A = arith.constant 0 : i32
      %dma_wait3A_80 = tpu.memref_slice %arg9[%add3A_16, %dma_wait3A] : memref<10112x144xf32, #tpu.memory_space<vmem_shared>> -> memref<64x144xf32, #tpu.memory_space<vmem_shared>>
      %dma_wait3A_81 = arith.constant 0 : i32
      %dma_wait3A_82 = tpu.memref_slice %arg9[%add3A_16, %dma_wait3A_81] : memref<10112x144xf32, #tpu.memory_space<vmem_shared>> -> memref<64x144xf32, #tpu.memory_space<vmem_shared>>
      tpu.wait_dma2 semaphore(%run_scoped3A : memref<!tpu.dma_semaphore, #tpu.memory_space<semaphore_mem>>) src(%arg16 : memref<64x144xf32, #tpu.memory_space<vmem>>) dst(%dma_wait3A_82 : memref<64x144xf32, #tpu.memory_space<vmem_shared>>)
      tpu.yield
    }) : () -> ()
    %add3A_17 = arith.constant 256 : i32
    %add3A_18 = arith.addi %mul3A_8, %add3A_17 : i32
    "tpu.region"() ({
      %run_scoped3A = tpu.sem_alloc : memref<!tpu.dma_semaphore, #tpu.memory_space<semaphore_mem>>
      %dma_start3A = arith.constant 0 : i32
      %dma_start3A_77 = tpu.memref_slice %arg9[%add3A_18, %dma_start3A] : memref<10112x144xf32, #tpu.memory_space<vmem_shared>> -> memref<64x144xf32, #tpu.memory_space<vmem_shared>>
      %dma_start3A_78 = arith.constant 0 : i32
      %dma_start3A_79 = tpu.memref_slice %arg9[%add3A_18, %dma_start3A_78] : memref<10112x144xf32, #tpu.memory_space<vmem_shared>> -> memref<64x144xf32, #tpu.memory_space<vmem_shared>>
      tpu.enqueue_dma source(%arg16 : memref<64x144xf32, #tpu.memory_space<vmem>>) target(%dma_start3A_79 : memref<64x144xf32, #tpu.memory_space<vmem_shared>>) target_semaphore(%run_scoped3A : memref<!tpu.dma_semaphore, #tpu.memory_space<semaphore_mem>>)
      %dma_wait3A = arith.constant 0 : i32
      %dma_wait3A_80 = tpu.memref_slice %arg9[%add3A_18, %dma_wait3A] : memref<10112x144xf32, #tpu.memory_space<vmem_shared>> -> memref<64x144xf32, #tpu.memory_space<vmem_shared>>
      %dma_wait3A_81 = arith.constant 0 : i32
      %dma_wait3A_82 = tpu.memref_slice %arg9[%add3A_18, %dma_wait3A_81] : memref<10112x144xf32, #tpu.memory_space<vmem_shared>> -> memref<64x144xf32, #tpu.memory_space<vmem_shared>>
      tpu.wait_dma2 semaphore(%run_scoped3A : memref<!tpu.dma_semaphore, #tpu.memory_space<semaphore_mem>>) src(%arg16 : memref<64x144xf32, #tpu.memory_space<vmem>>) dst(%dma_wait3A_82 : memref<64x144xf32, #tpu.memory_space<vmem_shared>>)
      tpu.yield
    }) : () -> ()
    %add3A_19 = arith.constant 320 : i32
    %add3A_20 = arith.addi %mul3A_8, %add3A_19 : i32
    "tpu.region"() ({
      %run_scoped3A = tpu.sem_alloc : memref<!tpu.dma_semaphore, #tpu.memory_space<semaphore_mem>>
      %dma_start3A = arith.constant 0 : i32
      %dma_start3A_77 = tpu.memref_slice %arg9[%add3A_20, %dma_start3A] : memref<10112x144xf32, #tpu.memory_space<vmem_shared>> -> memref<64x144xf32, #tpu.memory_space<vmem_shared>>
      %dma_start3A_78 = arith.constant 0 : i32
      %dma_start3A_79 = tpu.memref_slice %arg9[%add3A_20, %dma_start3A_78] : memref<10112x144xf32, #tpu.memory_space<vmem_shared>> -> memref<64x144xf32, #tpu.memory_space<vmem_shared>>
      tpu.enqueue_dma source(%arg16 : memref<64x144xf32, #tpu.memory_space<vmem>>) target(%dma_start3A_79 : memref<64x144xf32, #tpu.memory_space<vmem_shared>>) target_semaphore(%run_scoped3A : memref<!tpu.dma_semaphore, #tpu.memory_space<semaphore_mem>>)
      %dma_wait3A = arith.constant 0 : i32
      %dma_wait3A_80 = tpu.memref_slice %arg9[%add3A_20, %dma_wait3A] : memref<10112x144xf32, #tpu.memory_space<vmem_shared>> -> memref<64x144xf32, #tpu.memory_space<vmem_shared>>
      %dma_wait3A_81 = arith.constant 0 : i32
      %dma_wait3A_82 = tpu.memref_slice %arg9[%add3A_20, %dma_wait3A_81] : memref<10112x144xf32, #tpu.memory_space<vmem_shared>> -> memref<64x144xf32, #tpu.memory_space<vmem_shared>>
      tpu.wait_dma2 semaphore(%run_scoped3A : memref<!tpu.dma_semaphore, #tpu.memory_space<semaphore_mem>>) src(%arg16 : memref<64x144xf32, #tpu.memory_space<vmem>>) dst(%dma_wait3A_82 : memref<64x144xf32, #tpu.memory_space<vmem_shared>>)
      tpu.yield
    }) : () -> ()
    %add3A_21 = arith.constant 384 : i32
    %add3A_22 = arith.addi %mul3A_8, %add3A_21 : i32
    "tpu.region"() ({
      %run_scoped3A = tpu.sem_alloc : memref<!tpu.dma_semaphore, #tpu.memory_space<semaphore_mem>>
      %dma_start3A = arith.constant 0 : i32
      %dma_start3A_77 = tpu.memref_slice %arg9[%add3A_22, %dma_start3A] : memref<10112x144xf32, #tpu.memory_space<vmem_shared>> -> memref<64x144xf32, #tpu.memory_space<vmem_shared>>
      %dma_start3A_78 = arith.constant 0 : i32
      %dma_start3A_79 = tpu.memref_slice %arg9[%add3A_22, %dma_start3A_78] : memref<10112x144xf32, #tpu.memory_space<vmem_shared>> -> memref<64x144xf32, #tpu.memory_space<vmem_shared>>
      tpu.enqueue_dma source(%arg16 : memref<64x144xf32, #tpu.memory_space<vmem>>) target(%dma_start3A_79 : memref<64x144xf32, #tpu.memory_space<vmem_shared>>) target_semaphore(%run_scoped3A : memref<!tpu.dma_semaphore, #tpu.memory_space<semaphore_mem>>)
      %dma_wait3A = arith.constant 0 : i32
      %dma_wait3A_80 = tpu.memref_slice %arg9[%add3A_22, %dma_wait3A] : memref<10112x144xf32, #tpu.memory_space<vmem_shared>> -> memref<64x144xf32, #tpu.memory_space<vmem_shared>>
      %dma_wait3A_81 = arith.constant 0 : i32
      %dma_wait3A_82 = tpu.memref_slice %arg9[%add3A_22, %dma_wait3A_81] : memref<10112x144xf32, #tpu.memory_space<vmem_shared>> -> memref<64x144xf32, #tpu.memory_space<vmem_shared>>
      tpu.wait_dma2 semaphore(%run_scoped3A : memref<!tpu.dma_semaphore, #tpu.memory_space<semaphore_mem>>) src(%arg16 : memref<64x144xf32, #tpu.memory_space<vmem>>) dst(%dma_wait3A_82 : memref<64x144xf32, #tpu.memory_space<vmem_shared>>)
      tpu.yield
    }) : () -> ()
    %add3A_23 = arith.constant 448 : i32
    %add3A_24 = arith.addi %mul3A_8, %add3A_23 : i32
    "tpu.region"() ({
      %run_scoped3A = tpu.sem_alloc : memref<!tpu.dma_semaphore, #tpu.memory_space<semaphore_mem>>
      %dma_start3A = arith.constant 0 : i32
      %dma_start3A_77 = tpu.memref_slice %arg9[%add3A_24, %dma_start3A] : memref<10112x144xf32, #tpu.memory_space<vmem_shared>> -> memref<64x144xf32, #tpu.memory_space<vmem_shared>>
      %dma_start3A_78 = arith.constant 0 : i32
      %dma_start3A_79 = tpu.memref_slice %arg9[%add3A_24, %dma_start3A_78] : memref<10112x144xf32, #tpu.memory_space<vmem_shared>> -> memref<64x144xf32, #tpu.memory_space<vmem_shared>>
      tpu.enqueue_dma source(%arg16 : memref<64x144xf32, #tpu.memory_space<vmem>>) target(%dma_start3A_79 : memref<64x144xf32, #tpu.memory_space<vmem_shared>>) target_semaphore(%run_scoped3A : memref<!tpu.dma_semaphore, #tpu.memory_space<semaphore_mem>>)
      %dma_wait3A = arith.constant 0 : i32
      %dma_wait3A_80 = tpu.memref_slice %arg9[%add3A_24, %dma_wait3A] : memref<10112x144xf32, #tpu.memory_space<vmem_shared>> -> memref<64x144xf32, #tpu.memory_space<vmem_shared>>
      %dma_wait3A_81 = arith.constant 0 : i32
      %dma_wait3A_82 = tpu.memref_slice %arg9[%add3A_24, %dma_wait3A_81] : memref<10112x144xf32, #tpu.memory_space<vmem_shared>> -> memref<64x144xf32, #tpu.memory_space<vmem_shared>>
      tpu.wait_dma2 semaphore(%run_scoped3A : memref<!tpu.dma_semaphore, #tpu.memory_space<semaphore_mem>>) src(%arg16 : memref<64x144xf32, #tpu.memory_space<vmem>>) dst(%dma_wait3A_82 : memref<64x144xf32, #tpu.memory_space<vmem_shared>>)
      tpu.yield
    }) : () -> ()
    %add3A_25 = arith.constant 512 : i32
    %add3A_26 = arith.addi %mul3A_8, %add3A_25 : i32
    "tpu.region"() ({
      %run_scoped3A = tpu.sem_alloc : memref<!tpu.dma_semaphore, #tpu.memory_space<semaphore_mem>>
      %dma_start3A = arith.constant 0 : i32
      %dma_start3A_77 = tpu.memref_slice %arg9[%add3A_26, %dma_start3A] : memref<10112x144xf32, #tpu.memory_space<vmem_shared>> -> memref<64x144xf32, #tpu.memory_space<vmem_shared>>
      %dma_start3A_78 = arith.constant 0 : i32
      %dma_start3A_79 = tpu.memref_slice %arg9[%add3A_26, %dma_start3A_78] : memref<10112x144xf32, #tpu.memory_space<vmem_shared>> -> memref<64x144xf32, #tpu.memory_space<vmem_shared>>
      tpu.enqueue_dma source(%arg16 : memref<64x144xf32, #tpu.memory_space<vmem>>) target(%dma_start3A_79 : memref<64x144xf32, #tpu.memory_space<vmem_shared>>) target_semaphore(%run_scoped3A : memref<!tpu.dma_semaphore, #tpu.memory_space<semaphore_mem>>)
      %dma_wait3A = arith.constant 0 : i32
      %dma_wait3A_80 = tpu.memref_slice %arg9[%add3A_26, %dma_wait3A] : memref<10112x144xf32, #tpu.memory_space<vmem_shared>> -> memref<64x144xf32, #tpu.memory_space<vmem_shared>>
      %dma_wait3A_81 = arith.constant 0 : i32
      %dma_wait3A_82 = tpu.memref_slice %arg9[%add3A_26, %dma_wait3A_81] : memref<10112x144xf32, #tpu.memory_space<vmem_shared>> -> memref<64x144xf32, #tpu.memory_space<vmem_shared>>
      tpu.wait_dma2 semaphore(%run_scoped3A : memref<!tpu.dma_semaphore, #tpu.memory_space<semaphore_mem>>) src(%arg16 : memref<64x144xf32, #tpu.memory_space<vmem>>) dst(%dma_wait3A_82 : memref<64x144xf32, #tpu.memory_space<vmem_shared>>)
      tpu.yield
    }) : () -> ()
    %add3A_27 = arith.constant 576 : i32
    %add3A_28 = arith.addi %mul3A_8, %add3A_27 : i32
    "tpu.region"() ({
      %run_scoped3A = tpu.sem_alloc : memref<!tpu.dma_semaphore, #tpu.memory_space<semaphore_mem>>
      %dma_start3A = arith.constant 0 : i32
      %dma_start3A_77 = arith.constant 0 : i32
      %dma_start3A_78 = tpu.memref_slice %arg16[%dma_start3A, %dma_start3A_77] : memref<64x144xf32, #tpu.memory_space<vmem>> -> memref<56x144xf32, #tpu.memory_space<vmem>>
      %dma_start3A_79 = arith.constant 0 : i32
      %dma_start3A_80 = tpu.memref_slice %arg9[%add3A_28, %dma_start3A_79] : memref<10112x144xf32, #tpu.memory_space<vmem_shared>> -> memref<56x144xf32, #tpu.memory_space<vmem_shared>>
      %dma_start3A_81 = arith.constant 0 : i32
      %dma_start3A_82 = tpu.memref_slice %arg9[%add3A_28, %dma_start3A_81] : memref<10112x144xf32, #tpu.memory_space<vmem_shared>> -> memref<56x144xf32, #tpu.memory_space<vmem_shared>>
      %dma_start3A_83 = arith.constant 0 : i32
      %dma_start3A_84 = arith.constant 0 : i32
      %dma_start3A_85 = tpu.memref_slice %arg16[%dma_start3A_83, %dma_start3A_84] : memref<64x144xf32, #tpu.memory_space<vmem>> -> memref<56x144xf32, #tpu.memory_space<vmem>>
      tpu.enqueue_dma source(%dma_start3A_85 : memref<56x144xf32, #tpu.memory_space<vmem>>) target(%dma_start3A_82 : memref<56x144xf32, #tpu.memory_space<vmem_shared>>) target_semaphore(%run_scoped3A : memref<!tpu.dma_semaphore, #tpu.memory_space<semaphore_mem>>)
      %dma_wait3A = arith.constant 0 : i32
      %dma_wait3A_86 = arith.constant 0 : i32
      %dma_wait3A_87 = tpu.memref_slice %arg16[%dma_wait3A, %dma_wait3A_86] : memref<64x144xf32, #tpu.memory_space<vmem>> -> memref<56x144xf32, #tpu.memory_space<vmem>>
      %dma_wait3A_88 = arith.constant 0 : i32
      %dma_wait3A_89 = tpu.memref_slice %arg9[%add3A_28, %dma_wait3A_88] : memref<10112x144xf32, #tpu.memory_space<vmem_shared>> -> memref<56x144xf32, #tpu.memory_space<vmem_shared>>
      %dma_wait3A_90 = arith.constant 0 : i32
      %dma_wait3A_91 = tpu.memref_slice %arg9[%add3A_28, %dma_wait3A_90] : memref<10112x144xf32, #tpu.memory_space<vmem_shared>> -> memref<56x144xf32, #tpu.memory_space<vmem_shared>>
      %dma_wait3A_92 = arith.constant 0 : i32
      %dma_wait3A_93 = arith.constant 0 : i32
      %dma_wait3A_94 = tpu.memref_slice %arg16[%dma_wait3A_92, %dma_wait3A_93] : memref<64x144xf32, #tpu.memory_space<vmem>> -> memref<56x144xf32, #tpu.memory_space<vmem>>
      tpu.wait_dma2 semaphore(%run_scoped3A : memref<!tpu.dma_semaphore, #tpu.memory_space<semaphore_mem>>) src(%dma_wait3A_94 : memref<56x144xf32, #tpu.memory_space<vmem>>) dst(%dma_wait3A_91 : memref<56x144xf32, #tpu.memory_space<vmem_shared>>)
      tpu.yield
    }) : () -> ()
    "tpu.region"() ({
      %run_scoped3A = tpu.sem_alloc : memref<!tpu.dma_semaphore, #tpu.memory_space<semaphore_mem>>
      tpu.enqueue_dma source(%arg7 : memref<16xf32, #tpu.memory_space<hbm>>) target(%arg17 : memref<16xf32, #tpu.memory_space<vmem>>) target_semaphore(%run_scoped3A : memref<!tpu.dma_semaphore, #tpu.memory_space<semaphore_mem>>)
      tpu.wait_dma2 semaphore(%run_scoped3A : memref<!tpu.dma_semaphore, #tpu.memory_space<semaphore_mem>>) src(%arg7 : memref<16xf32, #tpu.memory_space<hbm>>) dst(%arg17 : memref<16xf32, #tpu.memory_space<vmem>>)
      tpu.yield
    }) : () -> ()
    %barrier3A = arith.constant 0 : index
    tpu.barrier barrier_id(%barrier3A)
    %scan3A_29 = arith.constant 0 : i32
    %scan3A_30 = arith.constant 0 : i32
    %scan3A_31 = arith.constant 158 : i32
    %scan3A_32 = arith.addi %scan3A_30, %scan3A_31 : i32
    %scan3A_33 = arith.constant 1 : i32
    %scan3A_34 = scf.for %scan3A_77 = %scan3A_30 to %scan3A_32 step %scan3A_33 iter_args(%scan3A_78 = %scan3A_29) -> (i32)  : i32 {
      %mul3A_79 = arith.constant 10112 : i32
      %mul3A_80 = arith.muli %add3A, %mul3A_79 : i32
      %mul3A_81 = arith.constant 64 : i32
      %mul3A_82 = arith.muli %scan3A_77, %mul3A_81 : i32
      %add3A_83 = arith.addi %mul3A_80, %mul3A_82 : i32
      %dma_start3A = arith.constant 0 : i32
      %dma_start3A_84 = arith.constant 0 : i32
      %dma_start3A_85 = tpu.memref_slice %arg10[%dma_start3A, %dma_start3A_84] : memref<1x64xi32, #tpu.memory_space<vmem>> -> memref<1x64xi32, #tpu.memory_space<vmem>>
      %dma_start3A_86 = tpu.memref_squeeze %dma_start3A_85 : memref<1x64xi32, #tpu.memory_space<vmem>> -> memref<64xi32, #tpu.memory_space<vmem>>
      %dma_start3A_87 = tpu.memref_slice %arg2[%add3A_83] : memref<323584xi32, #tpu.memory_space<hbm>> -> memref<64xi32, #tpu.memory_space<hbm>>
      %dma_start3A_88 = arith.constant 0 : i32
      %dma_start3A_89 = tpu.memref_slice %arg10[%dma_start3A, %dma_start3A_88] : memref<1x64xi32, #tpu.memory_space<vmem>> -> memref<1x64xi32, #tpu.memory_space<vmem>>
      %dma_start3A_90 = tpu.memref_squeeze %dma_start3A_89 : memref<1x64xi32, #tpu.memory_space<vmem>> -> memref<64xi32, #tpu.memory_space<vmem>>
      %dma_start3A_91 = tpu.memref_slice %arg2[%add3A_83] : memref<323584xi32, #tpu.memory_space<hbm>> -> memref<64xi32, #tpu.memory_space<hbm>>
      tpu.enqueue_dma source(%dma_start3A_91 : memref<64xi32, #tpu.memory_space<hbm>>) target(%dma_start3A_90 : memref<64xi32, #tpu.memory_space<vmem>>) target_semaphore(%arg18 : memref<!tpu.dma_semaphore, #tpu.memory_space<semaphore_mem>>)
      %dma_start3A_92 = arith.constant 0 : i32
      %dma_start3A_93 = arith.constant 0 : i32
      %dma_start3A_94 = tpu.memref_slice %arg11[%dma_start3A_92, %dma_start3A_93] : memref<1x64xi32, #tpu.memory_space<vmem>> -> memref<1x64xi32, #tpu.memory_space<vmem>>
      %dma_start3A_95 = tpu.memref_squeeze %dma_start3A_94 : memref<1x64xi32, #tpu.memory_space<vmem>> -> memref<64xi32, #tpu.memory_space<vmem>>
      %dma_start3A_96 = tpu.memref_slice %arg3[%add3A_83] : memref<323584xi32, #tpu.memory_space<hbm>> -> memref<64xi32, #tpu.memory_space<hbm>>
      %dma_start3A_97 = arith.constant 0 : i32
      %dma_start3A_98 = tpu.memref_slice %arg11[%dma_start3A_92, %dma_start3A_97] : memref<1x64xi32, #tpu.memory_space<vmem>> -> memref<1x64xi32, #tpu.memory_space<vmem>>
      %dma_start3A_99 = tpu.memref_squeeze %dma_start3A_98 : memref<1x64xi32, #tpu.memory_space<vmem>> -> memref<64xi32, #tpu.memory_space<vmem>>
      %dma_start3A_100 = tpu.memref_slice %arg3[%add3A_83] : memref<323584xi32, #tpu.memory_space<hbm>> -> memref<64xi32, #tpu.memory_space<hbm>>
      tpu.enqueue_dma source(%dma_start3A_100 : memref<64xi32, #tpu.memory_space<hbm>>) target(%dma_start3A_99 : memref<64xi32, #tpu.memory_space<vmem>>) target_semaphore(%arg18 : memref<!tpu.dma_semaphore, #tpu.memory_space<semaphore_mem>>)
      %dma_start3A_101 = tpu.memref_slice %arg4[%add3A_83] : memref<323584xf32, #tpu.memory_space<hbm>> -> memref<64xf32, #tpu.memory_space<hbm>>
      %dma_start3A_102 = tpu.memref_slice %arg4[%add3A_83] : memref<323584xf32, #tpu.memory_space<hbm>> -> memref<64xf32, #tpu.memory_space<hbm>>
      tpu.enqueue_dma source(%dma_start3A_102 : memref<64xf32, #tpu.memory_space<hbm>>) target(%arg12 : memref<64xf32, #tpu.memory_space<vmem>>) target_semaphore(%arg18 : memref<!tpu.dma_semaphore, #tpu.memory_space<semaphore_mem>>)
      %dma_wait3A = arith.constant 0 : i32
      %dma_wait3A_103 = arith.constant 0 : i32
      %dma_wait3A_104 = tpu.memref_slice %arg10[%dma_wait3A, %dma_wait3A_103] : memref<1x64xi32, #tpu.memory_space<vmem>> -> memref<1x64xi32, #tpu.memory_space<vmem>>
      %dma_wait3A_105 = tpu.memref_squeeze %dma_wait3A_104 : memref<1x64xi32, #tpu.memory_space<vmem>> -> memref<64xi32, #tpu.memory_space<vmem>>
      %dma_wait3A_106 = tpu.memref_slice %arg2[%add3A_83] : memref<323584xi32, #tpu.memory_space<hbm>> -> memref<64xi32, #tpu.memory_space<hbm>>
      %dma_wait3A_107 = arith.constant 0 : i32
      %dma_wait3A_108 = tpu.memref_slice %arg10[%dma_wait3A, %dma_wait3A_107] : memref<1x64xi32, #tpu.memory_space<vmem>> -> memref<1x64xi32, #tpu.memory_space<vmem>>
      %dma_wait3A_109 = tpu.memref_squeeze %dma_wait3A_108 : memref<1x64xi32, #tpu.memory_space<vmem>> -> memref<64xi32, #tpu.memory_space<vmem>>
      %dma_wait3A_110 = tpu.memref_slice %arg2[%add3A_83] : memref<323584xi32, #tpu.memory_space<hbm>> -> memref<64xi32, #tpu.memory_space<hbm>>
      tpu.wait_dma2 semaphore(%arg18 : memref<!tpu.dma_semaphore, #tpu.memory_space<semaphore_mem>>) src(%dma_wait3A_110 : memref<64xi32, #tpu.memory_space<hbm>>) dst(%dma_wait3A_109 : memref<64xi32, #tpu.memory_space<vmem>>)
      %dma_wait3A_111 = arith.constant 0 : i32
      %dma_wait3A_112 = arith.constant 0 : i32
      %dma_wait3A_113 = tpu.memref_slice %arg11[%dma_wait3A_111, %dma_wait3A_112] : memref<1x64xi32, #tpu.memory_space<vmem>> -> memref<1x64xi32, #tpu.memory_space<vmem>>
      %dma_wait3A_114 = tpu.memref_squeeze %dma_wait3A_113 : memref<1x64xi32, #tpu.memory_space<vmem>> -> memref<64xi32, #tpu.memory_space<vmem>>
      %dma_wait3A_115 = tpu.memref_slice %arg3[%add3A_83] : memref<323584xi32, #tpu.memory_space<hbm>> -> memref<64xi32, #tpu.memory_space<hbm>>
      %dma_wait3A_116 = arith.constant 0 : i32
      %dma_wait3A_117 = tpu.memref_slice %arg11[%dma_wait3A_111, %dma_wait3A_116] : memref<1x64xi32, #tpu.memory_space<vmem>> -> memref<1x64xi32, #tpu.memory_space<vmem>>
      %dma_wait3A_118 = tpu.memref_squeeze %dma_wait3A_117 : memref<1x64xi32, #tpu.memory_space<vmem>> -> memref<64xi32, #tpu.memory_space<vmem>>
      %dma_wait3A_119 = tpu.memref_slice %arg3[%add3A_83] : memref<323584xi32, #tpu.memory_space<hbm>> -> memref<64xi32, #tpu.memory_space<hbm>>
      tpu.wait_dma2 semaphore(%arg18 : memref<!tpu.dma_semaphore, #tpu.memory_space<semaphore_mem>>) src(%dma_wait3A_119 : memref<64xi32, #tpu.memory_space<hbm>>) dst(%dma_wait3A_118 : memref<64xi32, #tpu.memory_space<vmem>>)
      %dma_wait3A_120 = tpu.memref_slice %arg4[%add3A_83] : memref<323584xf32, #tpu.memory_space<hbm>> -> memref<64xf32, #tpu.memory_space<hbm>>
      %dma_wait3A_121 = tpu.memref_slice %arg4[%add3A_83] : memref<323584xf32, #tpu.memory_space<hbm>> -> memref<64xf32, #tpu.memory_space<hbm>>
      tpu.wait_dma2 semaphore(%arg18 : memref<!tpu.dma_semaphore, #tpu.memory_space<semaphore_mem>>) src(%dma_wait3A_121 : memref<64xf32, #tpu.memory_space<hbm>>) dst(%arg12 : memref<64xf32, #tpu.memory_space<vmem>>)
      %dma_start3A_122 = arith.constant 0 : i32
      %dma_start3A_123 = arith.constant 0 : i32
      %dma_start3A_124 = tpu.memref_slice %arg10[%dma_start3A_122, %dma_start3A_123] : memref<1x64xi32, #tpu.memory_space<vmem>> -> memref<1x64xi32, #tpu.memory_space<vmem>>
      %dma_start3A_125 = tpu.memref_squeeze %dma_start3A_124 : memref<1x64xi32, #tpu.memory_space<vmem>> -> memref<64xi32, #tpu.memory_space<vmem>>
      %dma_start3A_126 = arith.constant 0 : i32
      %dma_start3A_127 = arith.constant 0 : i32
      %dma_start3A_128 = tpu.memref_slice %arg5[%dma_start3A_126, %dma_start3A_127] : memref<10112x16xf32, #tpu.memory_space<hbm>> -> memref<10112x16xf32, #tpu.memory_space<hbm>>
      tpu.enqueue_indirect_dma source(%dma_start3A_128 : memref<10112x16xf32, #tpu.memory_space<hbm>>) target(%arg13 : memref<64x16xf32, #tpu.memory_space<vmem>>) offsets(%dma_start3A_125 : memref<64xi32, #tpu.memory_space<vmem>>) semaphore(%arg19 : memref<!tpu.dma_semaphore, #tpu.memory_space<semaphore_mem>>)
      %dma_start3A_129 = arith.constant 0 : i32
      %dma_start3A_130 = arith.constant 0 : i32
      %dma_start3A_131 = tpu.memref_slice %arg11[%dma_start3A_129, %dma_start3A_130] : memref<1x64xi32, #tpu.memory_space<vmem>> -> memref<1x64xi32, #tpu.memory_space<vmem>>
      %dma_start3A_132 = tpu.memref_squeeze %dma_start3A_131 : memref<1x64xi32, #tpu.memory_space<vmem>> -> memref<64xi32, #tpu.memory_space<vmem>>
      %dma_start3A_133 = arith.constant 0 : i32
      %dma_start3A_134 = arith.constant 0 : i32
      %dma_start3A_135 = tpu.memref_slice %arg5[%dma_start3A_133, %dma_start3A_134] : memref<10112x16xf32, #tpu.memory_space<hbm>> -> memref<10112x16xf32, #tpu.memory_space<hbm>>
      tpu.enqueue_indirect_dma source(%dma_start3A_135 : memref<10112x16xf32, #tpu.memory_space<hbm>>) target(%arg14 : memref<64x16xf32, #tpu.memory_space<vmem>>) offsets(%dma_start3A_132 : memref<64xi32, #tpu.memory_space<vmem>>) semaphore(%arg19 : memref<!tpu.dma_semaphore, #tpu.memory_space<semaphore_mem>>)
      %dma_start3A_136 = arith.constant 0 : i32
      %dma_start3A_137 = arith.constant 0 : i32
      %dma_start3A_138 = tpu.memref_slice %arg10[%dma_start3A_136, %dma_start3A_137] : memref<1x64xi32, #tpu.memory_space<vmem>> -> memref<1x64xi32, #tpu.memory_space<vmem>>
      %dma_start3A_139 = tpu.memref_squeeze %dma_start3A_138 : memref<1x64xi32, #tpu.memory_space<vmem>> -> memref<64xi32, #tpu.memory_space<vmem>>
      %dma_start3A_140 = arith.constant 0 : i32
      %dma_start3A_141 = arith.constant 0 : i32
      %dma_start3A_142 = arith.constant 0 : i32
      %dma_start3A_143 = tpu.memref_slice %arg6[%dma_start3A_140, %dma_start3A_141, %dma_start3A_142] : memref<10112x8x16xf32, #tpu.memory_space<hbm>> -> memref<10112x8x16xf32, #tpu.memory_space<hbm>>
      tpu.enqueue_indirect_dma source(%dma_start3A_143 : memref<10112x8x16xf32, #tpu.memory_space<hbm>>) target(%arg15 : memref<64x8x16xf32, #tpu.memory_space<vmem>>) offsets(%dma_start3A_139 : memref<64xi32, #tpu.memory_space<vmem>>) semaphore(%arg20 : memref<!tpu.dma_semaphore, #tpu.memory_space<semaphore_mem>>)
      %dma_wait3A_144 = arith.constant 0 : i32
      %dma_wait3A_145 = arith.constant 0 : i32
      %dma_wait3A_146 = tpu.memref_slice %arg10[%dma_wait3A_144, %dma_wait3A_145] : memref<1x64xi32, #tpu.memory_space<vmem>> -> memref<1x64xi32, #tpu.memory_space<vmem>>
      %dma_wait3A_147 = tpu.memref_squeeze %dma_wait3A_146 : memref<1x64xi32, #tpu.memory_space<vmem>> -> memref<64xi32, #tpu.memory_space<vmem>>
      %dma_wait3A_148 = arith.constant 0 : i32
      %dma_wait3A_149 = arith.constant 0 : i32
      %dma_wait3A_150 = tpu.memref_slice %arg5[%dma_wait3A_148, %dma_wait3A_149] : memref<10112x16xf32, #tpu.memory_space<hbm>> -> memref<10112x16xf32, #tpu.memory_space<hbm>>
      tpu.wait_indirect_dma semaphore(%arg19 : memref<!tpu.dma_semaphore, #tpu.memory_space<semaphore_mem>>) src(%dma_wait3A_150 : memref<10112x16xf32, #tpu.memory_space<hbm>>) dst(%arg13 : memref<64x16xf32, #tpu.memory_space<vmem>>)
      %dma_wait3A_151 = arith.constant 0 : i32
      %dma_wait3A_152 = arith.constant 0 : i32
      %dma_wait3A_153 = tpu.memref_slice %arg11[%dma_wait3A_151, %dma_wait3A_152] : memref<1x64xi32, #tpu.memory_space<vmem>> -> memref<1x64xi32, #tpu.memory_space<vmem>>
      %dma_wait3A_154 = tpu.memref_squeeze %dma_wait3A_153 : memref<1x64xi32, #tpu.memory_space<vmem>> -> memref<64xi32, #tpu.memory_space<vmem>>
      %dma_wait3A_155 = arith.constant 0 : i32
      %dma_wait3A_156 = arith.constant 0 : i32
      %dma_wait3A_157 = tpu.memref_slice %arg5[%dma_wait3A_155, %dma_wait3A_156] : memref<10112x16xf32, #tpu.memory_space<hbm>> -> memref<10112x16xf32, #tpu.memory_space<hbm>>
      tpu.wait_indirect_dma semaphore(%arg19 : memref<!tpu.dma_semaphore, #tpu.memory_space<semaphore_mem>>) src(%dma_wait3A_157 : memref<10112x16xf32, #tpu.memory_space<hbm>>) dst(%arg14 : memref<64x16xf32, #tpu.memory_space<vmem>>)
      %dma_wait3A_158 = arith.constant 0 : i32
      %dma_wait3A_159 = arith.constant 0 : i32
      %dma_wait3A_160 = tpu.memref_slice %arg10[%dma_wait3A_158, %dma_wait3A_159] : memref<1x64xi32, #tpu.memory_space<vmem>> -> memref<1x64xi32, #tpu.memory_space<vmem>>
      %dma_wait3A_161 = tpu.memref_squeeze %dma_wait3A_160 : memref<1x64xi32, #tpu.memory_space<vmem>> -> memref<64xi32, #tpu.memory_space<vmem>>
      %dma_wait3A_162 = arith.constant 0 : i32
      %dma_wait3A_163 = arith.constant 0 : i32
      %dma_wait3A_164 = arith.constant 0 : i32
      %dma_wait3A_165 = tpu.memref_slice %arg6[%dma_wait3A_162, %dma_wait3A_163, %dma_wait3A_164] : memref<10112x8x16xf32, #tpu.memory_space<hbm>> -> memref<10112x8x16xf32, #tpu.memory_space<hbm>>
      tpu.wait_indirect_dma semaphore(%arg20 : memref<!tpu.dma_semaphore, #tpu.memory_space<semaphore_mem>>) src(%dma_wait3A_165 : memref<10112x8x16xf32, #tpu.memory_space<hbm>>) dst(%arg15 : memref<64x8x16xf32, #tpu.memory_space<vmem>>)
      %scan3A_166 = arith.constant 0 : i32
      %scan3A_167 = arith.constant 0 : i32
      %scan3A_168 = arith.constant 64 : i32
      %scan3A_169 = arith.addi %scan3A_167, %scan3A_168 : i32
      %scan3A_170 = arith.constant 1 : i32
      %scan3A_171 = scf.for %scan3A_174 = %scan3A_167 to %scan3A_169 step %scan3A_170 iter_args(%scan3A_175 = %scan3A_166) -> (i32)  : i32 {
        %get3A = arith.index_cast %scan3A_174 : i32 to index
        %get3A_176 = arith.constant 0 : index
        %get3A_177 = tpu.vector_load %arg13[%get3A, %get3A_176] {strides = array<i32>} : memref<64x16xf32, #tpu.memory_space<vmem>>, vector<1x16xf32>,
        %get3A_178 = vector.shape_cast %get3A_177 : vector<1x16xf32> to vector<16xf32>
        %get3A_179 = arith.index_cast %scan3A_174 : i32 to index
        %get3A_180 = arith.constant 0 : index
        %get3A_181 = tpu.vector_load %arg14[%get3A_179, %get3A_180] {strides = array<i32>} : memref<64x16xf32, #tpu.memory_space<vmem>>, vector<1x16xf32>,
        %get3A_182 = vector.shape_cast %get3A_181 : vector<1x16xf32> to vector<16xf32>
        %iota3A = tpu.iota {dimensions = array<i32: 0>} : vector<16xi32>
        %add3A_183 = arith.constant 8 : i32
        %add3A_184 = vector.broadcast %add3A_183 : i32 to vector<16xi32>
        %add3A_185 = arith.addi %iota3A, %add3A_184 : vector<16xi32>
        %broadcast_in_dim3A = arith.constant 16 : i32
        %broadcast_in_dim3A_186 = vector.broadcast %broadcast_in_dim3A : i32 to vector<16xi32>
        %rem3A = arith.remsi %add3A_185, %broadcast_in_dim3A_186 : vector<16xi32>
        %get3A_187 = arith.constant 0 : index
        %get3A_188 = tpu.vector_load %arg12[%get3A_187] {strides = array<i32>} : memref<64xf32, #tpu.memory_space<vmem>>, vector<64xf32>,
        %get3A_189 = vector.shape_cast %get3A_188 : vector<64xf32> to vector<64xf32>
        %broadcast_in_dim3A_190 = vector.broadcast %scan3A_174 : i32 to vector<16xi32>
        %broadcast_in_dim3A_191 = vector.shape_cast %broadcast_in_dim3A_190 : vector<16xi32> to vector<16x1xi32>
        %gather3A = vector.shape_cast %broadcast_in_dim3A_191 : vector<16x1xi32> to vector<16xi32>
        %gather3A_192 = tpu.dynamic_gather %get3A_189[%gather3A] in [0] : vector<64xf32>, vector<16xi32> -> vector<16xf32>
        %broadcast_in_dim3A_193 = vector.shape_cast %rem3A : vector<16xi32> to vector<16x1xi32>
        %gather3A_194 = vector.shape_cast %broadcast_in_dim3A_193 : vector<16x1xi32> to vector<16xi32>
        %gather3A_195 = tpu.dynamic_gather %get3A_182[%gather3A_194] in [0] : vector<16xf32>, vector<16xi32> -> vector<16xf32>
        %add3A_196 = arith.addf %get3A_178, %gather3A_195 : vector<16xf32>
        %get3A_197 = arith.constant 0 : index
        %get3A_198 = tpu.vector_load %arg17[%get3A_197] {strides = array<i32>} : memref<16xf32, #tpu.memory_space<vmem>>, vector<16xf32>,
        %get3A_199 = vector.shape_cast %get3A_198 : vector<16xf32> to vector<16xf32>
        %mul3A_200 = arith.mulf %gather3A_192, %get3A_199 : vector<16xf32>
        %add3A_201 = arith.addf %add3A_196, %mul3A_200 : vector<16xf32>
        %gt3A = arith.constant 0.000000e+00 : f32
        %gt3A_202 = vector.broadcast %gt3A : f32 to vector<16xf32>
        %gt3A_203 = arith.cmpf ogt, %add3A_201, %gt3A_202 : vector<16xf32>
        %mul3A_204 = arith.constant 2.000000e-01 : f32
        %mul3A_205 = vector.broadcast %mul3A_204 : f32 to vector<16xf32>
        %mul3A_206 = arith.mulf %mul3A_205, %add3A_201 : vector<16xf32>
        %select_n3A = arith.select %gt3A_203, %add3A_201, %mul3A_206 : vector<16xi1>, vector<16xf32>
        %exp3A = math.exp %select_n3A : vector<16xf32>
        %lt3A = arith.constant 8 : i32
        %lt3A_207 = vector.broadcast %lt3A : i32 to vector<16xi32>
        %lt3A_208 = arith.cmpi slt, %iota3A, %lt3A_207 : vector<16xi32>
        %jit3A = arith.constant 0.000000e+00 : f32
        %broadcast_in_dim3A_209 = vector.broadcast %jit3A : f32 to vector<16xf32>
        %select_n3A_210 = arith.select %lt3A_208, %exp3A, %broadcast_in_dim3A_209 : vector<16xi1>, vector<16xf32>
        %eq3A = arith.constant 8 : i32
        %eq3A_211 = vector.broadcast %eq3A : i32 to vector<16xi32>
        %eq3A_212 = arith.cmpi eq, %iota3A, %eq3A_211 : vector<16xi32>
        %jit3A_213 = arith.constant 0.000000e+00 : f32
        %broadcast_in_dim3A_214 = vector.broadcast %jit3A_213 : f32 to vector<16xf32>
        %select_n3A_215 = arith.select %eq3A_212, %gather3A_192, %broadcast_in_dim3A_214 : vector<16xi1>, vector<16xf32>
        %add3A_216 = arith.addf %select_n3A_210, %select_n3A_215 : vector<16xf32>
        %eq3A_217 = arith.constant 9 : i32
        %eq3A_218 = vector.broadcast %eq3A_217 : i32 to vector<16xi32>
        %eq3A_219 = arith.cmpi eq, %iota3A, %eq3A_218 : vector<16xi32>
        %jit3A_220 = arith.constant 1.000000e+00 : f32
        %jit3A_221 = arith.constant 0.000000e+00 : f32
        %broadcast_in_dim3A_222 = vector.broadcast %jit3A_220 : f32 to vector<16xf32>
        %broadcast_in_dim3A_223 = vector.broadcast %jit3A_221 : f32 to vector<16xf32>
        %select_n3A_224 = arith.select %eq3A_219, %broadcast_in_dim3A_222, %broadcast_in_dim3A_223 : vector<16xi1>, vector<16xf32>
        %add3A_225 = arith.addf %add3A_216, %select_n3A_224 : vector<16xf32>
        %swap3A = arith.index_cast %scan3A_174 : i32 to index
        %swap3A_226 = arith.constant 128 : index
        %swap3A_227 = tpu.vector_load %arg16[%swap3A, %swap3A_226] {strides = array<i32>} : memref<64x144xf32, #tpu.memory_space<vmem>>, vector<1x16xf32>,
        %swap3A_228 = vector.shape_cast %swap3A_227 : vector<1x16xf32> to vector<16xf32>
        %swap3A_229 = vector.shape_cast %add3A_225 : vector<16xf32> to vector<1x16xf32>
        tpu.vector_store %arg16[%swap3A, %swap3A_226], %swap3A_229 {strides = array<i32>} : memref<64x144xf32, #tpu.memory_space<vmem>>, vector<1x16xf32>,
        %broadcast_in_dim3A_230 = arith.constant 0 : i32
        %broadcast_in_dim3A_231 = vector.broadcast %broadcast_in_dim3A_230 : i32 to vector<16xi32>
        %broadcast_in_dim3A_232 = vector.shape_cast %broadcast_in_dim3A_231 : vector<16xi32> to vector<16x1xi32>
        %gather3A_233 = vector.shape_cast %broadcast_in_dim3A_232 : vector<16x1xi32> to vector<16xi32>
        %gather3A_234 = tpu.dynamic_gather %exp3A[%gather3A_233] in [0] : vector<16xf32>, vector<16xi32> -> vector<16xf32>
        %get3A_235 = arith.constant 0 : i32
        %get3A_236 = arith.index_cast %scan3A_174 : i32 to index
        %get3A_237 = arith.index_cast %get3A_235 : i32 to index
        %get3A_238 = arith.constant 0 : index
        %get3A_239 = tpu.vector_load %arg15[%get3A_236, %get3A_237, %get3A_238] {strides = array<i32>} : memref<64x8x16xf32, #tpu.memory_space<vmem>>, vector<1x1x16xf32>,
        %get3A_240 = vector.shape_cast %get3A_239 : vector<1x1x16xf32> to vector<16xf32>
        %mul3A_241 = arith.mulf %get3A_240, %gather3A_234 : vector<16xf32>
        %swap3A_242 = arith.index_cast %scan3A_174 : i32 to index
        %swap3A_243 = arith.constant 0 : index
        %swap3A_244 = tpu.vector_load %arg16[%swap3A_242, %swap3A_243] {strides = array<i32>} : memref<64x144xf32, #tpu.memory_space<vmem>>, vector<1x16xf32>,
        %swap3A_245 = vector.shape_cast %swap3A_244 : vector<1x16xf32> to vector<16xf32>
        %swap3A_246 = vector.shape_cast %mul3A_241 : vector<16xf32> to vector<1x16xf32>
        tpu.vector_store %arg16[%swap3A_242, %swap3A_243], %swap3A_246 {strides = array<i32>} : memref<64x144xf32, #tpu.memory_space<vmem>>, vector<1x16xf32>,
        %broadcast_in_dim3A_247 = arith.constant 1 : i32
        %broadcast_in_dim3A_248 = vector.broadcast %broadcast_in_dim3A_247 : i32 to vector<16xi32>
        %broadcast_in_dim3A_249 = vector.shape_cast %broadcast_in_dim3A_248 : vector<16xi32> to vector<16x1xi32>
        %gather3A_250 = vector.shape_cast %broadcast_in_dim3A_249 : vector<16x1xi32> to vector<16xi32>
        %gather3A_251 = tpu.dynamic_gather %exp3A[%gather3A_250] in [0] : vector<16xf32>, vector<16xi32> -> vector<16xf32>
        %get3A_252 = arith.constant 1 : i32
        %get3A_253 = arith.index_cast %scan3A_174 : i32 to index
        %get3A_254 = arith.index_cast %get3A_252 : i32 to index
        %get3A_255 = arith.constant 0 : index
        %get3A_256 = tpu.vector_load %arg15[%get3A_253, %get3A_254, %get3A_255] {strides = array<i32>} : memref<64x8x16xf32, #tpu.memory_space<vmem>>, vector<1x1x16xf32>,
        %get3A_257 = vector.shape_cast %get3A_256 : vector<1x1x16xf32> to vector<16xf32>
        %mul3A_258 = arith.mulf %get3A_257, %gather3A_251 : vector<16xf32>
        %swap3A_259 = arith.index_cast %scan3A_174 : i32 to index
        %swap3A_260 = arith.constant 16 : index
        %swap3A_261 = tpu.vector_load %arg16[%swap3A_259, %swap3A_260] {strides = array<i32>} : memref<64x144xf32, #tpu.memory_space<vmem>>, vector<1x16xf32>,
        %swap3A_262 = vector.shape_cast %swap3A_261 : vector<1x16xf32> to vector<16xf32>
        %swap3A_263 = vector.shape_cast %mul3A_258 : vector<16xf32> to vector<1x16xf32>
        tpu.vector_store %arg16[%swap3A_259, %swap3A_260], %swap3A_263 {strides = array<i32>} : memref<64x144xf32, #tpu.memory_space<vmem>>, vector<1x16xf32>,
        %broadcast_in_dim3A_264 = arith.constant 2 : i32
        %broadcast_in_dim3A_265 = vector.broadcast %broadcast_in_dim3A_264 : i32 to vector<16xi32>
        %broadcast_in_dim3A_266 = vector.shape_cast %broadcast_in_dim3A_265 : vector<16xi32> to vector<16x1xi32>
        %gather3A_267 = vector.shape_cast %broadcast_in_dim3A_266 : vector<16x1xi32> to vector<16xi32>
        %gather3A_268 = tpu.dynamic_gather %exp3A[%gather3A_267] in [0] : vector<16xf32>, vector<16xi32> -> vector<16xf32>
        %get3A_269 = arith.constant 2 : i32
        %get3A_270 = arith.index_cast %scan3A_174 : i32 to index
        %get3A_271 = arith.index_cast %get3A_269 : i32 to index
        %get3A_272 = arith.constant 0 : index
        %get3A_273 = tpu.vector_load %arg15[%get3A_270, %get3A_271, %get3A_272] {strides = array<i32>} : memref<64x8x16xf32, #tpu.memory_space<vmem>>, vector<1x1x16xf32>,
        %get3A_274 = vector.shape_cast %get3A_273 : vector<1x1x16xf32> to vector<16xf32>
        %mul3A_275 = arith.mulf %get3A_274, %gather3A_268 : vector<16xf32>
        %swap3A_276 = arith.index_cast %scan3A_174 : i32 to index
        %swap3A_277 = arith.constant 32 : index
        %swap3A_278 = tpu.vector_load %arg16[%swap3A_276, %swap3A_277] {strides = array<i32>} : memref<64x144xf32, #tpu.memory_space<vmem>>, vector<1x16xf32>,
        %swap3A_279 = vector.shape_cast %swap3A_278 : vector<1x16xf32> to vector<16xf32>
        %swap3A_280 = vector.shape_cast %mul3A_275 : vector<16xf32> to vector<1x16xf32>
        tpu.vector_store %arg16[%swap3A_276, %swap3A_277], %swap3A_280 {strides = array<i32>} : memref<64x144xf32, #tpu.memory_space<vmem>>, vector<1x16xf32>,
        %broadcast_in_dim3A_281 = arith.constant 3 : i32
        %broadcast_in_dim3A_282 = vector.broadcast %broadcast_in_dim3A_281 : i32 to vector<16xi32>
        %broadcast_in_dim3A_283 = vector.shape_cast %broadcast_in_dim3A_282 : vector<16xi32> to vector<16x1xi32>
        %gather3A_284 = vector.shape_cast %broadcast_in_dim3A_283 : vector<16x1xi32> to vector<16xi32>
        %gather3A_285 = tpu.dynamic_gather %exp3A[%gather3A_284] in [0] : vector<16xf32>, vector<16xi32> -> vector<16xf32>
        %get3A_286 = arith.constant 3 : i32
        %get3A_287 = arith.index_cast %scan3A_174 : i32 to index
        %get3A_288 = arith.index_cast %get3A_286 : i32 to index
        %get3A_289 = arith.constant 0 : index
        %get3A_290 = tpu.vector_load %arg15[%get3A_287, %get3A_288, %get3A_289] {strides = array<i32>} : memref<64x8x16xf32, #tpu.memory_space<vmem>>, vector<1x1x16xf32>,
        %get3A_291 = vector.shape_cast %get3A_290 : vector<1x1x16xf32> to vector<16xf32>
        %mul3A_292 = arith.mulf %get3A_291, %gather3A_285 : vector<16xf32>
        %swap3A_293 = arith.index_cast %scan3A_174 : i32 to index
        %swap3A_294 = arith.constant 48 : index
        %swap3A_295 = tpu.vector_load %arg16[%swap3A_293, %swap3A_294] {strides = array<i32>} : memref<64x144xf32, #tpu.memory_space<vmem>>, vector<1x16xf32>,
        %swap3A_296 = vector.shape_cast %swap3A_295 : vector<1x16xf32> to vector<16xf32>
        %swap3A_297 = vector.shape_cast %mul3A_292 : vector<16xf32> to vector<1x16xf32>
        tpu.vector_store %arg16[%swap3A_293, %swap3A_294], %swap3A_297 {strides = array<i32>} : memref<64x144xf32, #tpu.memory_space<vmem>>, vector<1x16xf32>,
        %broadcast_in_dim3A_298 = arith.constant 4 : i32
        %broadcast_in_dim3A_299 = vector.broadcast %broadcast_in_dim3A_298 : i32 to vector<16xi32>
        %broadcast_in_dim3A_300 = vector.shape_cast %broadcast_in_dim3A_299 : vector<16xi32> to vector<16x1xi32>
        %gather3A_301 = vector.shape_cast %broadcast_in_dim3A_300 : vector<16x1xi32> to vector<16xi32>
        %gather3A_302 = tpu.dynamic_gather %exp3A[%gather3A_301] in [0] : vector<16xf32>, vector<16xi32> -> vector<16xf32>
        %get3A_303 = arith.constant 4 : i32
        %get3A_304 = arith.index_cast %scan3A_174 : i32 to index
        %get3A_305 = arith.index_cast %get3A_303 : i32 to index
        %get3A_306 = arith.constant 0 : index
        %get3A_307 = tpu.vector_load %arg15[%get3A_304, %get3A_305, %get3A_306] {strides = array<i32>} : memref<64x8x16xf32, #tpu.memory_space<vmem>>, vector<1x1x16xf32>,
        %get3A_308 = vector.shape_cast %get3A_307 : vector<1x1x16xf32> to vector<16xf32>
        %mul3A_309 = arith.mulf %get3A_308, %gather3A_302 : vector<16xf32>
        %swap3A_310 = arith.index_cast %scan3A_174 : i32 to index
        %swap3A_311 = arith.constant 64 : index
        %swap3A_312 = tpu.vector_load %arg16[%swap3A_310, %swap3A_311] {strides = array<i32>} : memref<64x144xf32, #tpu.memory_space<vmem>>, vector<1x16xf32>,
        %swap3A_313 = vector.shape_cast %swap3A_312 : vector<1x16xf32> to vector<16xf32>
        %swap3A_314 = vector.shape_cast %mul3A_309 : vector<16xf32> to vector<1x16xf32>
        tpu.vector_store %arg16[%swap3A_310, %swap3A_311], %swap3A_314 {strides = array<i32>} : memref<64x144xf32, #tpu.memory_space<vmem>>, vector<1x16xf32>,
        %broadcast_in_dim3A_315 = arith.constant 5 : i32
        %broadcast_in_dim3A_316 = vector.broadcast %broadcast_in_dim3A_315 : i32 to vector<16xi32>
        %broadcast_in_dim3A_317 = vector.shape_cast %broadcast_in_dim3A_316 : vector<16xi32> to vector<16x1xi32>
        %gather3A_318 = vector.shape_cast %broadcast_in_dim3A_317 : vector<16x1xi32> to vector<16xi32>
        %gather3A_319 = tpu.dynamic_gather %exp3A[%gather3A_318] in [0] : vector<16xf32>, vector<16xi32> -> vector<16xf32>
        %get3A_320 = arith.constant 5 : i32
        %get3A_321 = arith.index_cast %scan3A_174 : i32 to index
        %get3A_322 = arith.index_cast %get3A_320 : i32 to index
        %get3A_323 = arith.constant 0 : index
        %get3A_324 = tpu.vector_load %arg15[%get3A_321, %get3A_322, %get3A_323] {strides = array<i32>} : memref<64x8x16xf32, #tpu.memory_space<vmem>>, vector<1x1x16xf32>,
        %get3A_325 = vector.shape_cast %get3A_324 : vector<1x1x16xf32> to vector<16xf32>
        %mul3A_326 = arith.mulf %get3A_325, %gather3A_319 : vector<16xf32>
        %swap3A_327 = arith.index_cast %scan3A_174 : i32 to index
        %swap3A_328 = arith.constant 80 : index
        %swap3A_329 = tpu.vector_load %arg16[%swap3A_327, %swap3A_328] {strides = array<i32>} : memref<64x144xf32, #tpu.memory_space<vmem>>, vector<1x16xf32>,
        %swap3A_330 = vector.shape_cast %swap3A_329 : vector<1x16xf32> to vector<16xf32>
        %swap3A_331 = vector.shape_cast %mul3A_326 : vector<16xf32> to vector<1x16xf32>
        tpu.vector_store %arg16[%swap3A_327, %swap3A_328], %swap3A_331 {strides = array<i32>} : memref<64x144xf32, #tpu.memory_space<vmem>>, vector<1x16xf32>,
        %broadcast_in_dim3A_332 = arith.constant 6 : i32
        %broadcast_in_dim3A_333 = vector.broadcast %broadcast_in_dim3A_332 : i32 to vector<16xi32>
        %broadcast_in_dim3A_334 = vector.shape_cast %broadcast_in_dim3A_333 : vector<16xi32> to vector<16x1xi32>
        %gather3A_335 = vector.shape_cast %broadcast_in_dim3A_334 : vector<16x1xi32> to vector<16xi32>
        %gather3A_336 = tpu.dynamic_gather %exp3A[%gather3A_335] in [0] : vector<16xf32>, vector<16xi32> -> vector<16xf32>
        %get3A_337 = arith.constant 6 : i32
        %get3A_338 = arith.index_cast %scan3A_174 : i32 to index
        %get3A_339 = arith.index_cast %get3A_337 : i32 to index
        %get3A_340 = arith.constant 0 : index
        %get3A_341 = tpu.vector_load %arg15[%get3A_338, %get3A_339, %get3A_340] {strides = array<i32>} : memref<64x8x16xf32, #tpu.memory_space<vmem>>, vector<1x1x16xf32>,
        %get3A_342 = vector.shape_cast %get3A_341 : vector<1x1x16xf32> to vector<16xf32>
        %mul3A_343 = arith.mulf %get3A_342, %gather3A_336 : vector<16xf32>
        %swap3A_344 = arith.index_cast %scan3A_174 : i32 to index
        %swap3A_345 = arith.constant 96 : index
        %swap3A_346 = tpu.vector_load %arg16[%swap3A_344, %swap3A_345] {strides = array<i32>} : memref<64x144xf32, #tpu.memory_space<vmem>>, vector<1x16xf32>,
        %swap3A_347 = vector.shape_cast %swap3A_346 : vector<1x16xf32> to vector<16xf32>
        %swap3A_348 = vector.shape_cast %mul3A_343 : vector<16xf32> to vector<1x16xf32>
        tpu.vector_store %arg16[%swap3A_344, %swap3A_345], %swap3A_348 {strides = array<i32>} : memref<64x144xf32, #tpu.memory_space<vmem>>, vector<1x16xf32>,
        %broadcast_in_dim3A_349 = arith.constant 7 : i32
        %broadcast_in_dim3A_350 = vector.broadcast %broadcast_in_dim3A_349 : i32 to vector<16xi32>
        %broadcast_in_dim3A_351 = vector.shape_cast %broadcast_in_dim3A_350 : vector<16xi32> to vector<16x1xi32>
        %gather3A_352 = vector.shape_cast %broadcast_in_dim3A_351 : vector<16x1xi32> to vector<16xi32>
        %gather3A_353 = tpu.dynamic_gather %exp3A[%gather3A_352] in [0] : vector<16xf32>, vector<16xi32> -> vector<16xf32>
        %get3A_354 = arith.constant 7 : i32
        %get3A_355 = arith.index_cast %scan3A_174 : i32 to index
        %get3A_356 = arith.index_cast %get3A_354 : i32 to index
        %get3A_357 = arith.constant 0 : index
        %get3A_358 = tpu.vector_load %arg15[%get3A_355, %get3A_356, %get3A_357] {strides = array<i32>} : memref<64x8x16xf32, #tpu.memory_space<vmem>>, vector<1x1x16xf32>,
        %get3A_359 = vector.shape_cast %get3A_358 : vector<1x1x16xf32> to vector<16xf32>
        %mul3A_360 = arith.mulf %get3A_359, %gather3A_353 : vector<16xf32>
        %swap3A_361 = arith.index_cast %scan3A_174 : i32 to index
        %swap3A_362 = arith.constant 112 : index
        %swap3A_363 = tpu.vector_load %arg16[%swap3A_361, %swap3A_362] {strides = array<i32>} : memref<64x144xf32, #tpu.memory_space<vmem>>, vector<1x16xf32>,
        %swap3A_364 = vector.shape_cast %swap3A_363 : vector<1x16xf32> to vector<16xf32>
        %swap3A_365 = vector.shape_cast %mul3A_360 : vector<16xf32> to vector<1x16xf32>
        tpu.vector_store %arg16[%swap3A_361, %swap3A_362], %swap3A_365 {strides = array<i32>} : memref<64x144xf32, #tpu.memory_space<vmem>>, vector<1x16xf32>,
        %scan3A_366 = arith.constant 0 : i32
        scf.yield %scan3A_366 : i32
      }
      %scan3A_172 = arith.constant 64 : i32
      %run_scoped3A = arith.constant 0 : i32
      "tpu.region"() ({
        %run_scoped3A_174 = tpu.sem_alloc : memref<!tpu.dma_semaphore, #tpu.memory_space<semaphore_mem>>
        %dma_start3A_175 = arith.constant 0 : i32
        %dma_start3A_176 = tpu.memref_slice %arg11[%run_scoped3A, %dma_start3A_175] : memref<1x64xi32, #tpu.memory_space<vmem>> -> memref<1x64xi32, #tpu.memory_space<vmem>>
        %dma_start3A_177 = tpu.memref_squeeze %dma_start3A_176 : memref<1x64xi32, #tpu.memory_space<vmem>> -> memref<64xi32, #tpu.memory_space<vmem>>
        %dma_start3A_178 = arith.constant 0 : i32
        %dma_start3A_179 = arith.constant 0 : i32
        %dma_start3A_180 = tpu.memref_slice %arg9[%dma_start3A_178, %dma_start3A_179] : memref<10112x144xf32, #tpu.memory_space<vmem_shared>> -> memref<10112x144xf32, #tpu.memory_space<vmem_shared>>
        tpu.enqueue_indirect_dma source(%arg16 : memref<64x144xf32, #tpu.memory_space<vmem>>) target(%dma_start3A_180 : memref<10112x144xf32, #tpu.memory_space<vmem_shared>>) offsets(%dma_start3A_177 : memref<64xi32, #tpu.memory_space<vmem>>) semaphore(%run_scoped3A_174 : memref<!tpu.dma_semaphore, #tpu.memory_space<semaphore_mem>>) {add = true}
        %dma_wait3A_181 = arith.constant 0 : i32
        %dma_wait3A_182 = tpu.memref_slice %arg11[%run_scoped3A, %dma_wait3A_181] : memref<1x64xi32, #tpu.memory_space<vmem>> -> memref<1x64xi32, #tpu.memory_space<vmem>>
        %dma_wait3A_183 = tpu.memref_squeeze %dma_wait3A_182 : memref<1x64xi32, #tpu.memory_space<vmem>> -> memref<64xi32, #tpu.memory_space<vmem>>
        %dma_wait3A_184 = arith.constant 0 : i32
        %dma_wait3A_185 = arith.constant 0 : i32
        %dma_wait3A_186 = tpu.memref_slice %arg9[%dma_wait3A_184, %dma_wait3A_185] : memref<10112x144xf32, #tpu.memory_space<vmem_shared>> -> memref<10112x144xf32, #tpu.memory_space<vmem_shared>>
        tpu.wait_indirect_dma semaphore(%run_scoped3A_174 : memref<!tpu.dma_semaphore, #tpu.memory_space<semaphore_mem>>) src(%arg16 : memref<64x144xf32, #tpu.memory_space<vmem>>) dst(%dma_wait3A_186 : memref<10112x144xf32, #tpu.memory_space<vmem_shared>>)
        tpu.yield
      }) : () -> ()
      %scan3A_173 = arith.constant 0 : i32
      scf.yield %scan3A_173 : i32
    }
    %scan3A_35 = arith.constant 158 : i32
    %barrier3A_36 = arith.constant 0 : index
    tpu.barrier barrier_id(%barrier3A_36)
    %add3A_37 = arith.constant 0 : i32
    %add3A_38 = arith.addi %mul3A_8, %add3A_37 : i32
    %add3A_39 = arith.constant 0 : i32
    %add3A_40 = arith.addi %mul3A_8, %add3A_39 : i32
    "tpu.region"() ({
      %run_scoped3A = tpu.sem_alloc : memref<!tpu.dma_semaphore, #tpu.memory_space<semaphore_mem>>
      %dma_start3A = arith.constant 0 : i32
      %dma_start3A_77 = tpu.memref_slice %arg8[%arg0, %add3A_40, %dma_start3A] : memref<2x10112x144xf32, #tpu.memory_space<hbm>> -> memref<1x64x144xf32, #tpu.memory_space<hbm>>
      %dma_start3A_78 = tpu.memref_squeeze %dma_start3A_77 : memref<1x64x144xf32, #tpu.memory_space<hbm>> -> memref<64x144xf32, #tpu.memory_space<hbm>>
      %dma_start3A_79 = arith.constant 0 : i32
      %dma_start3A_80 = tpu.memref_slice %arg9[%add3A_38, %dma_start3A_79] : memref<10112x144xf32, #tpu.memory_space<vmem_shared>> -> memref<64x144xf32, #tpu.memory_space<vmem_shared>>
      tpu.enqueue_dma source(%dma_start3A_80 : memref<64x144xf32, #tpu.memory_space<vmem_shared>>) target(%dma_start3A_78 : memref<64x144xf32, #tpu.memory_space<hbm>>) target_semaphore(%run_scoped3A : memref<!tpu.dma_semaphore, #tpu.memory_space<semaphore_mem>>)
      %dma_wait3A = arith.constant 0 : i32
      %dma_wait3A_81 = tpu.memref_slice %arg8[%arg0, %add3A_40, %dma_wait3A] : memref<2x10112x144xf32, #tpu.memory_space<hbm>> -> memref<1x64x144xf32, #tpu.memory_space<hbm>>
      %dma_wait3A_82 = tpu.memref_squeeze %dma_wait3A_81 : memref<1x64x144xf32, #tpu.memory_space<hbm>> -> memref<64x144xf32, #tpu.memory_space<hbm>>
      %dma_wait3A_83 = arith.constant 0 : i32
      %dma_wait3A_84 = tpu.memref_slice %arg9[%add3A_38, %dma_wait3A_83] : memref<10112x144xf32, #tpu.memory_space<vmem_shared>> -> memref<64x144xf32, #tpu.memory_space<vmem_shared>>
      tpu.wait_dma2 semaphore(%run_scoped3A : memref<!tpu.dma_semaphore, #tpu.memory_space<semaphore_mem>>) src(%dma_wait3A_84 : memref<64x144xf32, #tpu.memory_space<vmem_shared>>) dst(%dma_wait3A_82 : memref<64x144xf32, #tpu.memory_space<hbm>>)
      tpu.yield
    }) : () -> ()
    %add3A_41 = arith.constant 64 : i32
    %add3A_42 = arith.addi %mul3A_8, %add3A_41 : i32
    %add3A_43 = arith.constant 64 : i32
    %add3A_44 = arith.addi %mul3A_8, %add3A_43 : i32
    "tpu.region"() ({
      %run_scoped3A = tpu.sem_alloc : memref<!tpu.dma_semaphore, #tpu.memory_space<semaphore_mem>>
      %dma_start3A = arith.constant 0 : i32
      %dma_start3A_77 = tpu.memref_slice %arg8[%arg0, %add3A_44, %dma_start3A] : memref<2x10112x144xf32, #tpu.memory_space<hbm>> -> memref<1x64x144xf32, #tpu.memory_space<hbm>>
      %dma_start3A_78 = tpu.memref_squeeze %dma_start3A_77 : memref<1x64x144xf32, #tpu.memory_space<hbm>> -> memref<64x144xf32, #tpu.memory_space<hbm>>
      %dma_start3A_79 = arith.constant 0 : i32
      %dma_start3A_80 = tpu.memref_slice %arg9[%add3A_42, %dma_start3A_79] : memref<10112x144xf32, #tpu.memory_space<vmem_shared>> -> memref<64x144xf32, #tpu.memory_space<vmem_shared>>
      tpu.enqueue_dma source(%dma_start3A_80 : memref<64x144xf32, #tpu.memory_space<vmem_shared>>) target(%dma_start3A_78 : memref<64x144xf32, #tpu.memory_space<hbm>>) target_semaphore(%run_scoped3A : memref<!tpu.dma_semaphore, #tpu.memory_space<semaphore_mem>>)
      %dma_wait3A = arith.constant 0 : i32
      %dma_wait3A_81 = tpu.memref_slice %arg8[%arg0, %add3A_44, %dma_wait3A] : memref<2x10112x144xf32, #tpu.memory_space<hbm>> -> memref<1x64x144xf32, #tpu.memory_space<hbm>>
      %dma_wait3A_82 = tpu.memref_squeeze %dma_wait3A_81 : memref<1x64x144xf32, #tpu.memory_space<hbm>> -> memref<64x144xf32, #tpu.memory_space<hbm>>
      %dma_wait3A_83 = arith.constant 0 : i32
      %dma_wait3A_84 = tpu.memref_slice %arg9[%add3A_42, %dma_wait3A_83] : memref<10112x144xf32, #tpu.memory_space<vmem_shared>> -> memref<64x144xf32, #tpu.memory_space<vmem_shared>>
      tpu.wait_dma2 semaphore(%run_scoped3A : memref<!tpu.dma_semaphore, #tpu.memory_space<semaphore_mem>>) src(%dma_wait3A_84 : memref<64x144xf32, #tpu.memory_space<vmem_shared>>) dst(%dma_wait3A_82 : memref<64x144xf32, #tpu.memory_space<hbm>>)
      tpu.yield
    }) : () -> ()
    %add3A_45 = arith.constant 128 : i32
    %add3A_46 = arith.addi %mul3A_8, %add3A_45 : i32
    %add3A_47 = arith.constant 128 : i32
    %add3A_48 = arith.addi %mul3A_8, %add3A_47 : i32
    "tpu.region"() ({
      %run_scoped3A = tpu.sem_alloc : memref<!tpu.dma_semaphore, #tpu.memory_space<semaphore_mem>>
      %dma_start3A = arith.constant 0 : i32
      %dma_start3A_77 = tpu.memref_slice %arg8[%arg0, %add3A_48, %dma_start3A] : memref<2x10112x144xf32, #tpu.memory_space<hbm>> -> memref<1x64x144xf32, #tpu.memory_space<hbm>>
      %dma_start3A_78 = tpu.memref_squeeze %dma_start3A_77 : memref<1x64x144xf32, #tpu.memory_space<hbm>> -> memref<64x144xf32, #tpu.memory_space<hbm>>
      %dma_start3A_79 = arith.constant 0 : i32
      %dma_start3A_80 = tpu.memref_slice %arg9[%add3A_46, %dma_start3A_79] : memref<10112x144xf32, #tpu.memory_space<vmem_shared>> -> memref<64x144xf32, #tpu.memory_space<vmem_shared>>
      tpu.enqueue_dma source(%dma_start3A_80 : memref<64x144xf32, #tpu.memory_space<vmem_shared>>) target(%dma_start3A_78 : memref<64x144xf32, #tpu.memory_space<hbm>>) target_semaphore(%run_scoped3A : memref<!tpu.dma_semaphore, #tpu.memory_space<semaphore_mem>>)
      %dma_wait3A = arith.constant 0 : i32
      %dma_wait3A_81 = tpu.memref_slice %arg8[%arg0, %add3A_48, %dma_wait3A] : memref<2x10112x144xf32, #tpu.memory_space<hbm>> -> memref<1x64x144xf32, #tpu.memory_space<hbm>>
      %dma_wait3A_82 = tpu.memref_squeeze %dma_wait3A_81 : memref<1x64x144xf32, #tpu.memory_space<hbm>> -> memref<64x144xf32, #tpu.memory_space<hbm>>
      %dma_wait3A_83 = arith.constant 0 : i32
      %dma_wait3A_84 = tpu.memref_slice %arg9[%add3A_46, %dma_wait3A_83] : memref<10112x144xf32, #tpu.memory_space<vmem_shared>> -> memref<64x144xf32, #tpu.memory_space<vmem_shared>>
      tpu.wait_dma2 semaphore(%run_scoped3A : memref<!tpu.dma_semaphore, #tpu.memory_space<semaphore_mem>>) src(%dma_wait3A_84 : memref<64x144xf32, #tpu.memory_space<vmem_shared>>) dst(%dma_wait3A_82 : memref<64x144xf32, #tpu.memory_space<hbm>>)
      tpu.yield
    }) : () -> ()
    %add3A_49 = arith.constant 192 : i32
    %add3A_50 = arith.addi %mul3A_8, %add3A_49 : i32
    %add3A_51 = arith.constant 192 : i32
    %add3A_52 = arith.addi %mul3A_8, %add3A_51 : i32
    "tpu.region"() ({
      %run_scoped3A = tpu.sem_alloc : memref<!tpu.dma_semaphore, #tpu.memory_space<semaphore_mem>>
      %dma_start3A = arith.constant 0 : i32
      %dma_start3A_77 = tpu.memref_slice %arg8[%arg0, %add3A_52, %dma_start3A] : memref<2x10112x144xf32, #tpu.memory_space<hbm>> -> memref<1x64x144xf32, #tpu.memory_space<hbm>>
      %dma_start3A_78 = tpu.memref_squeeze %dma_start3A_77 : memref<1x64x144xf32, #tpu.memory_space<hbm>> -> memref<64x144xf32, #tpu.memory_space<hbm>>
      %dma_start3A_79 = arith.constant 0 : i32
      %dma_start3A_80 = tpu.memref_slice %arg9[%add3A_50, %dma_start3A_79] : memref<10112x144xf32, #tpu.memory_space<vmem_shared>> -> memref<64x144xf32, #tpu.memory_space<vmem_shared>>
      tpu.enqueue_dma source(%dma_start3A_80 : memref<64x144xf32, #tpu.memory_space<vmem_shared>>) target(%dma_start3A_78 : memref<64x144xf32, #tpu.memory_space<hbm>>) target_semaphore(%run_scoped3A : memref<!tpu.dma_semaphore, #tpu.memory_space<semaphore_mem>>)
      %dma_wait3A = arith.constant 0 : i32
      %dma_wait3A_81 = tpu.memref_slice %arg8[%arg0, %add3A_52, %dma_wait3A] : memref<2x10112x144xf32, #tpu.memory_space<hbm>> -> memref<1x64x144xf32, #tpu.memory_space<hbm>>
      %dma_wait3A_82 = tpu.memref_squeeze %dma_wait3A_81 : memref<1x64x144xf32, #tpu.memory_space<hbm>> -> memref<64x144xf32, #tpu.memory_space<hbm>>
      %dma_wait3A_83 = arith.constant 0 : i32
      %dma_wait3A_84 = tpu.memref_slice %arg9[%add3A_50, %dma_wait3A_83] : memref<10112x144xf32, #tpu.memory_space<vmem_shared>> -> memref<64x144xf32, #tpu.memory_space<vmem_shared>>
      tpu.wait_dma2 semaphore(%run_scoped3A : memref<!tpu.dma_semaphore, #tpu.memory_space<semaphore_mem>>) src(%dma_wait3A_84 : memref<64x144xf32, #tpu.memory_space<vmem_shared>>) dst(%dma_wait3A_82 : memref<64x144xf32, #tpu.memory_space<hbm>>)
      tpu.yield
    }) : () -> ()
    %add3A_53 = arith.constant 256 : i32
    %add3A_54 = arith.addi %mul3A_8, %add3A_53 : i32
    %add3A_55 = arith.constant 256 : i32
    %add3A_56 = arith.addi %mul3A_8, %add3A_55 : i32
    "tpu.region"() ({
      %run_scoped3A = tpu.sem_alloc : memref<!tpu.dma_semaphore, #tpu.memory_space<semaphore_mem>>
      %dma_start3A = arith.constant 0 : i32
      %dma_start3A_77 = tpu.memref_slice %arg8[%arg0, %add3A_56, %dma_start3A] : memref<2x10112x144xf32, #tpu.memory_space<hbm>> -> memref<1x64x144xf32, #tpu.memory_space<hbm>>
      %dma_start3A_78 = tpu.memref_squeeze %dma_start3A_77 : memref<1x64x144xf32, #tpu.memory_space<hbm>> -> memref<64x144xf32, #tpu.memory_space<hbm>>
      %dma_start3A_79 = arith.constant 0 : i32
      %dma_start3A_80 = tpu.memref_slice %arg9[%add3A_54, %dma_start3A_79] : memref<10112x144xf32, #tpu.memory_space<vmem_shared>> -> memref<64x144xf32, #tpu.memory_space<vmem_shared>>
      tpu.enqueue_dma source(%dma_start3A_80 : memref<64x144xf32, #tpu.memory_space<vmem_shared>>) target(%dma_start3A_78 : memref<64x144xf32, #tpu.memory_space<hbm>>) target_semaphore(%run_scoped3A : memref<!tpu.dma_semaphore, #tpu.memory_space<semaphore_mem>>)
      %dma_wait3A = arith.constant 0 : i32
      %dma_wait3A_81 = tpu.memref_slice %arg8[%arg0, %add3A_56, %dma_wait3A] : memref<2x10112x144xf32, #tpu.memory_space<hbm>> -> memref<1x64x144xf32, #tpu.memory_space<hbm>>
      %dma_wait3A_82 = tpu.memref_squeeze %dma_wait3A_81 : memref<1x64x144xf32, #tpu.memory_space<hbm>> -> memref<64x144xf32, #tpu.memory_space<hbm>>
      %dma_wait3A_83 = arith.constant 0 : i32
      %dma_wait3A_84 = tpu.memref_slice %arg9[%add3A_54, %dma_wait3A_83] : memref<10112x144xf32, #tpu.memory_space<vmem_shared>> -> memref<64x144xf32, #tpu.memory_space<vmem_shared>>
      tpu.wait_dma2 semaphore(%run_scoped3A : memref<!tpu.dma_semaphore, #tpu.memory_space<semaphore_mem>>) src(%dma_wait3A_84 : memref<64x144xf32, #tpu.memory_space<vmem_shared>>) dst(%dma_wait3A_82 : memref<64x144xf32, #tpu.memory_space<hbm>>)
      tpu.yield
    }) : () -> ()
    %add3A_57 = arith.constant 320 : i32
    %add3A_58 = arith.addi %mul3A_8, %add3A_57 : i32
    %add3A_59 = arith.constant 320 : i32
    %add3A_60 = arith.addi %mul3A_8, %add3A_59 : i32
    "tpu.region"() ({
      %run_scoped3A = tpu.sem_alloc : memref<!tpu.dma_semaphore, #tpu.memory_space<semaphore_mem>>
      %dma_start3A = arith.constant 0 : i32
      %dma_start3A_77 = tpu.memref_slice %arg8[%arg0, %add3A_60, %dma_start3A] : memref<2x10112x144xf32, #tpu.memory_space<hbm>> -> memref<1x64x144xf32, #tpu.memory_space<hbm>>
      %dma_start3A_78 = tpu.memref_squeeze %dma_start3A_77 : memref<1x64x144xf32, #tpu.memory_space<hbm>> -> memref<64x144xf32, #tpu.memory_space<hbm>>
      %dma_start3A_79 = arith.constant 0 : i32
      %dma_start3A_80 = tpu.memref_slice %arg9[%add3A_58, %dma_start3A_79] : memref<10112x144xf32, #tpu.memory_space<vmem_shared>> -> memref<64x144xf32, #tpu.memory_space<vmem_shared>>
      tpu.enqueue_dma source(%dma_start3A_80 : memref<64x144xf32, #tpu.memory_space<vmem_shared>>) target(%dma_start3A_78 : memref<64x144xf32, #tpu.memory_space<hbm>>) target_semaphore(%run_scoped3A : memref<!tpu.dma_semaphore, #tpu.memory_space<semaphore_mem>>)
      %dma_wait3A = arith.constant 0 : i32
      %dma_wait3A_81 = tpu.memref_slice %arg8[%arg0, %add3A_60, %dma_wait3A] : memref<2x10112x144xf32, #tpu.memory_space<hbm>> -> memref<1x64x144xf32, #tpu.memory_space<hbm>>
      %dma_wait3A_82 = tpu.memref_squeeze %dma_wait3A_81 : memref<1x64x144xf32, #tpu.memory_space<hbm>> -> memref<64x144xf32, #tpu.memory_space<hbm>>
      %dma_wait3A_83 = arith.constant 0 : i32
      %dma_wait3A_84 = tpu.memref_slice %arg9[%add3A_58, %dma_wait3A_83] : memref<10112x144xf32, #tpu.memory_space<vmem_shared>> -> memref<64x144xf32, #tpu.memory_space<vmem_shared>>
      tpu.wait_dma2 semaphore(%run_scoped3A : memref<!tpu.dma_semaphore, #tpu.memory_space<semaphore_mem>>) src(%dma_wait3A_84 : memref<64x144xf32, #tpu.memory_space<vmem_shared>>) dst(%dma_wait3A_82 : memref<64x144xf32, #tpu.memory_space<hbm>>)
      tpu.yield
    }) : () -> ()
    %add3A_61 = arith.constant 384 : i32
    %add3A_62 = arith.addi %mul3A_8, %add3A_61 : i32
    %add3A_63 = arith.constant 384 : i32
    %add3A_64 = arith.addi %mul3A_8, %add3A_63 : i32
    "tpu.region"() ({
      %run_scoped3A = tpu.sem_alloc : memref<!tpu.dma_semaphore, #tpu.memory_space<semaphore_mem>>
      %dma_start3A = arith.constant 0 : i32
      %dma_start3A_77 = tpu.memref_slice %arg8[%arg0, %add3A_64, %dma_start3A] : memref<2x10112x144xf32, #tpu.memory_space<hbm>> -> memref<1x64x144xf32, #tpu.memory_space<hbm>>
      %dma_start3A_78 = tpu.memref_squeeze %dma_start3A_77 : memref<1x64x144xf32, #tpu.memory_space<hbm>> -> memref<64x144xf32, #tpu.memory_space<hbm>>
      %dma_start3A_79 = arith.constant 0 : i32
      %dma_start3A_80 = tpu.memref_slice %arg9[%add3A_62, %dma_start3A_79] : memref<10112x144xf32, #tpu.memory_space<vmem_shared>> -> memref<64x144xf32, #tpu.memory_space<vmem_shared>>
      tpu.enqueue_dma source(%dma_start3A_80 : memref<64x144xf32, #tpu.memory_space<vmem_shared>>) target(%dma_start3A_78 : memref<64x144xf32, #tpu.memory_space<hbm>>) target_semaphore(%run_scoped3A : memref<!tpu.dma_semaphore, #tpu.memory_space<semaphore_mem>>)
      %dma_wait3A = arith.constant 0 : i32
      %dma_wait3A_81 = tpu.memref_slice %arg8[%arg0, %add3A_64, %dma_wait3A] : memref<2x10112x144xf32, #tpu.memory_space<hbm>> -> memref<1x64x144xf32, #tpu.memory_space<hbm>>
      %dma_wait3A_82 = tpu.memref_squeeze %dma_wait3A_81 : memref<1x64x144xf32, #tpu.memory_space<hbm>> -> memref<64x144xf32, #tpu.memory_space<hbm>>
      %dma_wait3A_83 = arith.constant 0 : i32
      %dma_wait3A_84 = tpu.memref_slice %arg9[%add3A_62, %dma_wait3A_83] : memref<10112x144xf32, #tpu.memory_space<vmem_shared>> -> memref<64x144xf32, #tpu.memory_space<vmem_shared>>
      tpu.wait_dma2 semaphore(%run_scoped3A : memref<!tpu.dma_semaphore, #tpu.memory_space<semaphore_mem>>) src(%dma_wait3A_84 : memref<64x144xf32, #tpu.memory_space<vmem_shared>>) dst(%dma_wait3A_82 : memref<64x144xf32, #tpu.memory_space<hbm>>)
      tpu.yield
    }) : () -> ()
    %add3A_65 = arith.constant 448 : i32
    %add3A_66 = arith.addi %mul3A_8, %add3A_65 : i32
    %add3A_67 = arith.constant 448 : i32
    %add3A_68 = arith.addi %mul3A_8, %add3A_67 : i32
    "tpu.region"() ({
      %run_scoped3A = tpu.sem_alloc : memref<!tpu.dma_semaphore, #tpu.memory_space<semaphore_mem>>
      %dma_start3A = arith.constant 0 : i32
      %dma_start3A_77 = tpu.memref_slice %arg8[%arg0, %add3A_68, %dma_start3A] : memref<2x10112x144xf32, #tpu.memory_space<hbm>> -> memref<1x64x144xf32, #tpu.memory_space<hbm>>
      %dma_start3A_78 = tpu.memref_squeeze %dma_start3A_77 : memref<1x64x144xf32, #tpu.memory_space<hbm>> -> memref<64x144xf32, #tpu.memory_space<hbm>>
      %dma_start3A_79 = arith.constant 0 : i32
      %dma_start3A_80 = tpu.memref_slice %arg9[%add3A_66, %dma_start3A_79] : memref<10112x144xf32, #tpu.memory_space<vmem_shared>> -> memref<64x144xf32, #tpu.memory_space<vmem_shared>>
      tpu.enqueue_dma source(%dma_start3A_80 : memref<64x144xf32, #tpu.memory_space<vmem_shared>>) target(%dma_start3A_78 : memref<64x144xf32, #tpu.memory_space<hbm>>) target_semaphore(%run_scoped3A : memref<!tpu.dma_semaphore, #tpu.memory_space<semaphore_mem>>)
      %dma_wait3A = arith.constant 0 : i32
      %dma_wait3A_81 = tpu.memref_slice %arg8[%arg0, %add3A_68, %dma_wait3A] : memref<2x10112x144xf32, #tpu.memory_space<hbm>> -> memref<1x64x144xf32, #tpu.memory_space<hbm>>
      %dma_wait3A_82 = tpu.memref_squeeze %dma_wait3A_81 : memref<1x64x144xf32, #tpu.memory_space<hbm>> -> memref<64x144xf32, #tpu.memory_space<hbm>>
      %dma_wait3A_83 = arith.constant 0 : i32
      %dma_wait3A_84 = tpu.memref_slice %arg9[%add3A_66, %dma_wait3A_83] : memref<10112x144xf32, #tpu.memory_space<vmem_shared>> -> memref<64x144xf32, #tpu.memory_space<vmem_shared>>
      tpu.wait_dma2 semaphore(%run_scoped3A : memref<!tpu.dma_semaphore, #tpu.memory_space<semaphore_mem>>) src(%dma_wait3A_84 : memref<64x144xf32, #tpu.memory_space<vmem_shared>>) dst(%dma_wait3A_82 : memref<64x144xf32, #tpu.memory_space<hbm>>)
      tpu.yield
    }) : () -> ()
    %add3A_69 = arith.constant 512 : i32
    %add3A_70 = arith.addi %mul3A_8, %add3A_69 : i32
    %add3A_71 = arith.constant 512 : i32
    %add3A_72 = arith.addi %mul3A_8, %add3A_71 : i32
    "tpu.region"() ({
      %run_scoped3A = tpu.sem_alloc : memref<!tpu.dma_semaphore, #tpu.memory_space<semaphore_mem>>
      %dma_start3A = arith.constant 0 : i32
      %dma_start3A_77 = tpu.memref_slice %arg8[%arg0, %add3A_72, %dma_start3A] : memref<2x10112x144xf32, #tpu.memory_space<hbm>> -> memref<1x64x144xf32, #tpu.memory_space<hbm>>
      %dma_start3A_78 = tpu.memref_squeeze %dma_start3A_77 : memref<1x64x144xf32, #tpu.memory_space<hbm>> -> memref<64x144xf32, #tpu.memory_space<hbm>>
      %dma_start3A_79 = arith.constant 0 : i32
      %dma_start3A_80 = tpu.memref_slice %arg9[%add3A_70, %dma_start3A_79] : memref<10112x144xf32, #tpu.memory_space<vmem_shared>> -> memref<64x144xf32, #tpu.memory_space<vmem_shared>>
      tpu.enqueue_dma source(%dma_start3A_80 : memref<64x144xf32, #tpu.memory_space<vmem_shared>>) target(%dma_start3A_78 : memref<64x144xf32, #tpu.memory_space<hbm>>) target_semaphore(%run_scoped3A : memref<!tpu.dma_semaphore, #tpu.memory_space<semaphore_mem>>)
      %dma_wait3A = arith.constant 0 : i32
      %dma_wait3A_81 = tpu.memref_slice %arg8[%arg0, %add3A_72, %dma_wait3A] : memref<2x10112x144xf32, #tpu.memory_space<hbm>> -> memref<1x64x144xf32, #tpu.memory_space<hbm>>
      %dma_wait3A_82 = tpu.memref_squeeze %dma_wait3A_81 : memref<1x64x144xf32, #tpu.memory_space<hbm>> -> memref<64x144xf32, #tpu.memory_space<hbm>>
      %dma_wait3A_83 = arith.constant 0 : i32
      %dma_wait3A_84 = tpu.memref_slice %arg9[%add3A_70, %dma_wait3A_83] : memref<10112x144xf32, #tpu.memory_space<vmem_shared>> -> memref<64x144xf32, #tpu.memory_space<vmem_shared>>
      tpu.wait_dma2 semaphore(%run_scoped3A : memref<!tpu.dma_semaphore, #tpu.memory_space<semaphore_mem>>) src(%dma_wait3A_84 : memref<64x144xf32, #tpu.memory_space<vmem_shared>>) dst(%dma_wait3A_82 : memref<64x144xf32, #tpu.memory_space<hbm>>)
      tpu.yield
    }) : () -> ()
    %add3A_73 = arith.constant 576 : i32
    %add3A_74 = arith.addi %mul3A_8, %add3A_73 : i32
    %add3A_75 = arith.constant 576 : i32
    %add3A_76 = arith.addi %mul3A_8, %add3A_75 : i32
    "tpu.region"() ({
      %run_scoped3A = tpu.sem_alloc : memref<!tpu.dma_semaphore, #tpu.memory_space<semaphore_mem>>
      %dma_start3A = arith.constant 0 : i32
      %dma_start3A_77 = tpu.memref_slice %arg8[%arg0, %add3A_76, %dma_start3A] : memref<2x10112x144xf32, #tpu.memory_space<hbm>> -> memref<1x56x144xf32, #tpu.memory_space<hbm>>
      %dma_start3A_78 = tpu.memref_squeeze %dma_start3A_77 : memref<1x56x144xf32, #tpu.memory_space<hbm>> -> memref<56x144xf32, #tpu.memory_space<hbm>>
      %dma_start3A_79 = arith.constant 0 : i32
      %dma_start3A_80 = tpu.memref_slice %arg9[%add3A_74, %dma_start3A_79] : memref<10112x144xf32, #tpu.memory_space<vmem_shared>> -> memref<56x144xf32, #tpu.memory_space<vmem_shared>>
      tpu.enqueue_dma source(%dma_start3A_80 : memref<56x144xf32, #tpu.memory_space<vmem_shared>>) target(%dma_start3A_78 : memref<56x144xf32, #tpu.memory_space<hbm>>) target_semaphore(%run_scoped3A : memref<!tpu.dma_semaphore, #tpu.memory_space<semaphore_mem>>)
      %dma_wait3A = arith.constant 0 : i32
      %dma_wait3A_81 = tpu.memref_slice %arg8[%arg0, %add3A_76, %dma_wait3A] : memref<2x10112x144xf32, #tpu.memory_space<hbm>> -> memref<1x56x144xf32, #tpu.memory_space<hbm>>
      %dma_wait3A_82 = tpu.memref_squeeze %dma_wait3A_81 : memref<1x56x144xf32, #tpu.memory_space<hbm>> -> memref<56x144xf32, #tpu.memory_space<hbm>>
      %dma_wait3A_83 = arith.constant 0 : i32
      %dma_wait3A_84 = tpu.memref_slice %arg9[%add3A_74, %dma_wait3A_83] : memref<10112x144xf32, #tpu.memory_space<vmem_shared>> -> memref<56x144xf32, #tpu.memory_space<vmem_shared>>
      tpu.wait_dma2 semaphore(%run_scoped3A : memref<!tpu.dma_semaphore, #tpu.memory_space<semaphore_mem>>) src(%dma_wait3A_84 : memref<56x144xf32, #tpu.memory_space<vmem_shared>>) dst(%dma_wait3A_82 : memref<56x144xf32, #tpu.memory_space<hbm>>)
      tpu.yield
    }) : () -> ()
    return
  }
}

#map = affine_map<(d0, d1) -> (0)>
#map1 = affine_map<(d0, d1) -> (0, 0)>
#map2 = affine_map<(d0, d1) -> (0, 0, 0)>
module attributes {stable_mosaic.version = 14 : i64} {
  func.func @_edge_body(%arg0: i32, %arg1: i32, %arg2: memref<323584xi32, #tpu.memory_space<hbm>>, %arg3: memref<323584xi32, #tpu.memory_space<hbm>>, %arg4: memref<323584xf32, #tpu.memory_space<hbm>>, %arg5: memref<10112x16xf32, #tpu.memory_space<hbm>>, %arg6: memref<10112x8x16xf32, #tpu.memory_space<hbm>>, %arg7: memref<16xf32, #tpu.memory_space<hbm>>, %arg8: memref<2x10112x144xf32, #tpu.memory_space<hbm>>, %arg9: memref<10112x144xf32, #tpu.memory_space<vmem_shared>>, %arg10: memref<1x64xi32, #tpu.memory_space<vmem>>, %arg11: memref<1x64xi32, #tpu.memory_space<vmem>>, %arg12: memref<64xf32, #tpu.memory_space<vmem>>, %arg13: memref<64x16xf32, #tpu.memory_space<vmem>>, %arg14: memref<64x16xf32, #tpu.memory_space<vmem>>, %arg15: memref<64x8x16xf32, #tpu.memory_space<vmem>>, %arg16: memref<64x144xf32, #tpu.memory_space<vmem>>, %arg17: memref<16xf32, #tpu.memory_space<vmem>>, %arg18: memref<!tpu.dma_semaphore, #tpu.memory_space<semaphore_mem>>, %arg19: memref<!tpu.dma_semaphore, #tpu.memory_space<semaphore_mem>>, %arg20: memref<!tpu.dma_semaphore, #tpu.memory_space<semaphore_mem>>) attributes {dimension_semantics = [#tpu.dimension_semantics<core_parallel>, #tpu.dimension_semantics<subcore_parallel>], iteration_bounds = array<i64: 2, 16>, scalar_prefetch = 0 : i64, scratch_operands = 12 : i64, tpu.core_type = #tpu.core_type<sc_vector_subcore>, window_params = [{transform_indices = #map}, {transform_indices = #map}, {transform_indices = #map}, {transform_indices = #map1}, {transform_indices = #map2}, {transform_indices = #map}, {transform_indices = #map2}]} {
    %mul3A = arith.constant 16 : i32
    %mul3A_0 = arith.muli %arg0, %mul3A : i32
    %add3A = arith.addi %mul3A_0, %arg1 : i32
    %scan3A = arith.constant 0 : i32
    %scan3A_1 = arith.constant 0 : i32
    %scan3A_2 = arith.constant 64 : i32
    %scan3A_3 = arith.addi %scan3A_1, %scan3A_2 : i32
    %scan3A_4 = arith.constant 1 : i32
    %scan3A_5 = scf.for %scan3A_77 = %scan3A_1 to %scan3A_3 step %scan3A_4 iter_args(%scan3A_78 = %scan3A) -> (i32)  : i32 {
      %broadcast_in_dim3A = arith.constant 0.000000e+00 : f32
      %broadcast_in_dim3A_79 = vector.broadcast %broadcast_in_dim3A : f32 to vector<16xf32>
      %swap3A = arith.index_cast %scan3A_77 : i32 to index
      %swap3A_80 = arith.constant 0 : index
      %swap3A_81 = tpu.vector_load %arg16[%swap3A, %swap3A_80] {strides = array<i32>} : memref<64x144xf32, #tpu.memory_space<vmem>>, vector<1x16xf32>,
      %swap3A_82 = vector.shape_cast %swap3A_81 : vector<1x16xf32> to vector<16xf32>
      %swap3A_83 = vector.shape_cast %broadcast_in_dim3A_79 : vector<16xf32> to vector<1x16xf32>
      tpu.vector_store %arg16[%swap3A, %swap3A_80], %swap3A_83 {strides = array<i32>} : memref<64x144xf32, #tpu.memory_space<vmem>>, vector<1x16xf32>,
      %broadcast_in_dim3A_84 = arith.constant 0.000000e+00 : f32
      %broadcast_in_dim3A_85 = vector.broadcast %broadcast_in_dim3A_84 : f32 to vector<16xf32>
      %swap3A_86 = arith.index_cast %scan3A_77 : i32 to index
      %swap3A_87 = arith.constant 16 : index
      %swap3A_88 = tpu.vector_load %arg16[%swap3A_86, %swap3A_87] {strides = array<i32>} : memref<64x144xf32, #tpu.memory_space<vmem>>, vector<1x16xf32>,
      %swap3A_89 = vector.shape_cast %swap3A_88 : vector<1x16xf32> to vector<16xf32>
      %swap3A_90 = vector.shape_cast %broadcast_in_dim3A_85 : vector<16xf32> to vector<1x16xf32>
      tpu.vector_store %arg16[%swap3A_86, %swap3A_87], %swap3A_90 {strides = array<i32>} : memref<64x144xf32, #tpu.memory_space<vmem>>, vector<1x16xf32>,
      %broadcast_in_dim3A_91 = arith.constant 0.000000e+00 : f32
      %broadcast_in_dim3A_92 = vector.broadcast %broadcast_in_dim3A_91 : f32 to vector<16xf32>
      %swap3A_93 = arith.index_cast %scan3A_77 : i32 to index
      %swap3A_94 = arith.constant 32 : index
      %swap3A_95 = tpu.vector_load %arg16[%swap3A_93, %swap3A_94] {strides = array<i32>} : memref<64x144xf32, #tpu.memory_space<vmem>>, vector<1x16xf32>,
      %swap3A_96 = vector.shape_cast %swap3A_95 : vector<1x16xf32> to vector<16xf32>
      %swap3A_97 = vector.shape_cast %broadcast_in_dim3A_92 : vector<16xf32> to vector<1x16xf32>
      tpu.vector_store %arg16[%swap3A_93, %swap3A_94], %swap3A_97 {strides = array<i32>} : memref<64x144xf32, #tpu.memory_space<vmem>>, vector<1x16xf32>,
      %broadcast_in_dim3A_98 = arith.constant 0.000000e+00 : f32
      %broadcast_in_dim3A_99 = vector.broadcast %broadcast_in_dim3A_98 : f32 to vector<16xf32>
      %swap3A_100 = arith.index_cast %scan3A_77 : i32 to index
      %swap3A_101 = arith.constant 48 : index
      %swap3A_102 = tpu.vector_load %arg16[%swap3A_100, %swap3A_101] {strides = array<i32>} : memref<64x144xf32, #tpu.memory_space<vmem>>, vector<1x16xf32>,
      %swap3A_103 = vector.shape_cast %swap3A_102 : vector<1x16xf32> to vector<16xf32>
      %swap3A_104 = vector.shape_cast %broadcast_in_dim3A_99 : vector<16xf32> to vector<1x16xf32>
      tpu.vector_store %arg16[%swap3A_100, %swap3A_101], %swap3A_104 {strides = array<i32>} : memref<64x144xf32, #tpu.memory_space<vmem>>, vector<1x16xf32>,
      %broadcast_in_dim3A_105 = arith.constant 0.000000e+00 : f32
      %broadcast_in_dim3A_106 = vector.broadcast %broadcast_in_dim3A_105 : f32 to vector<16xf32>
      %swap3A_107 = arith.index_cast %scan3A_77 : i32 to index
      %swap3A_108 = arith.constant 64 : index
      %swap3A_109 = tpu.vector_load %arg16[%swap3A_107, %swap3A_108] {strides = array<i32>} : memref<64x144xf32, #tpu.memory_space<vmem>>, vector<1x16xf32>,
      %swap3A_110 = vector.shape_cast %swap3A_109 : vector<1x16xf32> to vector<16xf32>
      %swap3A_111 = vector.shape_cast %broadcast_in_dim3A_106 : vector<16xf32> to vector<1x16xf32>
      tpu.vector_store %arg16[%swap3A_107, %swap3A_108], %swap3A_111 {strides = array<i32>} : memref<64x144xf32, #tpu.memory_space<vmem>>, vector<1x16xf32>,
      %broadcast_in_dim3A_112 = arith.constant 0.000000e+00 : f32
      %broadcast_in_dim3A_113 = vector.broadcast %broadcast_in_dim3A_112 : f32 to vector<16xf32>
      %swap3A_114 = arith.index_cast %scan3A_77 : i32 to index
      %swap3A_115 = arith.constant 80 : index
      %swap3A_116 = tpu.vector_load %arg16[%swap3A_114, %swap3A_115] {strides = array<i32>} : memref<64x144xf32, #tpu.memory_space<vmem>>, vector<1x16xf32>,
      %swap3A_117 = vector.shape_cast %swap3A_116 : vector<1x16xf32> to vector<16xf32>
      %swap3A_118 = vector.shape_cast %broadcast_in_dim3A_113 : vector<16xf32> to vector<1x16xf32>
      tpu.vector_store %arg16[%swap3A_114, %swap3A_115], %swap3A_118 {strides = array<i32>} : memref<64x144xf32, #tpu.memory_space<vmem>>, vector<1x16xf32>,
      %broadcast_in_dim3A_119 = arith.constant 0.000000e+00 : f32
      %broadcast_in_dim3A_120 = vector.broadcast %broadcast_in_dim3A_119 : f32 to vector<16xf32>
      %swap3A_121 = arith.index_cast %scan3A_77 : i32 to index
      %swap3A_122 = arith.constant 96 : index
      %swap3A_123 = tpu.vector_load %arg16[%swap3A_121, %swap3A_122] {strides = array<i32>} : memref<64x144xf32, #tpu.memory_space<vmem>>, vector<1x16xf32>,
      %swap3A_124 = vector.shape_cast %swap3A_123 : vector<1x16xf32> to vector<16xf32>
      %swap3A_125 = vector.shape_cast %broadcast_in_dim3A_120 : vector<16xf32> to vector<1x16xf32>
      tpu.vector_store %arg16[%swap3A_121, %swap3A_122], %swap3A_125 {strides = array<i32>} : memref<64x144xf32, #tpu.memory_space<vmem>>, vector<1x16xf32>,
      %broadcast_in_dim3A_126 = arith.constant 0.000000e+00 : f32
      %broadcast_in_dim3A_127 = vector.broadcast %broadcast_in_dim3A_126 : f32 to vector<16xf32>
      %swap3A_128 = arith.index_cast %scan3A_77 : i32 to index
      %swap3A_129 = arith.constant 112 : index
      %swap3A_130 = tpu.vector_load %arg16[%swap3A_128, %swap3A_129] {strides = array<i32>} : memref<64x144xf32, #tpu.memory_space<vmem>>, vector<1x16xf32>,
      %swap3A_131 = vector.shape_cast %swap3A_130 : vector<1x16xf32> to vector<16xf32>
      %swap3A_132 = vector.shape_cast %broadcast_in_dim3A_127 : vector<16xf32> to vector<1x16xf32>
      tpu.vector_store %arg16[%swap3A_128, %swap3A_129], %swap3A_132 {strides = array<i32>} : memref<64x144xf32, #tpu.memory_space<vmem>>, vector<1x16xf32>,
      %broadcast_in_dim3A_133 = arith.constant 0.000000e+00 : f32
      %broadcast_in_dim3A_134 = vector.broadcast %broadcast_in_dim3A_133 : f32 to vector<16xf32>
      %swap3A_135 = arith.index_cast %scan3A_77 : i32 to index
      %swap3A_136 = arith.constant 128 : index
      %swap3A_137 = tpu.vector_load %arg16[%swap3A_135, %swap3A_136] {strides = array<i32>} : memref<64x144xf32, #tpu.memory_space<vmem>>, vector<1x16xf32>,
      %swap3A_138 = vector.shape_cast %swap3A_137 : vector<1x16xf32> to vector<16xf32>
      %swap3A_139 = vector.shape_cast %broadcast_in_dim3A_134 : vector<16xf32> to vector<1x16xf32>
      tpu.vector_store %arg16[%swap3A_135, %swap3A_136], %swap3A_139 {strides = array<i32>} : memref<64x144xf32, #tpu.memory_space<vmem>>, vector<1x16xf32>,
      %scan3A_140 = arith.constant 0 : i32
      scf.yield %scan3A_140 : i32
    }
    %scan3A_6 = arith.constant 64 : i32
    %mul3A_7 = arith.constant 632 : i32
    %mul3A_8 = arith.muli %arg1, %mul3A_7 : i32
    %add3A_9 = arith.constant 0 : i32
    %add3A_10 = arith.addi %mul3A_8, %add3A_9 : i32
    "tpu.region"() ({
      %run_scoped3A = tpu.sem_alloc : memref<!tpu.dma_semaphore, #tpu.memory_space<semaphore_mem>>
      %dma_start3A = arith.constant 0 : i32
      %dma_start3A_77 = tpu.memref_slice %arg9[%add3A_10, %dma_start3A] : memref<10112x144xf32, #tpu.memory_space<vmem_shared>> -> memref<64x144xf32, #tpu.memory_space<vmem_shared>>
      %dma_start3A_78 = arith.constant 0 : i32
      %dma_start3A_79 = tpu.memref_slice %arg9[%add3A_10, %dma_start3A_78] : memref<10112x144xf32, #tpu.memory_space<vmem_shared>> -> memref<64x144xf32, #tpu.memory_space<vmem_shared>>
      tpu.enqueue_dma source(%arg16 : memref<64x144xf32, #tpu.memory_space<vmem>>) target(%dma_start3A_79 : memref<64x144xf32, #tpu.memory_space<vmem_shared>>) target_semaphore(%run_scoped3A : memref<!tpu.dma_semaphore, #tpu.memory_space<semaphore_mem>>)
      %dma_wait3A = arith.constant 0 : i32
      %dma_wait3A_80 = tpu.memref_slice %arg9[%add3A_10, %dma_wait3A] : memref<10112x144xf32, #tpu.memory_space<vmem_shared>> -> memref<64x144xf32, #tpu.memory_space<vmem_shared>>
      %dma_wait3A_81 = arith.constant 0 : i32
      %dma_wait3A_82 = tpu.memref_slice %arg9[%add3A_10, %dma_wait3A_81] : memref<10112x144xf32, #tpu.memory_space<vmem_shared>> -> memref<64x144xf32, #tpu.memory_space<vmem_shared>>
      tpu.wait_dma2 semaphore(%run_scoped3A : memref<!tpu.dma_semaphore, #tpu.memory_space<semaphore_mem>>) src(%arg16 : memref<64x144xf32, #tpu.memory_space<vmem>>) dst(%dma_wait3A_82 : memref<64x144xf32, #tpu.memory_space<vmem_shared>>)
      tpu.yield
    }) : () -> ()
    %add3A_11 = arith.constant 64 : i32
    %add3A_12 = arith.addi %mul3A_8, %add3A_11 : i32
    "tpu.region"() ({
      %run_scoped3A = tpu.sem_alloc : memref<!tpu.dma_semaphore, #tpu.memory_space<semaphore_mem>>
      %dma_start3A = arith.constant 0 : i32
      %dma_start3A_77 = tpu.memref_slice %arg9[%add3A_12, %dma_start3A] : memref<10112x144xf32, #tpu.memory_space<vmem_shared>> -> memref<64x144xf32, #tpu.memory_space<vmem_shared>>
      %dma_start3A_78 = arith.constant 0 : i32
      %dma_start3A_79 = tpu.memref_slice %arg9[%add3A_12, %dma_start3A_78] : memref<10112x144xf32, #tpu.memory_space<vmem_shared>> -> memref<64x144xf32, #tpu.memory_space<vmem_shared>>
      tpu.enqueue_dma source(%arg16 : memref<64x144xf32, #tpu.memory_space<vmem>>) target(%dma_start3A_79 : memref<64x144xf32, #tpu.memory_space<vmem_shared>>) target_semaphore(%run_scoped3A : memref<!tpu.dma_semaphore, #tpu.memory_space<semaphore_mem>>)
      %dma_wait3A = arith.constant 0 : i32
      %dma_wait3A_80 = tpu.memref_slice %arg9[%add3A_12, %dma_wait3A] : memref<10112x144xf32, #tpu.memory_space<vmem_shared>> -> memref<64x144xf32, #tpu.memory_space<vmem_shared>>
      %dma_wait3A_81 = arith.constant 0 : i32
      %dma_wait3A_82 = tpu.memref_slice %arg9[%add3A_12, %dma_wait3A_81] : memref<10112x144xf32, #tpu.memory_space<vmem_shared>> -> memref<64x144xf32, #tpu.memory_space<vmem_shared>>
      tpu.wait_dma2 semaphore(%run_scoped3A : memref<!tpu.dma_semaphore, #tpu.memory_space<semaphore_mem>>) src(%arg16 : memref<64x144xf32, #tpu.memory_space<vmem>>) dst(%dma_wait3A_82 : memref<64x144xf32, #tpu.memory_space<vmem_shared>>)
      tpu.yield
    }) : () -> ()
    %add3A_13 = arith.constant 128 : i32
    %add3A_14 = arith.addi %mul3A_8, %add3A_13 : i32
    "tpu.region"() ({
      %run_scoped3A = tpu.sem_alloc : memref<!tpu.dma_semaphore, #tpu.memory_space<semaphore_mem>>
      %dma_start3A = arith.constant 0 : i32
      %dma_start3A_77 = tpu.memref_slice %arg9[%add3A_14, %dma_start3A] : memref<10112x144xf32, #tpu.memory_space<vmem_shared>> -> memref<64x144xf32, #tpu.memory_space<vmem_shared>>
      %dma_start3A_78 = arith.constant 0 : i32
      %dma_start3A_79 = tpu.memref_slice %arg9[%add3A_14, %dma_start3A_78] : memref<10112x144xf32, #tpu.memory_space<vmem_shared>> -> memref<64x144xf32, #tpu.memory_space<vmem_shared>>
      tpu.enqueue_dma source(%arg16 : memref<64x144xf32, #tpu.memory_space<vmem>>) target(%dma_start3A_79 : memref<64x144xf32, #tpu.memory_space<vmem_shared>>) target_semaphore(%run_scoped3A : memref<!tpu.dma_semaphore, #tpu.memory_space<semaphore_mem>>)
      %dma_wait3A = arith.constant 0 : i32
      %dma_wait3A_80 = tpu.memref_slice %arg9[%add3A_14, %dma_wait3A] : memref<10112x144xf32, #tpu.memory_space<vmem_shared>> -> memref<64x144xf32, #tpu.memory_space<vmem_shared>>
      %dma_wait3A_81 = arith.constant 0 : i32
      %dma_wait3A_82 = tpu.memref_slice %arg9[%add3A_14, %dma_wait3A_81] : memref<10112x144xf32, #tpu.memory_space<vmem_shared>> -> memref<64x144xf32, #tpu.memory_space<vmem_shared>>
      tpu.wait_dma2 semaphore(%run_scoped3A : memref<!tpu.dma_semaphore, #tpu.memory_space<semaphore_mem>>) src(%arg16 : memref<64x144xf32, #tpu.memory_space<vmem>>) dst(%dma_wait3A_82 : memref<64x144xf32, #tpu.memory_space<vmem_shared>>)
      tpu.yield
    }) : () -> ()
    %add3A_15 = arith.constant 192 : i32
    %add3A_16 = arith.addi %mul3A_8, %add3A_15 : i32
    "tpu.region"() ({
      %run_scoped3A = tpu.sem_alloc : memref<!tpu.dma_semaphore, #tpu.memory_space<semaphore_mem>>
      %dma_start3A = arith.constant 0 : i32
      %dma_start3A_77 = tpu.memref_slice %arg9[%add3A_16, %dma_start3A] : memref<10112x144xf32, #tpu.memory_space<vmem_shared>> -> memref<64x144xf32, #tpu.memory_space<vmem_shared>>
      %dma_start3A_78 = arith.constant 0 : i32
      %dma_start3A_79 = tpu.memref_slice %arg9[%add3A_16, %dma_start3A_78] : memref<10112x144xf32, #tpu.memory_space<vmem_shared>> -> memref<64x144xf32, #tpu.memory_space<vmem_shared>>
      tpu.enqueue_dma source(%arg16 : memref<64x144xf32, #tpu.memory_space<vmem>>) target(%dma_start3A_79 : memref<64x144xf32, #tpu.memory_space<vmem_shared>>) target_semaphore(%run_scoped3A : memref<!tpu.dma_semaphore, #tpu.memory_space<semaphore_mem>>)
      %dma_wait3A = arith.constant 0 : i32
      %dma_wait3A_80 = tpu.memref_slice %arg9[%add3A_16, %dma_wait3A] : memref<10112x144xf32, #tpu.memory_space<vmem_shared>> -> memref<64x144xf32, #tpu.memory_space<vmem_shared>>
      %dma_wait3A_81 = arith.constant 0 : i32
      %dma_wait3A_82 = tpu.memref_slice %arg9[%add3A_16, %dma_wait3A_81] : memref<10112x144xf32, #tpu.memory_space<vmem_shared>> -> memref<64x144xf32, #tpu.memory_space<vmem_shared>>
      tpu.wait_dma2 semaphore(%run_scoped3A : memref<!tpu.dma_semaphore, #tpu.memory_space<semaphore_mem>>) src(%arg16 : memref<64x144xf32, #tpu.memory_space<vmem>>) dst(%dma_wait3A_82 : memref<64x144xf32, #tpu.memory_space<vmem_shared>>)
      tpu.yield
    }) : () -> ()
    %add3A_17 = arith.constant 256 : i32
    %add3A_18 = arith.addi %mul3A_8, %add3A_17 : i32
    "tpu.region"() ({
      %run_scoped3A = tpu.sem_alloc : memref<!tpu.dma_semaphore, #tpu.memory_space<semaphore_mem>>
      %dma_start3A = arith.constant 0 : i32
      %dma_start3A_77 = tpu.memref_slice %arg9[%add3A_18, %dma_start3A] : memref<10112x144xf32, #tpu.memory_space<vmem_shared>> -> memref<64x144xf32, #tpu.memory_space<vmem_shared>>
      %dma_start3A_78 = arith.constant 0 : i32
      %dma_start3A_79 = tpu.memref_slice %arg9[%add3A_18, %dma_start3A_78] : memref<10112x144xf32, #tpu.memory_space<vmem_shared>> -> memref<64x144xf32, #tpu.memory_space<vmem_shared>>
      tpu.enqueue_dma source(%arg16 : memref<64x144xf32, #tpu.memory_space<vmem>>) target(%dma_start3A_79 : memref<64x144xf32, #tpu.memory_space<vmem_shared>>) target_semaphore(%run_scoped3A : memref<!tpu.dma_semaphore, #tpu.memory_space<semaphore_mem>>)
      %dma_wait3A = arith.constant 0 : i32
      %dma_wait3A_80 = tpu.memref_slice %arg9[%add3A_18, %dma_wait3A] : memref<10112x144xf32, #tpu.memory_space<vmem_shared>> -> memref<64x144xf32, #tpu.memory_space<vmem_shared>>
      %dma_wait3A_81 = arith.constant 0 : i32
      %dma_wait3A_82 = tpu.memref_slice %arg9[%add3A_18, %dma_wait3A_81] : memref<10112x144xf32, #tpu.memory_space<vmem_shared>> -> memref<64x144xf32, #tpu.memory_space<vmem_shared>>
      tpu.wait_dma2 semaphore(%run_scoped3A : memref<!tpu.dma_semaphore, #tpu.memory_space<semaphore_mem>>) src(%arg16 : memref<64x144xf32, #tpu.memory_space<vmem>>) dst(%dma_wait3A_82 : memref<64x144xf32, #tpu.memory_space<vmem_shared>>)
      tpu.yield
    }) : () -> ()
    %add3A_19 = arith.constant 320 : i32
    %add3A_20 = arith.addi %mul3A_8, %add3A_19 : i32
    "tpu.region"() ({
      %run_scoped3A = tpu.sem_alloc : memref<!tpu.dma_semaphore, #tpu.memory_space<semaphore_mem>>
      %dma_start3A = arith.constant 0 : i32
      %dma_start3A_77 = tpu.memref_slice %arg9[%add3A_20, %dma_start3A] : memref<10112x144xf32, #tpu.memory_space<vmem_shared>> -> memref<64x144xf32, #tpu.memory_space<vmem_shared>>
      %dma_start3A_78 = arith.constant 0 : i32
      %dma_start3A_79 = tpu.memref_slice %arg9[%add3A_20, %dma_start3A_78] : memref<10112x144xf32, #tpu.memory_space<vmem_shared>> -> memref<64x144xf32, #tpu.memory_space<vmem_shared>>
      tpu.enqueue_dma source(%arg16 : memref<64x144xf32, #tpu.memory_space<vmem>>) target(%dma_start3A_79 : memref<64x144xf32, #tpu.memory_space<vmem_shared>>) target_semaphore(%run_scoped3A : memref<!tpu.dma_semaphore, #tpu.memory_space<semaphore_mem>>)
      %dma_wait3A = arith.constant 0 : i32
      %dma_wait3A_80 = tpu.memref_slice %arg9[%add3A_20, %dma_wait3A] : memref<10112x144xf32, #tpu.memory_space<vmem_shared>> -> memref<64x144xf32, #tpu.memory_space<vmem_shared>>
      %dma_wait3A_81 = arith.constant 0 : i32
      %dma_wait3A_82 = tpu.memref_slice %arg9[%add3A_20, %dma_wait3A_81] : memref<10112x144xf32, #tpu.memory_space<vmem_shared>> -> memref<64x144xf32, #tpu.memory_space<vmem_shared>>
      tpu.wait_dma2 semaphore(%run_scoped3A : memref<!tpu.dma_semaphore, #tpu.memory_space<semaphore_mem>>) src(%arg16 : memref<64x144xf32, #tpu.memory_space<vmem>>) dst(%dma_wait3A_82 : memref<64x144xf32, #tpu.memory_space<vmem_shared>>)
      tpu.yield
    }) : () -> ()
    %add3A_21 = arith.constant 384 : i32
    %add3A_22 = arith.addi %mul3A_8, %add3A_21 : i32
    "tpu.region"() ({
      %run_scoped3A = tpu.sem_alloc : memref<!tpu.dma_semaphore, #tpu.memory_space<semaphore_mem>>
      %dma_start3A = arith.constant 0 : i32
      %dma_start3A_77 = tpu.memref_slice %arg9[%add3A_22, %dma_start3A] : memref<10112x144xf32, #tpu.memory_space<vmem_shared>> -> memref<64x144xf32, #tpu.memory_space<vmem_shared>>
      %dma_start3A_78 = arith.constant 0 : i32
      %dma_start3A_79 = tpu.memref_slice %arg9[%add3A_22, %dma_start3A_78] : memref<10112x144xf32, #tpu.memory_space<vmem_shared>> -> memref<64x144xf32, #tpu.memory_space<vmem_shared>>
      tpu.enqueue_dma source(%arg16 : memref<64x144xf32, #tpu.memory_space<vmem>>) target(%dma_start3A_79 : memref<64x144xf32, #tpu.memory_space<vmem_shared>>) target_semaphore(%run_scoped3A : memref<!tpu.dma_semaphore, #tpu.memory_space<semaphore_mem>>)
      %dma_wait3A = arith.constant 0 : i32
      %dma_wait3A_80 = tpu.memref_slice %arg9[%add3A_22, %dma_wait3A] : memref<10112x144xf32, #tpu.memory_space<vmem_shared>> -> memref<64x144xf32, #tpu.memory_space<vmem_shared>>
      %dma_wait3A_81 = arith.constant 0 : i32
      %dma_wait3A_82 = tpu.memref_slice %arg9[%add3A_22, %dma_wait3A_81] : memref<10112x144xf32, #tpu.memory_space<vmem_shared>> -> memref<64x144xf32, #tpu.memory_space<vmem_shared>>
      tpu.wait_dma2 semaphore(%run_scoped3A : memref<!tpu.dma_semaphore, #tpu.memory_space<semaphore_mem>>) src(%arg16 : memref<64x144xf32, #tpu.memory_space<vmem>>) dst(%dma_wait3A_82 : memref<64x144xf32, #tpu.memory_space<vmem_shared>>)
      tpu.yield
    }) : () -> ()
    %add3A_23 = arith.constant 448 : i32
    %add3A_24 = arith.addi %mul3A_8, %add3A_23 : i32
    "tpu.region"() ({
      %run_scoped3A = tpu.sem_alloc : memref<!tpu.dma_semaphore, #tpu.memory_space<semaphore_mem>>
      %dma_start3A = arith.constant 0 : i32
      %dma_start3A_77 = tpu.memref_slice %arg9[%add3A_24, %dma_start3A] : memref<10112x144xf32, #tpu.memory_space<vmem_shared>> -> memref<64x144xf32, #tpu.memory_space<vmem_shared>>
      %dma_start3A_78 = arith.constant 0 : i32
      %dma_start3A_79 = tpu.memref_slice %arg9[%add3A_24, %dma_start3A_78] : memref<10112x144xf32, #tpu.memory_space<vmem_shared>> -> memref<64x144xf32, #tpu.memory_space<vmem_shared>>
      tpu.enqueue_dma source(%arg16 : memref<64x144xf32, #tpu.memory_space<vmem>>) target(%dma_start3A_79 : memref<64x144xf32, #tpu.memory_space<vmem_shared>>) target_semaphore(%run_scoped3A : memref<!tpu.dma_semaphore, #tpu.memory_space<semaphore_mem>>)
      %dma_wait3A = arith.constant 0 : i32
      %dma_wait3A_80 = tpu.memref_slice %arg9[%add3A_24, %dma_wait3A] : memref<10112x144xf32, #tpu.memory_space<vmem_shared>> -> memref<64x144xf32, #tpu.memory_space<vmem_shared>>
      %dma_wait3A_81 = arith.constant 0 : i32
      %dma_wait3A_82 = tpu.memref_slice %arg9[%add3A_24, %dma_wait3A_81] : memref<10112x144xf32, #tpu.memory_space<vmem_shared>> -> memref<64x144xf32, #tpu.memory_space<vmem_shared>>
      tpu.wait_dma2 semaphore(%run_scoped3A : memref<!tpu.dma_semaphore, #tpu.memory_space<semaphore_mem>>) src(%arg16 : memref<64x144xf32, #tpu.memory_space<vmem>>) dst(%dma_wait3A_82 : memref<64x144xf32, #tpu.memory_space<vmem_shared>>)
      tpu.yield
    }) : () -> ()
    %add3A_25 = arith.constant 512 : i32
    %add3A_26 = arith.addi %mul3A_8, %add3A_25 : i32
    "tpu.region"() ({
      %run_scoped3A = tpu.sem_alloc : memref<!tpu.dma_semaphore, #tpu.memory_space<semaphore_mem>>
      %dma_start3A = arith.constant 0 : i32
      %dma_start3A_77 = tpu.memref_slice %arg9[%add3A_26, %dma_start3A] : memref<10112x144xf32, #tpu.memory_space<vmem_shared>> -> memref<64x144xf32, #tpu.memory_space<vmem_shared>>
      %dma_start3A_78 = arith.constant 0 : i32
      %dma_start3A_79 = tpu.memref_slice %arg9[%add3A_26, %dma_start3A_78] : memref<10112x144xf32, #tpu.memory_space<vmem_shared>> -> memref<64x144xf32, #tpu.memory_space<vmem_shared>>
      tpu.enqueue_dma source(%arg16 : memref<64x144xf32, #tpu.memory_space<vmem>>) target(%dma_start3A_79 : memref<64x144xf32, #tpu.memory_space<vmem_shared>>) target_semaphore(%run_scoped3A : memref<!tpu.dma_semaphore, #tpu.memory_space<semaphore_mem>>)
      %dma_wait3A = arith.constant 0 : i32
      %dma_wait3A_80 = tpu.memref_slice %arg9[%add3A_26, %dma_wait3A] : memref<10112x144xf32, #tpu.memory_space<vmem_shared>> -> memref<64x144xf32, #tpu.memory_space<vmem_shared>>
      %dma_wait3A_81 = arith.constant 0 : i32
      %dma_wait3A_82 = tpu.memref_slice %arg9[%add3A_26, %dma_wait3A_81] : memref<10112x144xf32, #tpu.memory_space<vmem_shared>> -> memref<64x144xf32, #tpu.memory_space<vmem_shared>>
      tpu.wait_dma2 semaphore(%run_scoped3A : memref<!tpu.dma_semaphore, #tpu.memory_space<semaphore_mem>>) src(%arg16 : memref<64x144xf32, #tpu.memory_space<vmem>>) dst(%dma_wait3A_82 : memref<64x144xf32, #tpu.memory_space<vmem_shared>>)
      tpu.yield
    }) : () -> ()
    %add3A_27 = arith.constant 576 : i32
    %add3A_28 = arith.addi %mul3A_8, %add3A_27 : i32
    "tpu.region"() ({
      %run_scoped3A = tpu.sem_alloc : memref<!tpu.dma_semaphore, #tpu.memory_space<semaphore_mem>>
      %dma_start3A = arith.constant 0 : i32
      %dma_start3A_77 = arith.constant 0 : i32
      %dma_start3A_78 = tpu.memref_slice %arg16[%dma_start3A, %dma_start3A_77] : memref<64x144xf32, #tpu.memory_space<vmem>> -> memref<56x144xf32, #tpu.memory_space<vmem>>
      %dma_start3A_79 = arith.constant 0 : i32
      %dma_start3A_80 = tpu.memref_slice %arg9[%add3A_28, %dma_start3A_79] : memref<10112x144xf32, #tpu.memory_space<vmem_shared>> -> memref<56x144xf32, #tpu.memory_space<vmem_shared>>
      %dma_start3A_81 = arith.constant 0 : i32
      %dma_start3A_82 = tpu.memref_slice %arg9[%add3A_28, %dma_start3A_81] : memref<10112x144xf32, #tpu.memory_space<vmem_shared>> -> memref<56x144xf32, #tpu.memory_space<vmem_shared>>
      %dma_start3A_83 = arith.constant 0 : i32
      %dma_start3A_84 = arith.constant 0 : i32
      %dma_start3A_85 = tpu.memref_slice %arg16[%dma_start3A_83, %dma_start3A_84] : memref<64x144xf32, #tpu.memory_space<vmem>> -> memref<56x144xf32, #tpu.memory_space<vmem>>
      tpu.enqueue_dma source(%dma_start3A_85 : memref<56x144xf32, #tpu.memory_space<vmem>>) target(%dma_start3A_82 : memref<56x144xf32, #tpu.memory_space<vmem_shared>>) target_semaphore(%run_scoped3A : memref<!tpu.dma_semaphore, #tpu.memory_space<semaphore_mem>>)
      %dma_wait3A = arith.constant 0 : i32
      %dma_wait3A_86 = arith.constant 0 : i32
      %dma_wait3A_87 = tpu.memref_slice %arg16[%dma_wait3A, %dma_wait3A_86] : memref<64x144xf32, #tpu.memory_space<vmem>> -> memref<56x144xf32, #tpu.memory_space<vmem>>
      %dma_wait3A_88 = arith.constant 0 : i32
      %dma_wait3A_89 = tpu.memref_slice %arg9[%add3A_28, %dma_wait3A_88] : memref<10112x144xf32, #tpu.memory_space<vmem_shared>> -> memref<56x144xf32, #tpu.memory_space<vmem_shared>>
      %dma_wait3A_90 = arith.constant 0 : i32
      %dma_wait3A_91 = tpu.memref_slice %arg9[%add3A_28, %dma_wait3A_90] : memref<10112x144xf32, #tpu.memory_space<vmem_shared>> -> memref<56x144xf32, #tpu.memory_space<vmem_shared>>
      %dma_wait3A_92 = arith.constant 0 : i32
      %dma_wait3A_93 = arith.constant 0 : i32
      %dma_wait3A_94 = tpu.memref_slice %arg16[%dma_wait3A_92, %dma_wait3A_93] : memref<64x144xf32, #tpu.memory_space<vmem>> -> memref<56x144xf32, #tpu.memory_space<vmem>>
      tpu.wait_dma2 semaphore(%run_scoped3A : memref<!tpu.dma_semaphore, #tpu.memory_space<semaphore_mem>>) src(%dma_wait3A_94 : memref<56x144xf32, #tpu.memory_space<vmem>>) dst(%dma_wait3A_91 : memref<56x144xf32, #tpu.memory_space<vmem_shared>>)
      tpu.yield
    }) : () -> ()
    "tpu.region"() ({
      %run_scoped3A = tpu.sem_alloc : memref<!tpu.dma_semaphore, #tpu.memory_space<semaphore_mem>>
      tpu.enqueue_dma source(%arg7 : memref<16xf32, #tpu.memory_space<hbm>>) target(%arg17 : memref<16xf32, #tpu.memory_space<vmem>>) target_semaphore(%run_scoped3A : memref<!tpu.dma_semaphore, #tpu.memory_space<semaphore_mem>>)
      tpu.wait_dma2 semaphore(%run_scoped3A : memref<!tpu.dma_semaphore, #tpu.memory_space<semaphore_mem>>) src(%arg7 : memref<16xf32, #tpu.memory_space<hbm>>) dst(%arg17 : memref<16xf32, #tpu.memory_space<vmem>>)
      tpu.yield
    }) : () -> ()
    %barrier3A = arith.constant 0 : index
    tpu.barrier barrier_id(%barrier3A)
    %scan3A_29 = arith.constant 0 : i32
    %scan3A_30 = arith.constant 0 : i32
    %scan3A_31 = arith.constant 158 : i32
    %scan3A_32 = arith.addi %scan3A_30, %scan3A_31 : i32
    %scan3A_33 = arith.constant 1 : i32
    %scan3A_34 = scf.for %scan3A_77 = %scan3A_30 to %scan3A_32 step %scan3A_33 iter_args(%scan3A_78 = %scan3A_29) -> (i32)  : i32 {
      %mul3A_79 = arith.constant 10112 : i32
      %mul3A_80 = arith.muli %add3A, %mul3A_79 : i32
      %mul3A_81 = arith.constant 64 : i32
      %mul3A_82 = arith.muli %scan3A_77, %mul3A_81 : i32
      %add3A_83 = arith.addi %mul3A_80, %mul3A_82 : i32
      %dma_start3A = arith.constant 0 : i32
      %dma_start3A_84 = arith.constant 0 : i32
      %dma_start3A_85 = tpu.memref_slice %arg10[%dma_start3A, %dma_start3A_84] : memref<1x64xi32, #tpu.memory_space<vmem>> -> memref<1x64xi32, #tpu.memory_space<vmem>>
      %dma_start3A_86 = tpu.memref_squeeze %dma_start3A_85 : memref<1x64xi32, #tpu.memory_space<vmem>> -> memref<64xi32, #tpu.memory_space<vmem>>
      %dma_start3A_87 = tpu.memref_slice %arg2[%add3A_83] : memref<323584xi32, #tpu.memory_space<hbm>> -> memref<64xi32, #tpu.memory_space<hbm>>
      %dma_start3A_88 = arith.constant 0 : i32
      %dma_start3A_89 = tpu.memref_slice %arg10[%dma_start3A, %dma_start3A_88] : memref<1x64xi32, #tpu.memory_space<vmem>> -> memref<1x64xi32, #tpu.memory_space<vmem>>
      %dma_start3A_90 = tpu.memref_squeeze %dma_start3A_89 : memref<1x64xi32, #tpu.memory_space<vmem>> -> memref<64xi32, #tpu.memory_space<vmem>>
      %dma_start3A_91 = tpu.memref_slice %arg2[%add3A_83] : memref<323584xi32, #tpu.memory_space<hbm>> -> memref<64xi32, #tpu.memory_space<hbm>>
      tpu.enqueue_dma source(%dma_start3A_91 : memref<64xi32, #tpu.memory_space<hbm>>) target(%dma_start3A_90 : memref<64xi32, #tpu.memory_space<vmem>>) target_semaphore(%arg18 : memref<!tpu.dma_semaphore, #tpu.memory_space<semaphore_mem>>)
      %dma_start3A_92 = arith.constant 0 : i32
      %dma_start3A_93 = arith.constant 0 : i32
      %dma_start3A_94 = tpu.memref_slice %arg11[%dma_start3A_92, %dma_start3A_93] : memref<1x64xi32, #tpu.memory_space<vmem>> -> memref<1x64xi32, #tpu.memory_space<vmem>>
      %dma_start3A_95 = tpu.memref_squeeze %dma_start3A_94 : memref<1x64xi32, #tpu.memory_space<vmem>> -> memref<64xi32, #tpu.memory_space<vmem>>
      %dma_start3A_96 = tpu.memref_slice %arg3[%add3A_83] : memref<323584xi32, #tpu.memory_space<hbm>> -> memref<64xi32, #tpu.memory_space<hbm>>
      %dma_start3A_97 = arith.constant 0 : i32
      %dma_start3A_98 = tpu.memref_slice %arg11[%dma_start3A_92, %dma_start3A_97] : memref<1x64xi32, #tpu.memory_space<vmem>> -> memref<1x64xi32, #tpu.memory_space<vmem>>
      %dma_start3A_99 = tpu.memref_squeeze %dma_start3A_98 : memref<1x64xi32, #tpu.memory_space<vmem>> -> memref<64xi32, #tpu.memory_space<vmem>>
      %dma_start3A_100 = tpu.memref_slice %arg3[%add3A_83] : memref<323584xi32, #tpu.memory_space<hbm>> -> memref<64xi32, #tpu.memory_space<hbm>>
      tpu.enqueue_dma source(%dma_start3A_100 : memref<64xi32, #tpu.memory_space<hbm>>) target(%dma_start3A_99 : memref<64xi32, #tpu.memory_space<vmem>>) target_semaphore(%arg18 : memref<!tpu.dma_semaphore, #tpu.memory_space<semaphore_mem>>)
      %dma_start3A_101 = tpu.memref_slice %arg4[%add3A_83] : memref<323584xf32, #tpu.memory_space<hbm>> -> memref<64xf32, #tpu.memory_space<hbm>>
      %dma_start3A_102 = tpu.memref_slice %arg4[%add3A_83] : memref<323584xf32, #tpu.memory_space<hbm>> -> memref<64xf32, #tpu.memory_space<hbm>>
      tpu.enqueue_dma source(%dma_start3A_102 : memref<64xf32, #tpu.memory_space<hbm>>) target(%arg12 : memref<64xf32, #tpu.memory_space<vmem>>) target_semaphore(%arg18 : memref<!tpu.dma_semaphore, #tpu.memory_space<semaphore_mem>>)
      %dma_wait3A = arith.constant 0 : i32
      %dma_wait3A_103 = arith.constant 0 : i32
      %dma_wait3A_104 = tpu.memref_slice %arg10[%dma_wait3A, %dma_wait3A_103] : memref<1x64xi32, #tpu.memory_space<vmem>> -> memref<1x64xi32, #tpu.memory_space<vmem>>
      %dma_wait3A_105 = tpu.memref_squeeze %dma_wait3A_104 : memref<1x64xi32, #tpu.memory_space<vmem>> -> memref<64xi32, #tpu.memory_space<vmem>>
      %dma_wait3A_106 = tpu.memref_slice %arg2[%add3A_83] : memref<323584xi32, #tpu.memory_space<hbm>> -> memref<64xi32, #tpu.memory_space<hbm>>
      %dma_wait3A_107 = arith.constant 0 : i32
      %dma_wait3A_108 = tpu.memref_slice %arg10[%dma_wait3A, %dma_wait3A_107] : memref<1x64xi32, #tpu.memory_space<vmem>> -> memref<1x64xi32, #tpu.memory_space<vmem>>
      %dma_wait3A_109 = tpu.memref_squeeze %dma_wait3A_108 : memref<1x64xi32, #tpu.memory_space<vmem>> -> memref<64xi32, #tpu.memory_space<vmem>>
      %dma_wait3A_110 = tpu.memref_slice %arg2[%add3A_83] : memref<323584xi32, #tpu.memory_space<hbm>> -> memref<64xi32, #tpu.memory_space<hbm>>
      tpu.wait_dma2 semaphore(%arg18 : memref<!tpu.dma_semaphore, #tpu.memory_space<semaphore_mem>>) src(%dma_wait3A_110 : memref<64xi32, #tpu.memory_space<hbm>>) dst(%dma_wait3A_109 : memref<64xi32, #tpu.memory_space<vmem>>)
      %dma_wait3A_111 = arith.constant 0 : i32
      %dma_wait3A_112 = arith.constant 0 : i32
      %dma_wait3A_113 = tpu.memref_slice %arg11[%dma_wait3A_111, %dma_wait3A_112] : memref<1x64xi32, #tpu.memory_space<vmem>> -> memref<1x64xi32, #tpu.memory_space<vmem>>
      %dma_wait3A_114 = tpu.memref_squeeze %dma_wait3A_113 : memref<1x64xi32, #tpu.memory_space<vmem>> -> memref<64xi32, #tpu.memory_space<vmem>>
      %dma_wait3A_115 = tpu.memref_slice %arg3[%add3A_83] : memref<323584xi32, #tpu.memory_space<hbm>> -> memref<64xi32, #tpu.memory_space<hbm>>
      %dma_wait3A_116 = arith.constant 0 : i32
      %dma_wait3A_117 = tpu.memref_slice %arg11[%dma_wait3A_111, %dma_wait3A_116] : memref<1x64xi32, #tpu.memory_space<vmem>> -> memref<1x64xi32, #tpu.memory_space<vmem>>
      %dma_wait3A_118 = tpu.memref_squeeze %dma_wait3A_117 : memref<1x64xi32, #tpu.memory_space<vmem>> -> memref<64xi32, #tpu.memory_space<vmem>>
      %dma_wait3A_119 = tpu.memref_slice %arg3[%add3A_83] : memref<323584xi32, #tpu.memory_space<hbm>> -> memref<64xi32, #tpu.memory_space<hbm>>
      tpu.wait_dma2 semaphore(%arg18 : memref<!tpu.dma_semaphore, #tpu.memory_space<semaphore_mem>>) src(%dma_wait3A_119 : memref<64xi32, #tpu.memory_space<hbm>>) dst(%dma_wait3A_118 : memref<64xi32, #tpu.memory_space<vmem>>)
      %dma_wait3A_120 = tpu.memref_slice %arg4[%add3A_83] : memref<323584xf32, #tpu.memory_space<hbm>> -> memref<64xf32, #tpu.memory_space<hbm>>
      %dma_wait3A_121 = tpu.memref_slice %arg4[%add3A_83] : memref<323584xf32, #tpu.memory_space<hbm>> -> memref<64xf32, #tpu.memory_space<hbm>>
      tpu.wait_dma2 semaphore(%arg18 : memref<!tpu.dma_semaphore, #tpu.memory_space<semaphore_mem>>) src(%dma_wait3A_121 : memref<64xf32, #tpu.memory_space<hbm>>) dst(%arg12 : memref<64xf32, #tpu.memory_space<vmem>>)
      %dma_start3A_122 = arith.constant 0 : i32
      %dma_start3A_123 = arith.constant 0 : i32
      %dma_start3A_124 = tpu.memref_slice %arg10[%dma_start3A_122, %dma_start3A_123] : memref<1x64xi32, #tpu.memory_space<vmem>> -> memref<1x64xi32, #tpu.memory_space<vmem>>
      %dma_start3A_125 = tpu.memref_squeeze %dma_start3A_124 : memref<1x64xi32, #tpu.memory_space<vmem>> -> memref<64xi32, #tpu.memory_space<vmem>>
      %dma_start3A_126 = arith.constant 0 : i32
      %dma_start3A_127 = arith.constant 0 : i32
      %dma_start3A_128 = tpu.memref_slice %arg5[%dma_start3A_126, %dma_start3A_127] : memref<10112x16xf32, #tpu.memory_space<hbm>> -> memref<10112x16xf32, #tpu.memory_space<hbm>>
      tpu.enqueue_indirect_dma source(%dma_start3A_128 : memref<10112x16xf32, #tpu.memory_space<hbm>>) target(%arg13 : memref<64x16xf32, #tpu.memory_space<vmem>>) offsets(%dma_start3A_125 : memref<64xi32, #tpu.memory_space<vmem>>) semaphore(%arg19 : memref<!tpu.dma_semaphore, #tpu.memory_space<semaphore_mem>>)
      %dma_start3A_129 = arith.constant 0 : i32
      %dma_start3A_130 = arith.constant 0 : i32
      %dma_start3A_131 = tpu.memref_slice %arg11[%dma_start3A_129, %dma_start3A_130] : memref<1x64xi32, #tpu.memory_space<vmem>> -> memref<1x64xi32, #tpu.memory_space<vmem>>
      %dma_start3A_132 = tpu.memref_squeeze %dma_start3A_131 : memref<1x64xi32, #tpu.memory_space<vmem>> -> memref<64xi32, #tpu.memory_space<vmem>>
      %dma_start3A_133 = arith.constant 0 : i32
      %dma_start3A_134 = arith.constant 0 : i32
      %dma_start3A_135 = tpu.memref_slice %arg5[%dma_start3A_133, %dma_start3A_134] : memref<10112x16xf32, #tpu.memory_space<hbm>> -> memref<10112x16xf32, #tpu.memory_space<hbm>>
      tpu.enqueue_indirect_dma source(%dma_start3A_135 : memref<10112x16xf32, #tpu.memory_space<hbm>>) target(%arg14 : memref<64x16xf32, #tpu.memory_space<vmem>>) offsets(%dma_start3A_132 : memref<64xi32, #tpu.memory_space<vmem>>) semaphore(%arg19 : memref<!tpu.dma_semaphore, #tpu.memory_space<semaphore_mem>>)
      %dma_start3A_136 = arith.constant 0 : i32
      %dma_start3A_137 = arith.constant 0 : i32
      %dma_start3A_138 = tpu.memref_slice %arg10[%dma_start3A_136, %dma_start3A_137] : memref<1x64xi32, #tpu.memory_space<vmem>> -> memref<1x64xi32, #tpu.memory_space<vmem>>
      %dma_start3A_139 = tpu.memref_squeeze %dma_start3A_138 : memref<1x64xi32, #tpu.memory_space<vmem>> -> memref<64xi32, #tpu.memory_space<vmem>>
      %dma_start3A_140 = arith.constant 0 : i32
      %dma_start3A_141 = arith.constant 0 : i32
      %dma_start3A_142 = arith.constant 0 : i32
      %dma_start3A_143 = tpu.memref_slice %arg6[%dma_start3A_140, %dma_start3A_141, %dma_start3A_142] : memref<10112x8x16xf32, #tpu.memory_space<hbm>> -> memref<10112x8x16xf32, #tpu.memory_space<hbm>>
      tpu.enqueue_indirect_dma source(%dma_start3A_143 : memref<10112x8x16xf32, #tpu.memory_space<hbm>>) target(%arg15 : memref<64x8x16xf32, #tpu.memory_space<vmem>>) offsets(%dma_start3A_139 : memref<64xi32, #tpu.memory_space<vmem>>) semaphore(%arg20 : memref<!tpu.dma_semaphore, #tpu.memory_space<semaphore_mem>>)
      %dma_wait3A_144 = arith.constant 0 : i32
      %dma_wait3A_145 = arith.constant 0 : i32
      %dma_wait3A_146 = tpu.memref_slice %arg10[%dma_wait3A_144, %dma_wait3A_145] : memref<1x64xi32, #tpu.memory_space<vmem>> -> memref<1x64xi32, #tpu.memory_space<vmem>>
      %dma_wait3A_147 = tpu.memref_squeeze %dma_wait3A_146 : memref<1x64xi32, #tpu.memory_space<vmem>> -> memref<64xi32, #tpu.memory_space<vmem>>
      %dma_wait3A_148 = arith.constant 0 : i32
      %dma_wait3A_149 = arith.constant 0 : i32
      %dma_wait3A_150 = tpu.memref_slice %arg5[%dma_wait3A_148, %dma_wait3A_149] : memref<10112x16xf32, #tpu.memory_space<hbm>> -> memref<10112x16xf32, #tpu.memory_space<hbm>>
      tpu.wait_indirect_dma semaphore(%arg19 : memref<!tpu.dma_semaphore, #tpu.memory_space<semaphore_mem>>) src(%dma_wait3A_150 : memref<10112x16xf32, #tpu.memory_space<hbm>>) dst(%arg13 : memref<64x16xf32, #tpu.memory_space<vmem>>)
      %dma_wait3A_151 = arith.constant 0 : i32
      %dma_wait3A_152 = arith.constant 0 : i32
      %dma_wait3A_153 = tpu.memref_slice %arg11[%dma_wait3A_151, %dma_wait3A_152] : memref<1x64xi32, #tpu.memory_space<vmem>> -> memref<1x64xi32, #tpu.memory_space<vmem>>
      %dma_wait3A_154 = tpu.memref_squeeze %dma_wait3A_153 : memref<1x64xi32, #tpu.memory_space<vmem>> -> memref<64xi32, #tpu.memory_space<vmem>>
      %dma_wait3A_155 = arith.constant 0 : i32
      %dma_wait3A_156 = arith.constant 0 : i32
      %dma_wait3A_157 = tpu.memref_slice %arg5[%dma_wait3A_155, %dma_wait3A_156] : memref<10112x16xf32, #tpu.memory_space<hbm>> -> memref<10112x16xf32, #tpu.memory_space<hbm>>
      tpu.wait_indirect_dma semaphore(%arg19 : memref<!tpu.dma_semaphore, #tpu.memory_space<semaphore_mem>>) src(%dma_wait3A_157 : memref<10112x16xf32, #tpu.memory_space<hbm>>) dst(%arg14 : memref<64x16xf32, #tpu.memory_space<vmem>>)
      %dma_wait3A_158 = arith.constant 0 : i32
      %dma_wait3A_159 = arith.constant 0 : i32
      %dma_wait3A_160 = tpu.memref_slice %arg10[%dma_wait3A_158, %dma_wait3A_159] : memref<1x64xi32, #tpu.memory_space<vmem>> -> memref<1x64xi32, #tpu.memory_space<vmem>>
      %dma_wait3A_161 = tpu.memref_squeeze %dma_wait3A_160 : memref<1x64xi32, #tpu.memory_space<vmem>> -> memref<64xi32, #tpu.memory_space<vmem>>
      %dma_wait3A_162 = arith.constant 0 : i32
      %dma_wait3A_163 = arith.constant 0 : i32
      %dma_wait3A_164 = arith.constant 0 : i32
      %dma_wait3A_165 = tpu.memref_slice %arg6[%dma_wait3A_162, %dma_wait3A_163, %dma_wait3A_164] : memref<10112x8x16xf32, #tpu.memory_space<hbm>> -> memref<10112x8x16xf32, #tpu.memory_space<hbm>>
      tpu.wait_indirect_dma semaphore(%arg20 : memref<!tpu.dma_semaphore, #tpu.memory_space<semaphore_mem>>) src(%dma_wait3A_165 : memref<10112x8x16xf32, #tpu.memory_space<hbm>>) dst(%arg15 : memref<64x8x16xf32, #tpu.memory_space<vmem>>)
      %scan3A_166 = arith.constant 0 : i32
      %scan3A_167 = arith.constant 0 : i32
      %scan3A_168 = arith.constant 64 : i32
      %scan3A_169 = arith.addi %scan3A_167, %scan3A_168 : i32
      %scan3A_170 = arith.constant 1 : i32
      %scan3A_171 = scf.for %scan3A_174 = %scan3A_167 to %scan3A_169 step %scan3A_170 iter_args(%scan3A_175 = %scan3A_166) -> (i32)  : i32 {
        %get3A = arith.index_cast %scan3A_174 : i32 to index
        %get3A_176 = arith.constant 0 : index
        %get3A_177 = tpu.vector_load %arg13[%get3A, %get3A_176] {strides = array<i32>} : memref<64x16xf32, #tpu.memory_space<vmem>>, vector<1x16xf32>,
        %get3A_178 = vector.shape_cast %get3A_177 : vector<1x16xf32> to vector<16xf32>
        %get3A_179 = arith.index_cast %scan3A_174 : i32 to index
        %get3A_180 = arith.constant 0 : index
        %get3A_181 = tpu.vector_load %arg14[%get3A_179, %get3A_180] {strides = array<i32>} : memref<64x16xf32, #tpu.memory_space<vmem>>, vector<1x16xf32>,
        %get3A_182 = vector.shape_cast %get3A_181 : vector<1x16xf32> to vector<16xf32>
        %iota3A = tpu.iota {dimensions = array<i32: 0>} : vector<16xi32>
        %add3A_183 = arith.constant 8 : i32
        %add3A_184 = vector.broadcast %add3A_183 : i32 to vector<16xi32>
        %add3A_185 = arith.addi %iota3A, %add3A_184 : vector<16xi32>
        %broadcast_in_dim3A = arith.constant 16 : i32
        %broadcast_in_dim3A_186 = vector.broadcast %broadcast_in_dim3A : i32 to vector<16xi32>
        %rem3A = arith.remsi %add3A_185, %broadcast_in_dim3A_186 : vector<16xi32>
        %get3A_187 = arith.constant 0 : index
        %get3A_188 = tpu.vector_load %arg12[%get3A_187] {strides = array<i32>} : memref<64xf32, #tpu.memory_space<vmem>>, vector<64xf32>,
        %get3A_189 = vector.shape_cast %get3A_188 : vector<64xf32> to vector<64xf32>
        %broadcast_in_dim3A_190 = vector.broadcast %scan3A_174 : i32 to vector<16xi32>
        %broadcast_in_dim3A_191 = vector.shape_cast %broadcast_in_dim3A_190 : vector<16xi32> to vector<16x1xi32>
        %gather3A = vector.shape_cast %broadcast_in_dim3A_191 : vector<16x1xi32> to vector<16xi32>
        %gather3A_192 = tpu.dynamic_gather %get3A_189[%gather3A] in [0] : vector<64xf32>, vector<16xi32> -> vector<16xf32>
        %broadcast_in_dim3A_193 = vector.shape_cast %rem3A : vector<16xi32> to vector<16x1xi32>
        %gather3A_194 = vector.shape_cast %broadcast_in_dim3A_193 : vector<16x1xi32> to vector<16xi32>
        %gather3A_195 = tpu.dynamic_gather %get3A_182[%gather3A_194] in [0] : vector<16xf32>, vector<16xi32> -> vector<16xf32>
        %add3A_196 = arith.addf %get3A_178, %gather3A_195 : vector<16xf32>
        %get3A_197 = arith.constant 0 : index
        %get3A_198 = tpu.vector_load %arg17[%get3A_197] {strides = array<i32>} : memref<16xf32, #tpu.memory_space<vmem>>, vector<16xf32>,
        %get3A_199 = vector.shape_cast %get3A_198 : vector<16xf32> to vector<16xf32>
        %mul3A_200 = arith.mulf %gather3A_192, %get3A_199 : vector<16xf32>
        %add3A_201 = arith.addf %add3A_196, %mul3A_200 : vector<16xf32>
        %gt3A = arith.constant 0.000000e+00 : f32
        %gt3A_202 = vector.broadcast %gt3A : f32 to vector<16xf32>
        %gt3A_203 = arith.cmpf ogt, %add3A_201, %gt3A_202 : vector<16xf32>
        %mul3A_204 = arith.constant 2.000000e-01 : f32
        %mul3A_205 = vector.broadcast %mul3A_204 : f32 to vector<16xf32>
        %mul3A_206 = arith.mulf %mul3A_205, %add3A_201 : vector<16xf32>
        %select_n3A = arith.select %gt3A_203, %add3A_201, %mul3A_206 : vector<16xi1>, vector<16xf32>
        %exp3A = math.exp %select_n3A : vector<16xf32>
        %lt3A = arith.constant 8 : i32
        %lt3A_207 = vector.broadcast %lt3A : i32 to vector<16xi32>
        %lt3A_208 = arith.cmpi slt, %iota3A, %lt3A_207 : vector<16xi32>
        %jit3A = arith.constant 0.000000e+00 : f32
        %broadcast_in_dim3A_209 = vector.broadcast %jit3A : f32 to vector<16xf32>
        %select_n3A_210 = arith.select %lt3A_208, %exp3A, %broadcast_in_dim3A_209 : vector<16xi1>, vector<16xf32>
        %eq3A = arith.constant 8 : i32
        %eq3A_211 = vector.broadcast %eq3A : i32 to vector<16xi32>
        %eq3A_212 = arith.cmpi eq, %iota3A, %eq3A_211 : vector<16xi32>
        %jit3A_213 = arith.constant 0.000000e+00 : f32
        %broadcast_in_dim3A_214 = vector.broadcast %jit3A_213 : f32 to vector<16xf32>
        %select_n3A_215 = arith.select %eq3A_212, %gather3A_192, %broadcast_in_dim3A_214 : vector<16xi1>, vector<16xf32>
        %add3A_216 = arith.addf %select_n3A_210, %select_n3A_215 : vector<16xf32>
        %eq3A_217 = arith.constant 9 : i32
        %eq3A_218 = vector.broadcast %eq3A_217 : i32 to vector<16xi32>
        %eq3A_219 = arith.cmpi eq, %iota3A, %eq3A_218 : vector<16xi32>
        %jit3A_220 = arith.constant 1.000000e+00 : f32
        %jit3A_221 = arith.constant 0.000000e+00 : f32
        %broadcast_in_dim3A_222 = vector.broadcast %jit3A_220 : f32 to vector<16xf32>
        %broadcast_in_dim3A_223 = vector.broadcast %jit3A_221 : f32 to vector<16xf32>
        %select_n3A_224 = arith.select %eq3A_219, %broadcast_in_dim3A_222, %broadcast_in_dim3A_223 : vector<16xi1>, vector<16xf32>
        %add3A_225 = arith.addf %add3A_216, %select_n3A_224 : vector<16xf32>
        %swap3A = arith.index_cast %scan3A_174 : i32 to index
        %swap3A_226 = arith.constant 128 : index
        %swap3A_227 = tpu.vector_load %arg16[%swap3A, %swap3A_226] {strides = array<i32>} : memref<64x144xf32, #tpu.memory_space<vmem>>, vector<1x16xf32>,
        %swap3A_228 = vector.shape_cast %swap3A_227 : vector<1x16xf32> to vector<16xf32>
        %swap3A_229 = vector.shape_cast %add3A_225 : vector<16xf32> to vector<1x16xf32>
        tpu.vector_store %arg16[%swap3A, %swap3A_226], %swap3A_229 {strides = array<i32>} : memref<64x144xf32, #tpu.memory_space<vmem>>, vector<1x16xf32>,
        %broadcast_in_dim3A_230 = arith.constant 0 : i32
        %broadcast_in_dim3A_231 = vector.broadcast %broadcast_in_dim3A_230 : i32 to vector<16xi32>
        %broadcast_in_dim3A_232 = vector.shape_cast %broadcast_in_dim3A_231 : vector<16xi32> to vector<16x1xi32>
        %gather3A_233 = vector.shape_cast %broadcast_in_dim3A_232 : vector<16x1xi32> to vector<16xi32>
        %gather3A_234 = tpu.dynamic_gather %exp3A[%gather3A_233] in [0] : vector<16xf32>, vector<16xi32> -> vector<16xf32>
        %get3A_235 = arith.constant 0 : i32
        %get3A_236 = arith.index_cast %scan3A_174 : i32 to index
        %get3A_237 = arith.index_cast %get3A_235 : i32 to index
        %get3A_238 = arith.constant 0 : index
        %get3A_239 = tpu.vector_load %arg15[%get3A_236, %get3A_237, %get3A_238] {strides = array<i32>} : memref<64x8x16xf32, #tpu.memory_space<vmem>>, vector<1x1x16xf32>,
        %get3A_240 = vector.shape_cast %get3A_239 : vector<1x1x16xf32> to vector<16xf32>
        %mul3A_241 = arith.mulf %get3A_240, %gather3A_234 : vector<16xf32>
        %swap3A_242 = arith.index_cast %scan3A_174 : i32 to index
        %swap3A_243 = arith.constant 0 : index
        %swap3A_244 = tpu.vector_load %arg16[%swap3A_242, %swap3A_243] {strides = array<i32>} : memref<64x144xf32, #tpu.memory_space<vmem>>, vector<1x16xf32>,
        %swap3A_245 = vector.shape_cast %swap3A_244 : vector<1x16xf32> to vector<16xf32>
        %swap3A_246 = vector.shape_cast %mul3A_241 : vector<16xf32> to vector<1x16xf32>
        tpu.vector_store %arg16[%swap3A_242, %swap3A_243], %swap3A_246 {strides = array<i32>} : memref<64x144xf32, #tpu.memory_space<vmem>>, vector<1x16xf32>,
        %broadcast_in_dim3A_247 = arith.constant 1 : i32
        %broadcast_in_dim3A_248 = vector.broadcast %broadcast_in_dim3A_247 : i32 to vector<16xi32>
        %broadcast_in_dim3A_249 = vector.shape_cast %broadcast_in_dim3A_248 : vector<16xi32> to vector<16x1xi32>
        %gather3A_250 = vector.shape_cast %broadcast_in_dim3A_249 : vector<16x1xi32> to vector<16xi32>
        %gather3A_251 = tpu.dynamic_gather %exp3A[%gather3A_250] in [0] : vector<16xf32>, vector<16xi32> -> vector<16xf32>
        %get3A_252 = arith.constant 1 : i32
        %get3A_253 = arith.index_cast %scan3A_174 : i32 to index
        %get3A_254 = arith.index_cast %get3A_252 : i32 to index
        %get3A_255 = arith.constant 0 : index
        %get3A_256 = tpu.vector_load %arg15[%get3A_253, %get3A_254, %get3A_255] {strides = array<i32>} : memref<64x8x16xf32, #tpu.memory_space<vmem>>, vector<1x1x16xf32>,
        %get3A_257 = vector.shape_cast %get3A_256 : vector<1x1x16xf32> to vector<16xf32>
        %mul3A_258 = arith.mulf %get3A_257, %gather3A_251 : vector<16xf32>
        %swap3A_259 = arith.index_cast %scan3A_174 : i32 to index
        %swap3A_260 = arith.constant 16 : index
        %swap3A_261 = tpu.vector_load %arg16[%swap3A_259, %swap3A_260] {strides = array<i32>} : memref<64x144xf32, #tpu.memory_space<vmem>>, vector<1x16xf32>,
        %swap3A_262 = vector.shape_cast %swap3A_261 : vector<1x16xf32> to vector<16xf32>
        %swap3A_263 = vector.shape_cast %mul3A_258 : vector<16xf32> to vector<1x16xf32>
        tpu.vector_store %arg16[%swap3A_259, %swap3A_260], %swap3A_263 {strides = array<i32>} : memref<64x144xf32, #tpu.memory_space<vmem>>, vector<1x16xf32>,
        %broadcast_in_dim3A_264 = arith.constant 2 : i32
        %broadcast_in_dim3A_265 = vector.broadcast %broadcast_in_dim3A_264 : i32 to vector<16xi32>
        %broadcast_in_dim3A_266 = vector.shape_cast %broadcast_in_dim3A_265 : vector<16xi32> to vector<16x1xi32>
        %gather3A_267 = vector.shape_cast %broadcast_in_dim3A_266 : vector<16x1xi32> to vector<16xi32>
        %gather3A_268 = tpu.dynamic_gather %exp3A[%gather3A_267] in [0] : vector<16xf32>, vector<16xi32> -> vector<16xf32>
        %get3A_269 = arith.constant 2 : i32
        %get3A_270 = arith.index_cast %scan3A_174 : i32 to index
        %get3A_271 = arith.index_cast %get3A_269 : i32 to index
        %get3A_272 = arith.constant 0 : index
        %get3A_273 = tpu.vector_load %arg15[%get3A_270, %get3A_271, %get3A_272] {strides = array<i32>} : memref<64x8x16xf32, #tpu.memory_space<vmem>>, vector<1x1x16xf32>,
        %get3A_274 = vector.shape_cast %get3A_273 : vector<1x1x16xf32> to vector<16xf32>
        %mul3A_275 = arith.mulf %get3A_274, %gather3A_268 : vector<16xf32>
        %swap3A_276 = arith.index_cast %scan3A_174 : i32 to index
        %swap3A_277 = arith.constant 32 : index
        %swap3A_278 = tpu.vector_load %arg16[%swap3A_276, %swap3A_277] {strides = array<i32>} : memref<64x144xf32, #tpu.memory_space<vmem>>, vector<1x16xf32>,
        %swap3A_279 = vector.shape_cast %swap3A_278 : vector<1x16xf32> to vector<16xf32>
        %swap3A_280 = vector.shape_cast %mul3A_275 : vector<16xf32> to vector<1x16xf32>
        tpu.vector_store %arg16[%swap3A_276, %swap3A_277], %swap3A_280 {strides = array<i32>} : memref<64x144xf32, #tpu.memory_space<vmem>>, vector<1x16xf32>,
        %broadcast_in_dim3A_281 = arith.constant 3 : i32
        %broadcast_in_dim3A_282 = vector.broadcast %broadcast_in_dim3A_281 : i32 to vector<16xi32>
        %broadcast_in_dim3A_283 = vector.shape_cast %broadcast_in_dim3A_282 : vector<16xi32> to vector<16x1xi32>
        %gather3A_284 = vector.shape_cast %broadcast_in_dim3A_283 : vector<16x1xi32> to vector<16xi32>
        %gather3A_285 = tpu.dynamic_gather %exp3A[%gather3A_284] in [0] : vector<16xf32>, vector<16xi32> -> vector<16xf32>
        %get3A_286 = arith.constant 3 : i32
        %get3A_287 = arith.index_cast %scan3A_174 : i32 to index
        %get3A_288 = arith.index_cast %get3A_286 : i32 to index
        %get3A_289 = arith.constant 0 : index
        %get3A_290 = tpu.vector_load %arg15[%get3A_287, %get3A_288, %get3A_289] {strides = array<i32>} : memref<64x8x16xf32, #tpu.memory_space<vmem>>, vector<1x1x16xf32>,
        %get3A_291 = vector.shape_cast %get3A_290 : vector<1x1x16xf32> to vector<16xf32>
        %mul3A_292 = arith.mulf %get3A_291, %gather3A_285 : vector<16xf32>
        %swap3A_293 = arith.index_cast %scan3A_174 : i32 to index
        %swap3A_294 = arith.constant 48 : index
        %swap3A_295 = tpu.vector_load %arg16[%swap3A_293, %swap3A_294] {strides = array<i32>} : memref<64x144xf32, #tpu.memory_space<vmem>>, vector<1x16xf32>,
        %swap3A_296 = vector.shape_cast %swap3A_295 : vector<1x16xf32> to vector<16xf32>
        %swap3A_297 = vector.shape_cast %mul3A_292 : vector<16xf32> to vector<1x16xf32>
        tpu.vector_store %arg16[%swap3A_293, %swap3A_294], %swap3A_297 {strides = array<i32>} : memref<64x144xf32, #tpu.memory_space<vmem>>, vector<1x16xf32>,
        %broadcast_in_dim3A_298 = arith.constant 4 : i32
        %broadcast_in_dim3A_299 = vector.broadcast %broadcast_in_dim3A_298 : i32 to vector<16xi32>
        %broadcast_in_dim3A_300 = vector.shape_cast %broadcast_in_dim3A_299 : vector<16xi32> to vector<16x1xi32>
        %gather3A_301 = vector.shape_cast %broadcast_in_dim3A_300 : vector<16x1xi32> to vector<16xi32>
        %gather3A_302 = tpu.dynamic_gather %exp3A[%gather3A_301] in [0] : vector<16xf32>, vector<16xi32> -> vector<16xf32>
        %get3A_303 = arith.constant 4 : i32
        %get3A_304 = arith.index_cast %scan3A_174 : i32 to index
        %get3A_305 = arith.index_cast %get3A_303 : i32 to index
        %get3A_306 = arith.constant 0 : index
        %get3A_307 = tpu.vector_load %arg15[%get3A_304, %get3A_305, %get3A_306] {strides = array<i32>} : memref<64x8x16xf32, #tpu.memory_space<vmem>>, vector<1x1x16xf32>,
        %get3A_308 = vector.shape_cast %get3A_307 : vector<1x1x16xf32> to vector<16xf32>
        %mul3A_309 = arith.mulf %get3A_308, %gather3A_302 : vector<16xf32>
        %swap3A_310 = arith.index_cast %scan3A_174 : i32 to index
        %swap3A_311 = arith.constant 64 : index
        %swap3A_312 = tpu.vector_load %arg16[%swap3A_310, %swap3A_311] {strides = array<i32>} : memref<64x144xf32, #tpu.memory_space<vmem>>, vector<1x16xf32>,
        %swap3A_313 = vector.shape_cast %swap3A_312 : vector<1x16xf32> to vector<16xf32>
        %swap3A_314 = vector.shape_cast %mul3A_309 : vector<16xf32> to vector<1x16xf32>
        tpu.vector_store %arg16[%swap3A_310, %swap3A_311], %swap3A_314 {strides = array<i32>} : memref<64x144xf32, #tpu.memory_space<vmem>>, vector<1x16xf32>,
        %broadcast_in_dim3A_315 = arith.constant 5 : i32
        %broadcast_in_dim3A_316 = vector.broadcast %broadcast_in_dim3A_315 : i32 to vector<16xi32>
        %broadcast_in_dim3A_317 = vector.shape_cast %broadcast_in_dim3A_316 : vector<16xi32> to vector<16x1xi32>
        %gather3A_318 = vector.shape_cast %broadcast_in_dim3A_317 : vector<16x1xi32> to vector<16xi32>
        %gather3A_319 = tpu.dynamic_gather %exp3A[%gather3A_318] in [0] : vector<16xf32>, vector<16xi32> -> vector<16xf32>
        %get3A_320 = arith.constant 5 : i32
        %get3A_321 = arith.index_cast %scan3A_174 : i32 to index
        %get3A_322 = arith.index_cast %get3A_320 : i32 to index
        %get3A_323 = arith.constant 0 : index
        %get3A_324 = tpu.vector_load %arg15[%get3A_321, %get3A_322, %get3A_323] {strides = array<i32>} : memref<64x8x16xf32, #tpu.memory_space<vmem>>, vector<1x1x16xf32>,
        %get3A_325 = vector.shape_cast %get3A_324 : vector<1x1x16xf32> to vector<16xf32>
        %mul3A_326 = arith.mulf %get3A_325, %gather3A_319 : vector<16xf32>
        %swap3A_327 = arith.index_cast %scan3A_174 : i32 to index
        %swap3A_328 = arith.constant 80 : index
        %swap3A_329 = tpu.vector_load %arg16[%swap3A_327, %swap3A_328] {strides = array<i32>} : memref<64x144xf32, #tpu.memory_space<vmem>>, vector<1x16xf32>,
        %swap3A_330 = vector.shape_cast %swap3A_329 : vector<1x16xf32> to vector<16xf32>
        %swap3A_331 = vector.shape_cast %mul3A_326 : vector<16xf32> to vector<1x16xf32>
        tpu.vector_store %arg16[%swap3A_327, %swap3A_328], %swap3A_331 {strides = array<i32>} : memref<64x144xf32, #tpu.memory_space<vmem>>, vector<1x16xf32>,
        %broadcast_in_dim3A_332 = arith.constant 6 : i32
        %broadcast_in_dim3A_333 = vector.broadcast %broadcast_in_dim3A_332 : i32 to vector<16xi32>
        %broadcast_in_dim3A_334 = vector.shape_cast %broadcast_in_dim3A_333 : vector<16xi32> to vector<16x1xi32>
        %gather3A_335 = vector.shape_cast %broadcast_in_dim3A_334 : vector<16x1xi32> to vector<16xi32>
        %gather3A_336 = tpu.dynamic_gather %exp3A[%gather3A_335] in [0] : vector<16xf32>, vector<16xi32> -> vector<16xf32>
        %get3A_337 = arith.constant 6 : i32
        %get3A_338 = arith.index_cast %scan3A_174 : i32 to index
        %get3A_339 = arith.index_cast %get3A_337 : i32 to index
        %get3A_340 = arith.constant 0 : index
        %get3A_341 = tpu.vector_load %arg15[%get3A_338, %get3A_339, %get3A_340] {strides = array<i32>} : memref<64x8x16xf32, #tpu.memory_space<vmem>>, vector<1x1x16xf32>,
        %get3A_342 = vector.shape_cast %get3A_341 : vector<1x1x16xf32> to vector<16xf32>
        %mul3A_343 = arith.mulf %get3A_342, %gather3A_336 : vector<16xf32>
        %swap3A_344 = arith.index_cast %scan3A_174 : i32 to index
        %swap3A_345 = arith.constant 96 : index
        %swap3A_346 = tpu.vector_load %arg16[%swap3A_344, %swap3A_345] {strides = array<i32>} : memref<64x144xf32, #tpu.memory_space<vmem>>, vector<1x16xf32>,
        %swap3A_347 = vector.shape_cast %swap3A_346 : vector<1x16xf32> to vector<16xf32>
        %swap3A_348 = vector.shape_cast %mul3A_343 : vector<16xf32> to vector<1x16xf32>
        tpu.vector_store %arg16[%swap3A_344, %swap3A_345], %swap3A_348 {strides = array<i32>} : memref<64x144xf32, #tpu.memory_space<vmem>>, vector<1x16xf32>,
        %broadcast_in_dim3A_349 = arith.constant 7 : i32
        %broadcast_in_dim3A_350 = vector.broadcast %broadcast_in_dim3A_349 : i32 to vector<16xi32>
        %broadcast_in_dim3A_351 = vector.shape_cast %broadcast_in_dim3A_350 : vector<16xi32> to vector<16x1xi32>
        %gather3A_352 = vector.shape_cast %broadcast_in_dim3A_351 : vector<16x1xi32> to vector<16xi32>
        %gather3A_353 = tpu.dynamic_gather %exp3A[%gather3A_352] in [0] : vector<16xf32>, vector<16xi32> -> vector<16xf32>
        %get3A_354 = arith.constant 7 : i32
        %get3A_355 = arith.index_cast %scan3A_174 : i32 to index
        %get3A_356 = arith.index_cast %get3A_354 : i32 to index
        %get3A_357 = arith.constant 0 : index
        %get3A_358 = tpu.vector_load %arg15[%get3A_355, %get3A_356, %get3A_357] {strides = array<i32>} : memref<64x8x16xf32, #tpu.memory_space<vmem>>, vector<1x1x16xf32>,
        %get3A_359 = vector.shape_cast %get3A_358 : vector<1x1x16xf32> to vector<16xf32>
        %mul3A_360 = arith.mulf %get3A_359, %gather3A_353 : vector<16xf32>
        %swap3A_361 = arith.index_cast %scan3A_174 : i32 to index
        %swap3A_362 = arith.constant 112 : index
        %swap3A_363 = tpu.vector_load %arg16[%swap3A_361, %swap3A_362] {strides = array<i32>} : memref<64x144xf32, #tpu.memory_space<vmem>>, vector<1x16xf32>,
        %swap3A_364 = vector.shape_cast %swap3A_363 : vector<1x16xf32> to vector<16xf32>
        %swap3A_365 = vector.shape_cast %mul3A_360 : vector<16xf32> to vector<1x16xf32>
        tpu.vector_store %arg16[%swap3A_361, %swap3A_362], %swap3A_365 {strides = array<i32>} : memref<64x144xf32, #tpu.memory_space<vmem>>, vector<1x16xf32>,
        %scan3A_366 = arith.constant 0 : i32
        scf.yield %scan3A_366 : i32
      }
      %scan3A_172 = arith.constant 64 : i32
      %run_scoped3A = arith.constant 0 : i32
      "tpu.region"() ({
        %run_scoped3A_174 = tpu.sem_alloc : memref<!tpu.dma_semaphore, #tpu.memory_space<semaphore_mem>>
        %dma_start3A_175 = arith.constant 0 : i32
        %dma_start3A_176 = tpu.memref_slice %arg11[%run_scoped3A, %dma_start3A_175] : memref<1x64xi32, #tpu.memory_space<vmem>> -> memref<1x64xi32, #tpu.memory_space<vmem>>
        %dma_start3A_177 = tpu.memref_squeeze %dma_start3A_176 : memref<1x64xi32, #tpu.memory_space<vmem>> -> memref<64xi32, #tpu.memory_space<vmem>>
        %dma_start3A_178 = arith.constant 0 : i32
        %dma_start3A_179 = arith.constant 0 : i32
        %dma_start3A_180 = tpu.memref_slice %arg9[%dma_start3A_178, %dma_start3A_179] : memref<10112x144xf32, #tpu.memory_space<vmem_shared>> -> memref<10112x144xf32, #tpu.memory_space<vmem_shared>>
        tpu.enqueue_indirect_dma source(%arg16 : memref<64x144xf32, #tpu.memory_space<vmem>>) target(%dma_start3A_180 : memref<10112x144xf32, #tpu.memory_space<vmem_shared>>) offsets(%dma_start3A_177 : memref<64xi32, #tpu.memory_space<vmem>>) semaphore(%run_scoped3A_174 : memref<!tpu.dma_semaphore, #tpu.memory_space<semaphore_mem>>) {add = true}
        %dma_wait3A_181 = arith.constant 0 : i32
        %dma_wait3A_182 = tpu.memref_slice %arg11[%run_scoped3A, %dma_wait3A_181] : memref<1x64xi32, #tpu.memory_space<vmem>> -> memref<1x64xi32, #tpu.memory_space<vmem>>
        %dma_wait3A_183 = tpu.memref_squeeze %dma_wait3A_182 : memref<1x64xi32, #tpu.memory_space<vmem>> -> memref<64xi32, #tpu.memory_space<vmem>>
        %dma_wait3A_184 = arith.constant 0 : i32
        %dma_wait3A_185 = arith.constant 0 : i32
        %dma_wait3A_186 = tpu.memref_slice %arg9[%dma_wait3A_184, %dma_wait3A_185] : memref<10112x144xf32, #tpu.memory_space<vmem_shared>> -> memref<10112x144xf32, #tpu.memory_space<vmem_shared>>
        tpu.wait_indirect_dma semaphore(%run_scoped3A_174 : memref<!tpu.dma_semaphore, #tpu.memory_space<semaphore_mem>>) src(%arg16 : memref<64x144xf32, #tpu.memory_space<vmem>>) dst(%dma_wait3A_186 : memref<10112x144xf32, #tpu.memory_space<vmem_shared>>)
        tpu.yield
      }) : () -> ()
      %scan3A_173 = arith.constant 0 : i32
      scf.yield %scan3A_173 : i32
    }
    %scan3A_35 = arith.constant 158 : i32
    %barrier3A_36 = arith.constant 0 : index
    tpu.barrier barrier_id(%barrier3A_36)
    %add3A_37 = arith.constant 0 : i32
    %add3A_38 = arith.addi %mul3A_8, %add3A_37 : i32
    %add3A_39 = arith.constant 0 : i32
    %add3A_40 = arith.addi %mul3A_8, %add3A_39 : i32
    "tpu.region"() ({
      %run_scoped3A = tpu.sem_alloc : memref<!tpu.dma_semaphore, #tpu.memory_space<semaphore_mem>>
      %dma_start3A = arith.constant 0 : i32
      %dma_start3A_77 = tpu.memref_slice %arg8[%arg0, %add3A_40, %dma_start3A] : memref<2x10112x144xf32, #tpu.memory_space<hbm>> -> memref<1x64x144xf32, #tpu.memory_space<hbm>>
      %dma_start3A_78 = tpu.memref_squeeze %dma_start3A_77 : memref<1x64x144xf32, #tpu.memory_space<hbm>> -> memref<64x144xf32, #tpu.memory_space<hbm>>
      %dma_start3A_79 = arith.constant 0 : i32
      %dma_start3A_80 = tpu.memref_slice %arg9[%add3A_38, %dma_start3A_79] : memref<10112x144xf32, #tpu.memory_space<vmem_shared>> -> memref<64x144xf32, #tpu.memory_space<vmem_shared>>
      tpu.enqueue_dma source(%dma_start3A_80 : memref<64x144xf32, #tpu.memory_space<vmem_shared>>) target(%dma_start3A_78 : memref<64x144xf32, #tpu.memory_space<hbm>>) target_semaphore(%run_scoped3A : memref<!tpu.dma_semaphore, #tpu.memory_space<semaphore_mem>>)
      %dma_wait3A = arith.constant 0 : i32
      %dma_wait3A_81 = tpu.memref_slice %arg8[%arg0, %add3A_40, %dma_wait3A] : memref<2x10112x144xf32, #tpu.memory_space<hbm>> -> memref<1x64x144xf32, #tpu.memory_space<hbm>>
      %dma_wait3A_82 = tpu.memref_squeeze %dma_wait3A_81 : memref<1x64x144xf32, #tpu.memory_space<hbm>> -> memref<64x144xf32, #tpu.memory_space<hbm>>
      %dma_wait3A_83 = arith.constant 0 : i32
      %dma_wait3A_84 = tpu.memref_slice %arg9[%add3A_38, %dma_wait3A_83] : memref<10112x144xf32, #tpu.memory_space<vmem_shared>> -> memref<64x144xf32, #tpu.memory_space<vmem_shared>>
      tpu.wait_dma2 semaphore(%run_scoped3A : memref<!tpu.dma_semaphore, #tpu.memory_space<semaphore_mem>>) src(%dma_wait3A_84 : memref<64x144xf32, #tpu.memory_space<vmem_shared>>) dst(%dma_wait3A_82 : memref<64x144xf32, #tpu.memory_space<hbm>>)
      tpu.yield
    }) : () -> ()
    %add3A_41 = arith.constant 64 : i32
    %add3A_42 = arith.addi %mul3A_8, %add3A_41 : i32
    %add3A_43 = arith.constant 64 : i32
    %add3A_44 = arith.addi %mul3A_8, %add3A_43 : i32
    "tpu.region"() ({
      %run_scoped3A = tpu.sem_alloc : memref<!tpu.dma_semaphore, #tpu.memory_space<semaphore_mem>>
      %dma_start3A = arith.constant 0 : i32
      %dma_start3A_77 = tpu.memref_slice %arg8[%arg0, %add3A_44, %dma_start3A] : memref<2x10112x144xf32, #tpu.memory_space<hbm>> -> memref<1x64x144xf32, #tpu.memory_space<hbm>>
      %dma_start3A_78 = tpu.memref_squeeze %dma_start3A_77 : memref<1x64x144xf32, #tpu.memory_space<hbm>> -> memref<64x144xf32, #tpu.memory_space<hbm>>
      %dma_start3A_79 = arith.constant 0 : i32
      %dma_start3A_80 = tpu.memref_slice %arg9[%add3A_42, %dma_start3A_79] : memref<10112x144xf32, #tpu.memory_space<vmem_shared>> -> memref<64x144xf32, #tpu.memory_space<vmem_shared>>
      tpu.enqueue_dma source(%dma_start3A_80 : memref<64x144xf32, #tpu.memory_space<vmem_shared>>) target(%dma_start3A_78 : memref<64x144xf32, #tpu.memory_space<hbm>>) target_semaphore(%run_scoped3A : memref<!tpu.dma_semaphore, #tpu.memory_space<semaphore_mem>>)
      %dma_wait3A = arith.constant 0 : i32
      %dma_wait3A_81 = tpu.memref_slice %arg8[%arg0, %add3A_44, %dma_wait3A] : memref<2x10112x144xf32, #tpu.memory_space<hbm>> -> memref<1x64x144xf32, #tpu.memory_space<hbm>>
      %dma_wait3A_82 = tpu.memref_squeeze %dma_wait3A_81 : memref<1x64x144xf32, #tpu.memory_space<hbm>> -> memref<64x144xf32, #tpu.memory_space<hbm>>
      %dma_wait3A_83 = arith.constant 0 : i32
      %dma_wait3A_84 = tpu.memref_slice %arg9[%add3A_42, %dma_wait3A_83] : memref<10112x144xf32, #tpu.memory_space<vmem_shared>> -> memref<64x144xf32, #tpu.memory_space<vmem_shared>>
      tpu.wait_dma2 semaphore(%run_scoped3A : memref<!tpu.dma_semaphore, #tpu.memory_space<semaphore_mem>>) src(%dma_wait3A_84 : memref<64x144xf32, #tpu.memory_space<vmem_shared>>) dst(%dma_wait3A_82 : memref<64x144xf32, #tpu.memory_space<hbm>>)
      tpu.yield
    }) : () -> ()
    %add3A_45 = arith.constant 128 : i32
    %add3A_46 = arith.addi %mul3A_8, %add3A_45 : i32
    %add3A_47 = arith.constant 128 : i32
    %add3A_48 = arith.addi %mul3A_8, %add3A_47 : i32
    "tpu.region"() ({
      %run_scoped3A = tpu.sem_alloc : memref<!tpu.dma_semaphore, #tpu.memory_space<semaphore_mem>>
      %dma_start3A = arith.constant 0 : i32
      %dma_start3A_77 = tpu.memref_slice %arg8[%arg0, %add3A_48, %dma_start3A] : memref<2x10112x144xf32, #tpu.memory_space<hbm>> -> memref<1x64x144xf32, #tpu.memory_space<hbm>>
      %dma_start3A_78 = tpu.memref_squeeze %dma_start3A_77 : memref<1x64x144xf32, #tpu.memory_space<hbm>> -> memref<64x144xf32, #tpu.memory_space<hbm>>
      %dma_start3A_79 = arith.constant 0 : i32
      %dma_start3A_80 = tpu.memref_slice %arg9[%add3A_46, %dma_start3A_79] : memref<10112x144xf32, #tpu.memory_space<vmem_shared>> -> memref<64x144xf32, #tpu.memory_space<vmem_shared>>
      tpu.enqueue_dma source(%dma_start3A_80 : memref<64x144xf32, #tpu.memory_space<vmem_shared>>) target(%dma_start3A_78 : memref<64x144xf32, #tpu.memory_space<hbm>>) target_semaphore(%run_scoped3A : memref<!tpu.dma_semaphore, #tpu.memory_space<semaphore_mem>>)
      %dma_wait3A = arith.constant 0 : i32
      %dma_wait3A_81 = tpu.memref_slice %arg8[%arg0, %add3A_48, %dma_wait3A] : memref<2x10112x144xf32, #tpu.memory_space<hbm>> -> memref<1x64x144xf32, #tpu.memory_space<hbm>>
      %dma_wait3A_82 = tpu.memref_squeeze %dma_wait3A_81 : memref<1x64x144xf32, #tpu.memory_space<hbm>> -> memref<64x144xf32, #tpu.memory_space<hbm>>
      %dma_wait3A_83 = arith.constant 0 : i32
      %dma_wait3A_84 = tpu.memref_slice %arg9[%add3A_46, %dma_wait3A_83] : memref<10112x144xf32, #tpu.memory_space<vmem_shared>> -> memref<64x144xf32, #tpu.memory_space<vmem_shared>>
      tpu.wait_dma2 semaphore(%run_scoped3A : memref<!tpu.dma_semaphore, #tpu.memory_space<semaphore_mem>>) src(%dma_wait3A_84 : memref<64x144xf32, #tpu.memory_space<vmem_shared>>) dst(%dma_wait3A_82 : memref<64x144xf32, #tpu.memory_space<hbm>>)
      tpu.yield
    }) : () -> ()
    %add3A_49 = arith.constant 192 : i32
    %add3A_50 = arith.addi %mul3A_8, %add3A_49 : i32
    %add3A_51 = arith.constant 192 : i32
    %add3A_52 = arith.addi %mul3A_8, %add3A_51 : i32
    "tpu.region"() ({
      %run_scoped3A = tpu.sem_alloc : memref<!tpu.dma_semaphore, #tpu.memory_space<semaphore_mem>>
      %dma_start3A = arith.constant 0 : i32
      %dma_start3A_77 = tpu.memref_slice %arg8[%arg0, %add3A_52, %dma_start3A] : memref<2x10112x144xf32, #tpu.memory_space<hbm>> -> memref<1x64x144xf32, #tpu.memory_space<hbm>>
      %dma_start3A_78 = tpu.memref_squeeze %dma_start3A_77 : memref<1x64x144xf32, #tpu.memory_space<hbm>> -> memref<64x144xf32, #tpu.memory_space<hbm>>
      %dma_start3A_79 = arith.constant 0 : i32
      %dma_start3A_80 = tpu.memref_slice %arg9[%add3A_50, %dma_start3A_79] : memref<10112x144xf32, #tpu.memory_space<vmem_shared>> -> memref<64x144xf32, #tpu.memory_space<vmem_shared>>
      tpu.enqueue_dma source(%dma_start3A_80 : memref<64x144xf32, #tpu.memory_space<vmem_shared>>) target(%dma_start3A_78 : memref<64x144xf32, #tpu.memory_space<hbm>>) target_semaphore(%run_scoped3A : memref<!tpu.dma_semaphore, #tpu.memory_space<semaphore_mem>>)
      %dma_wait3A = arith.constant 0 : i32
      %dma_wait3A_81 = tpu.memref_slice %arg8[%arg0, %add3A_52, %dma_wait3A] : memref<2x10112x144xf32, #tpu.memory_space<hbm>> -> memref<1x64x144xf32, #tpu.memory_space<hbm>>
      %dma_wait3A_82 = tpu.memref_squeeze %dma_wait3A_81 : memref<1x64x144xf32, #tpu.memory_space<hbm>> -> memref<64x144xf32, #tpu.memory_space<hbm>>
      %dma_wait3A_83 = arith.constant 0 : i32
      %dma_wait3A_84 = tpu.memref_slice %arg9[%add3A_50, %dma_wait3A_83] : memref<10112x144xf32, #tpu.memory_space<vmem_shared>> -> memref<64x144xf32, #tpu.memory_space<vmem_shared>>
      tpu.wait_dma2 semaphore(%run_scoped3A : memref<!tpu.dma_semaphore, #tpu.memory_space<semaphore_mem>>) src(%dma_wait3A_84 : memref<64x144xf32, #tpu.memory_space<vmem_shared>>) dst(%dma_wait3A_82 : memref<64x144xf32, #tpu.memory_space<hbm>>)
      tpu.yield
    }) : () -> ()
    %add3A_53 = arith.constant 256 : i32
    %add3A_54 = arith.addi %mul3A_8, %add3A_53 : i32
    %add3A_55 = arith.constant 256 : i32
    %add3A_56 = arith.addi %mul3A_8, %add3A_55 : i32
    "tpu.region"() ({
      %run_scoped3A = tpu.sem_alloc : memref<!tpu.dma_semaphore, #tpu.memory_space<semaphore_mem>>
      %dma_start3A = arith.constant 0 : i32
      %dma_start3A_77 = tpu.memref_slice %arg8[%arg0, %add3A_56, %dma_start3A] : memref<2x10112x144xf32, #tpu.memory_space<hbm>> -> memref<1x64x144xf32, #tpu.memory_space<hbm>>
      %dma_start3A_78 = tpu.memref_squeeze %dma_start3A_77 : memref<1x64x144xf32, #tpu.memory_space<hbm>> -> memref<64x144xf32, #tpu.memory_space<hbm>>
      %dma_start3A_79 = arith.constant 0 : i32
      %dma_start3A_80 = tpu.memref_slice %arg9[%add3A_54, %dma_start3A_79] : memref<10112x144xf32, #tpu.memory_space<vmem_shared>> -> memref<64x144xf32, #tpu.memory_space<vmem_shared>>
      tpu.enqueue_dma source(%dma_start3A_80 : memref<64x144xf32, #tpu.memory_space<vmem_shared>>) target(%dma_start3A_78 : memref<64x144xf32, #tpu.memory_space<hbm>>) target_semaphore(%run_scoped3A : memref<!tpu.dma_semaphore, #tpu.memory_space<semaphore_mem>>)
      %dma_wait3A = arith.constant 0 : i32
      %dma_wait3A_81 = tpu.memref_slice %arg8[%arg0, %add3A_56, %dma_wait3A] : memref<2x10112x144xf32, #tpu.memory_space<hbm>> -> memref<1x64x144xf32, #tpu.memory_space<hbm>>
      %dma_wait3A_82 = tpu.memref_squeeze %dma_wait3A_81 : memref<1x64x144xf32, #tpu.memory_space<hbm>> -> memref<64x144xf32, #tpu.memory_space<hbm>>
      %dma_wait3A_83 = arith.constant 0 : i32
      %dma_wait3A_84 = tpu.memref_slice %arg9[%add3A_54, %dma_wait3A_83] : memref<10112x144xf32, #tpu.memory_space<vmem_shared>> -> memref<64x144xf32, #tpu.memory_space<vmem_shared>>
      tpu.wait_dma2 semaphore(%run_scoped3A : memref<!tpu.dma_semaphore, #tpu.memory_space<semaphore_mem>>) src(%dma_wait3A_84 : memref<64x144xf32, #tpu.memory_space<vmem_shared>>) dst(%dma_wait3A_82 : memref<64x144xf32, #tpu.memory_space<hbm>>)
      tpu.yield
    }) : () -> ()
    %add3A_57 = arith.constant 320 : i32
    %add3A_58 = arith.addi %mul3A_8, %add3A_57 : i32
    %add3A_59 = arith.constant 320 : i32
    %add3A_60 = arith.addi %mul3A_8, %add3A_59 : i32
    "tpu.region"() ({
      %run_scoped3A = tpu.sem_alloc : memref<!tpu.dma_semaphore, #tpu.memory_space<semaphore_mem>>
      %dma_start3A = arith.constant 0 : i32
      %dma_start3A_77 = tpu.memref_slice %arg8[%arg0, %add3A_60, %dma_start3A] : memref<2x10112x144xf32, #tpu.memory_space<hbm>> -> memref<1x64x144xf32, #tpu.memory_space<hbm>>
      %dma_start3A_78 = tpu.memref_squeeze %dma_start3A_77 : memref<1x64x144xf32, #tpu.memory_space<hbm>> -> memref<64x144xf32, #tpu.memory_space<hbm>>
      %dma_start3A_79 = arith.constant 0 : i32
      %dma_start3A_80 = tpu.memref_slice %arg9[%add3A_58, %dma_start3A_79] : memref<10112x144xf32, #tpu.memory_space<vmem_shared>> -> memref<64x144xf32, #tpu.memory_space<vmem_shared>>
      tpu.enqueue_dma source(%dma_start3A_80 : memref<64x144xf32, #tpu.memory_space<vmem_shared>>) target(%dma_start3A_78 : memref<64x144xf32, #tpu.memory_space<hbm>>) target_semaphore(%run_scoped3A : memref<!tpu.dma_semaphore, #tpu.memory_space<semaphore_mem>>)
      %dma_wait3A = arith.constant 0 : i32
      %dma_wait3A_81 = tpu.memref_slice %arg8[%arg0, %add3A_60, %dma_wait3A] : memref<2x10112x144xf32, #tpu.memory_space<hbm>> -> memref<1x64x144xf32, #tpu.memory_space<hbm>>
      %dma_wait3A_82 = tpu.memref_squeeze %dma_wait3A_81 : memref<1x64x144xf32, #tpu.memory_space<hbm>> -> memref<64x144xf32, #tpu.memory_space<hbm>>
      %dma_wait3A_83 = arith.constant 0 : i32
      %dma_wait3A_84 = tpu.memref_slice %arg9[%add3A_58, %dma_wait3A_83] : memref<10112x144xf32, #tpu.memory_space<vmem_shared>> -> memref<64x144xf32, #tpu.memory_space<vmem_shared>>
      tpu.wait_dma2 semaphore(%run_scoped3A : memref<!tpu.dma_semaphore, #tpu.memory_space<semaphore_mem>>) src(%dma_wait3A_84 : memref<64x144xf32, #tpu.memory_space<vmem_shared>>) dst(%dma_wait3A_82 : memref<64x144xf32, #tpu.memory_space<hbm>>)
      tpu.yield
    }) : () -> ()
    %add3A_61 = arith.constant 384 : i32
    %add3A_62 = arith.addi %mul3A_8, %add3A_61 : i32
    %add3A_63 = arith.constant 384 : i32
    %add3A_64 = arith.addi %mul3A_8, %add3A_63 : i32
    "tpu.region"() ({
      %run_scoped3A = tpu.sem_alloc : memref<!tpu.dma_semaphore, #tpu.memory_space<semaphore_mem>>
      %dma_start3A = arith.constant 0 : i32
      %dma_start3A_77 = tpu.memref_slice %arg8[%arg0, %add3A_64, %dma_start3A] : memref<2x10112x144xf32, #tpu.memory_space<hbm>> -> memref<1x64x144xf32, #tpu.memory_space<hbm>>
      %dma_start3A_78 = tpu.memref_squeeze %dma_start3A_77 : memref<1x64x144xf32, #tpu.memory_space<hbm>> -> memref<64x144xf32, #tpu.memory_space<hbm>>
      %dma_start3A_79 = arith.constant 0 : i32
      %dma_start3A_80 = tpu.memref_slice %arg9[%add3A_62, %dma_start3A_79] : memref<10112x144xf32, #tpu.memory_space<vmem_shared>> -> memref<64x144xf32, #tpu.memory_space<vmem_shared>>
      tpu.enqueue_dma source(%dma_start3A_80 : memref<64x144xf32, #tpu.memory_space<vmem_shared>>) target(%dma_start3A_78 : memref<64x144xf32, #tpu.memory_space<hbm>>) target_semaphore(%run_scoped3A : memref<!tpu.dma_semaphore, #tpu.memory_space<semaphore_mem>>)
      %dma_wait3A = arith.constant 0 : i32
      %dma_wait3A_81 = tpu.memref_slice %arg8[%arg0, %add3A_64, %dma_wait3A] : memref<2x10112x144xf32, #tpu.memory_space<hbm>> -> memref<1x64x144xf32, #tpu.memory_space<hbm>>
      %dma_wait3A_82 = tpu.memref_squeeze %dma_wait3A_81 : memref<1x64x144xf32, #tpu.memory_space<hbm>> -> memref<64x144xf32, #tpu.memory_space<hbm>>
      %dma_wait3A_83 = arith.constant 0 : i32
      %dma_wait3A_84 = tpu.memref_slice %arg9[%add3A_62, %dma_wait3A_83] : memref<10112x144xf32, #tpu.memory_space<vmem_shared>> -> memref<64x144xf32, #tpu.memory_space<vmem_shared>>
      tpu.wait_dma2 semaphore(%run_scoped3A : memref<!tpu.dma_semaphore, #tpu.memory_space<semaphore_mem>>) src(%dma_wait3A_84 : memref<64x144xf32, #tpu.memory_space<vmem_shared>>) dst(%dma_wait3A_82 : memref<64x144xf32, #tpu.memory_space<hbm>>)
      tpu.yield
    }) : () -> ()
    %add3A_65 = arith.constant 448 : i32
    %add3A_66 = arith.addi %mul3A_8, %add3A_65 : i32
    %add3A_67 = arith.constant 448 : i32
    %add3A_68 = arith.addi %mul3A_8, %add3A_67 : i32
    "tpu.region"() ({
      %run_scoped3A = tpu.sem_alloc : memref<!tpu.dma_semaphore, #tpu.memory_space<semaphore_mem>>
      %dma_start3A = arith.constant 0 : i32
      %dma_start3A_77 = tpu.memref_slice %arg8[%arg0, %add3A_68, %dma_start3A] : memref<2x10112x144xf32, #tpu.memory_space<hbm>> -> memref<1x64x144xf32, #tpu.memory_space<hbm>>
      %dma_start3A_78 = tpu.memref_squeeze %dma_start3A_77 : memref<1x64x144xf32, #tpu.memory_space<hbm>> -> memref<64x144xf32, #tpu.memory_space<hbm>>
      %dma_start3A_79 = arith.constant 0 : i32
      %dma_start3A_80 = tpu.memref_slice %arg9[%add3A_66, %dma_start3A_79] : memref<10112x144xf32, #tpu.memory_space<vmem_shared>> -> memref<64x144xf32, #tpu.memory_space<vmem_shared>>
      tpu.enqueue_dma source(%dma_start3A_80 : memref<64x144xf32, #tpu.memory_space<vmem_shared>>) target(%dma_start3A_78 : memref<64x144xf32, #tpu.memory_space<hbm>>) target_semaphore(%run_scoped3A : memref<!tpu.dma_semaphore, #tpu.memory_space<semaphore_mem>>)
      %dma_wait3A = arith.constant 0 : i32
      %dma_wait3A_81 = tpu.memref_slice %arg8[%arg0, %add3A_68, %dma_wait3A] : memref<2x10112x144xf32, #tpu.memory_space<hbm>> -> memref<1x64x144xf32, #tpu.memory_space<hbm>>
      %dma_wait3A_82 = tpu.memref_squeeze %dma_wait3A_81 : memref<1x64x144xf32, #tpu.memory_space<hbm>> -> memref<64x144xf32, #tpu.memory_space<hbm>>
      %dma_wait3A_83 = arith.constant 0 : i32
      %dma_wait3A_84 = tpu.memref_slice %arg9[%add3A_66, %dma_wait3A_83] : memref<10112x144xf32, #tpu.memory_space<vmem_shared>> -> memref<64x144xf32, #tpu.memory_space<vmem_shared>>
      tpu.wait_dma2 semaphore(%run_scoped3A : memref<!tpu.dma_semaphore, #tpu.memory_space<semaphore_mem>>) src(%dma_wait3A_84 : memref<64x144xf32, #tpu.memory_space<vmem_shared>>) dst(%dma_wait3A_82 : memref<64x144xf32, #tpu.memory_space<hbm>>)
      tpu.yield
    }) : () -> ()
    %add3A_69 = arith.constant 512 : i32
    %add3A_70 = arith.addi %mul3A_8, %add3A_69 : i32
    %add3A_71 = arith.constant 512 : i32
    %add3A_72 = arith.addi %mul3A_8, %add3A_71 : i32
    "tpu.region"() ({
      %run_scoped3A = tpu.sem_alloc : memref<!tpu.dma_semaphore, #tpu.memory_space<semaphore_mem>>
      %dma_start3A = arith.constant 0 : i32
      %dma_start3A_77 = tpu.memref_slice %arg8[%arg0, %add3A_72, %dma_start3A] : memref<2x10112x144xf32, #tpu.memory_space<hbm>> -> memref<1x64x144xf32, #tpu.memory_space<hbm>>
      %dma_start3A_78 = tpu.memref_squeeze %dma_start3A_77 : memref<1x64x144xf32, #tpu.memory_space<hbm>> -> memref<64x144xf32, #tpu.memory_space<hbm>>
      %dma_start3A_79 = arith.constant 0 : i32
      %dma_start3A_80 = tpu.memref_slice %arg9[%add3A_70, %dma_start3A_79] : memref<10112x144xf32, #tpu.memory_space<vmem_shared>> -> memref<64x144xf32, #tpu.memory_space<vmem_shared>>
      tpu.enqueue_dma source(%dma_start3A_80 : memref<64x144xf32, #tpu.memory_space<vmem_shared>>) target(%dma_start3A_78 : memref<64x144xf32, #tpu.memory_space<hbm>>) target_semaphore(%run_scoped3A : memref<!tpu.dma_semaphore, #tpu.memory_space<semaphore_mem>>)
      %dma_wait3A = arith.constant 0 : i32
      %dma_wait3A_81 = tpu.memref_slice %arg8[%arg0, %add3A_72, %dma_wait3A] : memref<2x10112x144xf32, #tpu.memory_space<hbm>> -> memref<1x64x144xf32, #tpu.memory_space<hbm>>
      %dma_wait3A_82 = tpu.memref_squeeze %dma_wait3A_81 : memref<1x64x144xf32, #tpu.memory_space<hbm>> -> memref<64x144xf32, #tpu.memory_space<hbm>>
      %dma_wait3A_83 = arith.constant 0 : i32
      %dma_wait3A_84 = tpu.memref_slice %arg9[%add3A_70, %dma_wait3A_83] : memref<10112x144xf32, #tpu.memory_space<vmem_shared>> -> memref<64x144xf32, #tpu.memory_space<vmem_shared>>
      tpu.wait_dma2 semaphore(%run_scoped3A : memref<!tpu.dma_semaphore, #tpu.memory_space<semaphore_mem>>) src(%dma_wait3A_84 : memref<64x144xf32, #tpu.memory_space<vmem_shared>>) dst(%dma_wait3A_82 : memref<64x144xf32, #tpu.memory_space<hbm>>)
      tpu.yield
    }) : () -> ()
    %add3A_73 = arith.constant 576 : i32
    %add3A_74 = arith.addi %mul3A_8, %add3A_73 : i32
    %add3A_75 = arith.constant 576 : i32
    %add3A_76 = arith.addi %mul3A_8, %add3A_75 : i32
    "tpu.region"() ({
      %run_scoped3A = tpu.sem_alloc : memref<!tpu.dma_semaphore, #tpu.memory_space<semaphore_mem>>
      %dma_start3A = arith.constant 0 : i32
      %dma_start3A_77 = tpu.memref_slice %arg8[%arg0, %add3A_76, %dma_start3A] : memref<2x10112x144xf32, #tpu.memory_space<hbm>> -> memref<1x56x144xf32, #tpu.memory_space<hbm>>
      %dma_start3A_78 = tpu.memref_squeeze %dma_start3A_77 : memref<1x56x144xf32, #tpu.memory_space<hbm>> -> memref<56x144xf32, #tpu.memory_space<hbm>>
      %dma_start3A_79 = arith.constant 0 : i32
      %dma_start3A_80 = tpu.memref_slice %arg9[%add3A_74, %dma_start3A_79] : memref<10112x144xf32, #tpu.memory_space<vmem_shared>> -> memref<56x144xf32, #tpu.memory_space<vmem_shared>>
      tpu.enqueue_dma source(%dma_start3A_80 : memref<56x144xf32, #tpu.memory_space<vmem_shared>>) target(%dma_start3A_78 : memref<56x144xf32, #tpu.memory_space<hbm>>) target_semaphore(%run_scoped3A : memref<!tpu.dma_semaphore, #tpu.memory_space<semaphore_mem>>)
      %dma_wait3A = arith.constant 0 : i32
      %dma_wait3A_81 = tpu.memref_slice %arg8[%arg0, %add3A_76, %dma_wait3A] : memref<2x10112x144xf32, #tpu.memory_space<hbm>> -> memref<1x56x144xf32, #tpu.memory_space<hbm>>
      %dma_wait3A_82 = tpu.memref_squeeze %dma_wait3A_81 : memref<1x56x144xf32, #tpu.memory_space<hbm>> -> memref<56x144xf32, #tpu.memory_space<hbm>>
      %dma_wait3A_83 = arith.constant 0 : i32
      %dma_wait3A_84 = tpu.memref_slice %arg9[%add3A_74, %dma_wait3A_83] : memref<10112x144xf32, #tpu.memory_space<vmem_shared>> -> memref<56x144xf32, #tpu.memory_space<vmem_shared>>
      tpu.wait_dma2 semaphore(%run_scoped3A : memref<!tpu.dma_semaphore, #tpu.memory_space<semaphore_mem>>) src(%dma_wait3A_84 : memref<56x144xf32, #tpu.memory_space<vmem_shared>>) dst(%dma_wait3A_82 : memref<56x144xf32, #tpu.memory_space<hbm>>)
      tpu.yield
    }) : () -> ()
    return
  }
}

module attributes {stable_mosaic.version = 14 : i64} {
  func.func @_a_body(%arg0: memref<10112x128xf32, #tpu.memory_space<vmem>>, %arg1: memref<128x128xf32, #tpu.memory_space<vmem>>, %arg2: memref<1x128xf32, #tpu.memory_space<vmem>>, %arg3: memref<1x128xf32, #tpu.memory_space<vmem>>, %arg4: memref<128x16xf32, #tpu.memory_space<vmem>>, %arg5: memref<128x16xf32, #tpu.memory_space<vmem>>, %arg6: memref<10112x128xf32, #tpu.memory_space<vmem>>, %arg7: memref<10112x16xf32, #tpu.memory_space<vmem>>) attributes {dimension_semantics = [], scalar_prefetch = 0 : i64, scratch_operands = 0 : i64, tpu.core_type = #tpu.core_type<tc>} {
    %get3A = arith.constant 0 : index
    %get3A_0 = arith.constant 0 : index
    %get3A_1 = vector.load %arg0[%get3A, %get3A_0] : memref<10112x128xf32, #tpu.memory_space<vmem>>, vector<10112x128xf32>
    %get3A_2 = arith.constant 0 : index
    %get3A_3 = arith.constant 0 : index
    %get3A_4 = vector.load %arg1[%get3A_2, %get3A_3] : memref<128x128xf32, #tpu.memory_space<vmem>>, vector<128x128xf32>
    %dot_general3A = arith.constant dense<0.000000e+00> : vector<10112x128xf32>
    %dot_general3A_5 = tpu.matmul %get3A_1, %get3A_4, %dot_general3A {dimension_numbers = #tpu.dot_dimension_numbers<[1], [0], [0], [1], [0, 0, 1, 1], [], []>, precision = #tpu.contract_precision<fp32>, transpose_lhs_hint = false} : vector<10112x128xf32>, vector<128x128xf32>, vector<10112x128xf32> -> vector<10112x128xf32>
    %swap3A = arith.constant 0 : index
    %swap3A_6 = arith.constant 0 : index
    %swap3A_7 = vector.load %arg6[%swap3A, %swap3A_6] : memref<10112x128xf32, #tpu.memory_space<vmem>>, vector<10112x128xf32>
    tpu.vector_store %arg6[%swap3A, %swap3A_6], %dot_general3A_5 {strides = array<i32>} : memref<10112x128xf32, #tpu.memory_space<vmem>>, vector<10112x128xf32>,
    %get3A_8 = arith.constant 0 : index
    %get3A_9 = arith.constant 0 : index
    %get3A_10 = vector.load %arg2[%get3A_8, %get3A_9] : memref<1x128xf32, #tpu.memory_space<vmem>>, vector<1x128xf32>
    %mul3A = vector.broadcast %get3A_10 : vector<1x128xf32> to vector<10112x128xf32>
    %mul3A_11 = arith.mulf %dot_general3A_5, %mul3A : vector<10112x128xf32>
    %get3A_12 = arith.constant 0 : index
    %get3A_13 = arith.constant 0 : index
    %get3A_14 = vector.load %arg4[%get3A_12, %get3A_13] : memref<128x16xf32, #tpu.memory_space<vmem>>, vector<128x16xf32>
    %dot_general3A_15 = arith.constant dense<0.000000e+00> : vector<10112x16xf32>
    %dot_general3A_16 = tpu.matmul %mul3A_11, %get3A_14, %dot_general3A_15 {dimension_numbers = #tpu.dot_dimension_numbers<[1], [0], [0], [1], [0, 0, 1, 1], [], []>, precision = #tpu.contract_precision<fp32>, transpose_lhs_hint = false} : vector<10112x128xf32>, vector<128x16xf32>, vector<10112x16xf32> -> vector<10112x16xf32>
    %get3A_17 = arith.constant 0 : index
    %get3A_18 = arith.constant 0 : index
    %get3A_19 = vector.load %arg3[%get3A_17, %get3A_18] : memref<1x128xf32, #tpu.memory_space<vmem>>, vector<1x128xf32>
    %mul3A_20 = vector.broadcast %get3A_19 : vector<1x128xf32> to vector<10112x128xf32>
    %mul3A_21 = arith.mulf %dot_general3A_5, %mul3A_20 : vector<10112x128xf32>
    %get3A_22 = arith.constant 0 : index
    %get3A_23 = arith.constant 0 : index
    %get3A_24 = vector.load %arg5[%get3A_22, %get3A_23] : memref<128x16xf32, #tpu.memory_space<vmem>>, vector<128x16xf32>
    %dot_general3A_25 = arith.constant dense<0.000000e+00> : vector<10112x16xf32>
    %dot_general3A_26 = tpu.matmul %mul3A_21, %get3A_24, %dot_general3A_25 {dimension_numbers = #tpu.dot_dimension_numbers<[1], [0], [0], [1], [0, 0, 1, 1], [], []>, precision = #tpu.contract_precision<fp32>, transpose_lhs_hint = false} : vector<10112x128xf32>, vector<128x16xf32>, vector<10112x16xf32> -> vector<10112x16xf32>
    %add3A = arith.addf %dot_general3A_16, %dot_general3A_26 : vector<10112x16xf32>
    %swap3A_27 = arith.constant 0 : index
    %swap3A_28 = arith.constant 0 : index
    %swap3A_29 = vector.load %arg7[%swap3A_27, %swap3A_28] : memref<10112x16xf32, #tpu.memory_space<vmem>>, vector<10112x16xf32>
    tpu.vector_store %arg7[%swap3A_27, %swap3A_28], %add3A {strides = array<i32>} : memref<10112x16xf32, #tpu.memory_space<vmem>>, vector<10112x16xf32>,
    return
  }
}

module attributes {stable_mosaic.version = 14 : i64} {
  func.func @_c_body(%arg0: i32, %arg1: memref<2528x144xf32, #tpu.memory_space<vmem>>, %arg2: memref<2528x144xf32, #tpu.memory_space<vmem>>, %arg3: memref<2528x128xf32, #tpu.memory_space<vmem>>, %arg4: memref<2528x16xf32, #tpu.memory_space<vmem>>, %arg5: memref<2528x8xf32, #tpu.memory_space<vmem>>, %arg6: memref<1x8xf32, #tpu.memory_space<vmem>>, %arg7: memref<1x128xf32, #tpu.memory_space<vmem>>, %arg8: memref<8x128xf32, #tpu.memory_space<vmem>>, %arg9: memref<144x128xf32, #tpu.memory_space<vmem>>, %arg10: memref<144x8xf32, #tpu.memory_space<vmem>>, %arg11: memref<144x8xf32, #tpu.memory_space<vmem>>, %arg12: memref<144x8xf32, #tpu.memory_space<vmem>>, %arg13: memref<16x8xf32, #tpu.memory_space<vmem>>, %arg14: memref<1x1xf32, #tpu.memory_space<vmem>>, %arg15: memref<2528x128xf32, #tpu.memory_space<vmem>>, %arg16: memref<2528x8xf32, #tpu.memory_space<vmem>>) attributes {dimension_semantics = [#tpu.dimension_semantics<arbitrary>], iteration_bounds = array<i64: 4>, scalar_prefetch = 0 : i64, scratch_operands = 0 : i64, tpu.core_type = #tpu.core_type<tc>, window_params = [{transform_indices = @transform_0, window_bounds = array<i64: 2528, 144>}, {transform_indices = @transform_1, window_bounds = array<i64: 2528, 144>}, {transform_indices = @transform_2, window_bounds = array<i64: 2528, 128>}, {transform_indices = @transform_3, window_bounds = array<i64: 2528, 16>}, {transform_indices = @transform_4, window_bounds = array<i64: 2528, 8>}, {pipeline_mode = #tpu.pipeline_mode<synchronous>, transform_indices = @transform_5, window_bounds = array<i64: 1, 8>}, {pipeline_mode = #tpu.pipeline_mode<synchronous>, transform_indices = @transform_6, window_bounds = array<i64: 1, 128>}, {pipeline_mode = #tpu.pipeline_mode<synchronous>, transform_indices = @transform_7, window_bounds = array<i64: 8, 128>}, {pipeline_mode = #tpu.pipeline_mode<synchronous>, transform_indices = @transform_8, window_bounds = array<i64: 144, 128>}, {pipeline_mode = #tpu.pipeline_mode<synchronous>, transform_indices = @transform_9, window_bounds = array<i64: 144, 8>}, {pipeline_mode = #tpu.pipeline_mode<synchronous>, transform_indices = @transform_10, window_bounds = array<i64: 144, 8>}, {pipeline_mode = #tpu.pipeline_mode<synchronous>, transform_indices = @transform_11, window_bounds = array<i64: 144, 8>}, {pipeline_mode = #tpu.pipeline_mode<synchronous>, transform_indices = @transform_12, window_bounds = array<i64: 16, 8>}, {pipeline_mode = #tpu.pipeline_mode<synchronous>, transform_indices = @transform_13, window_bounds = array<i64: 1, 1>}, {transform_indices = @transform_14, window_bounds = array<i64: 2528, 128>}, {transform_indices = @transform_15, window_bounds = array<i64: 2528, 8>}]} {
    %get3A = arith.constant 0 : index
    %get3A_0 = arith.constant 0 : index
    %get3A_1 = vector.load %arg1[%get3A, %get3A_0] : memref<2528x144xf32, #tpu.memory_space<vmem>>, vector<2528x144xf32>
    %get3A_2 = arith.constant 0 : index
    %get3A_3 = arith.constant 0 : index
    %get3A_4 = vector.load %arg2[%get3A_2, %get3A_3] : memref<2528x144xf32, #tpu.memory_space<vmem>>, vector<2528x144xf32>
    %add3A = arith.addf %get3A_1, %get3A_4 : vector<2528x144xf32>
    %get3A_5 = arith.constant 0 : index
    %get3A_6 = arith.constant 0 : index
    %get3A_7 = vector.load %arg9[%get3A_5, %get3A_6] : memref<144x128xf32, #tpu.memory_space<vmem>>, vector<144x128xf32>
    %dot_general3A = arith.constant dense<0.000000e+00> : vector<2528x128xf32>
    %dot_general3A_8 = tpu.matmul %add3A, %get3A_7, %dot_general3A {dimension_numbers = #tpu.dot_dimension_numbers<[1], [0], [0], [1], [0, 0, 1, 1], [], []>, precision = #tpu.contract_precision<fp32>, transpose_lhs_hint = false} : vector<2528x144xf32>, vector<144x128xf32>, vector<2528x128xf32> -> vector<2528x128xf32>
    %get3A_9 = arith.constant 0 : index
    %get3A_10 = arith.constant 0 : index
    %get3A_11 = vector.load %arg10[%get3A_9, %get3A_10] : memref<144x8xf32, #tpu.memory_space<vmem>>, vector<144x8xf32>
    %dot_general3A_12 = arith.constant dense<0.000000e+00> : vector<2528x8xf32>
    %dot_general3A_13 = tpu.matmul %add3A, %get3A_11, %dot_general3A_12 {dimension_numbers = #tpu.dot_dimension_numbers<[1], [0], [0], [1], [0, 0, 1, 1], [], []>, precision = #tpu.contract_precision<fp32>, transpose_lhs_hint = false} : vector<2528x144xf32>, vector<144x8xf32>, vector<2528x8xf32> -> vector<2528x8xf32>
    %get3A_14 = arith.constant 0 : index
    %get3A_15 = arith.constant 0 : index
    %get3A_16 = vector.load %arg11[%get3A_14, %get3A_15] : memref<144x8xf32, #tpu.memory_space<vmem>>, vector<144x8xf32>
    %dot_general3A_17 = arith.constant dense<0.000000e+00> : vector<2528x8xf32>
    %dot_general3A_18 = tpu.matmul %add3A, %get3A_16, %dot_general3A_17 {dimension_numbers = #tpu.dot_dimension_numbers<[1], [0], [0], [1], [0, 0, 1, 1], [], []>, precision = #tpu.contract_precision<fp32>, transpose_lhs_hint = false} : vector<2528x144xf32>, vector<144x8xf32>, vector<2528x8xf32> -> vector<2528x8xf32>
    %get3A_19 = arith.constant 0 : index
    %get3A_20 = arith.constant 0 : index
    %get3A_21 = vector.load %arg12[%get3A_19, %get3A_20] : memref<144x8xf32, #tpu.memory_space<vmem>>, vector<144x8xf32>
    %dot_general3A_22 = arith.constant dense<0.000000e+00> : vector<2528x8xf32>
    %dot_general3A_23 = tpu.matmul %add3A, %get3A_21, %dot_general3A_22 {dimension_numbers = #tpu.dot_dimension_numbers<[1], [0], [0], [1], [0, 0, 1, 1], [], []>, precision = #tpu.contract_precision<fp32>, transpose_lhs_hint = false} : vector<2528x144xf32>, vector<144x8xf32>, vector<2528x8xf32> -> vector<2528x8xf32>
    %max3A = arith.constant 1.000000e+00 : f32
    %max3A_24 = vector.broadcast %max3A : f32 to vector<2528x8xf32>
    %max3A_25 = arith.maximumf %dot_general3A_23, %max3A_24 : vector<2528x8xf32>
    %div3A = arith.divf %dot_general3A_18, %max3A_25 : vector<2528x8xf32>
    %swap3A = arith.constant 0 : index
    %swap3A_26 = arith.constant 0 : index
    %swap3A_27 = vector.load %arg16[%swap3A, %swap3A_26] : memref<2528x8xf32, #tpu.memory_space<vmem>>, vector<2528x8xf32>
    tpu.vector_store %arg16[%swap3A, %swap3A_26], %div3A {strides = array<i32>} : memref<2528x8xf32, #tpu.memory_space<vmem>>, vector<2528x8xf32>,
    %get3A_28 = arith.constant 0 : index
    %get3A_29 = arith.constant 0 : index
    %get3A_30 = vector.load %arg8[%get3A_28, %get3A_29] : memref<8x128xf32, #tpu.memory_space<vmem>>, vector<8x128xf32>
    %get3A_31 = arith.constant 0 : index
    %get3A_32 = arith.constant 0 : index
    %get3A_33 = vector.load %arg14[%get3A_31, %get3A_32] : memref<1x1xf32, #tpu.memory_space<vmem>>, vector<1x1xf32>
    %get3A_34 = vector.extract %get3A_33[0, 0] : f32 from vector<1x1xf32>
    %get3A_35 = arith.constant 0 : index
    %get3A_36 = arith.constant 0 : index
    %get3A_37 = vector.load %arg4[%get3A_35, %get3A_36] : memref<2528x16xf32, #tpu.memory_space<vmem>>, vector<2528x16xf32>
    %get3A_38 = arith.constant 0 : index
    %get3A_39 = arith.constant 0 : index
    %get3A_40 = vector.load %arg13[%get3A_38, %get3A_39] : memref<16x8xf32, #tpu.memory_space<vmem>>, vector<16x8xf32>
    %dot_general3A_41 = arith.constant dense<0.000000e+00> : vector<2528x8xf32>
    %dot_general3A_42 = tpu.matmul %get3A_37, %get3A_40, %dot_general3A_41 {dimension_numbers = #tpu.dot_dimension_numbers<[1], [0], [0], [1], [0, 0, 1, 1], [], []>, precision = #tpu.contract_precision<fp32>, transpose_lhs_hint = false} : vector<2528x16xf32>, vector<16x8xf32>, vector<2528x8xf32> -> vector<2528x8xf32>
    %get3A_43 = arith.constant 0 : index
    %get3A_44 = arith.constant 0 : index
    %get3A_45 = vector.load %arg5[%get3A_43, %get3A_44] : memref<2528x8xf32, #tpu.memory_space<vmem>>, vector<2528x8xf32>
    %get3A_46 = arith.constant 0 : index
    %get3A_47 = arith.constant 0 : index
    %get3A_48 = vector.load %arg6[%get3A_46, %get3A_47] : memref<1x8xf32, #tpu.memory_space<vmem>>, vector<1x8xf32>
    %mul3A = vector.broadcast %get3A_48 : vector<1x8xf32> to vector<2528x8xf32>
    %mul3A_49 = arith.mulf %get3A_45, %mul3A : vector<2528x8xf32>
    %add3A_50 = arith.addf %dot_general3A_42, %mul3A_49 : vector<2528x8xf32>
    %gt3A = arith.constant 0.000000e+00 : f32
    %gt3A_51 = vector.broadcast %gt3A : f32 to vector<2528x8xf32>
    %gt3A_52 = arith.cmpf ogt, %add3A_50, %gt3A_51 : vector<2528x8xf32>
    %mul3A_53 = arith.constant 2.000000e-01 : f32
    %mul3A_54 = vector.broadcast %mul3A_53 : f32 to vector<2528x8xf32>
    %mul3A_55 = arith.mulf %mul3A_54, %add3A_50 : vector<2528x8xf32>
    %select_n3A = arith.select %gt3A_52, %add3A_50, %mul3A_55 : vector<2528x8xi1>, vector<2528x8xf32>
    %exp3A = math.exp %select_n3A : vector<2528x8xf32>
    %mul3A_56 = vector.broadcast %get3A_34 : f32 to vector<2528x8xf32>
    %mul3A_57 = arith.mulf %exp3A, %mul3A_56 : vector<2528x8xf32>
    %add3A_58 = arith.addf %dot_general3A_13, %mul3A_57 : vector<2528x8xf32>
    %add3A_59 = arith.constant 1.000000e-16 : f32
    %add3A_60 = vector.broadcast %add3A_59 : f32 to vector<2528x8xf32>
    %add3A_61 = arith.addf %add3A_58, %add3A_60 : vector<2528x8xf32>
    %div3A_62 = arith.constant 1.000000e+00 : f32
    %div3A_63 = vector.broadcast %div3A_62 : f32 to vector<2528x8xf32>
    %div3A_64 = arith.divf %div3A_63, %add3A_61 : vector<2528x8xf32>
    %dot_general3A_65 = arith.constant dense<0.000000e+00> : vector<2528x128xf32>
    %dot_general3A_66 = tpu.matmul %mul3A_57, %get3A_30, %dot_general3A_65 {dimension_numbers = #tpu.dot_dimension_numbers<[1], [0], [0], [1], [0, 0, 1, 1], [], []>, precision = #tpu.contract_precision<fp32>, transpose_lhs_hint = false} : vector<2528x8xf32>, vector<8x128xf32>, vector<2528x128xf32> -> vector<2528x128xf32>
    %get3A_67 = arith.constant 0 : index
    %get3A_68 = arith.constant 0 : index
    %get3A_69 = vector.load %arg3[%get3A_67, %get3A_68] : memref<2528x128xf32, #tpu.memory_space<vmem>>, vector<2528x128xf32>
    %mul3A_70 = arith.mulf %dot_general3A_66, %get3A_69 : vector<2528x128xf32>
    %add3A_71 = arith.addf %dot_general3A_8, %mul3A_70 : vector<2528x128xf32>
    %dot_general3A_72 = arith.constant dense<0.000000e+00> : vector<2528x128xf32>
    %dot_general3A_73 = tpu.matmul %div3A_64, %get3A_30, %dot_general3A_72 {dimension_numbers = #tpu.dot_dimension_numbers<[1], [0], [0], [1], [0, 0, 1, 1], [], []>, precision = #tpu.contract_precision<fp32>, transpose_lhs_hint = false} : vector<2528x8xf32>, vector<8x128xf32>, vector<2528x128xf32> -> vector<2528x128xf32>
    %mul3A_74 = arith.mulf %add3A_71, %dot_general3A_73 : vector<2528x128xf32>
    %get3A_75 = arith.constant 0 : index
    %get3A_76 = arith.constant 0 : index
    %get3A_77 = vector.load %arg7[%get3A_75, %get3A_76] : memref<1x128xf32, #tpu.memory_space<vmem>>, vector<1x128xf32>
    %add3A_78 = vector.broadcast %get3A_77 : vector<1x128xf32> to vector<2528x128xf32>
    %add3A_79 = arith.addf %mul3A_74, %add3A_78 : vector<2528x128xf32>
    %max3A_80 = arith.constant 0.000000e+00 : f32
    %max3A_81 = vector.broadcast %max3A_80 : f32 to vector<2528x128xf32>
    %max3A_82 = arith.maximumf %add3A_79, %max3A_81 : vector<2528x128xf32>
    %swap3A_83 = arith.constant 0 : index
    %swap3A_84 = arith.constant 0 : index
    %swap3A_85 = vector.load %arg15[%swap3A_83, %swap3A_84] : memref<2528x128xf32, #tpu.memory_space<vmem>>, vector<2528x128xf32>
    tpu.vector_store %arg15[%swap3A_83, %swap3A_84], %max3A_82 {strides = array<i32>} : memref<2528x128xf32, #tpu.memory_space<vmem>>, vector<2528x128xf32>,
    return
  }
  func.func @transform_0(%arg0: i32) -> (i32, i32) {
    %c0_i32 = arith.constant 0 : i32
    %c0_i32_0 = arith.constant 0 : i32
    return %arg0, %c0_i32 : i32, i32
  }
  func.func @transform_1(%arg0: i32) -> (i32, i32) {
    %c0_i32 = arith.constant 0 : i32
    %c0_i32_0 = arith.constant 0 : i32
    return %arg0, %c0_i32 : i32, i32
  }
  func.func @transform_2(%arg0: i32) -> (i32, i32) {
    %c0_i32 = arith.constant 0 : i32
    %c0_i32_0 = arith.constant 0 : i32
    return %arg0, %c0_i32 : i32, i32
  }
  func.func @transform_3(%arg0: i32) -> (i32, i32) {
    %c0_i32 = arith.constant 0 : i32
    %c0_i32_0 = arith.constant 0 : i32
    return %arg0, %c0_i32 : i32, i32
  }
  func.func @transform_4(%arg0: i32) -> (i32, i32) {
    %c0_i32 = arith.constant 0 : i32
    %c0_i32_0 = arith.constant 0 : i32
    return %arg0, %c0_i32 : i32, i32
  }
  func.func @transform_5(%arg0: i32) -> (i32, i32) {
    %c0_i32 = arith.constant 0 : i32
    %c0_i32_0 = arith.constant 0 : i32
    %c0_i32_1 = arith.constant 0 : i32
    return %c0_i32, %c0_i32_0 : i32, i32
  }
  func.func @transform_6(%arg0: i32) -> (i32, i32) {
    %c0_i32 = arith.constant 0 : i32
    %c0_i32_0 = arith.constant 0 : i32
    %c0_i32_1 = arith.constant 0 : i32
    return %c0_i32, %c0_i32_0 : i32, i32
  }
  func.func @transform_7(%arg0: i32) -> (i32, i32) {
    %c0_i32 = arith.constant 0 : i32
    %c0_i32_0 = arith.constant 0 : i32
    %c0_i32_1 = arith.constant 0 : i32
    return %c0_i32, %c0_i32_0 : i32, i32
  }
  func.func @transform_8(%arg0: i32) -> (i32, i32) {
    %c0_i32 = arith.constant 0 : i32
    %c0_i32_0 = arith.constant 0 : i32
    %c0_i32_1 = arith.constant 0 : i32
    return %c0_i32, %c0_i32_0 : i32, i32
  }
  func.func @transform_9(%arg0: i32) -> (i32, i32) {
    %c0_i32 = arith.constant 0 : i32
    %c0_i32_0 = arith.constant 0 : i32
    %c0_i32_1 = arith.constant 0 : i32
    return %c0_i32, %c0_i32_0 : i32, i32
  }
  func.func @transform_10(%arg0: i32) -> (i32, i32) {
    %c0_i32 = arith.constant 0 : i32
    %c0_i32_0 = arith.constant 0 : i32
    %c0_i32_1 = arith.constant 0 : i32
    return %c0_i32, %c0_i32_0 : i32, i32
  }
  func.func @transform_11(%arg0: i32) -> (i32, i32) {
    %c0_i32 = arith.constant 0 : i32
    %c0_i32_0 = arith.constant 0 : i32
    %c0_i32_1 = arith.constant 0 : i32
    return %c0_i32, %c0_i32_0 : i32, i32
  }
  func.func @transform_12(%arg0: i32) -> (i32, i32) {
    %c0_i32 = arith.constant 0 : i32
    %c0_i32_0 = arith.constant 0 : i32
    %c0_i32_1 = arith.constant 0 : i32
    return %c0_i32, %c0_i32_0 : i32, i32
  }
  func.func @transform_13(%arg0: i32) -> (i32, i32) {
    %c0_i32 = arith.constant 0 : i32
    %c0_i32_0 = arith.constant 0 : i32
    %c0_i32_1 = arith.constant 0 : i32
    return %c0_i32, %c0_i32_0 : i32, i32
  }
  func.func @transform_14(%arg0: i32) -> (i32, i32) {
    %c0_i32 = arith.constant 0 : i32
    %c0_i32_0 = arith.constant 0 : i32
    return %arg0, %c0_i32 : i32, i32
  }
  func.func @transform_15(%arg0: i32) -> (i32, i32) {
    %c0_i32 = arith.constant 0 : i32
    %c0_i32_0 = arith.constant 0 : i32
    return %arg0, %c0_i32 : i32, i32
  }
}

module attributes {stable_mosaic.version = 14 : i64} {
  func.func @_c_body(%arg0: i32, %arg1: memref<2528x144xf32, #tpu.memory_space<vmem>>, %arg2: memref<2528x144xf32, #tpu.memory_space<vmem>>, %arg3: memref<2528x128xf32, #tpu.memory_space<vmem>>, %arg4: memref<2528x16xf32, #tpu.memory_space<vmem>>, %arg5: memref<2528x8xf32, #tpu.memory_space<vmem>>, %arg6: memref<1x8xf32, #tpu.memory_space<vmem>>, %arg7: memref<1x128xf32, #tpu.memory_space<vmem>>, %arg8: memref<8x128xf32, #tpu.memory_space<vmem>>, %arg9: memref<144x128xf32, #tpu.memory_space<vmem>>, %arg10: memref<144x8xf32, #tpu.memory_space<vmem>>, %arg11: memref<144x8xf32, #tpu.memory_space<vmem>>, %arg12: memref<144x8xf32, #tpu.memory_space<vmem>>, %arg13: memref<16x8xf32, #tpu.memory_space<vmem>>, %arg14: memref<1x1xf32, #tpu.memory_space<vmem>>, %arg15: memref<2528x128xf32, #tpu.memory_space<vmem>>, %arg16: memref<2528x8xf32, #tpu.memory_space<vmem>>) attributes {dimension_semantics = [#tpu.dimension_semantics<arbitrary>], iteration_bounds = array<i64: 4>, scalar_prefetch = 0 : i64, scratch_operands = 0 : i64, tpu.core_type = #tpu.core_type<tc>, window_params = [{transform_indices = @transform_0, window_bounds = array<i64: 2528, 144>}, {transform_indices = @transform_1, window_bounds = array<i64: 2528, 144>}, {transform_indices = @transform_2, window_bounds = array<i64: 2528, 128>}, {transform_indices = @transform_3, window_bounds = array<i64: 2528, 16>}, {transform_indices = @transform_4, window_bounds = array<i64: 2528, 8>}, {pipeline_mode = #tpu.pipeline_mode<synchronous>, transform_indices = @transform_5, window_bounds = array<i64: 1, 8>}, {pipeline_mode = #tpu.pipeline_mode<synchronous>, transform_indices = @transform_6, window_bounds = array<i64: 1, 128>}, {pipeline_mode = #tpu.pipeline_mode<synchronous>, transform_indices = @transform_7, window_bounds = array<i64: 8, 128>}, {pipeline_mode = #tpu.pipeline_mode<synchronous>, transform_indices = @transform_8, window_bounds = array<i64: 144, 128>}, {pipeline_mode = #tpu.pipeline_mode<synchronous>, transform_indices = @transform_9, window_bounds = array<i64: 144, 8>}, {pipeline_mode = #tpu.pipeline_mode<synchronous>, transform_indices = @transform_10, window_bounds = array<i64: 144, 8>}, {pipeline_mode = #tpu.pipeline_mode<synchronous>, transform_indices = @transform_11, window_bounds = array<i64: 144, 8>}, {pipeline_mode = #tpu.pipeline_mode<synchronous>, transform_indices = @transform_12, window_bounds = array<i64: 16, 8>}, {pipeline_mode = #tpu.pipeline_mode<synchronous>, transform_indices = @transform_13, window_bounds = array<i64: 1, 1>}, {transform_indices = @transform_14, window_bounds = array<i64: 2528, 128>}, {transform_indices = @transform_15, window_bounds = array<i64: 2528, 8>}]} {
    %get3A = arith.constant 0 : index
    %get3A_0 = arith.constant 0 : index
    %get3A_1 = vector.load %arg1[%get3A, %get3A_0] : memref<2528x144xf32, #tpu.memory_space<vmem>>, vector<2528x144xf32>
    %get3A_2 = arith.constant 0 : index
    %get3A_3 = arith.constant 0 : index
    %get3A_4 = vector.load %arg2[%get3A_2, %get3A_3] : memref<2528x144xf32, #tpu.memory_space<vmem>>, vector<2528x144xf32>
    %add3A = arith.addf %get3A_1, %get3A_4 : vector<2528x144xf32>
    %get3A_5 = arith.constant 0 : index
    %get3A_6 = arith.constant 0 : index
    %get3A_7 = vector.load %arg9[%get3A_5, %get3A_6] : memref<144x128xf32, #tpu.memory_space<vmem>>, vector<144x128xf32>
    %dot_general3A = arith.constant dense<0.000000e+00> : vector<2528x128xf32>
    %dot_general3A_8 = tpu.matmul %add3A, %get3A_7, %dot_general3A {dimension_numbers = #tpu.dot_dimension_numbers<[1], [0], [0], [1], [0, 0, 1, 1], [], []>, precision = #tpu.contract_precision<fp32>, transpose_lhs_hint = false} : vector<2528x144xf32>, vector<144x128xf32>, vector<2528x128xf32> -> vector<2528x128xf32>
    %get3A_9 = arith.constant 0 : index
    %get3A_10 = arith.constant 0 : index
    %get3A_11 = vector.load %arg10[%get3A_9, %get3A_10] : memref<144x8xf32, #tpu.memory_space<vmem>>, vector<144x8xf32>
    %dot_general3A_12 = arith.constant dense<0.000000e+00> : vector<2528x8xf32>
    %dot_general3A_13 = tpu.matmul %add3A, %get3A_11, %dot_general3A_12 {dimension_numbers = #tpu.dot_dimension_numbers<[1], [0], [0], [1], [0, 0, 1, 1], [], []>, precision = #tpu.contract_precision<fp32>, transpose_lhs_hint = false} : vector<2528x144xf32>, vector<144x8xf32>, vector<2528x8xf32> -> vector<2528x8xf32>
    %get3A_14 = arith.constant 0 : index
    %get3A_15 = arith.constant 0 : index
    %get3A_16 = vector.load %arg11[%get3A_14, %get3A_15] : memref<144x8xf32, #tpu.memory_space<vmem>>, vector<144x8xf32>
    %dot_general3A_17 = arith.constant dense<0.000000e+00> : vector<2528x8xf32>
    %dot_general3A_18 = tpu.matmul %add3A, %get3A_16, %dot_general3A_17 {dimension_numbers = #tpu.dot_dimension_numbers<[1], [0], [0], [1], [0, 0, 1, 1], [], []>, precision = #tpu.contract_precision<fp32>, transpose_lhs_hint = false} : vector<2528x144xf32>, vector<144x8xf32>, vector<2528x8xf32> -> vector<2528x8xf32>
    %get3A_19 = arith.constant 0 : index
    %get3A_20 = arith.constant 0 : index
    %get3A_21 = vector.load %arg12[%get3A_19, %get3A_20] : memref<144x8xf32, #tpu.memory_space<vmem>>, vector<144x8xf32>
    %dot_general3A_22 = arith.constant dense<0.000000e+00> : vector<2528x8xf32>
    %dot_general3A_23 = tpu.matmul %add3A, %get3A_21, %dot_general3A_22 {dimension_numbers = #tpu.dot_dimension_numbers<[1], [0], [0], [1], [0, 0, 1, 1], [], []>, precision = #tpu.contract_precision<fp32>, transpose_lhs_hint = false} : vector<2528x144xf32>, vector<144x8xf32>, vector<2528x8xf32> -> vector<2528x8xf32>
    %max3A = arith.constant 1.000000e+00 : f32
    %max3A_24 = vector.broadcast %max3A : f32 to vector<2528x8xf32>
    %max3A_25 = arith.maximumf %dot_general3A_23, %max3A_24 : vector<2528x8xf32>
    %div3A = arith.divf %dot_general3A_18, %max3A_25 : vector<2528x8xf32>
    %swap3A = arith.constant 0 : index
    %swap3A_26 = arith.constant 0 : index
    %swap3A_27 = vector.load %arg16[%swap3A, %swap3A_26] : memref<2528x8xf32, #tpu.memory_space<vmem>>, vector<2528x8xf32>
    tpu.vector_store %arg16[%swap3A, %swap3A_26], %div3A {strides = array<i32>} : memref<2528x8xf32, #tpu.memory_space<vmem>>, vector<2528x8xf32>,
    %get3A_28 = arith.constant 0 : index
    %get3A_29 = arith.constant 0 : index
    %get3A_30 = vector.load %arg8[%get3A_28, %get3A_29] : memref<8x128xf32, #tpu.memory_space<vmem>>, vector<8x128xf32>
    %get3A_31 = arith.constant 0 : index
    %get3A_32 = arith.constant 0 : index
    %get3A_33 = vector.load %arg14[%get3A_31, %get3A_32] : memref<1x1xf32, #tpu.memory_space<vmem>>, vector<1x1xf32>
    %get3A_34 = vector.extract %get3A_33[0, 0] : f32 from vector<1x1xf32>
    %get3A_35 = arith.constant 0 : index
    %get3A_36 = arith.constant 0 : index
    %get3A_37 = vector.load %arg4[%get3A_35, %get3A_36] : memref<2528x16xf32, #tpu.memory_space<vmem>>, vector<2528x16xf32>
    %get3A_38 = arith.constant 0 : index
    %get3A_39 = arith.constant 0 : index
    %get3A_40 = vector.load %arg13[%get3A_38, %get3A_39] : memref<16x8xf32, #tpu.memory_space<vmem>>, vector<16x8xf32>
    %dot_general3A_41 = arith.constant dense<0.000000e+00> : vector<2528x8xf32>
    %dot_general3A_42 = tpu.matmul %get3A_37, %get3A_40, %dot_general3A_41 {dimension_numbers = #tpu.dot_dimension_numbers<[1], [0], [0], [1], [0, 0, 1, 1], [], []>, precision = #tpu.contract_precision<fp32>, transpose_lhs_hint = false} : vector<2528x16xf32>, vector<16x8xf32>, vector<2528x8xf32> -> vector<2528x8xf32>
    %get3A_43 = arith.constant 0 : index
    %get3A_44 = arith.constant 0 : index
    %get3A_45 = vector.load %arg5[%get3A_43, %get3A_44] : memref<2528x8xf32, #tpu.memory_space<vmem>>, vector<2528x8xf32>
    %get3A_46 = arith.constant 0 : index
    %get3A_47 = arith.constant 0 : index
    %get3A_48 = vector.load %arg6[%get3A_46, %get3A_47] : memref<1x8xf32, #tpu.memory_space<vmem>>, vector<1x8xf32>
    %mul3A = vector.broadcast %get3A_48 : vector<1x8xf32> to vector<2528x8xf32>
    %mul3A_49 = arith.mulf %get3A_45, %mul3A : vector<2528x8xf32>
    %add3A_50 = arith.addf %dot_general3A_42, %mul3A_49 : vector<2528x8xf32>
    %gt3A = arith.constant 0.000000e+00 : f32
    %gt3A_51 = vector.broadcast %gt3A : f32 to vector<2528x8xf32>
    %gt3A_52 = arith.cmpf ogt, %add3A_50, %gt3A_51 : vector<2528x8xf32>
    %mul3A_53 = arith.constant 2.000000e-01 : f32
    %mul3A_54 = vector.broadcast %mul3A_53 : f32 to vector<2528x8xf32>
    %mul3A_55 = arith.mulf %mul3A_54, %add3A_50 : vector<2528x8xf32>
    %select_n3A = arith.select %gt3A_52, %add3A_50, %mul3A_55 : vector<2528x8xi1>, vector<2528x8xf32>
    %exp3A = math.exp %select_n3A : vector<2528x8xf32>
    %mul3A_56 = vector.broadcast %get3A_34 : f32 to vector<2528x8xf32>
    %mul3A_57 = arith.mulf %exp3A, %mul3A_56 : vector<2528x8xf32>
    %add3A_58 = arith.addf %dot_general3A_13, %mul3A_57 : vector<2528x8xf32>
    %add3A_59 = arith.constant 1.000000e-16 : f32
    %add3A_60 = vector.broadcast %add3A_59 : f32 to vector<2528x8xf32>
    %add3A_61 = arith.addf %add3A_58, %add3A_60 : vector<2528x8xf32>
    %div3A_62 = arith.constant 1.000000e+00 : f32
    %div3A_63 = vector.broadcast %div3A_62 : f32 to vector<2528x8xf32>
    %div3A_64 = arith.divf %div3A_63, %add3A_61 : vector<2528x8xf32>
    %dot_general3A_65 = arith.constant dense<0.000000e+00> : vector<2528x128xf32>
    %dot_general3A_66 = tpu.matmul %mul3A_57, %get3A_30, %dot_general3A_65 {dimension_numbers = #tpu.dot_dimension_numbers<[1], [0], [0], [1], [0, 0, 1, 1], [], []>, precision = #tpu.contract_precision<fp32>, transpose_lhs_hint = false} : vector<2528x8xf32>, vector<8x128xf32>, vector<2528x128xf32> -> vector<2528x128xf32>
    %get3A_67 = arith.constant 0 : index
    %get3A_68 = arith.constant 0 : index
    %get3A_69 = vector.load %arg3[%get3A_67, %get3A_68] : memref<2528x128xf32, #tpu.memory_space<vmem>>, vector<2528x128xf32>
    %mul3A_70 = arith.mulf %dot_general3A_66, %get3A_69 : vector<2528x128xf32>
    %add3A_71 = arith.addf %dot_general3A_8, %mul3A_70 : vector<2528x128xf32>
    %dot_general3A_72 = arith.constant dense<0.000000e+00> : vector<2528x128xf32>
    %dot_general3A_73 = tpu.matmul %div3A_64, %get3A_30, %dot_general3A_72 {dimension_numbers = #tpu.dot_dimension_numbers<[1], [0], [0], [1], [0, 0, 1, 1], [], []>, precision = #tpu.contract_precision<fp32>, transpose_lhs_hint = false} : vector<2528x8xf32>, vector<8x128xf32>, vector<2528x128xf32> -> vector<2528x128xf32>
    %mul3A_74 = arith.mulf %add3A_71, %dot_general3A_73 : vector<2528x128xf32>
    %get3A_75 = arith.constant 0 : index
    %get3A_76 = arith.constant 0 : index
    %get3A_77 = vector.load %arg7[%get3A_75, %get3A_76] : memref<1x128xf32, #tpu.memory_space<vmem>>, vector<1x128xf32>
    %add3A_78 = vector.broadcast %get3A_77 : vector<1x128xf32> to vector<2528x128xf32>
    %add3A_79 = arith.addf %mul3A_74, %add3A_78 : vector<2528x128xf32>
    %max3A_80 = arith.constant 0.000000e+00 : f32
    %max3A_81 = vector.broadcast %max3A_80 : f32 to vector<2528x128xf32>
    %max3A_82 = arith.maximumf %add3A_79, %max3A_81 : vector<2528x128xf32>
    %swap3A_83 = arith.constant 0 : index
    %swap3A_84 = arith.constant 0 : index
    %swap3A_85 = vector.load %arg15[%swap3A_83, %swap3A_84] : memref<2528x128xf32, #tpu.memory_space<vmem>>, vector<2528x128xf32>
    tpu.vector_store %arg15[%swap3A_83, %swap3A_84], %max3A_82 {strides = array<i32>} : memref<2528x128xf32, #tpu.memory_space<vmem>>, vector<2528x128xf32>,
    return
  }
  func.func @transform_0(%arg0: i32) -> (i32, i32) {
    %c0_i32 = arith.constant 0 : i32
    %c0_i32_0 = arith.constant 0 : i32
    return %arg0, %c0_i32 : i32, i32
  }
  func.func @transform_1(%arg0: i32) -> (i32, i32) {
    %c0_i32 = arith.constant 0 : i32
    %c0_i32_0 = arith.constant 0 : i32
    return %arg0, %c0_i32 : i32, i32
  }
  func.func @transform_2(%arg0: i32) -> (i32, i32) {
    %c0_i32 = arith.constant 0 : i32
    %c0_i32_0 = arith.constant 0 : i32
    return %arg0, %c0_i32 : i32, i32
  }
  func.func @transform_3(%arg0: i32) -> (i32, i32) {
    %c0_i32 = arith.constant 0 : i32
    %c0_i32_0 = arith.constant 0 : i32
    return %arg0, %c0_i32 : i32, i32
  }
  func.func @transform_4(%arg0: i32) -> (i32, i32) {
    %c0_i32 = arith.constant 0 : i32
    %c0_i32_0 = arith.constant 0 : i32
    return %arg0, %c0_i32 : i32, i32
  }
  func.func @transform_5(%arg0: i32) -> (i32, i32) {
    %c0_i32 = arith.constant 0 : i32
    %c0_i32_0 = arith.constant 0 : i32
    %c0_i32_1 = arith.constant 0 : i32
    return %c0_i32, %c0_i32_0 : i32, i32
  }
  func.func @transform_6(%arg0: i32) -> (i32, i32) {
    %c0_i32 = arith.constant 0 : i32
    %c0_i32_0 = arith.constant 0 : i32
    %c0_i32_1 = arith.constant 0 : i32
    return %c0_i32, %c0_i32_0 : i32, i32
  }
  func.func @transform_7(%arg0: i32) -> (i32, i32) {
    %c0_i32 = arith.constant 0 : i32
    %c0_i32_0 = arith.constant 0 : i32
    %c0_i32_1 = arith.constant 0 : i32
    return %c0_i32, %c0_i32_0 : i32, i32
  }
  func.func @transform_8(%arg0: i32) -> (i32, i32) {
    %c0_i32 = arith.constant 0 : i32
    %c0_i32_0 = arith.constant 0 : i32
    %c0_i32_1 = arith.constant 0 : i32
    return %c0_i32, %c0_i32_0 : i32, i32
  }
  func.func @transform_9(%arg0: i32) -> (i32, i32) {
    %c0_i32 = arith.constant 0 : i32
    %c0_i32_0 = arith.constant 0 : i32
    %c0_i32_1 = arith.constant 0 : i32
    return %c0_i32, %c0_i32_0 : i32, i32
  }
  func.func @transform_10(%arg0: i32) -> (i32, i32) {
    %c0_i32 = arith.constant 0 : i32
    %c0_i32_0 = arith.constant 0 : i32
    %c0_i32_1 = arith.constant 0 : i32
    return %c0_i32, %c0_i32_0 : i32, i32
  }
  func.func @transform_11(%arg0: i32) -> (i32, i32) {
    %c0_i32 = arith.constant 0 : i32
    %c0_i32_0 = arith.constant 0 : i32
    %c0_i32_1 = arith.constant 0 : i32
    return %c0_i32, %c0_i32_0 : i32, i32
  }
  func.func @transform_12(%arg0: i32) -> (i32, i32) {
    %c0_i32 = arith.constant 0 : i32
    %c0_i32_0 = arith.constant 0 : i32
    %c0_i32_1 = arith.constant 0 : i32
    return %c0_i32, %c0_i32_0 : i32, i32
  }
  func.func @transform_13(%arg0: i32) -> (i32, i32) {
    %c0_i32 = arith.constant 0 : i32
    %c0_i32_0 = arith.constant 0 : i32
    %c0_i32_1 = arith.constant 0 : i32
    return %c0_i32, %c0_i32_0 : i32, i32
  }
  func.func @transform_14(%arg0: i32) -> (i32, i32) {
    %c0_i32 = arith.constant 0 : i32
    %c0_i32_0 = arith.constant 0 : i32
    return %arg0, %c0_i32 : i32, i32
  }
  func.func @transform_15(%arg0: i32) -> (i32, i32) {
    %c0_i32 = arith.constant 0 : i32
    %c0_i32_0 = arith.constant 0 : i32
    return %arg0, %c0_i32 : i32, i32
  }
}

module attributes {stable_mosaic.version = 14 : i64} {
  func.func @_f_body(%arg0: memref<10112x128xf32, #tpu.memory_space<vmem>>, %arg1: memref<1x10112xi32, #tpu.memory_space<vmem>>, %arg2: memref<160x32xf32, #tpu.memory_space<vmem>>, %arg3: memref<160x1xf32, #tpu.memory_space<vmem>>, %arg4: memref<128x128xf32, #tpu.memory_space<vmem>>, %arg5: memref<128x128xf32, #tpu.memory_space<vmem>>, %arg6: memref<1x128xf32, #tpu.memory_space<vmem>>, %arg7: memref<128x128xf32, #tpu.memory_space<vmem>>, %arg8: memref<1x128xf32, #tpu.memory_space<vmem>>, %arg9: memref<160x128xf32, #tpu.memory_space<vmem>>) attributes {dimension_semantics = [], scalar_prefetch = 0 : i64, scratch_operands = 0 : i64, tpu.core_type = #tpu.core_type<tc>} {
    %get3A = arith.constant 0 : index
    %get3A_0 = arith.constant 0 : index
    %get3A_1 = vector.load %arg0[%get3A, %get3A_0] : memref<10112x128xf32, #tpu.memory_space<vmem>>, vector<10112x128xf32>
    %get3A_2 = arith.constant 0 : index
    %get3A_3 = arith.constant 0 : index
    %get3A_4 = vector.load %arg1[%get3A_2, %get3A_3] : memref<1x10112xi32, #tpu.memory_space<vmem>>, vector<1x10112xi32>
    %iota3A = tpu.iota {dimensions = array<i32: 0>} : vector<32x10112xi32>
    %eq3A = vector.broadcast %get3A_4 : vector<1x10112xi32> to vector<32x10112xi32>
    %eq3A_5 = arith.cmpi eq, %iota3A, %eq3A : vector<32x10112xi32>
    %convert_element_type3A = arith.extui %eq3A_5 : vector<32x10112xi1> to vector<32x10112xi32>
    %convert_element_type3A_6 = arith.sitofp %convert_element_type3A : vector<32x10112xi32> to vector<32x10112xf32>
    %lt3A = vector.broadcast %get3A_4 : vector<1x10112xi32> to vector<32x10112xi32>
    %lt3A_7 = arith.cmpi slt, %lt3A, %iota3A : vector<32x10112xi32>
    %convert_element_type3A_8 = arith.extui %lt3A_7 : vector<32x10112xi1> to vector<32x10112xi32>
    %convert_element_type3A_9 = arith.sitofp %convert_element_type3A_8 : vector<32x10112xi32> to vector<32x10112xf32>
    %dot_general3A = arith.constant dense<0.000000e+00> : vector<32x128xf32>
    %dot_general3A_10 = tpu.matmul %convert_element_type3A_6, %get3A_1, %dot_general3A {dimension_numbers = #tpu.dot_dimension_numbers<[1], [0], [0], [1], [0, 0, 1, 1], [], []>, precision = #tpu.contract_precision<fp32>, transpose_lhs_hint = false} : vector<32x10112xf32>, vector<10112x128xf32>, vector<32x128xf32> -> vector<32x128xf32>
    %reduce_sum3A = arith.constant dense<0.000000e+00> : vector<32xf32>
    %reduce_sum3A_11 = vector.multi_reduction <add>, %convert_element_type3A_6, %reduce_sum3A [1] : vector<32x10112xf32> to vector<32xf32>
    %broadcast_in_dim3A = vector.shape_cast %reduce_sum3A_11 : vector<32xf32> to vector<32x1xf32>
    %reduce_sum3A_12 = arith.constant dense<0.000000e+00> : vector<32xf32>
    %reduce_sum3A_13 = vector.multi_reduction <add>, %convert_element_type3A_9, %reduce_sum3A_12 [1] : vector<32x10112xf32> to vector<32xf32>
    %broadcast_in_dim3A_14 = vector.shape_cast %reduce_sum3A_13 : vector<32xf32> to vector<32x1xf32>
    %max3A = arith.constant 1.000000e+00 : f32
    %max3A_15 = vector.broadcast %max3A : f32 to vector<32x1xf32>
    %max3A_16 = arith.maximumf %broadcast_in_dim3A, %max3A_15 : vector<32x1xf32>
    %div3A = vector.broadcast %max3A_16 : vector<32x1xf32> to vector<32x128xf32>
    %div3A_17 = arith.divf %dot_general3A_10, %div3A : vector<32x128xf32>
    %get3A_18 = arith.constant 0 : index
    %get3A_19 = arith.constant 0 : index
    %get3A_20 = vector.load %arg2[%get3A_18, %get3A_19] : memref<160x32xf32, #tpu.memory_space<vmem>>, vector<160x32xf32>
    %dot_general3A_21 = arith.constant dense<0.000000e+00> : vector<160x128xf32>
    %dot_general3A_22 = tpu.matmul %get3A_20, %div3A_17, %dot_general3A_21 {dimension_numbers = #tpu.dot_dimension_numbers<[1], [0], [0], [1], [0, 0, 1, 1], [], []>, precision = #tpu.contract_precision<fp32>, transpose_lhs_hint = false} : vector<160x32xf32>, vector<32x128xf32>, vector<160x128xf32> -> vector<160x128xf32>
    %broadcast_in_dim3A_23 = vector.shape_cast %broadcast_in_dim3A_14 : vector<32x1xf32> to vector<32x1xf32>
    %broadcast_in_dim3A_24 = vector.broadcast %broadcast_in_dim3A_23 : vector<32x1xf32> to vector<32x128xf32>
    %dot_general3A_25 = arith.constant dense<0.000000e+00> : vector<160x128xf32>
    %dot_general3A_26 = tpu.matmul %get3A_20, %broadcast_in_dim3A_24, %dot_general3A_25 {dimension_numbers = #tpu.dot_dimension_numbers<[1], [0], [0], [1], [0, 0, 1, 1], [], []>, precision = #tpu.contract_precision<fp32>, transpose_lhs_hint = false} : vector<160x32xf32>, vector<32x128xf32>, vector<160x128xf32> -> vector<160x128xf32>
    %slice3A = vector.extract_strided_slice %dot_general3A_26 {offsets = [0, 0], sizes = [160, 1], strides = [1, 1]} : vector<160x128xf32> to vector<160x1xf32>
    %get3A_27 = arith.constant 0 : index
    %get3A_28 = arith.constant 0 : index
    %get3A_29 = vector.load %arg3[%get3A_27, %get3A_28] : memref<160x1xf32, #tpu.memory_space<vmem>>, vector<160x1xf32>
    %add3A = arith.addf %slice3A, %get3A_29 : vector<160x1xf32>
    %min3A = arith.constant 9.999000e+03 : f32
    %min3A_30 = vector.broadcast %min3A : f32 to vector<160x1xf32>
    %min3A_31 = arith.minimumf %add3A, %min3A_30 : vector<160x1xf32>
    %convert_element_type3A_32 = arith.fptosi %min3A_31 : vector<160x1xf32> to vector<160x1xi32>
    %iota3A_33 = tpu.iota {dimensions = array<i32: 1>} : vector<160x10112xi32>
    %eq3A_34 = vector.broadcast %convert_element_type3A_32 : vector<160x1xi32> to vector<160x10112xi32>
    %eq3A_35 = arith.cmpi eq, %iota3A_33, %eq3A_34 : vector<160x10112xi32>
    %convert_element_type3A_36 = arith.extui %eq3A_35 : vector<160x10112xi1> to vector<160x10112xi32>
    %convert_element_type3A_37 = arith.sitofp %convert_element_type3A_36 : vector<160x10112xi32> to vector<160x10112xf32>
    %dot_general3A_38 = arith.constant dense<0.000000e+00> : vector<160x128xf32>
    %dot_general3A_39 = tpu.matmul %convert_element_type3A_37, %get3A_1, %dot_general3A_38 {dimension_numbers = #tpu.dot_dimension_numbers<[1], [0], [0], [1], [0, 0, 1, 1], [], []>, precision = #tpu.contract_precision<fp32>, transpose_lhs_hint = false} : vector<160x10112xf32>, vector<10112x128xf32>, vector<160x128xf32> -> vector<160x128xf32>
    %get3A_40 = arith.constant 0 : index
    %get3A_41 = arith.constant 0 : index
    %get3A_42 = vector.load %arg4[%get3A_40, %get3A_41] : memref<128x128xf32, #tpu.memory_space<vmem>>, vector<128x128xf32>
    %dot_general3A_43 = arith.constant dense<0.000000e+00> : vector<160x128xf32>
    %dot_general3A_44 = tpu.matmul %dot_general3A_39, %get3A_42, %dot_general3A_43 {dimension_numbers = #tpu.dot_dimension_numbers<[1], [0], [0], [1], [0, 0, 1, 1], [], []>, precision = #tpu.contract_precision<fp32>, transpose_lhs_hint = false} : vector<160x128xf32>, vector<128x128xf32>, vector<160x128xf32> -> vector<160x128xf32>
    %get3A_45 = arith.constant 0 : index
    %get3A_46 = arith.constant 0 : index
    %get3A_47 = vector.load %arg5[%get3A_45, %get3A_46] : memref<128x128xf32, #tpu.memory_space<vmem>>, vector<128x128xf32>
    %dot_general3A_48 = arith.constant dense<0.000000e+00> : vector<160x128xf32>
    %dot_general3A_49 = tpu.matmul %dot_general3A_22, %get3A_47, %dot_general3A_48 {dimension_numbers = #tpu.dot_dimension_numbers<[1], [0], [0], [1], [0, 0, 1, 1], [], []>, precision = #tpu.contract_precision<fp32>, transpose_lhs_hint = false} : vector<160x128xf32>, vector<128x128xf32>, vector<160x128xf32> -> vector<160x128xf32>
    %add3A_50 = arith.addf %dot_general3A_44, %dot_general3A_49 : vector<160x128xf32>
    %get3A_51 = arith.constant 0 : index
    %get3A_52 = arith.constant 0 : index
    %get3A_53 = vector.load %arg6[%get3A_51, %get3A_52] : memref<1x128xf32, #tpu.memory_space<vmem>>, vector<1x128xf32>
    %add3A_54 = vector.broadcast %get3A_53 : vector<1x128xf32> to vector<160x128xf32>
    %add3A_55 = arith.addf %add3A_50, %add3A_54 : vector<160x128xf32>
    %max3A_56 = arith.constant 0.000000e+00 : f32
    %max3A_57 = vector.broadcast %max3A_56 : f32 to vector<160x128xf32>
    %max3A_58 = arith.maximumf %add3A_55, %max3A_57 : vector<160x128xf32>
    %get3A_59 = arith.constant 0 : index
    %get3A_60 = arith.constant 0 : index
    %get3A_61 = vector.load %arg7[%get3A_59, %get3A_60] : memref<128x128xf32, #tpu.memory_space<vmem>>, vector<128x128xf32>
    %dot_general3A_62 = arith.constant dense<0.000000e+00> : vector<160x128xf32>
    %dot_general3A_63 = tpu.matmul %max3A_58, %get3A_61, %dot_general3A_62 {dimension_numbers = #tpu.dot_dimension_numbers<[1], [0], [0], [1], [0, 0, 1, 1], [], []>, precision = #tpu.contract_precision<fp32>, transpose_lhs_hint = false} : vector<160x128xf32>, vector<128x128xf32>, vector<160x128xf32> -> vector<160x128xf32>
    %get3A_64 = arith.constant 0 : index
    %get3A_65 = arith.constant 0 : index
    %get3A_66 = vector.load %arg8[%get3A_64, %get3A_65] : memref<1x128xf32, #tpu.memory_space<vmem>>, vector<1x128xf32>
    %add3A_67 = vector.broadcast %get3A_66 : vector<1x128xf32> to vector<160x128xf32>
    %add3A_68 = arith.addf %dot_general3A_63, %add3A_67 : vector<160x128xf32>
    %swap3A = arith.constant 0 : index
    %swap3A_69 = arith.constant 0 : index
    %swap3A_70 = vector.load %arg9[%swap3A, %swap3A_69] : memref<160x128xf32, #tpu.memory_space<vmem>>, vector<160x128xf32>
    tpu.vector_store %arg9[%swap3A, %swap3A_69], %add3A_68 {strides = array<i32>} : memref<160x128xf32, #tpu.memory_space<vmem>>, vector<160x128xf32>,
    return
  }
}

</mosaic_0001>

<sc_bundles>
// kernel: kernel.12.cloned.1.call-start
scs
__scs_entry_jumppad:
0x0: {  	(pc) =	sbr.rel $0x88, $3  }
0x1: {  	(tag) =	ssettag $0x0;
	lr =	simm.s32 $0x1  }
0x2: {  	[smem:$0x3F87] =	sst lr;
	_ =	strace $0xD0000000  }
0x3: {  	_ = 	snop  }
0x4: {  	_ = 	snop  }
0x5: {  	_ = 	snop  }
0x6: {  	_ = 	snop  }
0x7: {  	_ = 	snop  }
__scs_overlays_trampoline_lowered:
0x8: {  	[smem:$0x3F96] =	sst s0  }
0x9: {  	[smem:$0x3F97] =	sst s1  }
0xa: {  	[smem:$0x3F98] =	sst s2  }
0xb: {  	[smem:$0x3F99] =	sst s3  }
0xc: {  	[smem:$0x3F9A] =	sst s4  }
0xd: {  	[smem:$0x3F9B] =	sst s5  }
0xe: {  	[smem:$0x3F9C] =	sst s6  }
0xf: {  	[smem:$0x3F9D] =	sst s7  }
0x10: {  	[smem:$0x3F9E] =	sst s8  }
0x11: {  	[smem:$0x3F9F] =	sst s9;
	s0 =	simm.s32 @!p0 $0x0  }
0x12: {  	s1 =	sld [smem:$0x3F85];
	s0 =	simm.s32 @p0 $0x1  }
0x13: {  	[smem:$0x3FA0] =	sst s0;
	s0 =	simm.s32 @!p1 $0x0  }
0x14: {  	s2 =	sld [smem:$0x3F84];
	s0 =	simm.s32 @p1 $0x1  }
0x15: {  	[smem:$0x3FA1] =	sst s0;
	s0 =	simm.s32 @!p2 $0x0  }
0x16: {  	s3 =	sld [smem:$0x3FDB];
	s0 =	simm.s32 @p2 $0x1  }
0x17: {  	s4 =	simm.s32 $0x1BF5;
	[smem:$0x3FA3] =	sst s0  }
0x18: {  	s0 =	sld [smem:$0x3F86];
	_ =	swait.ge [sflag:s4], $0x0  }
0x19: {  	s7 =	sld [smem:$0x3F87]  }
0x1a: {  	s8 =	sadd.s32 $0xFFFFE003, lr  }
0x1b: {  	s9 =	sadd.s32 $0xFFFFFEF7, lr;
	s5 =	simm.s32 $0xFFFFFFFF;
	p2 =	slt.u32 s8, $0xFFFFF086  }
0x1c: {  	p1 =	slt.u32 s9, $0xF7A;
	s5 =	simm.s32 @!p2 $0x0  }
0x1d: {  	s5 =	simm.s32 @p1 $0x1;
	p0 =	seq.s32 s7, s2  }
0x1e: {  	s7 =	smul.u32 @!p0 $0xF7A, s2;
	p2 =	seq.s32 @!p0 s5, $0x0  }
0x1f: {  	s9 =	smul.u32 $0xF7A, s1;
	s8 =	simm.s32 @!p0 $0x1BF5;
	p2 =	por !p2, p0  }
0x20: {  	[sflag:s8] =	ssyncset.s32 @!p0 $0xFFFFF086;
	s6 =	sadd.s32 @!p0 s3, s7;
	s7 =	simm.s32 @!p0 $0x108  }
0x21: {  	s3 =	sadd.s32 s3, s9;
	s6 =	sadd.s32 @!p0 $0x88, s6;
	s7 =	simm.s32 @p2 $0x1082  }
0x22: {  	[simem:s7], [sflag:s8] =	dma.local @!p0 [hbm:s6], $0xF7A  }
0x23: {  	s9 =	sor.u32 $0xD0000000, s2;
	s6 =	simm.s32 $0x108;
	_ =	swait.ge @!p0 [sflag:s8], $0x0  }
0x24: {  	s3 =	sadd.s32 $0x88, s3;
	s6 =	simm.s32 @!p1 $0x1082;
	[sflag:s4] =	ssyncset.s32 $0xFFFFF086  }
0x25: {  	[simem:s6], [sflag:s4] =	dma.local [hbm:s3], $0xF7A  }
0x26: {  	[smem:$0x3F87] =	sst s1;
	(tag) =	ssettag s2;
	_ =	strace s9  }
0x27: {  	s1 =	sld [smem:$0x3F97]  }
0x28: {  	s2 =	sld [smem:$0x3F98]  }
0x29: {  	s4 =	sld [smem:$0x3F9A]  }
0x2a: {  	p0 =	seq.s32 s5, $0x0;
	s5 =	sld [smem:$0x3F9B]  }
0x2b: {  	s6 =	sld [smem:$0x3F9C]  }
0x2c: {  	s7 =	sld [smem:$0x3F9D]  }
0x2d: {  	s3 =	simm.s32 $0x108;
	s8 =	sld [smem:$0x3F9E]  }
0x2e: {  	s3 =	simm.s32 @!p0 $0x1082;
	s9 =	sld [smem:$0x3F9F]  }
0x2f: {  	lr =	sadd.s32 s0, s3;
	s0 =	sld [smem:$0x3F96]  }
0x30: {  	s3 =	sld [smem:$0x3F99]  }
0x31: {  	[smem:$0x3FA2] =	sst s10  }
0x32: {  	s10 =	sld [smem:$0x3FA0];
	_ =	sdelay $0x3  }
0x33: {  	p0 =	seq.s32 s10, $0x1;
	s10 =	sld [smem:$0x3FA2];
	_ =	sdelay $0x3  }
0x34: {  	[smem:$0x3FA2] =	sst s10  }
0x35: {  	s10 =	sld [smem:$0x3FA1];
	_ =	sdelay $0x3  }
0x36: {  	p1 =	seq.s32 s10, $0x1;
	s10 =	sld [smem:$0x3FA2];
	_ =	sdelay $0x3  }
0x37: {  	[smem:$0x3FA2] =	sst s10  }
0x38: {  	s10 =	sld [smem:$0x3FA3]  }
0x39: {  	_ = 	snop;
	(pc) =	sbr.ind lr, $3  }
0x3a: {  	_ = 	snop  }
0x3b: {  	_ = 	snop  }
0x3c: {  	p2 =	seq.s32 s10, $0x1;
	s10 =	sld [smem:$0x3FA2]  }
0x3d: {  	_ =	shalt  }
0x3e: {  	_ =	shalt  }
0x3f: {  	_ =	shalt  }
0x40: {  	_ =	shalt  }
0x41: {  	_ =	shalt  }
0x42: {  	_ =	shalt  }
0x43: {  	_ =	shalt  }
0x44: {  	_ =	shalt  }
0x45: {  	_ =	shalt  }
0x46: {  	_ =	shalt  }
0x47: {  	_ =	shalt  }
0x48: {  	_ =	shalt  }
0x49: {  	_ =	shalt  }
0x4a: {  	_ =	shalt  }
0x4b: {  	_ =	shalt  }
0x4c: {  	_ =	shalt  }
0x4d: {  	_ =	shalt  }
0x4e: {  	_ =	shalt  }
0x4f: {  	_ =	shalt  }
0x50: {  	_ =	shalt  }
0x51: {  	_ =	shalt  }
0x52: {  	_ =	shalt  }
0x53: {  	_ =	shalt  }
0x54: {  	_ =	shalt  }
0x55: {  	_ =	shalt  }
0x56: {  	_ =	shalt  }
0x57: {  	_ =	shalt  }
0x58: {  	_ =	shalt  }
0x59: {  	_ =	shalt  }
0x5a: {  	_ =	shalt  }
0x5b: {  	_ =	shalt  }
0x5c: {  	_ =	shalt  }
0x5d: {  	_ =	shalt  }
0x5e: {  	_ =	shalt  }
0x5f: {  	_ =	shalt  }
0x60: {  	_ =	shalt  }
0x61: {  	_ =	shalt  }
0x62: {  	_ =	shalt  }
0x63: {  	_ =	shalt  }
0x64: {  	_ =	shalt  }
0x65: {  	_ =	shalt  }
0x66: {  	_ =	shalt  }
0x67: {  	_ =	shalt  }
0x68: {  	_ =	shalt  }
0x69: {  	_ =	shalt  }
0x6a: {  	_ =	shalt  }
0x6b: {  	_ =	shalt  }
0x6c: {  	_ =	shalt  }
0x6d: {  	_ =	shalt  }
0x6e: {  	_ =	shalt  }
0x6f: {  	_ =	shalt  }
0x70: {  	_ =	shalt  }
0x71: {  	_ =	shalt  }
0x72: {  	_ =	shalt  }
0x73: {  	_ =	shalt  }
0x74: {  	_ =	shalt  }
0x75: {  	_ =	shalt  }
0x76: {  	_ =	shalt  }
0x77: {  	_ =	shalt  }
0x78: {  	_ =	shalt  }
0x79: {  	_ =	shalt  }
0x7a: {  	_ =	shalt  }
0x7b: {  	_ =	shalt  }
0x7c: {  	_ =	shalt  }
0x7d: {  	_ =	shalt  }
0x7e: {  	_ =	shalt  }
0x7f: {  	_ =	shalt  }
0x80: {  	_ =	shalt  }
0x81: {  	_ =	shalt  }
0x82: {  	_ =	shalt  }
0x83: {  	_ =	shalt  }
0x84: {  	_ =	shalt  }
0x85: {  	_ =	shalt  }
0x86: {  	_ =	shalt  }
0x87: {  	_ =	shalt  }
.Lfunc_end0:
.L_simem_size_0:
called_computation_lowered:
.L_overlay_start_0:
0x88: {  	s2 =	sld [smem:$0x3FD9]  }
0x89: {  	s3 =	sld [smem:$0x3FFE];
	_ =	sdelay $0x1  }
0x8a: {  	s1 =	srdreg.scid  }
0x8b: {  	s0 =	sand.u32 $0x1, s1  }
0x8c: {  	s16 =	sshll.u32 s0, $0xA;
	s2 =	sadd.s32 s3, s2  }
0x8d: {  	s2 =	sadd.s32 s2, s16  }
0x8e: {  	[smem:$0x3FAE] =	sst s2  }
0x8f: {  	_ = 	snop  }
0x90: {  	(tm) =	ssettm $0x1  }
0x91: {  	s17 =	sld [smem:$0x3FFB];
	_ =	sdelay $0x3  }
0x92: {  	_ =	strace s17  }
0x93: {  	s2 =	sld [smem:$0x3FFC];
	_ =	sdelay $0x3  }
0x94: {  	_ =	strace s2  }
0x95: {  	s2 =	sld [smem:$0x3FFD];
	_ =	sdelay $0x3  }
0x96: {  	_ =	strace s2  }
0x97: {  	_ =	strace $0x8FFFFFFF  }
0x98: {  	s18 =	sld [smem:$0x3FDB];
	_ =	sdelay $0x1  }
0x99: {  	s19 =	simm.s32 $_scs_section_size  }
0x9a: {  	s4 =	simm.s32 $_size__tile_overlayer_lowered;
	s5 =	simm.s32 $_tile_overlayer_lowered  }
0x9b: {  	s22 =	simm.s32 $0x1BFF;
	s21 =	sshll.u32 s5, $0x1;
	s2 =	sadd.s32 s19, s18  }
0x9c: {  	s6 =	simm.s32 $0x0;
	s20 =	sshll.u32 s4, $0x1;
	s4 =	sadd.s32 s21, s2  }
0x9d: {  	[timem:s6], [sflag:s22] =	dma.local [hbm:s4], s20  }
0x9e: {  	_ =	swait.ge [sflag:s22], s20  }
0x9f: {  	s3 =	ssub.s32 $0x0, s20;
	[sflag:s22] =	ssyncset.done $0x0  }
0xa0: {  	[sflag:s22] =	ssyncadd.s32 s3;
	_ =	sdelay $0x1  }
0xa1: {  	s23 =	simm.s32 $0x1B8B  }
0xa2: {  	_ =	swait.ge [sflag:s23], $0x1  }
0xa3: {  	[sflag:s23] =	ssyncset.done $0x0  }
0xa4: {  	s25 =	simm.s32 $0x1B8E;
	s24 =	sld [smem:$0x3FFE];
	[sflag:s23] =	ssyncadd.s32 $0xFFFFFFFF  }
0xa5: {  	s26 =	simm.s32 $execute0_lowered;
	[smem:$0x3FD2] =	sst s25  }
0xa6: {  	s4 =	sshll.u32 s26, $0x1;
	_ =	strace $0x80000046;
	[dreg:$0x1] =	wrdreg $0xFFFFFFFF  }
0xa7: {  	s28 =	simm.s32 $_size_execute0_lowered;
	s2 =	sadd.s32 s2, s4;
	[dreg:$0x0] =	wrdreg $0x0  }
0xa8: {  	s4 =	sshll.u32 s28, $0x1;
	[dreg:$0x2] =	wrdreg s2  }
0xa9: {  	[dreg:$0x3] =	wrdreg s4  }
0xaa: {  	[dreg:$0x4] =	wrdreg $0xC0  }
0xab: {  	_ =	task [dreg:s6], $0x5FFFF  }
0xac: {  	[dreg:$0x1] =	wrdreg $0xFFFFFFFF  }
0xad: {  	[dreg:$0x0] =	wrdreg $0x60  }
0xae: {  	[dreg:$0x2] =	wrdreg s24  }
0xaf: {  	[dreg:$0x3] =	wrdreg $0x0  }
0xb0: {  	[dreg:$0x4] =	wrdreg $0x9  }
0xb1: {  	_ =	task.clear_ibuf [dreg:s6], $0x5FFFF;
	_ =	strace $0x90000046  }
0xb2: {  	s29 =	simm.s32 $0x9;
	_ =	strace $0x80000048  }
0xb3: {  	_ =	swait.ge [sflag:s29], $0x1  }
0xb4: {  	[sflag:s29] =	ssyncadd.s32 $0xFFFFFFFF  }
0xb5: {  	_ =	strace $0x90000048  }
0xb6: {  	_ =	sfence  }
0xb7: {  	s30 =	sld [smem:$0x0];
	_ =	sdelay $0x2  }
0xb8: {  	s31 =	sshll.u32 s1, $0xD;
	s1 =	sshrl.u32 s1, $0x2  }
0xb9: {  	s3 =	sand.u32 $0x4000, s31;
	s1 =	sadd.s32 s1, s30  }
0xba: {  	s0 =	sor.u32 s3, s0;
	s1 =	sshll.u32 s1, $0x11  }
0xbb: {  	s0 =	sor.u32 s1, s0  }
0xbc: {  	s0 =	sadd.s32 $0x8F2B, s0  }
0xbd: {  	[sflag:s0] =	ssyncadd.remote.s32 $0x1  }
0xbe: {  	_ =	sfence.sel $0xFFFF  }
0xbf: {  	[dreg:$0x0] =	wrdreg $0xFFFFFFFF;
	(pc) =	sbr.abs _section_cstart, $3  }
0xc0: {  	[dreg:$0x1] =	wrdreg $0xFFFFFFFF  }
0xc1: {  	_ =	task.clear_ibuf [dreg:s6], $0x2FFFF;
	_ =	strace $0x9FFFFFFF  }
0xc2: {  	(tm) =	ssettm $0x7FFFFFFF  }
0xc3: {  	_ =	shalt  }
tec
execute0_lowered:
.L_overlay_start_1:
0x0: {  	(tag) =	ssettag $0x1  }
0x1: {  	s0 =	srdreg.scid;
	s2 =	rddreg [dreg:$0x0]  }
0x2: {  	s22 =	stileid.u32;
	s1 =	simm.s32 $0x0;
	s3 =	sand.u32 $0x1, s0  }
0x3: {  	s4 =	smul.u32 $0x16380, s22;
	[smem:$0x7FF] =	sst s1;
	s0 =	ssub.s32 $0x2, s3  }
0x4: {  	s5 =	sadd.s32 $0x25000, s2;
	s10 =	smul.u32 $0x163800, s3;
	s6 =	sshrl.u32 s0, $0x1  }
0x5: {  	s7 =	sadd.s32 $0x4800, s4;
	s8 =	sadd.s32 $0x6C00, s4;
	s9 =	sadd.s32 $0x9000, s4  }
0x6: {  	s12 =	sadd.s32 $0xB400, s4;
	s13 =	sadd.s32 $0xD800, s4;
	s19 =	sadd.s32 $0xFC00, s4  }
0x7: {  	s20 =	sadd.s32 $0x12000, s4;
	s21 =	sadd.s32 $0x14400, s4;
	s0 =	ssub.s32 s0, s6  }
0x8: {  	s6 =	sadd.s32 $0x2400, s4;
	s11 =	sadd.s32 s4, s10;
	s18 =	sadd.s32 s10, s7  }
0x9: {  	s23 =	sadd.s32 s10, s8;
	s15 =	sadd.s32 s10, s9;
	s28 =	sadd.s32 s10, s12  }
0xa: {  	s29 =	sadd.s32 s10, s13;
	s30 =	sadd.s32 s10, s19;
	s14 =	sadd.s32 s10, s6  }
0xb: {  	s11 =	sshrl.u32 s11, $0x3;
	s24 =	sshrl.u32 s23, $0x3;
	s25 =	sshrl.u32 s15, $0x3  }
0xc: {  	s16 =	sshrl.u32 s29, $0x3;
	s23 =	sadd.s32 s10, s20;
	s10 =	sadd.s32 s10, s21  }
0xd: {  	s15 =	sadd.s32 $0x7400, s2;
	s0 =	smax.u32 s0, $0x1;
	s11 =	sadd.s32 s5, s11  }
0xe: {  	s14 =	sshrl.u32 s14, $0x3;
	s26 =	sadd.s32 s5, s25;
	[dreg:$0x3] =	wrdreg s11  }
0xf: {  	s17 =	sadd.s32 s5, s14;
	s11 =	sshrl.u32 s18, $0x3;
	[dreg:$0x7] =	wrdreg s26  }
0x10: {  	s10 =	sshrl.u32 s10, $0x3;
	[dreg:$0x4] =	wrdreg s17;
	s11 =	sadd.s32 s5, s11  }
0x11: {  	s17 =	sshrl.u32 s30, $0x3;
	[dreg:$0x5] =	wrdreg s11;
	s11 =	sadd.s32 s5, s24  }
0x12: {  	s18 =	sadd.s32 s5, s17;
	s24 =	sshrl.u32 s23, $0x3;
	[dreg:$0x6] =	wrdreg s11  }
0x13: {  	s11 =	sshrl.u32 s28, $0x3;
	[dreg:$0xa] =	wrdreg s18;
	s14 =	sadd.s32 s5, s24  }
0x14: {  	s25 =	sshll.u32 s3, $0x4;
	s11 =	sadd.s32 s5, s11;
	[dreg:$0xb] =	wrdreg s14  }
0x15: {  	s3 =	simm.s32 $0x16380;
	[dreg:$0x8] =	wrdreg s11;
	s11 =	sadd.s32 s5, s16  }
0x16: {  	s17 =	sadd.s32 $0x2400, s2;
	s18 =	sadd.s32 $0x13E400, s2;
	[dreg:$0x9] =	wrdreg s11  }
0x17: {  	s14 =	sadd.s32 $0x11200, s2;
	s5 =	sadd.s32 s5, s10;
	s11 =	rddreg [dreg:$0x1]  }
0x18: {  	s16 =	sadd.s32 $0x1B200, s2;
	s2 =	sadd.s32 $0x1B000, s2;
	[dreg:$0xc] =	wrdreg s5  }
0x19: {  	s5 =	simm.s32 $0x16400;
	_ =	strace $0x80000047;
	[dreg:$0xd] =	wrdreg s2  }
0x1a: {  	s2 =	sor.u32 s22, s25;
	s22 =	sadd.s32 s4, s11;
	s23 =	sadd.s32 s6, s11  }
0x1b: {  	s24 =	sadd.s32 s7, s11;
	s25 =	sadd.s32 s8, s11;
	s26 =	sadd.s32 s9, s11  }
0x1c: {  	v0 =	vimm.s32 $0xFEDCBA98;
	v1 =	vimm.s32 $0x76543210;
	vm0 =	vmmov $0xff;
	s28 =	sadd.s32 s12, s11;
	s29 =	sadd.s32 s13, s11;
	[dreg:$0x14] =	wrdreg s0  }
0x1d: {  	vm2 =	vcmask $0x2724;
	vm1 =	vcmask $0x1F24;
	v0 =	vunpack.c.l.s4.s8 v0;
	s30 =	sadd.s32 s19, s11;
	s20 =	sadd.s32 s20, s11;
	[dreg:$0xe] =	wrdreg s26  }
0x1e: {  	v4 =	vimm.s32 $0x1;
	v5 =	vimm.s32 $0x2;
	v1 =	vunpack.c.l.s4.s8 v1;
	s21 =	sadd.s32 s21, s11;
	s0 =	simm.s32 $0x18C40;
	[dreg:$0xf] =	wrdreg s28  }
0x1f: {  	v6 =	vimm.s32 $0x3;
	v7 =	vimm.s32 $0x4;
	v2 =	vunpack.c.0.s8.s32 v0;
	s4 =	simm.s32 $0x163C0;
	s6 =	simm.s32 $0x1;
	[dreg:$0x10] =	wrdreg s29  }
0x20: {  	v8 =	vimm.s32 $0x5;
	v9 =	vimm.s32 $0x6;
	v3 =	vunpack.c.0.s8.s32 v1;
	s7 =	simm.s32 $0x40;
	s8 =	simm.s32 $0x16C40;
	[dreg:$0x11] =	wrdreg s30  }
0x21: {  	v10 =	vimm.s32 $0x7;
	v0 =	vimm.f32 $0.0e+00;
	v2 =	vand.u32 $0xF, v2;
	s9 =	simm.s32 $0x2;
	s12 =	simm.s32 $0x3;
	[dreg:$0x12] =	wrdreg s20  }
0x22: {  	v1 =	vimm.s32 $0x0;
	v2 =	vcombine.low v2, v3;
	v3 =	vsel vm2, $0x3F800000, v0;
	s31 =	smul.u32 $0x2780, s2;
	s2 =	simm.s32 $0x4;
	[dreg:$0x13] =	wrdreg s21  }
.LBB2_1:
0x23: {  	s10 =	simm.s32 $0x0;
	s13 =	simm.s32 $0x240  }
.LBB2_2:
0x24: {  	p0 =	sne.s32 s13, $0x8DC0;
	[tilespmem:s10+$0x18CC0] =	vst v0  }
0x25: {  	[tilespmem:s10+$0x18C40] =	vst v0  }
0x26: {  	[tilespmem:s10+$0x18C50] =	vst v0  }
0x27: {  	[tilespmem:s10+$0x18C60] =	vst v0  }
.Ltmp0:
0x28: {  	[tilespmem:s10+$0x18C70] =	vst v0;
	(pc) =	sbr.rel @p0 .LBB2_2-.Ltmp0, $4  }
0x29: {  	[tilespmem:s10+$0x18C80] =	vst v0  }
0x2a: {  	[tilespmem:s10+$0x18C90] =	vst v0  }
0x2b: {  	[tilespmem:s10+$0x18CA0] =	vst v0  }
0x2c: {  	[tilespmem:s10+$0x18CB0] =	vst v0;
	s10 =	sshra.s32 s13, $0x2;
	s13 =	sadd.s32 $0x240, s13  }
0x2d: {  	[tilespmem:s10+$0x18CC0] =	vst v0  }
0x2e: {  	[tilespmem:s10+$0x18C40] =	vst v0  }
0x2f: {  	[tilespmem:s10+$0x18C50] =	vst v0  }
0x30: {  	[tilespmem:s10+$0x18C60] =	vst v0  }
0x31: {  	[tilespmem:s10+$0x18C70] =	vst v0  }
0x32: {  	[tilespmem:s10+$0x18C80] =	vst v0  }
0x33: {  	[tilespmem:s10+$0x18C90] =	vst v0  }
0x34: {  	[tilespmem:s10+$0x18CA0] =	vst v0  }
0x35: {  	[tilespmem:s10+$0x18CB0] =	vst v0  }
0x36: {  	[spmem:s22] =	stream.linear.scatter [tilespmem:s0], [sflag:$0x4], $0x2400, $0x38;
	[tilespmem:$0x1B050] =	vst v63  }
0x37: {  	_ =	swait.ge [sflag:s2], $0x2400  }
0x38: {  	[sflag:s2] =	ssyncset.done $0x0  }
0x39: {  	[sflag:s2] =	ssyncadd.s32 $0xFFFFDC00  }
0x3a: {  	[spmem:s23] =	stream.linear.scatter [tilespmem:s0], [sflag:$0x4], $0x2400, $0x38;
	[tilespmem:$0x1B050] =	vst v63  }
0x3b: {  	_ =	swait.ge [sflag:s2], $0x2400  }
0x3c: {  	[sflag:s2] =	ssyncset.done $0x0  }
0x3d: {  	[sflag:s2] =	ssyncadd.s32 $0xFFFFDC00  }
0x3e: {  	[spmem:s24] =	stream.linear.scatter [tilespmem:s0], [sflag:$0x4], $0x2400, $0x38;
	[tilespmem:$0x1B050] =	vst v63  }
0x3f: {  	_ =	swait.ge [sflag:s2], $0x2400  }
0x40: {  	[sflag:s2] =	ssyncset.done $0x0  }
0x41: {  	[sflag:s2] =	ssyncadd.s32 $0xFFFFDC00  }
0x42: {  	[spmem:s25] =	stream.linear.scatter [tilespmem:s0], [sflag:$0x4], $0x2400, $0x38;
	[tilespmem:$0x1B050] =	vst v63  }
0x43: {  	_ =	swait.ge [sflag:s2], $0x2400  }
0x44: {  	[sflag:s2] =	ssyncset.done $0x0  }
0x45: {  	s19 =	rddreg [dreg:$0xe];
	[sflag:s2] =	ssyncadd.s32 $0xFFFFDC00  }
0x46: {  	[spmem:s19] =	stream.linear.scatter [tilespmem:s0], [sflag:$0x4], $0x2400, $0x38;
	[tilespmem:$0x1B050] =	vst v63  }
0x47: {  	_ =	swait.ge [sflag:s2], $0x2400  }
0x48: {  	[sflag:s2] =	ssyncset.done $0x0  }
0x49: {  	s26 =	smov.u32 s22;
	s22 =	rddreg [dreg:$0xf];
	[sflag:s2] =	ssyncadd.s32 $0xFFFFDC00  }
0x4a: {  	[spmem:s22] =	stream.linear.scatter [tilespmem:s0], [sflag:$0x4], $0x2400, $0x38;
	[tilespmem:$0x1B050] =	vst v63  }
0x4b: {  	_ =	swait.ge [sflag:s2], $0x2400  }
0x4c: {  	[sflag:s2] =	ssyncset.done $0x0  }
0x4d: {  	s28 =	smov.u32 s23;
	s23 =	rddreg [dreg:$0x10];
	[sflag:s2] =	ssyncadd.s32 $0xFFFFDC00  }
0x4e: {  	[spmem:s23] =	stream.linear.scatter [tilespmem:s0], [sflag:$0x4], $0x2400, $0x38;
	[tilespmem:$0x1B050] =	vst v63  }
0x4f: {  	_ =	swait.ge [sflag:s2], $0x2400  }
0x50: {  	[sflag:s2] =	ssyncset.done $0x0  }
0x51: {  	s29 =	smov.u32 s24;
	s24 =	rddreg [dreg:$0x11];
	[sflag:s2] =	ssyncadd.s32 $0xFFFFDC00  }
0x52: {  	[spmem:s24] =	stream.linear.scatter [tilespmem:s0], [sflag:$0x4], $0x2400, $0x38;
	[tilespmem:$0x1B050] =	vst v63  }
0x53: {  	_ =	swait.ge [sflag:s2], $0x2400  }
0x54: {  	[sflag:s2] =	ssyncset.done $0x0  }
0x55: {  	[sflag:s2] =	ssyncadd.s32 $0xFFFFDC00  }
0x56: {  	[spmem:s20] =	stream.linear.scatter [tilespmem:s0], [sflag:$0x4], $0x2400, $0x38;
	[tilespmem:$0x1B050] =	vst v63  }
0x57: {  	_ =	swait.ge [sflag:s2], $0x2400  }
0x58: {  	[sflag:s2] =	ssyncset.done $0x0  }
0x59: {  	[sflag:s2] =	ssyncadd.s32 $0xFFFFDC00  }
0x5a: {  	[spmem:s21] =	stream.linear.scatter [tilespmem:s0], [sflag:$0x4], $0x1F80, $0x38;
	[tilespmem:$0x1B050] =	vst v63  }
0x5b: {  	_ =	swait.ge [sflag:s2], $0x1F80  }
0x5c: {  	s30 =	smov.u32 s25;
	s13 =	simm.s32 $0x0;
	[sflag:s2] =	ssyncset.done $0x0  }
0x5d: {  	s19 =	simm.s32 $0x1B040;
	s25 =	rddreg [dreg:$0xd];
	[sflag:s2] =	ssyncadd.s32 $0xFFFFE080  }
0x5e: {  	[tilespmem:s19], [sflag:$0x4] =	stream.linear.gather [hbm4b:s25+s13], $0x10, $0x38;
	[tilespmem:$0x1B050] =	vst v63  }
0x5f: {  	_ =	swait.ge [sflag:s2], $0x10  }
0x60: {  	[sflag:s2] =	ssyncset.done $0x0  }
0x61: {  	[sflag:s2] =	ssyncadd.s32 $0xFFFFFFF0  }
0x62: {  	s19 =	simm.s32 $0x0;
	[bflag:$0x0] =	sbarrier.arrive $0xFFFF  }
.LBB2_4:
0x63: {  	s10 =	sshll.u32 s19, $0x6  }
0x64: {  	s10 =	sadd.s32 s31, s10  }
0x65: {  	s10 =	sshrl.u32 s10, $0x3  }
0x66: {  	s20 =	sadd.s32 s14, s10  }
0x67: {  	[tilespmem:s3], [sflag:$0x1] =	stream.linear.gather [hbm4b:s20+s13], $0x40, $0x38;
	[tilespmem:$0x1B050] =	vst v63  }
0x68: {  	s25 =	sadd.s32 s15, s10  }
0x69: {  	[tilespmem:s4], [sflag:$0x1] =	stream.linear.gather [hbm4b:s25+s13], $0x40, $0x38;
	[tilespmem:$0x1B050] =	vst v63  }
0x6a: {  	s10 =	sadd.s32 s16, s10  }
0x6b: {  	[tilespmem:s5], [sflag:$0x1] =	stream.linear.gather [hbm4b:s10+s13], $0x40, $0x38;
	[tilespmem:$0x1B050] =	vst v63  }
0x6c: {  	_ =	swait.ge [sflag:s6], $0x40  }
0x6d: {  	[sflag:s6] =	ssyncset.done $0x0  }
0x6e: {  	[sflag:s6] =	ssyncadd.s32 $0xFFFFFFC0  }
0x6f: {  	_ =	swait.ge [sflag:s6], $0x40  }
0x70: {  	[sflag:s6] =	ssyncset.done $0x0  }
0x71: {  	[sflag:s6] =	ssyncadd.s32 $0xFFFFFFC0  }
0x72: {  	_ =	swait.ge [sflag:s6], $0x40  }
0x73: {  	[sflag:s6] =	ssyncset.done $0x0  }
0x74: {  	s10 =	simm.s32 $0x16440;
	[sflag:s6] =	ssyncadd.s32 $0xFFFFFFC0  }
0x75: {  	[tilespmem:s10], [sflag:$0x2] =	stream.indirect.gather [hbm4b:s17+s7], $0x10, s3, s7, $0xb8;
	[tilespmem:$0x1B050] =	vst v63  }
0x76: {  	s20 =	simm.s32 $0x16840  }
0x77: {  	[tilespmem:s20], [sflag:$0x2] =	stream.indirect.gather [hbm4b:s17+s7], $0x10, s4, s7, $0xb8;
	[tilespmem:$0x1B050] =	vst v63  }
0x78: {  	_ = 	snop  }
0x79: {  	[tilespmem:s8], [sflag:$0x3] =	stream.indirect.gather [hbm4b:s18+s7], $0x80, s3, s7, $0xb8;
	[tilespmem:$0x1B050] =	vst v63  }
0x7a: {  	_ =	swait.ge [sflag:s9], $0x400  }
0x7b: {  	[sflag:s9] =	ssyncset.done $0x0  }
0x7c: {  	[sflag:s9] =	ssyncadd.s32 $0xFFFFFC00  }
0x7d: {  	_ =	swait.ge [sflag:s9], $0x400  }
0x7e: {  	[sflag:s9] =	ssyncset.done $0x0  }
0x7f: {  	[sflag:s9] =	ssyncadd.s32 $0xFFFFFC00  }
0x80: {  	_ =	swait.ge [sflag:s12], $0x2000  }
0x81: {  	[sflag:s12] =	ssyncset.done $0x0  }
0x82: {  	[sflag:s12] =	ssyncadd.s32 $0xFFFFE000  }
0x83: {  	v11 =	vld [tilespmem:$0x16410]  }
0x84: {  	v12 =	vld [tilespmem:$0x16420]  }
0x85: {  	v13 =	vld [tilespmem:$0x16430]  }
0x86: {  	v14 =	vld [tilespmem:$0x16400];
	_ =	sdelay $0x1  }
0x87: {  	v16 =	vmov s13;
	v15 =	vld [tilespmem:s20+$0x0]  }
0x88: {  	v18 =	vand.u32 $0xF, v16;
	v17 =	vld [tilespmem:s10+$0x0]  }
0x89: {  	v19 =	vld [tilespmem:$0x1B040];
	v11 =	vperm.xlane v11, v18;
	v13 =	vperm.xlane v13, v18  }
0x8a: {  	v20 =	vand.u32 $0x10, v16;
	v14 =	vperm.xlane v14, v18;
	v12 =	vperm.xlane v12, v18  }
0x8b: {  	vm3 =	vlt.u32 v16, $0x20;
	vm2 =	veq.s32 v20, $0x0  }
0x8c: {  	v53 =	vperm.xlane v15, v2;
	v11 =	vsel vm2, v14, v11;
	v12 =	vsel vm2, v12, v13  }
0x8d: {  	v11 =	vsel vm3, v11, v12  }
0x8e: {  	v54 =	vadd.f32 v53, v17;
	v55 =	vmul.f32 v19, v11;
	_ =	sdelay $0x1  }
0x8f: {  	v12 =	vadd.f32 v55, v54;
	_ =	sdelay $0x1  }
0x90: {  	v13 =	vmul.f32 $2.000000030e-01, v12  }
0x91: {  	vm2 =	vgt.f32 v12, $0.0e+00  }
0x92: {  	v12 =	vsel vm2, v12, v13  }
0x93: {  	v12 =	vmul.f32 $1.442695020e+00, v12;
	_ =	sdelay $0x1  }
0x94: {  	(erf) = vpow2.f32 v12;
	_ =	sdelay $0x8  }
0x95: {  	v12 =	vpop (erf)  }
0x96: {  	v11 =	vsel vm1, $0x0, v11;
	v56 =	vnsel vm0, $0x0, v12  }
0x97: {  	v11 =	vadd.f32 v56, v11;
	_ =	sdelay $0x1  }
0x98: {  	v11 =	vadd.f32 v3, v11  }
0x99: {  	s22 =	simm.s32 $0x18C80  }
0x9a: {  	s21 =	simm.s32 $0x16C80;
	[tilespmem:s22+$0x40] =	vst v11  }
0x9b: {  	v11 =	vld [tilespmem:s21+$0xFFFFFFC0];
	_ =	sdelay $0x2  }
0x9c: {  	v57 =	vperm.xlane v12, v1;
	_ =	sdelay $0x1  }
0x9d: {  	v11 =	vmul.f32 v11, v57;
	_ =	sdelay $0x1  }
0x9e: {  	[tilespmem:s22+$0xFFFFFFC0] =	vst v11  }
0x9f: {  	v11 =	vld [tilespmem:s21+$0xFFFFFFD0];
	_ =	sdelay $0x2  }
0xa0: {  	v58 =	vperm.xlane v12, v4;
	_ =	sdelay $0x1  }
0xa1: {  	v11 =	vmul.f32 v11, v58;
	_ =	sdelay $0x1  }
0xa2: {  	[tilespmem:s22+$0xFFFFFFD0] =	vst v11  }
0xa3: {  	v11 =	vld [tilespmem:s21+$0xFFFFFFE0];
	_ =	sdelay $0x2  }
0xa4: {  	v59 =	vperm.xlane v12, v5;
	_ =	sdelay $0x1  }
0xa5: {  	v11 =	vmul.f32 v11, v59;
	_ =	sdelay $0x1  }
0xa6: {  	[tilespmem:s22+$0xFFFFFFE0] =	vst v11  }
0xa7: {  	v11 =	vld [tilespmem:s21+$0xFFFFFFF0];
	_ =	sdelay $0x2  }
0xa8: {  	v60 =	vperm.xlane v12, v6;
	_ =	sdelay $0x1  }
0xa9: {  	v11 =	vmul.f32 v11, v60;
	_ =	sdelay $0x1  }
0xaa: {  	[tilespmem:s22+$0xFFFFFFF0] =	vst v11  }
0xab: {  	v11 =	vld [tilespmem:s21+$0x0];
	_ =	sdelay $0x2  }
0xac: {  	v61 =	vperm.xlane v12, v7;
	_ =	sdelay $0x1  }
0xad: {  	v11 =	vmul.f32 v11, v61;
	_ =	sdelay $0x1  }
0xae: {  	[tilespmem:s22+$0x0] =	vst v11  }
0xaf: {  	v11 =	vld [tilespmem:s21+$0x10];
	_ =	sdelay $0x2  }
0xb0: {  	v62 =	vperm.xlane v12, v8;
	_ =	sdelay $0x1  }
0xb1: {  	v11 =	vmul.f32 v11, v62;
	_ =	sdelay $0x1  }
0xb2: {  	[tilespmem:s22+$0x10] =	vst v11  }
0xb3: {  	v11 =	vld [tilespmem:s21+$0x20];
	_ =	sdelay $0x2  }
0xb4: {  	v63 =	vperm.xlane v12, v9;
	_ =	sdelay $0x1  }
0xb5: {  	v11 =	vmul.f32 v11, v63;
	_ =	sdelay $0x1  }
0xb6: {  	[tilespmem:s22+$0x20] =	vst v11  }
0xb7: {  	v11 =	vld [tilespmem:s21+$0x30];
	_ =	sdelay $0x2  }
0xb8: {  	v12 =	vperm.xlane v12, v10;
	_ =	sdelay $0x1  }
0xb9: {  	v11 =	vmul.f32 v11, v12  }
0xba: {  	s23 =	simm.s32 $0x1;
	s24 =	simm.s32 $0x18D10  }
.LBB2_5:
0xbb: {  	[tilespmem:s22+$0x30] =	vst v11;
	s10 =	sadd.s32 $0x10, s10;
	s20 =	sadd.s32 $0x10, s20;
	s21 =	sadd.s32 $0x80, s21  }
0xbc: {  	p0 =	sne.s32 s23, $0x3F;
	s25 =	smov.u32 s23;
	s23 =	sadd.s32 $0x1, s23;
	v11 =	vld [tilespmem:$0x16410]  }
0xbd: {  	s22 =	smov.u32 s24;
	v12 =	vld [tilespmem:$0x16420]  }
0xbe: {  	v13 =	vld [tilespmem:$0x16430]  }
0xbf: {  	v14 =	vld [tilespmem:$0x16400];
	_ =	sdelay $0x1  }
0xc0: {  	v16 =	vmov s25;
	v15 =	vld [tilespmem:s20+$0x0]  }
0xc1: {  	v18 =	vand.u32 $0xF, v16;
	v19 =	vand.u32 $0x10, v16;
	v17 =	vld [tilespmem:s10+$0x0]  }
0xc2: {  	v11 =	vperm.xlane v11, v18;
	v13 =	vperm.xlane v13, v18;
	v20 =	vld [tilespmem:$0x1B040]  }
0xc3: {  	v12 =	vperm.xlane v12, v18;
	v14 =	vperm.xlane v14, v18  }
0xc4: {  	vm3 =	vlt.u32 v16, $0x20;
	vm2 =	veq.s32 v19, $0x0  }
0xc5: {  	v12 =	vsel vm2, v12, v13;
	v11 =	vsel vm2, v14, v11;
	v13 =	vperm.xlane v15, v2  }
0xc6: {  	v11 =	vsel vm3, v11, v12  }
0xc7: {  	v12 =	vadd.f32 v13, v17;
	v13 =	vmul.f32 v20, v11;
	_ =	sdelay $0x1  }
0xc8: {  	v12 =	vadd.f32 v13, v12;
	_ =	sdelay $0x1  }
0xc9: {  	vm2 =	vgt.f32 v12, $0.0e+00;
	v13 =	vmul.f32 $2.000000030e-01, v12;
	_ =	sdelay $0x1  }
0xca: {  	v12 =	vsel vm2, v12, v13  }
0xcb: {  	v12 =	vmul.f32 $1.442695020e+00, v12;
	_ =	sdelay $0x1  }
0xcc: {  	(erf) = vpow2.f32 v12;
	_ =	sdelay $0x8  }
0xcd: {  	v12 =	vpop (erf)  }
0xce: {  	v11 =	vsel vm1, $0x0, v11;
	v13 =	vnsel vm0, $0x0, v12  }
0xcf: {  	v11 =	vadd.f32 v13, v11;
	_ =	sdelay $0x1  }
0xd0: {  	v11 =	vadd.f32 v3, v11;
	_ =	sdelay $0x1  }
0xd1: {  	[tilespmem:s24+$0x40] =	vst v11  }
0xd2: {  	v11 =	vld [tilespmem:s21+$0xFFFFFFC0];
	_ =	sdelay $0x2  }
0xd3: {  	v13 =	vperm.xlane v12, v1;
	_ =	sdelay $0x1  }
0xd4: {  	v11 =	vmul.f32 v11, v13;
	_ =	sdelay $0x1  }
0xd5: {  	[tilespmem:s24+$0xFFFFFFC0] =	vst v11  }
0xd6: {  	v11 =	vld [tilespmem:s21+$0xFFFFFFD0];
	_ =	sdelay $0x2  }
0xd7: {  	v13 =	vperm.xlane v12, v4;
	_ =	sdelay $0x1  }
0xd8: {  	v11 =	vmul.f32 v11, v13;
	_ =	sdelay $0x1  }
0xd9: {  	[tilespmem:s24+$0xFFFFFFD0] =	vst v11  }
0xda: {  	v11 =	vld [tilespmem:s21+$0xFFFFFFE0];
	_ =	sdelay $0x2  }
0xdb: {  	v13 =	vperm.xlane v12, v5;
	_ =	sdelay $0x1  }
0xdc: {  	v11 =	vmul.f32 v11, v13;
	_ =	sdelay $0x1  }
0xdd: {  	[tilespmem:s24+$0xFFFFFFE0] =	vst v11  }
0xde: {  	v11 =	vld [tilespmem:s21+$0xFFFFFFF0];
	_ =	sdelay $0x2  }
0xdf: {  	v13 =	vperm.xlane v12, v6;
	_ =	sdelay $0x1  }
0xe0: {  	v11 =	vmul.f32 v11, v13;
	_ =	sdelay $0x1  }
0xe1: {  	[tilespmem:s24+$0xFFFFFFF0] =	vst v11  }
0xe2: {  	v11 =	vld [tilespmem:s21+$0x0];
	_ =	sdelay $0x2  }
0xe3: {  	v13 =	vperm.xlane v12, v7;
	_ =	sdelay $0x1  }
0xe4: {  	v11 =	vmul.f32 v11, v13;
	_ =	sdelay $0x1  }
0xe5: {  	[tilespmem:s24+$0x0] =	vst v11  }
0xe6: {  	v11 =	vld [tilespmem:s21+$0x10];
	_ =	sdelay $0x2  }
0xe7: {  	v13 =	vperm.xlane v12, v8;
	_ =	sdelay $0x1  }
0xe8: {  	v11 =	vmul.f32 v11, v13;
	_ =	sdelay $0x1  }
0xe9: {  	[tilespmem:s24+$0x10] =	vst v11  }
0xea: {  	v11 =	vld [tilespmem:s21+$0x20];
	_ =	sdelay $0x2  }
0xeb: {  	v13 =	vperm.xlane v12, v9;
	_ =	sdelay $0x1  }
0xec: {  	v11 =	vmul.f32 v11, v13;
	_ =	sdelay $0x1  }
0xed: {  	[tilespmem:s24+$0x20] =	vst v11  }
0xee: {  	v11 =	vld [tilespmem:s21+$0x30];
	_ =	sdelay $0x1  }
.Ltmp1:
0xef: {  	(pc) =	sbr.rel @p0 .LBB2_5-.Ltmp1, $3  }
0xf0: {  	v12 =	vperm.xlane v12, v10;
	_ =	sdelay $0x1  }
0xf1: {  	v11 =	vmul.f32 v11, v12  }
0xf2: {  	s24 =	sadd.s32 $0x90, s24  }
0xf3: {  	s19 =	sadd.s32 $0x1, s19  }
0xf4: {  	p0 =	sne.s32 s19, $0x9E  }
.Ltmp2:
0xf5: {  	[tilespmem:s22+$0x30] =	vst v11;
	(pc) =	sbr.rel @p0 .LBB2_4-.Ltmp2, $4  }
0xf6: {  	[spmem:s11] =	stream.indirect.scatter.add.f32 [tilespmem:s0], [sflag:$0x4], $0x90, s4, s7, $0xb8;
	[tilespmem:$0x1B050] =	vst v63  }
0xf7: {  	_ =	swait.ge [sflag:s2], $0x2400  }
0xf8: {  	[sflag:s2] =	ssyncset.done $0x0  }
0xf9: {  	[sflag:s2] =	ssyncadd.s32 $0xFFFFDC00  }
0xfa: {  	s10 =	stileid.u32  }
0xfb: {  	[bflag:$0x0] =	sbarrier.arrive $0xFFFF;
	s10 =	sshll.u32 s10, $0x6  }
0xfc: {  	s13 =	sshrl.u32 s26, $0x3;
	s19 =	rddreg [dreg:$0x3];
	s10 =	sor.u32 $0x1C04, s10  }
0xfd: {  	[hbm:s19], [sflag:s10] =	dma.local [spmem:s13], $0x480  }
0xfe: {  	_ =	swait.ge [sflag:s2], $0x480  }
0xff: {  	[sflag:s2] =	ssyncset.done $0x0  }
0x100: {  	s24 =	sshrl.u32 s28, $0x3;
	s25 =	rddreg [dreg:$0x4];
	[sflag:s2] =	ssyncadd.s32 $0xFFFFFB80  }
0x101: {  	[hbm:s25], [sflag:s10] =	dma.local [spmem:s24], $0x480  }
0x102: {  	_ =	swait.ge [sflag:s2], $0x480  }
0x103: {  	s22 =	smov.u32 s26;
	s23 =	smov.u32 s28;
	[sflag:s2] =	ssyncset.done $0x0  }
0x104: {  	s26 =	sshrl.u32 s29, $0x3;
	s28 =	rddreg [dreg:$0x5];
	[sflag:s2] =	ssyncadd.s32 $0xFFFFFB80  }
0x105: {  	[hbm:s28], [sflag:s10] =	dma.local [spmem:s26], $0x480  }
0x106: {  	_ =	swait.ge [sflag:s2], $0x480  }
0x107: {  	s24 =	smov.u32 s29;
	s25 =	smov.u32 s30;
	[sflag:s2] =	ssyncset.done $0x0  }
0x108: {  	s29 =	sshrl.u32 s30, $0x3;
	s30 =	rddreg [dreg:$0x6];
	[sflag:s2] =	ssyncadd.s32 $0xFFFFFB80  }
0x109: {  	[hbm:s30], [sflag:s10] =	dma.local [spmem:s29], $0x480  }
0x10a: {  	_ =	swait.ge [sflag:s2], $0x480  }
0x10b: {  	[sflag:s2] =	ssyncset.done $0x0;
	s20 =	rddreg [dreg:$0xe]  }
0x10c: {  	s21 =	rddreg [dreg:$0x7];
	[sflag:s2] =	ssyncadd.s32 $0xFFFFFB80;
	s13 =	sshrl.u32 s20, $0x3  }
0x10d: {  	[hbm:s21], [sflag:s10] =	dma.local [spmem:s13], $0x480  }
0x10e: {  	_ =	swait.ge [sflag:s2], $0x480  }
0x10f: {  	[sflag:s2] =	ssyncset.done $0x0;
	s26 =	rddreg [dreg:$0xf]  }
0x110: {  	s28 =	rddreg [dreg:$0x8];
	[sflag:s2] =	ssyncadd.s32 $0xFFFFFB80;
	s13 =	sshrl.u32 s26, $0x3  }
0x111: {  	[hbm:s28], [sflag:s10] =	dma.local [spmem:s13], $0x480  }
0x112: {  	_ =	swait.ge [sflag:s2], $0x480  }
0x113: {  	[sflag:s2] =	ssyncset.done $0x0;
	s29 =	rddreg [dreg:$0x10]  }
0x114: {  	s30 =	rddreg [dreg:$0x9];
	[sflag:s2] =	ssyncadd.s32 $0xFFFFFB80;
	s13 =	sshrl.u32 s29, $0x3  }
0x115: {  	[hbm:s30], [sflag:s10] =	dma.local [spmem:s13], $0x480  }
0x116: {  	_ =	swait.ge [sflag:s2], $0x480  }
0x117: {  	[sflag:s2] =	ssyncset.done $0x0;
	s19 =	rddreg [dreg:$0x11]  }
0x118: {  	s20 =	rddreg [dreg:$0xa];
	[sflag:s2] =	ssyncadd.s32 $0xFFFFFB80;
	s13 =	sshrl.u32 s19, $0x3  }
0x119: {  	[hbm:s20], [sflag:s10] =	dma.local [spmem:s13], $0x480  }
0x11a: {  	_ =	swait.ge [sflag:s2], $0x480  }
0x11b: {  	[sflag:s2] =	ssyncset.done $0x0;
	s20 =	rddreg [dreg:$0x12]  }
0x11c: {  	s26 =	rddreg [dreg:$0xb];
	[sflag:s2] =	ssyncadd.s32 $0xFFFFFB80;
	s21 =	sshrl.u32 s20, $0x3  }
0x11d: {  	[hbm:s26], [sflag:s10] =	dma.local [spmem:s21], $0x480  }
0x11e: {  	_ =	swait.ge [sflag:s2], $0x480  }
0x11f: {  	[sflag:s2] =	ssyncset.done $0x0;
	s21 =	rddreg [dreg:$0x13]  }
0x120: {  	s29 =	rddreg [dreg:$0xc];
	[sflag:s2] =	ssyncadd.s32 $0xFFFFFB80;
	s28 =	sshrl.u32 s21, $0x3  }
0x121: {  	[hbm:s29], [sflag:s10] =	dma.local [spmem:s28], $0x3F0  }
0x122: {  	_ =	swait.ge [sflag:s2], $0x3F0  }
0x123: {  	s1 =	sadd.s32 $0x1, s1;
	s30 =	rddreg [dreg:$0x14]  }
0x124: {  	p0 =	sne.s32 s1, s30  }
.Ltmp3:
0x125: {  	_ = 	snop;
	(pc) =	sbr.rel @p0 .LBB2_1-.Ltmp3, $3  }
0x126: {  	_ =	sdelay $0x1  }
0x127: {  	[sflag:s2] =	ssyncset.done $0x0  }
0x128: {  	[sflag:s2] =	ssyncadd.s32 $0xFFFFFC10  }
0x129: {  	_ =	sfence.sel $0x180000  }
0x12a: {  	[bflag:$0x0] =	sbarrier.arrive $0xFFFF  }
0x12b: {  	_ =	strace $0x90000047  }
0x12c: {  	s0 =	stileid.u32;
	[bflag:$0x2] =	sbarrier.arrive $0xFFFF  }
0x12d: {  	p0 =	sne.s32 s0, $0x0;
	s0 =	rddreg [dreg:$0x2]  }
0x12e: {  	s0 =	sadd.s32 @!p0 $0x100000, s0  }
0x12f: {  	[sflag:s0] =	ssyncadd.tile.s32 @!p0 $0x1;
	_ =	shalt  }
.Lfunc_end2:
_tile_overlayer_lowered:
.L_overlay_start_2:
0x130: {  	(tag) =	ssettag $0x2  }
0x131: {  	s0 =	rddreg [dreg:$0x0];
	s2 =	stileid.u32  }
0x132: {  	s1 =	rddreg [dreg:$0x1];
	p0 =	sne.s32 s2, $0x0  }
0x133: {  	s3 =	rddreg [dreg:$0x2];
	[bflag:$0x3] =	sbarrier.arrive $0xFFFF;
	s2 =	simm.s32 @!p0 $0x1C04  }
0x134: {  	[timem:s3], [sflag:s2] =	dma.local @!p0 [hbm:s0], s1  }
0x135: {  	s0 =	simm.s32 @!p0 $0x4  }
0x136: {  	_ =	swait.ge @!p0 [sflag:s0], s1  }
0x137: {  	s1 =	ssub.s32 @!p0 $0x0, s1;
	[sflag:s0] =	ssyncset.done @!p0 $0x0  }
0x138: {  	[sflag:s0] =	ssyncadd.s32 @!p0 s1  }
0x139: {  	[bflag:$0x3] =	sbarrier.arrive $0xFFFF  }
0x13a: {  	_ =	shalt  }

// kernel: kernel.15.cloned.1.call-start
scs
__scs_entry_jumppad:
0x0: {  	(pc) =	sbr.rel $0x88, $3  }
0x1: {  	(tag) =	ssettag $0x0;
	lr =	simm.s32 $0x1  }
0x2: {  	[smem:$0x3F87] =	sst lr;
	_ =	strace $0xD0000000  }
0x3: {  	_ = 	snop  }
0x4: {  	_ = 	snop  }
0x5: {  	_ = 	snop  }
0x6: {  	_ = 	snop  }
0x7: {  	_ = 	snop  }
__scs_overlays_trampoline_lowered:
0x8: {  	[smem:$0x3F96] =	sst s0  }
0x9: {  	[smem:$0x3F97] =	sst s1  }
0xa: {  	[smem:$0x3F98] =	sst s2  }
0xb: {  	[smem:$0x3F99] =	sst s3  }
0xc: {  	[smem:$0x3F9A] =	sst s4  }
0xd: {  	[smem:$0x3F9B] =	sst s5  }
0xe: {  	[smem:$0x3F9C] =	sst s6  }
0xf: {  	[smem:$0x3F9D] =	sst s7  }
0x10: {  	[smem:$0x3F9E] =	sst s8  }
0x11: {  	[smem:$0x3F9F] =	sst s9;
	s0 =	simm.s32 @!p0 $0x0  }
0x12: {  	s1 =	sld [smem:$0x3F85];
	s0 =	simm.s32 @p0 $0x1  }
0x13: {  	[smem:$0x3FA0] =	sst s0;
	s0 =	simm.s32 @!p1 $0x0  }
0x14: {  	s2 =	sld [smem:$0x3F84];
	s0 =	simm.s32 @p1 $0x1  }
0x15: {  	[smem:$0x3FA1] =	sst s0;
	s0 =	simm.s32 @!p2 $0x0  }
0x16: {  	s3 =	sld [smem:$0x3FDB];
	s0 =	simm.s32 @p2 $0x1  }
0x17: {  	s4 =	simm.s32 $0x1BF5;
	[smem:$0x3FA3] =	sst s0  }
0x18: {  	s0 =	sld [smem:$0x3F86];
	_ =	swait.ge [sflag:s4], $0x0  }
0x19: {  	s7 =	sld [smem:$0x3F87]  }
0x1a: {  	s8 =	sadd.s32 $0xFFFFE003, lr  }
0x1b: {  	s9 =	sadd.s32 $0xFFFFFEF7, lr;
	s5 =	simm.s32 $0xFFFFFFFF;
	p2 =	slt.u32 s8, $0xFFFFF086  }
0x1c: {  	p1 =	slt.u32 s9, $0xF7A;
	s5 =	simm.s32 @!p2 $0x0  }
0x1d: {  	s5 =	simm.s32 @p1 $0x1;
	p0 =	seq.s32 s7, s2  }
0x1e: {  	s7 =	smul.u32 @!p0 $0xF7A, s2;
	p2 =	seq.s32 @!p0 s5, $0x0  }
0x1f: {  	s9 =	smul.u32 $0xF7A, s1;
	s8 =	simm.s32 @!p0 $0x1BF5;
	p2 =	por !p2, p0  }
0x20: {  	[sflag:s8] =	ssyncset.s32 @!p0 $0xFFFFF086;
	s6 =	sadd.s32 @!p0 s3, s7;
	s7 =	simm.s32 @!p0 $0x108  }
0x21: {  	s3 =	sadd.s32 s3, s9;
	s6 =	sadd.s32 @!p0 $0x88, s6;
	s7 =	simm.s32 @p2 $0x1082  }
0x22: {  	[simem:s7], [sflag:s8] =	dma.local @!p0 [hbm:s6], $0xF7A  }
0x23: {  	s9 =	sor.u32 $0xD0000000, s2;
	s6 =	simm.s32 $0x108;
	_ =	swait.ge @!p0 [sflag:s8], $0x0  }
0x24: {  	s3 =	sadd.s32 $0x88, s3;
	s6 =	simm.s32 @!p1 $0x1082;
	[sflag:s4] =	ssyncset.s32 $0xFFFFF086  }
0x25: {  	[simem:s6], [sflag:s4] =	dma.local [hbm:s3], $0xF7A  }
0x26: {  	[smem:$0x3F87] =	sst s1;
	(tag) =	ssettag s2;
	_ =	strace s9  }
0x27: {  	s1 =	sld [smem:$0x3F97]  }
0x28: {  	s2 =	sld [smem:$0x3F98]  }
0x29: {  	s4 =	sld [smem:$0x3F9A]  }
0x2a: {  	p0 =	seq.s32 s5, $0x0;
	s5 =	sld [smem:$0x3F9B]  }
0x2b: {  	s6 =	sld [smem:$0x3F9C]  }
0x2c: {  	s7 =	sld [smem:$0x3F9D]  }
0x2d: {  	s3 =	simm.s32 $0x108;
	s8 =	sld [smem:$0x3F9E]  }
0x2e: {  	s3 =	simm.s32 @!p0 $0x1082;
	s9 =	sld [smem:$0x3F9F]  }
0x2f: {  	lr =	sadd.s32 s0, s3;
	s0 =	sld [smem:$0x3F96]  }
0x30: {  	s3 =	sld [smem:$0x3F99]  }
0x31: {  	[smem:$0x3FA2] =	sst s10  }
0x32: {  	s10 =	sld [smem:$0x3FA0];
	_ =	sdelay $0x3  }
0x33: {  	p0 =	seq.s32 s10, $0x1;
	s10 =	sld [smem:$0x3FA2];
	_ =	sdelay $0x3  }
0x34: {  	[smem:$0x3FA2] =	sst s10  }
0x35: {  	s10 =	sld [smem:$0x3FA1];
	_ =	sdelay $0x3  }
0x36: {  	p1 =	seq.s32 s10, $0x1;
	s10 =	sld [smem:$0x3FA2];
	_ =	sdelay $0x3  }
0x37: {  	[smem:$0x3FA2] =	sst s10  }
0x38: {  	s10 =	sld [smem:$0x3FA3]  }
0x39: {  	_ = 	snop;
	(pc) =	sbr.ind lr, $3  }
0x3a: {  	_ = 	snop  }
0x3b: {  	_ = 	snop  }
0x3c: {  	p2 =	seq.s32 s10, $0x1;
	s10 =	sld [smem:$0x3FA2]  }
0x3d: {  	_ =	shalt  }
0x3e: {  	_ =	shalt  }
0x3f: {  	_ =	shalt  }
0x40: {  	_ =	shalt  }
0x41: {  	_ =	shalt  }
0x42: {  	_ =	shalt  }
0x43: {  	_ =	shalt  }
0x44: {  	_ =	shalt  }
0x45: {  	_ =	shalt  }
0x46: {  	_ =	shalt  }
0x47: {  	_ =	shalt  }
0x48: {  	_ =	shalt  }
0x49: {  	_ =	shalt  }
0x4a: {  	_ =	shalt  }
0x4b: {  	_ =	shalt  }
0x4c: {  	_ =	shalt  }
0x4d: {  	_ =	shalt  }
0x4e: {  	_ =	shalt  }
0x4f: {  	_ =	shalt  }
0x50: {  	_ =	shalt  }
0x51: {  	_ =	shalt  }
0x52: {  	_ =	shalt  }
0x53: {  	_ =	shalt  }
0x54: {  	_ =	shalt  }
0x55: {  	_ =	shalt  }
0x56: {  	_ =	shalt  }
0x57: {  	_ =	shalt  }
0x58: {  	_ =	shalt  }
0x59: {  	_ =	shalt  }
0x5a: {  	_ =	shalt  }
0x5b: {  	_ =	shalt  }
0x5c: {  	_ =	shalt  }
0x5d: {  	_ =	shalt  }
0x5e: {  	_ =	shalt  }
0x5f: {  	_ =	shalt  }
0x60: {  	_ =	shalt  }
0x61: {  	_ =	shalt  }
0x62: {  	_ =	shalt  }
0x63: {  	_ =	shalt  }
0x64: {  	_ =	shalt  }
0x65: {  	_ =	shalt  }
0x66: {  	_ =	shalt  }
0x67: {  	_ =	shalt  }
0x68: {  	_ =	shalt  }
0x69: {  	_ =	shalt  }
0x6a: {  	_ =	shalt  }
0x6b: {  	_ =	shalt  }
0x6c: {  	_ =	shalt  }
0x6d: {  	_ =	shalt  }
0x6e: {  	_ =	shalt  }
0x6f: {  	_ =	shalt  }
0x70: {  	_ =	shalt  }
0x71: {  	_ =	shalt  }
0x72: {  	_ =	shalt  }
0x73: {  	_ =	shalt  }
0x74: {  	_ =	shalt  }
0x75: {  	_ =	shalt  }
0x76: {  	_ =	shalt  }
0x77: {  	_ =	shalt  }
0x78: {  	_ =	shalt  }
0x79: {  	_ =	shalt  }
0x7a: {  	_ =	shalt  }
0x7b: {  	_ =	shalt  }
0x7c: {  	_ =	shalt  }
0x7d: {  	_ =	shalt  }
0x7e: {  	_ =	shalt  }
0x7f: {  	_ =	shalt  }
0x80: {  	_ =	shalt  }
0x81: {  	_ =	shalt  }
0x82: {  	_ =	shalt  }
0x83: {  	_ =	shalt  }
0x84: {  	_ =	shalt  }
0x85: {  	_ =	shalt  }
0x86: {  	_ =	shalt  }
0x87: {  	_ =	shalt  }
.Lfunc_end0:
.L_simem_size_0:
called_computation.1_lowered:
.L_overlay_start_0:
0x88: {  	s2 =	sld [smem:$0x3FD9]  }
0x89: {  	s3 =	sld [smem:$0x3FFE];
	_ =	sdelay $0x1  }
0x8a: {  	s1 =	srdreg.scid  }
0x8b: {  	s0 =	sand.u32 $0x1, s1  }
0x8c: {  	s16 =	sshll.u32 s0, $0xA;
	s2 =	sadd.s32 s3, s2  }
0x8d: {  	s2 =	sadd.s32 s2, s16  }
0x8e: {  	[smem:$0x3FAE] =	sst s2  }
0x8f: {  	_ = 	snop  }
0x90: {  	(tm) =	ssettm $0x1  }
0x91: {  	s17 =	sld [smem:$0x3FFB];
	_ =	sdelay $0x3  }
0x92: {  	_ =	strace s17  }
0x93: {  	s2 =	sld [smem:$0x3FFC];
	_ =	sdelay $0x3  }
0x94: {  	_ =	strace s2  }
0x95: {  	s2 =	sld [smem:$0x3FFD];
	_ =	sdelay $0x3  }
0x96: {  	_ =	strace s2  }
0x97: {  	_ =	strace $0x8FFFFFFF  }
0x98: {  	s18 =	sld [smem:$0x3FDB];
	_ =	sdelay $0x1  }
0x99: {  	s19 =	simm.s32 $_scs_section_size  }
0x9a: {  	s4 =	simm.s32 $_size__tile_overlayer_lowered;
	s5 =	simm.s32 $_tile_overlayer_lowered  }
0x9b: {  	s22 =	simm.s32 $0x1BFF;
	s21 =	sshll.u32 s5, $0x1;
	s2 =	sadd.s32 s19, s18  }
0x9c: {  	s6 =	simm.s32 $0x0;
	s20 =	sshll.u32 s4, $0x1;
	s4 =	sadd.s32 s21, s2  }
0x9d: {  	[timem:s6], [sflag:s22] =	dma.local [hbm:s4], s20  }
0x9e: {  	_ =	swait.ge [sflag:s22], s20  }
0x9f: {  	s3 =	ssub.s32 $0x0, s20;
	[sflag:s22] =	ssyncset.done $0x0  }
0xa0: {  	[sflag:s22] =	ssyncadd.s32 s3;
	_ =	sdelay $0x1  }
0xa1: {  	s23 =	simm.s32 $0x1B8B  }
0xa2: {  	_ =	swait.ge [sflag:s23], $0x1  }
0xa3: {  	[sflag:s23] =	ssyncset.done $0x0  }
0xa4: {  	s25 =	simm.s32 $0x1B8E;
	s24 =	sld [smem:$0x3FFE];
	[sflag:s23] =	ssyncadd.s32 $0xFFFFFFFF  }
0xa5: {  	s26 =	simm.s32 $execute0_lowered;
	[smem:$0x3FD2] =	sst s25  }
0xa6: {  	s4 =	sshll.u32 s26, $0x1;
	_ =	strace $0x80000049;
	[dreg:$0x1] =	wrdreg $0xFFFFFFFF  }
0xa7: {  	s28 =	simm.s32 $_size_execute0_lowered;
	s2 =	sadd.s32 s2, s4;
	[dreg:$0x0] =	wrdreg $0x0  }
0xa8: {  	s4 =	sshll.u32 s28, $0x1;
	[dreg:$0x2] =	wrdreg s2  }
0xa9: {  	[dreg:$0x3] =	wrdreg s4  }
0xaa: {  	[dreg:$0x4] =	wrdreg $0xC0  }
0xab: {  	_ =	task [dreg:s6], $0x5FFFF  }
0xac: {  	[dreg:$0x1] =	wrdreg $0xFFFFFFFF  }
0xad: {  	[dreg:$0x0] =	wrdreg $0x60  }
0xae: {  	[dreg:$0x2] =	wrdreg s24  }
0xaf: {  	[dreg:$0x3] =	wrdreg $0x0  }
0xb0: {  	[dreg:$0x4] =	wrdreg $0x9  }
0xb1: {  	_ =	task.clear_ibuf [dreg:s6], $0x5FFFF;
	_ =	strace $0x90000049  }
0xb2: {  	s29 =	simm.s32 $0x9;
	_ =	strace $0x8000004B  }
0xb3: {  	_ =	swait.ge [sflag:s29], $0x1  }
0xb4: {  	[sflag:s29] =	ssyncadd.s32 $0xFFFFFFFF  }
0xb5: {  	_ =	strace $0x9000004B  }
0xb6: {  	_ =	sfence  }
0xb7: {  	s30 =	sld [smem:$0x0];
	_ =	sdelay $0x2  }
0xb8: {  	s31 =	sshll.u32 s1, $0xD;
	s1 =	sshrl.u32 s1, $0x2  }
0xb9: {  	s3 =	sand.u32 $0x4000, s31;
	s1 =	sadd.s32 s1, s30  }
0xba: {  	s0 =	sor.u32 s3, s0;
	s1 =	sshll.u32 s1, $0x11  }
0xbb: {  	s0 =	sor.u32 s1, s0  }
0xbc: {  	s0 =	sadd.s32 $0x8F2B, s0  }
0xbd: {  	[sflag:s0] =	ssyncadd.remote.s32 $0x1  }
0xbe: {  	_ =	sfence.sel $0xFFFF  }
0xbf: {  	[dreg:$0x0] =	wrdreg $0xFFFFFFFF;
	(pc) =	sbr.abs _section_cstart, $3  }
0xc0: {  	[dreg:$0x1] =	wrdreg $0xFFFFFFFF  }
0xc1: {  	_ =	task.clear_ibuf [dreg:s6], $0x2FFFF;
	_ =	strace $0x9FFFFFFF  }
0xc2: {  	(tm) =	ssettm $0x7FFFFFFF  }
0xc3: {  	_ =	shalt  }
tec
execute0_lowered:
.L_overlay_start_1:
0x0: {  	(tag) =	ssettag $0x1  }
0x1: {  	s0 =	srdreg.scid;
	s2 =	rddreg [dreg:$0x0]  }
0x2: {  	s22 =	stileid.u32;
	s1 =	simm.s32 $0x0;
	s3 =	sand.u32 $0x1, s0  }
0x3: {  	s4 =	smul.u32 $0x16380, s22;
	[smem:$0x7FF] =	sst s1;
	s0 =	ssub.s32 $0x2, s3  }
0x4: {  	s5 =	sadd.s32 $0x7E000, s2;
	s10 =	smul.u32 $0x163800, s3;
	s6 =	sshrl.u32 s0, $0x1  }
0x5: {  	s7 =	sadd.s32 $0x4800, s4;
	s8 =	sadd.s32 $0x6C00, s4;
	s9 =	sadd.s32 $0x9000, s4  }
0x6: {  	s12 =	sadd.s32 $0xB400, s4;
	s13 =	sadd.s32 $0xD800, s4;
	s19 =	sadd.s32 $0xFC00, s4  }
0x7: {  	s20 =	sadd.s32 $0x12000, s4;
	s21 =	sadd.s32 $0x14400, s4;
	s0 =	ssub.s32 s0, s6  }
0x8: {  	s6 =	sadd.s32 $0x2400, s4;
	s11 =	sadd.s32 s4, s10;
	s18 =	sadd.s32 s10, s7  }
0x9: {  	s23 =	sadd.s32 s10, s8;
	s15 =	sadd.s32 s10, s9;
	s28 =	sadd.s32 s10, s12  }
0xa: {  	s29 =	sadd.s32 s10, s13;
	s30 =	sadd.s32 s10, s19;
	s14 =	sadd.s32 s10, s6  }
0xb: {  	s11 =	sshrl.u32 s11, $0x3;
	s24 =	sshrl.u32 s23, $0x3;
	s25 =	sshrl.u32 s15, $0x3  }
0xc: {  	s16 =	sshrl.u32 s29, $0x3;
	s23 =	sadd.s32 s10, s20;
	s10 =	sadd.s32 s10, s21  }
0xd: {  	s15 =	sadd.s32 $0x7400, s2;
	s0 =	smax.u32 s0, $0x1;
	s11 =	sadd.s32 s5, s11  }
0xe: {  	s14 =	sshrl.u32 s14, $0x3;
	s26 =	sadd.s32 s5, s25;
	[dreg:$0x3] =	wrdreg s11  }
0xf: {  	s17 =	sadd.s32 s5, s14;
	s11 =	sshrl.u32 s18, $0x3;
	[dreg:$0x7] =	wrdreg s26  }
0x10: {  	s10 =	sshrl.u32 s10, $0x3;
	[dreg:$0x4] =	wrdreg s17;
	s11 =	sadd.s32 s5, s11  }
0x11: {  	s17 =	sshrl.u32 s30, $0x3;
	[dreg:$0x5] =	wrdreg s11;
	s11 =	sadd.s32 s5, s24  }
0x12: {  	s18 =	sadd.s32 s5, s17;
	s24 =	sshrl.u32 s23, $0x3;
	[dreg:$0x6] =	wrdreg s11  }
0x13: {  	s11 =	sshrl.u32 s28, $0x3;
	[dreg:$0xa] =	wrdreg s18;
	s14 =	sadd.s32 s5, s24  }
0x14: {  	s25 =	sshll.u32 s3, $0x4;
	s11 =	sadd.s32 s5, s11;
	[dreg:$0xb] =	wrdreg s14  }
0x15: {  	s3 =	simm.s32 $0x16380;
	[dreg:$0x8] =	wrdreg s11;
	s11 =	sadd.s32 s5, s16  }
0x16: {  	s17 =	sadd.s32 $0x2400, s2;
	s18 =	sadd.s32 $0x4C800, s2;
	[dreg:$0x9] =	wrdreg s11  }
0x17: {  	s14 =	sadd.s32 $0x11200, s2;
	s5 =	sadd.s32 s5, s10;
	s11 =	rddreg [dreg:$0x1]  }
0x18: {  	s16 =	sadd.s32 $0x1B200, s2;
	s2 =	sadd.s32 $0x7DE00, s2;
	[dreg:$0xc] =	wrdreg s5  }
0x19: {  	s5 =	simm.s32 $0x16400;
	_ =	strace $0x8000004A;
	[dreg:$0xd] =	wrdreg s2  }
0x1a: {  	s2 =	sor.u32 s22, s25;
	s22 =	sadd.s32 s4, s11;
	s23 =	sadd.s32 s6, s11  }
0x1b: {  	s24 =	sadd.s32 s7, s11;
	s25 =	sadd.s32 s8, s11;
	s26 =	sadd.s32 s9, s11  }
0x1c: {  	v0 =	vimm.s32 $0xFEDCBA98;
	v1 =	vimm.s32 $0x76543210;
	vm0 =	vmmov $0xff;
	s28 =	sadd.s32 s12, s11;
	s29 =	sadd.s32 s13, s11;
	[dreg:$0x14] =	wrdreg s0  }
0x1d: {  	vm2 =	vcmask $0x2724;
	vm1 =	vcmask $0x1F24;
	v0 =	vunpack.c.l.s4.s8 v0;
	s30 =	sadd.s32 s19, s11;
	s20 =	sadd.s32 s20, s11;
	[dreg:$0xe] =	wrdreg s26  }
0x1e: {  	v4 =	vimm.s32 $0x1;
	v5 =	vimm.s32 $0x2;
	v1 =	vunpack.c.l.s4.s8 v1;
	s21 =	sadd.s32 s21, s11;
	s0 =	simm.s32 $0x18C40;
	[dreg:$0xf] =	wrdreg s28  }
0x1f: {  	v6 =	vimm.s32 $0x3;
	v7 =	vimm.s32 $0x4;
	v2 =	vunpack.c.0.s8.s32 v0;
	s4 =	simm.s32 $0x163C0;
	s6 =	simm.s32 $0x1;
	[dreg:$0x10] =	wrdreg s29  }
0x20: {  	v8 =	vimm.s32 $0x5;
	v9 =	vimm.s32 $0x6;
	v3 =	vunpack.c.0.s8.s32 v1;
	s7 =	simm.s32 $0x40;
	s8 =	simm.s32 $0x16C40;
	[dreg:$0x11] =	wrdreg s30  }
0x21: {  	v10 =	vimm.s32 $0x7;
	v0 =	vimm.f32 $0.0e+00;
	v2 =	vand.u32 $0xF, v2;
	s9 =	simm.s32 $0x2;
	s12 =	simm.s32 $0x3;
	[dreg:$0x12] =	wrdreg s20  }
0x22: {  	v1 =	vimm.s32 $0x0;
	v2 =	vcombine.low v2, v3;
	v3 =	vsel vm2, $0x3F800000, v0;
	s31 =	smul.u32 $0x2780, s2;
	s2 =	simm.s32 $0x4;
	[dreg:$0x13] =	wrdreg s21  }
.LBB2_1:
0x23: {  	s10 =	simm.s32 $0x0;
	s13 =	simm.s32 $0x240  }
.LBB2_2:
0x24: {  	p0 =	sne.s32 s13, $0x8DC0;
	[tilespmem:s10+$0x18CC0] =	vst v0  }
0x25: {  	[tilespmem:s10+$0x18C40] =	vst v0  }
0x26: {  	[tilespmem:s10+$0x18C50] =	vst v0  }
0x27: {  	[tilespmem:s10+$0x18C60] =	vst v0  }
.Ltmp0:
0x28: {  	[tilespmem:s10+$0x18C70] =	vst v0;
	(pc) =	sbr.rel @p0 .LBB2_2-.Ltmp0, $4  }
0x29: {  	[tilespmem:s10+$0x18C80] =	vst v0  }
0x2a: {  	[tilespmem:s10+$0x18C90] =	vst v0  }
0x2b: {  	[tilespmem:s10+$0x18CA0] =	vst v0  }
0x2c: {  	[tilespmem:s10+$0x18CB0] =	vst v0;
	s10 =	sshra.s32 s13, $0x2;
	s13 =	sadd.s32 $0x240, s13  }
0x2d: {  	[tilespmem:s10+$0x18CC0] =	vst v0  }
0x2e: {  	[tilespmem:s10+$0x18C40] =	vst v0  }
0x2f: {  	[tilespmem:s10+$0x18C50] =	vst v0  }
0x30: {  	[tilespmem:s10+$0x18C60] =	vst v0  }
0x31: {  	[tilespmem:s10+$0x18C70] =	vst v0  }
0x32: {  	[tilespmem:s10+$0x18C80] =	vst v0  }
0x33: {  	[tilespmem:s10+$0x18C90] =	vst v0  }
0x34: {  	[tilespmem:s10+$0x18CA0] =	vst v0  }
0x35: {  	[tilespmem:s10+$0x18CB0] =	vst v0  }
0x36: {  	[spmem:s22] =	stream.linear.scatter [tilespmem:s0], [sflag:$0x4], $0x2400, $0x38;
	[tilespmem:$0x1B050] =	vst v63  }
0x37: {  	_ =	swait.ge [sflag:s2], $0x2400  }
0x38: {  	[sflag:s2] =	ssyncset.done $0x0  }
0x39: {  	[sflag:s2] =	ssyncadd.s32 $0xFFFFDC00  }
0x3a: {  	[spmem:s23] =	stream.linear.scatter [tilespmem:s0], [sflag:$0x4], $0x2400, $0x38;
	[tilespmem:$0x1B050] =	vst v63  }
0x3b: {  	_ =	swait.ge [sflag:s2], $0x2400  }
0x3c: {  	[sflag:s2] =	ssyncset.done $0x0  }
0x3d: {  	[sflag:s2] =	ssyncadd.s32 $0xFFFFDC00  }
0x3e: {  	[spmem:s24] =	stream.linear.scatter [tilespmem:s0], [sflag:$0x4], $0x2400, $0x38;
	[tilespmem:$0x1B050] =	vst v63  }
0x3f: {  	_ =	swait.ge [sflag:s2], $0x2400  }
0x40: {  	[sflag:s2] =	ssyncset.done $0x0  }
0x41: {  	[sflag:s2] =	ssyncadd.s32 $0xFFFFDC00  }
0x42: {  	[spmem:s25] =	stream.linear.scatter [tilespmem:s0], [sflag:$0x4], $0x2400, $0x38;
	[tilespmem:$0x1B050] =	vst v63  }
0x43: {  	_ =	swait.ge [sflag:s2], $0x2400  }
0x44: {  	[sflag:s2] =	ssyncset.done $0x0  }
0x45: {  	s19 =	rddreg [dreg:$0xe];
	[sflag:s2] =	ssyncadd.s32 $0xFFFFDC00  }
0x46: {  	[spmem:s19] =	stream.linear.scatter [tilespmem:s0], [sflag:$0x4], $0x2400, $0x38;
	[tilespmem:$0x1B050] =	vst v63  }
0x47: {  	_ =	swait.ge [sflag:s2], $0x2400  }
0x48: {  	[sflag:s2] =	ssyncset.done $0x0  }
0x49: {  	s26 =	smov.u32 s22;
	s22 =	rddreg [dreg:$0xf];
	[sflag:s2] =	ssyncadd.s32 $0xFFFFDC00  }
0x4a: {  	[spmem:s22] =	stream.linear.scatter [tilespmem:s0], [sflag:$0x4], $0x2400, $0x38;
	[tilespmem:$0x1B050] =	vst v63  }
0x4b: {  	_ =	swait.ge [sflag:s2], $0x2400  }
0x4c: {  	[sflag:s2] =	ssyncset.done $0x0  }
0x4d: {  	s28 =	smov.u32 s23;
	s23 =	rddreg [dreg:$0x10];
	[sflag:s2] =	ssyncadd.s32 $0xFFFFDC00  }
0x4e: {  	[spmem:s23] =	stream.linear.scatter [tilespmem:s0], [sflag:$0x4], $0x2400, $0x38;
	[tilespmem:$0x1B050] =	vst v63  }
0x4f: {  	_ =	swait.ge [sflag:s2], $0x2400  }
0x50: {  	[sflag:s2] =	ssyncset.done $0x0  }
0x51: {  	s29 =	smov.u32 s24;
	s24 =	rddreg [dreg:$0x11];
	[sflag:s2] =	ssyncadd.s32 $0xFFFFDC00  }
0x52: {  	[spmem:s24] =	stream.linear.scatter [tilespmem:s0], [sflag:$0x4], $0x2400, $0x38;
	[tilespmem:$0x1B050] =	vst v63  }
0x53: {  	_ =	swait.ge [sflag:s2], $0x2400  }
0x54: {  	[sflag:s2] =	ssyncset.done $0x0  }
0x55: {  	[sflag:s2] =	ssyncadd.s32 $0xFFFFDC00  }
0x56: {  	[spmem:s20] =	stream.linear.scatter [tilespmem:s0], [sflag:$0x4], $0x2400, $0x38;
	[tilespmem:$0x1B050] =	vst v63  }
0x57: {  	_ =	swait.ge [sflag:s2], $0x2400  }
0x58: {  	[sflag:s2] =	ssyncset.done $0x0  }
0x59: {  	[sflag:s2] =	ssyncadd.s32 $0xFFFFDC00  }
0x5a: {  	[spmem:s21] =	stream.linear.scatter [tilespmem:s0], [sflag:$0x4], $0x1F80, $0x38;
	[tilespmem:$0x1B050] =	vst v63  }
0x5b: {  	_ =	swait.ge [sflag:s2], $0x1F80  }
0x5c: {  	s30 =	smov.u32 s25;
	s13 =	simm.s32 $0x0;
	[sflag:s2] =	ssyncset.done $0x0  }
0x5d: {  	s19 =	simm.s32 $0x1B040;
	s25 =	rddreg [dreg:$0xd];
	[sflag:s2] =	ssyncadd.s32 $0xFFFFE080  }
0x5e: {  	[tilespmem:s19], [sflag:$0x4] =	stream.linear.gather [hbm4b:s25+s13], $0x10, $0x38;
	[tilespmem:$0x1B050] =	vst v63  }
0x5f: {  	_ =	swait.ge [sflag:s2], $0x10  }
0x60: {  	[sflag:s2] =	ssyncset.done $0x0  }
0x61: {  	[sflag:s2] =	ssyncadd.s32 $0xFFFFFFF0  }
0x62: {  	s19 =	simm.s32 $0x0;
	[bflag:$0x0] =	sbarrier.arrive $0xFFFF  }
.LBB2_4:
0x63: {  	s10 =	sshll.u32 s19, $0x6  }
0x64: {  	s10 =	sadd.s32 s31, s10  }
0x65: {  	s10 =	sshrl.u32 s10, $0x3  }
0x66: {  	s20 =	sadd.s32 s14, s10  }
0x67: {  	[tilespmem:s3], [sflag:$0x1] =	stream.linear.gather [hbm4b:s20+s13], $0x40, $0x38;
	[tilespmem:$0x1B050] =	vst v63  }
0x68: {  	s25 =	sadd.s32 s15, s10  }
0x69: {  	[tilespmem:s4], [sflag:$0x1] =	stream.linear.gather [hbm4b:s25+s13], $0x40, $0x38;
	[tilespmem:$0x1B050] =	vst v63  }
0x6a: {  	s10 =	sadd.s32 s16, s10  }
0x6b: {  	[tilespmem:s5], [sflag:$0x1] =	stream.linear.gather [hbm4b:s10+s13], $0x40, $0x38;
	[tilespmem:$0x1B050] =	vst v63  }
0x6c: {  	_ =	swait.ge [sflag:s6], $0x40  }
0x6d: {  	[sflag:s6] =	ssyncset.done $0x0  }
0x6e: {  	[sflag:s6] =	ssyncadd.s32 $0xFFFFFFC0  }
0x6f: {  	_ =	swait.ge [sflag:s6], $0x40  }
0x70: {  	[sflag:s6] =	ssyncset.done $0x0  }
0x71: {  	[sflag:s6] =	ssyncadd.s32 $0xFFFFFFC0  }
0x72: {  	_ =	swait.ge [sflag:s6], $0x40  }
0x73: {  	[sflag:s6] =	ssyncset.done $0x0  }
0x74: {  	s10 =	simm.s32 $0x16440;
	[sflag:s6] =	ssyncadd.s32 $0xFFFFFFC0  }
0x75: {  	[tilespmem:s10], [sflag:$0x2] =	stream.indirect.gather [hbm4b:s17+s7], $0x10, s3, s7, $0xb8;
	[tilespmem:$0x1B050] =	vst v63  }
0x76: {  	s20 =	simm.s32 $0x16840  }
0x77: {  	[tilespmem:s20], [sflag:$0x2] =	stream.indirect.gather [hbm4b:s17+s7], $0x10, s4, s7, $0xb8;
	[tilespmem:$0x1B050] =	vst v63  }
0x78: {  	_ = 	snop  }
0x79: {  	[tilespmem:s8], [sflag:$0x3] =	stream.indirect.gather [hbm4b:s18+s7], $0x80, s3, s7, $0xb8;
	[tilespmem:$0x1B050] =	vst v63  }
0x7a: {  	_ =	swait.ge [sflag:s9], $0x400  }
0x7b: {  	[sflag:s9] =	ssyncset.done $0x0  }
0x7c: {  	[sflag:s9] =	ssyncadd.s32 $0xFFFFFC00  }
0x7d: {  	_ =	swait.ge [sflag:s9], $0x400  }
0x7e: {  	[sflag:s9] =	ssyncset.done $0x0  }
0x7f: {  	[sflag:s9] =	ssyncadd.s32 $0xFFFFFC00  }
0x80: {  	_ =	swait.ge [sflag:s12], $0x2000  }
0x81: {  	[sflag:s12] =	ssyncset.done $0x0  }
0x82: {  	[sflag:s12] =	ssyncadd.s32 $0xFFFFE000  }
0x83: {  	v11 =	vld [tilespmem:$0x16410]  }
0x84: {  	v12 =	vld [tilespmem:$0x16420]  }
0x85: {  	v13 =	vld [tilespmem:$0x16430]  }
0x86: {  	v14 =	vld [tilespmem:$0x16400];
	_ =	sdelay $0x1  }
0x87: {  	v16 =	vmov s13;
	v15 =	vld [tilespmem:s20+$0x0]  }
0x88: {  	v18 =	vand.u32 $0xF, v16;
	v17 =	vld [tilespmem:s10+$0x0]  }
0x89: {  	v19 =	vld [tilespmem:$0x1B040];
	v11 =	vperm.xlane v11, v18;
	v13 =	vperm.xlane v13, v18  }
0x8a: {  	v20 =	vand.u32 $0x10, v16;
	v14 =	vperm.xlane v14, v18;
	v12 =	vperm.xlane v12, v18  }
0x8b: {  	vm3 =	vlt.u32 v16, $0x20;
	vm2 =	veq.s32 v20, $0x0  }
0x8c: {  	v53 =	vperm.xlane v15, v2;
	v11 =	vsel vm2, v14, v11;
	v12 =	vsel vm2, v12, v13  }
0x8d: {  	v11 =	vsel vm3, v11, v12  }
0x8e: {  	v54 =	vadd.f32 v53, v17;
	v55 =	vmul.f32 v19, v11;
	_ =	sdelay $0x1  }
0x8f: {  	v12 =	vadd.f32 v55, v54;
	_ =	sdelay $0x1  }
0x90: {  	v13 =	vmul.f32 $2.000000030e-01, v12  }
0x91: {  	vm2 =	vgt.f32 v12, $0.0e+00  }
0x92: {  	v12 =	vsel vm2, v12, v13  }
0x93: {  	v12 =	vmul.f32 $1.442695020e+00, v12;
	_ =	sdelay $0x1  }
0x94: {  	(erf) = vpow2.f32 v12;
	_ =	sdelay $0x8  }
0x95: {  	v12 =	vpop (erf)  }
0x96: {  	v11 =	vsel vm1, $0x0, v11;
	v56 =	vnsel vm0, $0x0, v12  }
0x97: {  	v11 =	vadd.f32 v56, v11;
	_ =	sdelay $0x1  }
0x98: {  	v11 =	vadd.f32 v3, v11  }
0x99: {  	s22 =	simm.s32 $0x18C80  }
0x9a: {  	s21 =	simm.s32 $0x16C80;
	[tilespmem:s22+$0x40] =	vst v11  }
0x9b: {  	v11 =	vld [tilespmem:s21+$0xFFFFFFC0];
	_ =	sdelay $0x2  }
0x9c: {  	v57 =	vperm.xlane v12, v1;
	_ =	sdelay $0x1  }
0x9d: {  	v11 =	vmul.f32 v11, v57;
	_ =	sdelay $0x1  }
0x9e: {  	[tilespmem:s22+$0xFFFFFFC0] =	vst v11  }
0x9f: {  	v11 =	vld [tilespmem:s21+$0xFFFFFFD0];
	_ =	sdelay $0x2  }
0xa0: {  	v58 =	vperm.xlane v12, v4;
	_ =	sdelay $0x1  }
0xa1: {  	v11 =	vmul.f32 v11, v58;
	_ =	sdelay $0x1  }
0xa2: {  	[tilespmem:s22+$0xFFFFFFD0] =	vst v11  }
0xa3: {  	v11 =	vld [tilespmem:s21+$0xFFFFFFE0];
	_ =	sdelay $0x2  }
0xa4: {  	v59 =	vperm.xlane v12, v5;
	_ =	sdelay $0x1  }
0xa5: {  	v11 =	vmul.f32 v11, v59;
	_ =	sdelay $0x1  }
0xa6: {  	[tilespmem:s22+$0xFFFFFFE0] =	vst v11  }
0xa7: {  	v11 =	vld [tilespmem:s21+$0xFFFFFFF0];
	_ =	sdelay $0x2  }
0xa8: {  	v60 =	vperm.xlane v12, v6;
	_ =	sdelay $0x1  }
0xa9: {  	v11 =	vmul.f32 v11, v60;
	_ =	sdelay $0x1  }
0xaa: {  	[tilespmem:s22+$0xFFFFFFF0] =	vst v11  }
0xab: {  	v11 =	vld [tilespmem:s21+$0x0];
	_ =	sdelay $0x2  }
0xac: {  	v61 =	vperm.xlane v12, v7;
	_ =	sdelay $0x1  }
0xad: {  	v11 =	vmul.f32 v11, v61;
	_ =	sdelay $0x1  }
0xae: {  	[tilespmem:s22+$0x0] =	vst v11  }
0xaf: {  	v11 =	vld [tilespmem:s21+$0x10];
	_ =	sdelay $0x2  }
0xb0: {  	v62 =	vperm.xlane v12, v8;
	_ =	sdelay $0x1  }
0xb1: {  	v11 =	vmul.f32 v11, v62;
	_ =	sdelay $0x1  }
0xb2: {  	[tilespmem:s22+$0x10] =	vst v11  }
0xb3: {  	v11 =	vld [tilespmem:s21+$0x20];
	_ =	sdelay $0x2  }
0xb4: {  	v63 =	vperm.xlane v12, v9;
	_ =	sdelay $0x1  }
0xb5: {  	v11 =	vmul.f32 v11, v63;
	_ =	sdelay $0x1  }
0xb6: {  	[tilespmem:s22+$0x20] =	vst v11  }
0xb7: {  	v11 =	vld [tilespmem:s21+$0x30];
	_ =	sdelay $0x2  }
0xb8: {  	v12 =	vperm.xlane v12, v10;
	_ =	sdelay $0x1  }
0xb9: {  	v11 =	vmul.f32 v11, v12  }
0xba: {  	s23 =	simm.s32 $0x1;
	s24 =	simm.s32 $0x18D10  }
.LBB2_5:
0xbb: {  	[tilespmem:s22+$0x30] =	vst v11;
	s10 =	sadd.s32 $0x10, s10;
	s20 =	sadd.s32 $0x10, s20;
	s21 =	sadd.s32 $0x80, s21  }
0xbc: {  	p0 =	sne.s32 s23, $0x3F;
	s25 =	smov.u32 s23;
	s23 =	sadd.s32 $0x1, s23;
	v11 =	vld [tilespmem:$0x16410]  }
0xbd: {  	s22 =	smov.u32 s24;
	v12 =	vld [tilespmem:$0x16420]  }
0xbe: {  	v13 =	vld [tilespmem:$0x16430]  }
0xbf: {  	v14 =	vld [tilespmem:$0x16400];
	_ =	sdelay $0x1  }
0xc0: {  	v16 =	vmov s25;
	v15 =	vld [tilespmem:s20+$0x0]  }
0xc1: {  	v18 =	vand.u32 $0xF, v16;
	v19 =	vand.u32 $0x10, v16;
	v17 =	vld [tilespmem:s10+$0x0]  }
0xc2: {  	v11 =	vperm.xlane v11, v18;
	v13 =	vperm.xlane v13, v18;
	v20 =	vld [tilespmem:$0x1B040]  }
0xc3: {  	v12 =	vperm.xlane v12, v18;
	v14 =	vperm.xlane v14, v18  }
0xc4: {  	vm3 =	vlt.u32 v16, $0x20;
	vm2 =	veq.s32 v19, $0x0  }
0xc5: {  	v12 =	vsel vm2, v12, v13;
	v11 =	vsel vm2, v14, v11;
	v13 =	vperm.xlane v15, v2  }
0xc6: {  	v11 =	vsel vm3, v11, v12  }
0xc7: {  	v12 =	vadd.f32 v13, v17;
	v13 =	vmul.f32 v20, v11;
	_ =	sdelay $0x1  }
0xc8: {  	v12 =	vadd.f32 v13, v12;
	_ =	sdelay $0x1  }
0xc9: {  	vm2 =	vgt.f32 v12, $0.0e+00;
	v13 =	vmul.f32 $2.000000030e-01, v12;
	_ =	sdelay $0x1  }
0xca: {  	v12 =	vsel vm2, v12, v13  }
0xcb: {  	v12 =	vmul.f32 $1.442695020e+00, v12;
	_ =	sdelay $0x1  }
0xcc: {  	(erf) = vpow2.f32 v12;
	_ =	sdelay $0x8  }
0xcd: {  	v12 =	vpop (erf)  }
0xce: {  	v11 =	vsel vm1, $0x0, v11;
	v13 =	vnsel vm0, $0x0, v12  }
0xcf: {  	v11 =	vadd.f32 v13, v11;
	_ =	sdelay $0x1  }
0xd0: {  	v11 =	vadd.f32 v3, v11;
	_ =	sdelay $0x1  }
0xd1: {  	[tilespmem:s24+$0x40] =	vst v11  }
0xd2: {  	v11 =	vld [tilespmem:s21+$0xFFFFFFC0];
	_ =	sdelay $0x2  }
0xd3: {  	v13 =	vperm.xlane v12, v1;
	_ =	sdelay $0x1  }
0xd4: {  	v11 =	vmul.f32 v11, v13;
	_ =	sdelay $0x1  }
0xd5: {  	[tilespmem:s24+$0xFFFFFFC0] =	vst v11  }
0xd6: {  	v11 =	vld [tilespmem:s21+$0xFFFFFFD0];
	_ =	sdelay $0x2  }
0xd7: {  	v13 =	vperm.xlane v12, v4;
	_ =	sdelay $0x1  }
0xd8: {  	v11 =	vmul.f32 v11, v13;
	_ =	sdelay $0x1  }
0xd9: {  	[tilespmem:s24+$0xFFFFFFD0] =	vst v11  }
0xda: {  	v11 =	vld [tilespmem:s21+$0xFFFFFFE0];
	_ =	sdelay $0x2  }
0xdb: {  	v13 =	vperm.xlane v12, v5;
	_ =	sdelay $0x1  }
0xdc: {  	v11 =	vmul.f32 v11, v13;
	_ =	sdelay $0x1  }
0xdd: {  	[tilespmem:s24+$0xFFFFFFE0] =	vst v11  }
0xde: {  	v11 =	vld [tilespmem:s21+$0xFFFFFFF0];
	_ =	sdelay $0x2  }
0xdf: {  	v13 =	vperm.xlane v12, v6;
	_ =	sdelay $0x1  }
0xe0: {  	v11 =	vmul.f32 v11, v13;
	_ =	sdelay $0x1  }
0xe1: {  	[tilespmem:s24+$0xFFFFFFF0] =	vst v11  }
0xe2: {  	v11 =	vld [tilespmem:s21+$0x0];
	_ =	sdelay $0x2  }
0xe3: {  	v13 =	vperm.xlane v12, v7;
	_ =	sdelay $0x1  }
0xe4: {  	v11 =	vmul.f32 v11, v13;
	_ =	sdelay $0x1  }
0xe5: {  	[tilespmem:s24+$0x0] =	vst v11  }
0xe6: {  	v11 =	vld [tilespmem:s21+$0x10];
	_ =	sdelay $0x2  }
0xe7: {  	v13 =	vperm.xlane v12, v8;
	_ =	sdelay $0x1  }
0xe8: {  	v11 =	vmul.f32 v11, v13;
	_ =	sdelay $0x1  }
0xe9: {  	[tilespmem:s24+$0x10] =	vst v11  }
0xea: {  	v11 =	vld [tilespmem:s21+$0x20];
	_ =	sdelay $0x2  }
0xeb: {  	v13 =	vperm.xlane v12, v9;
	_ =	sdelay $0x1  }
0xec: {  	v11 =	vmul.f32 v11, v13;
	_ =	sdelay $0x1  }
0xed: {  	[tilespmem:s24+$0x20] =	vst v11  }
0xee: {  	v11 =	vld [tilespmem:s21+$0x30];
	_ =	sdelay $0x1  }
.Ltmp1:
0xef: {  	(pc) =	sbr.rel @p0 .LBB2_5-.Ltmp1, $3  }
0xf0: {  	v12 =	vperm.xlane v12, v10;
	_ =	sdelay $0x1  }
0xf1: {  	v11 =	vmul.f32 v11, v12  }
0xf2: {  	s24 =	sadd.s32 $0x90, s24  }
0xf3: {  	s19 =	sadd.s32 $0x1, s19  }
0xf4: {  	p0 =	sne.s32 s19, $0x9E  }
.Ltmp2:
0xf5: {  	[tilespmem:s22+$0x30] =	vst v11;
	(pc) =	sbr.rel @p0 .LBB2_4-.Ltmp2, $4  }
0xf6: {  	[spmem:s11] =	stream.indirect.scatter.add.f32 [tilespmem:s0], [sflag:$0x4], $0x90, s4, s7, $0xb8;
	[tilespmem:$0x1B050] =	vst v63  }
0xf7: {  	_ =	swait.ge [sflag:s2], $0x2400  }
0xf8: {  	[sflag:s2] =	ssyncset.done $0x0  }
0xf9: {  	[sflag:s2] =	ssyncadd.s32 $0xFFFFDC00  }
0xfa: {  	s10 =	stileid.u32  }
0xfb: {  	[bflag:$0x0] =	sbarrier.arrive $0xFFFF;
	s10 =	sshll.u32 s10, $0x6  }
0xfc: {  	s13 =	sshrl.u32 s26, $0x3;
	s19 =	rddreg [dreg:$0x3];
	s10 =	sor.u32 $0x1C04, s10  }
0xfd: {  	[hbm:s19], [sflag:s10] =	dma.local [spmem:s13], $0x480  }
0xfe: {  	_ =	swait.ge [sflag:s2], $0x480  }
0xff: {  	[sflag:s2] =	ssyncset.done $0x0  }
0x100: {  	s24 =	sshrl.u32 s28, $0x3;
	s25 =	rddreg [dreg:$0x4];
	[sflag:s2] =	ssyncadd.s32 $0xFFFFFB80  }
0x101: {  	[hbm:s25], [sflag:s10] =	dma.local [spmem:s24], $0x480  }
0x102: {  	_ =	swait.ge [sflag:s2], $0x480  }
0x103: {  	s22 =	smov.u32 s26;
	s23 =	smov.u32 s28;
	[sflag:s2] =	ssyncset.done $0x0  }
0x104: {  	s26 =	sshrl.u32 s29, $0x3;
	s28 =	rddreg [dreg:$0x5];
	[sflag:s2] =	ssyncadd.s32 $0xFFFFFB80  }
0x105: {  	[hbm:s28], [sflag:s10] =	dma.local [spmem:s26], $0x480  }
0x106: {  	_ =	swait.ge [sflag:s2], $0x480  }
0x107: {  	s24 =	smov.u32 s29;
	s25 =	smov.u32 s30;
	[sflag:s2] =	ssyncset.done $0x0  }
0x108: {  	s29 =	sshrl.u32 s30, $0x3;
	s30 =	rddreg [dreg:$0x6];
	[sflag:s2] =	ssyncadd.s32 $0xFFFFFB80  }
0x109: {  	[hbm:s30], [sflag:s10] =	dma.local [spmem:s29], $0x480  }
0x10a: {  	_ =	swait.ge [sflag:s2], $0x480  }
0x10b: {  	[sflag:s2] =	ssyncset.done $0x0;
	s20 =	rddreg [dreg:$0xe]  }
0x10c: {  	s21 =	rddreg [dreg:$0x7];
	[sflag:s2] =	ssyncadd.s32 $0xFFFFFB80;
	s13 =	sshrl.u32 s20, $0x3  }
0x10d: {  	[hbm:s21], [sflag:s10] =	dma.local [spmem:s13], $0x480  }
0x10e: {  	_ =	swait.ge [sflag:s2], $0x480  }
0x10f: {  	[sflag:s2] =	ssyncset.done $0x0;
	s26 =	rddreg [dreg:$0xf]  }
0x110: {  	s28 =	rddreg [dreg:$0x8];
	[sflag:s2] =	ssyncadd.s32 $0xFFFFFB80;
	s13 =	sshrl.u32 s26, $0x3  }
0x111: {  	[hbm:s28], [sflag:s10] =	dma.local [spmem:s13], $0x480  }
0x112: {  	_ =	swait.ge [sflag:s2], $0x480  }
0x113: {  	[sflag:s2] =	ssyncset.done $0x0;
	s29 =	rddreg [dreg:$0x10]  }
0x114: {  	s30 =	rddreg [dreg:$0x9];
	[sflag:s2] =	ssyncadd.s32 $0xFFFFFB80;
	s13 =	sshrl.u32 s29, $0x3  }
0x115: {  	[hbm:s30], [sflag:s10] =	dma.local [spmem:s13], $0x480  }
0x116: {  	_ =	swait.ge [sflag:s2], $0x480  }
0x117: {  	[sflag:s2] =	ssyncset.done $0x0;
	s19 =	rddreg [dreg:$0x11]  }
0x118: {  	s20 =	rddreg [dreg:$0xa];
	[sflag:s2] =	ssyncadd.s32 $0xFFFFFB80;
	s13 =	sshrl.u32 s19, $0x3  }
0x119: {  	[hbm:s20], [sflag:s10] =	dma.local [spmem:s13], $0x480  }
0x11a: {  	_ =	swait.ge [sflag:s2], $0x480  }
0x11b: {  	[sflag:s2] =	ssyncset.done $0x0;
	s20 =	rddreg [dreg:$0x12]  }
0x11c: {  	s26 =	rddreg [dreg:$0xb];
	[sflag:s2] =	ssyncadd.s32 $0xFFFFFB80;
	s21 =	sshrl.u32 s20, $0x3  }
0x11d: {  	[hbm:s26], [sflag:s10] =	dma.local [spmem:s21], $0x480  }
0x11e: {  	_ =	swait.ge [sflag:s2], $0x480  }
0x11f: {  	[sflag:s2] =	ssyncset.done $0x0;
	s21 =	rddreg [dreg:$0x13]  }
0x120: {  	s29 =	rddreg [dreg:$0xc];
	[sflag:s2] =	ssyncadd.s32 $0xFFFFFB80;
	s28 =	sshrl.u32 s21, $0x3  }
0x121: {  	[hbm:s29], [sflag:s10] =	dma.local [spmem:s28], $0x3F0  }
0x122: {  	_ =	swait.ge [sflag:s2], $0x3F0  }
0x123: {  	s1 =	sadd.s32 $0x1, s1;
	s30 =	rddreg [dreg:$0x14]  }
0x124: {  	p0 =	sne.s32 s1, s30  }
.Ltmp3:
0x125: {  	_ = 	snop;
	(pc) =	sbr.rel @p0 .LBB2_1-.Ltmp3, $3  }
0x126: {  	_ =	sdelay $0x1  }
0x127: {  	[sflag:s2] =	ssyncset.done $0x0  }
0x128: {  	[sflag:s2] =	ssyncadd.s32 $0xFFFFFC10  }
0x129: {  	_ =	sfence.sel $0x180000  }
0x12a: {  	[bflag:$0x0] =	sbarrier.arrive $0xFFFF  }
0x12b: {  	_ =	strace $0x9000004A  }
0x12c: {  	s0 =	stileid.u32;
	[bflag:$0x2] =	sbarrier.arrive $0xFFFF  }
0x12d: {  	p0 =	sne.s32 s0, $0x0;
	s0 =	rddreg [dreg:$0x2]  }
0x12e: {  	s0 =	sadd.s32 @!p0 $0x100000, s0  }
0x12f: {  	[sflag:s0] =	ssyncadd.tile.s32 @!p0 $0x1;
	_ =	shalt  }
.Lfunc_end2:
_tile_overlayer_lowered:
.L_overlay_start_2:
0x130: {  	(tag) =	ssettag $0x2  }
0x131: {  	s0 =	rddreg [dreg:$0x0];
	s2 =	stileid.u32  }
0x132: {  	s1 =	rddreg [dreg:$0x1];
	p0 =	sne.s32 s2, $0x0  }
0x133: {  	s3 =	rddreg [dreg:$0x2];
	[bflag:$0x3] =	sbarrier.arrive $0xFFFF;
	s2 =	simm.s32 @!p0 $0x1C04  }
0x134: {  	[timem:s3], [sflag:s2] =	dma.local @!p0 [hbm:s0], s1  }
0x135: {  	s0 =	simm.s32 @!p0 $0x4  }
0x136: {  	_ =	swait.ge @!p0 [sflag:s0], s1  }
0x137: {  	s1 =	ssub.s32 @!p0 $0x0, s1;
	[sflag:s0] =	ssyncset.done @!p0 $0x0  }
0x138: {  	[sflag:s0] =	ssyncadd.s32 @!p0 s1  }
0x139: {  	[bflag:$0x3] =	sbarrier.arrive $0xFFFF  }
0x13a: {  	_ =	shalt  }

// kernel: kernel.18.cloned.1.call-start
scs
__scs_entry_jumppad:
0x0: {  	(pc) =	sbr.rel $0x88, $3  }
0x1: {  	(tag) =	ssettag $0x0;
	lr =	simm.s32 $0x1  }
0x2: {  	[smem:$0x3F87] =	sst lr;
	_ =	strace $0xD0000000  }
0x3: {  	_ = 	snop  }
0x4: {  	_ = 	snop  }
0x5: {  	_ = 	snop  }
0x6: {  	_ = 	snop  }
0x7: {  	_ = 	snop  }
__scs_overlays_trampoline_lowered:
0x8: {  	[smem:$0x3F96] =	sst s0  }
0x9: {  	[smem:$0x3F97] =	sst s1  }
0xa: {  	[smem:$0x3F98] =	sst s2  }
0xb: {  	[smem:$0x3F99] =	sst s3  }
0xc: {  	[smem:$0x3F9A] =	sst s4  }
0xd: {  	[smem:$0x3F9B] =	sst s5  }
0xe: {  	[smem:$0x3F9C] =	sst s6  }
0xf: {  	[smem:$0x3F9D] =	sst s7  }
0x10: {  	[smem:$0x3F9E] =	sst s8  }
0x11: {  	[smem:$0x3F9F] =	sst s9;
	s0 =	simm.s32 @!p0 $0x0  }
0x12: {  	s1 =	sld [smem:$0x3F85];
	s0 =	simm.s32 @p0 $0x1  }
0x13: {  	[smem:$0x3FA0] =	sst s0;
	s0 =	simm.s32 @!p1 $0x0  }
0x14: {  	s2 =	sld [smem:$0x3F84];
	s0 =	simm.s32 @p1 $0x1  }
0x15: {  	[smem:$0x3FA1] =	sst s0;
	s0 =	simm.s32 @!p2 $0x0  }
0x16: {  	s3 =	sld [smem:$0x3FDB];
	s0 =	simm.s32 @p2 $0x1  }
0x17: {  	s4 =	simm.s32 $0x1BF5;
	[smem:$0x3FA3] =	sst s0  }
0x18: {  	s0 =	sld [smem:$0x3F86];
	_ =	swait.ge [sflag:s4], $0x0  }
0x19: {  	s7 =	sld [smem:$0x3F87]  }
0x1a: {  	s8 =	sadd.s32 $0xFFFFE003, lr  }
0x1b: {  	s9 =	sadd.s32 $0xFFFFFEF7, lr;
	s5 =	simm.s32 $0xFFFFFFFF;
	p2 =	slt.u32 s8, $0xFFFFF086  }
0x1c: {  	p1 =	slt.u32 s9, $0xF7A;
	s5 =	simm.s32 @!p2 $0x0  }
0x1d: {  	s5 =	simm.s32 @p1 $0x1;
	p0 =	seq.s32 s7, s2  }
0x1e: {  	s7 =	smul.u32 @!p0 $0xF7A, s2;
	p2 =	seq.s32 @!p0 s5, $0x0  }
0x1f: {  	s9 =	smul.u32 $0xF7A, s1;
	s8 =	simm.s32 @!p0 $0x1BF5;
	p2 =	por !p2, p0  }
0x20: {  	[sflag:s8] =	ssyncset.s32 @!p0 $0xFFFFF086;
	s6 =	sadd.s32 @!p0 s3, s7;
	s7 =	simm.s32 @!p0 $0x108  }
0x21: {  	s3 =	sadd.s32 s3, s9;
	s6 =	sadd.s32 @!p0 $0x88, s6;
	s7 =	simm.s32 @p2 $0x1082  }
0x22: {  	[simem:s7], [sflag:s8] =	dma.local @!p0 [hbm:s6], $0xF7A  }
0x23: {  	s9 =	sor.u32 $0xD0000000, s2;
	s6 =	simm.s32 $0x108;
	_ =	swait.ge @!p0 [sflag:s8], $0x0  }
0x24: {  	s3 =	sadd.s32 $0x88, s3;
	s6 =	simm.s32 @!p1 $0x1082;
	[sflag:s4] =	ssyncset.s32 $0xFFFFF086  }
0x25: {  	[simem:s6], [sflag:s4] =	dma.local [hbm:s3], $0xF7A  }
0x26: {  	[smem:$0x3F87] =	sst s1;
	(tag) =	ssettag s2;
	_ =	strace s9  }
0x27: {  	s1 =	sld [smem:$0x3F97]  }
0x28: {  	s2 =	sld [smem:$0x3F98]  }
0x29: {  	s4 =	sld [smem:$0x3F9A]  }
0x2a: {  	p0 =	seq.s32 s5, $0x0;
	s5 =	sld [smem:$0x3F9B]  }
0x2b: {  	s6 =	sld [smem:$0x3F9C]  }
0x2c: {  	s7 =	sld [smem:$0x3F9D]  }
0x2d: {  	s3 =	simm.s32 $0x108;
	s8 =	sld [smem:$0x3F9E]  }
0x2e: {  	s3 =	simm.s32 @!p0 $0x1082;
	s9 =	sld [smem:$0x3F9F]  }
0x2f: {  	lr =	sadd.s32 s0, s3;
	s0 =	sld [smem:$0x3F96]  }
0x30: {  	s3 =	sld [smem:$0x3F99]  }
0x31: {  	[smem:$0x3FA2] =	sst s10  }
0x32: {  	s10 =	sld [smem:$0x3FA0];
	_ =	sdelay $0x3  }
0x33: {  	p0 =	seq.s32 s10, $0x1;
	s10 =	sld [smem:$0x3FA2];
	_ =	sdelay $0x3  }
0x34: {  	[smem:$0x3FA2] =	sst s10  }
0x35: {  	s10 =	sld [smem:$0x3FA1];
	_ =	sdelay $0x3  }
0x36: {  	p1 =	seq.s32 s10, $0x1;
	s10 =	sld [smem:$0x3FA2];
	_ =	sdelay $0x3  }
0x37: {  	[smem:$0x3FA2] =	sst s10  }
0x38: {  	s10 =	sld [smem:$0x3FA3]  }
0x39: {  	_ = 	snop;
	(pc) =	sbr.ind lr, $3  }
0x3a: {  	_ = 	snop  }
0x3b: {  	_ = 	snop  }
0x3c: {  	p2 =	seq.s32 s10, $0x1;
	s10 =	sld [smem:$0x3FA2]  }
0x3d: {  	_ =	shalt  }
0x3e: {  	_ =	shalt  }
0x3f: {  	_ =	shalt  }
0x40: {  	_ =	shalt  }
0x41: {  	_ =	shalt  }
0x42: {  	_ =	shalt  }
0x43: {  	_ =	shalt  }
0x44: {  	_ =	shalt  }
0x45: {  	_ =	shalt  }
0x46: {  	_ =	shalt  }
0x47: {  	_ =	shalt  }
0x48: {  	_ =	shalt  }
0x49: {  	_ =	shalt  }
0x4a: {  	_ =	shalt  }
0x4b: {  	_ =	shalt  }
0x4c: {  	_ =	shalt  }
0x4d: {  	_ =	shalt  }
0x4e: {  	_ =	shalt  }
0x4f: {  	_ =	shalt  }
0x50: {  	_ =	shalt  }
0x51: {  	_ =	shalt  }
0x52: {  	_ =	shalt  }
0x53: {  	_ =	shalt  }
0x54: {  	_ =	shalt  }
0x55: {  	_ =	shalt  }
0x56: {  	_ =	shalt  }
0x57: {  	_ =	shalt  }
0x58: {  	_ =	shalt  }
0x59: {  	_ =	shalt  }
0x5a: {  	_ =	shalt  }
0x5b: {  	_ =	shalt  }
0x5c: {  	_ =	shalt  }
0x5d: {  	_ =	shalt  }
0x5e: {  	_ =	shalt  }
0x5f: {  	_ =	shalt  }
0x60: {  	_ =	shalt  }
0x61: {  	_ =	shalt  }
0x62: {  	_ =	shalt  }
0x63: {  	_ =	shalt  }
0x64: {  	_ =	shalt  }
0x65: {  	_ =	shalt  }
0x66: {  	_ =	shalt  }
0x67: {  	_ =	shalt  }
0x68: {  	_ =	shalt  }
0x69: {  	_ =	shalt  }
0x6a: {  	_ =	shalt  }
0x6b: {  	_ =	shalt  }
0x6c: {  	_ =	shalt  }
0x6d: {  	_ =	shalt  }
0x6e: {  	_ =	shalt  }
0x6f: {  	_ =	shalt  }
0x70: {  	_ =	shalt  }
0x71: {  	_ =	shalt  }
0x72: {  	_ =	shalt  }
0x73: {  	_ =	shalt  }
0x74: {  	_ =	shalt  }
0x75: {  	_ =	shalt  }
0x76: {  	_ =	shalt  }
0x77: {  	_ =	shalt  }
0x78: {  	_ =	shalt  }
0x79: {  	_ =	shalt  }
0x7a: {  	_ =	shalt  }
0x7b: {  	_ =	shalt  }
0x7c: {  	_ =	shalt  }
0x7d: {  	_ =	shalt  }
0x7e: {  	_ =	shalt  }
0x7f: {  	_ =	shalt  }
0x80: {  	_ =	shalt  }
0x81: {  	_ =	shalt  }
0x82: {  	_ =	shalt  }
0x83: {  	_ =	shalt  }
0x84: {  	_ =	shalt  }
0x85: {  	_ =	shalt  }
0x86: {  	_ =	shalt  }
0x87: {  	_ =	shalt  }
.Lfunc_end0:
.L_simem_size_0:
called_computation.2_lowered:
.L_overlay_start_0:
0x88: {  	s2 =	sld [smem:$0x3FD9]  }
0x89: {  	s3 =	sld [smem:$0x3FFE];
	_ =	sdelay $0x1  }
0x8a: {  	s1 =	srdreg.scid  }
0x8b: {  	s0 =	sand.u32 $0x1, s1  }
0x8c: {  	s17 =	sshll.u32 s0, $0xA;
	s2 =	sadd.s32 s3, s2  }
0x8d: {  	s2 =	sadd.s32 s2, s17  }
0x8e: {  	[smem:$0x3FAE] =	sst s2  }
0x8f: {  	_ = 	snop  }
0x90: {  	s2 =	sld [smem:$0x3FD0];
	(tm) =	ssettm $0x1  }
0x91: {  	s18 =	sld [smem:$0x3FFB];
	_ =	sdelay $0x3  }
0x92: {  	_ =	strace s18  }
0x93: {  	s3 =	sld [smem:$0x3FFC];
	_ =	sdelay $0x3  }
0x94: {  	_ =	strace s3  }
0x95: {  	s3 =	sld [smem:$0x3FFD];
	_ =	sdelay $0x3  }
0x96: {  	_ =	strace s3  }
0x97: {  	_ =	strace $0x8FFFFFFF  }
0x98: {  	s19 =	sld [smem:$0x3FDB];
	_ =	sdelay $0x1  }
0x99: {  	s4 =	simm.s32 $_scs_section_size  }
0x9a: {  	s5 =	simm.s32 $_size__tile_overlayer_lowered;
	s6 =	simm.s32 $_tile_overlayer_lowered  }
0x9b: {  	s22 =	simm.s32 $0x1BFF;
	s21 =	sshll.u32 s6, $0x1;
	s3 =	sadd.s32 s4, s19  }
0x9c: {  	s7 =	simm.s32 $0x0;
	s20 =	sshll.u32 s5, $0x1;
	s5 =	sadd.s32 s21, s3  }
0x9d: {  	[timem:s7], [sflag:s22] =	dma.local [hbm:s5], s20  }
0x9e: {  	_ =	swait.ge [sflag:s22], s20  }
0x9f: {  	s4 =	ssub.s32 $0x0, s20;
	[sflag:s22] =	ssyncset.done $0x0  }
0xa0: {  	[sflag:s22] =	ssyncadd.s32 s4;
	_ =	sdelay $0x1  }
0xa1: {  	s23 =	simm.s32 $0x1B8B  }
0xa2: {  	_ =	swait.ge [sflag:s23], $0x1  }
0xa3: {  	[sflag:s23] =	ssyncset.done $0x0  }
0xa4: {  	s25 =	simm.s32 $0x1B8E;
	s24 =	sld [smem:$0x3FFE];
	[sflag:s23] =	ssyncadd.s32 $0xFFFFFFFF  }
0xa5: {  	s26 =	simm.s32 $execute0_lowered;
	[smem:$0x3FD2] =	sst s25  }
0xa6: {  	s5 =	sshll.u32 s26, $0x1;
	_ =	strace $0x8000004C;
	[dreg:$0x1] =	wrdreg $0xFFFFFFFF  }
0xa7: {  	s28 =	simm.s32 $_size_execute0_lowered;
	s3 =	sadd.s32 s3, s5;
	[dreg:$0x0] =	wrdreg $0x0  }
0xa8: {  	s5 =	sshll.u32 s28, $0x1;
	[dreg:$0x2] =	wrdreg s3  }
0xa9: {  	[dreg:$0x3] =	wrdreg s5  }
0xaa: {  	[dreg:$0x4] =	wrdreg $0xC0  }
0xab: {  	_ =	task [dreg:s7], $0x5FFFF  }
0xac: {  	[dreg:$0x1] =	wrdreg $0xFFFFFFFF  }
0xad: {  	[dreg:$0x0] =	wrdreg $0x60  }
0xae: {  	[dreg:$0x2] =	wrdreg s24  }
0xaf: {  	[dreg:$0x3] =	wrdreg s2  }
0xb0: {  	[dreg:$0x4] =	wrdreg $0x0  }
0xb1: {  	[dreg:$0x5] =	wrdreg $0x9  }
0xb2: {  	_ =	task.clear_ibuf [dreg:s7], $0x6FFFF;
	_ =	strace $0x9000004C  }
0xb3: {  	s29 =	simm.s32 $0x9;
	_ =	strace $0x8000004E  }
0xb4: {  	_ =	swait.ge [sflag:s29], $0x1  }
0xb5: {  	[sflag:s29] =	ssyncadd.s32 $0xFFFFFFFF  }
0xb6: {  	_ =	strace $0x9000004E  }
0xb7: {  	_ =	sfence  }
0xb8: {  	s30 =	sld [smem:$0x0];
	_ =	sdelay $0x2  }
0xb9: {  	s31 =	sshll.u32 s1, $0xD;
	s1 =	sshrl.u32 s1, $0x2  }
0xba: {  	s3 =	sand.u32 $0x4000, s31;
	s1 =	sadd.s32 s1, s30  }
0xbb: {  	s0 =	sor.u32 s3, s0;
	s1 =	sshll.u32 s1, $0x11  }
0xbc: {  	s0 =	sor.u32 s1, s0  }
0xbd: {  	s0 =	sadd.s32 $0x8F2B, s0  }
0xbe: {  	[sflag:s0] =	ssyncadd.remote.s32 $0x1  }
0xbf: {  	_ =	sfence.sel $0xFFFF  }
0xc0: {  	[dreg:$0x0] =	wrdreg $0xFFFFFFFF;
	(pc) =	sbr.abs _section_cstart, $3  }
0xc1: {  	[dreg:$0x1] =	wrdreg $0xFFFFFFFF  }
0xc2: {  	_ =	task.clear_ibuf [dreg:s7], $0x2FFFF;
	_ =	strace $0x9FFFFFFF  }
0xc3: {  	(tm) =	ssettm $0x7FFFFFFF  }
tec
execute0_lowered:
.L_overlay_start_1:
0x0: {  	(tag) =	ssettag $0x1  }
0x1: {  	s1 =	rddreg [dreg:$0x0]  }
0x2: {  	s0 =	srdreg.scid;
	s22 =	stileid.u32  }
0x3: {  	s2 =	simm.s32 $0x0;
	s3 =	sand.u32 $0x1, s0;
	s4 =	smul.u32 $0x16380, s22  }
0x4: {  	[smem:$0x7FF] =	sst s2;
	s6 =	sadd.s32 $0x4C800, s1;
	s0 =	ssub.s32 $0x2, s3  }
0x5: {  	s9 =	smul.u32 $0x163800, s3;
	s25 =	sshll.u32 s3, $0x4;
	s3 =	simm.s32 $0x16380  }
0x6: {  	s5 =	sshrl.u32 s0, $0x1;
	s7 =	sadd.s32 $0x4800, s4;
	s8 =	sadd.s32 $0x6C00, s4  }
0x7: {  	s10 =	sadd.s32 $0x9000, s4;
	s11 =	sadd.s32 $0xB400, s4;
	s13 =	sadd.s32 $0xD800, s4  }
0x8: {  	s14 =	sadd.s32 $0xFC00, s4;
	s20 =	sadd.s32 $0x12000, s4;
	s21 =	sadd.s32 $0x14400, s4  }
0x9: {  	s0 =	ssub.s32 s0, s5;
	s5 =	sadd.s32 $0x2400, s4;
	s12 =	sadd.s32 s4, s9  }
0xa: {  	s28 =	sadd.s32 s9, s7;
	s29 =	sadd.s32 s9, s8;
	s16 =	sadd.s32 s9, s10  }
0xb: {  	s17 =	sadd.s32 s9, s13;
	s18 =	sadd.s32 s9, s14;
	s24 =	sadd.s32 s9, s20  }
0xc: {  	s15 =	sadd.s32 s9, s5;
	s12 =	sshrl.u32 s12, $0x3;
	s16 =	sshrl.u32 s16, $0x3  }
0xd: {  	s0 =	smax.u32 s0, $0x1;
	s15 =	sshrl.u32 s15, $0x3;
	s12 =	sadd.s32 s6, s12  }
0xe: {  	[dreg:$0x4] =	wrdreg s12;
	s26 =	sadd.s32 s6, s15;
	s12 =	sshrl.u32 s28, $0x3  }
0xf: {  	s15 =	sshrl.u32 s29, $0x3;
	[dreg:$0x5] =	wrdreg s26;
	s12 =	sadd.s32 s6, s12  }
0x10: {  	s30 =	sadd.s32 s6, s15;
	s15 =	sadd.s32 s6, s16;
	[dreg:$0x6] =	wrdreg s12  }
0x11: {  	s16 =	sadd.s32 s9, s11;
	s9 =	sadd.s32 s9, s21;
	[dreg:$0x7] =	wrdreg s30  }
0x12: {  	[dreg:$0x8] =	wrdreg s15;
	s12 =	sshrl.u32 s16, $0x3;
	s15 =	sshrl.u32 s17, $0x3  }
0x13: {  	s16 =	sshrl.u32 s18, $0x3;
	s9 =	sshrl.u32 s9, $0x3;
	s12 =	sadd.s32 s6, s12  }
0x14: {  	s17 =	sadd.s32 $0x1B200, s1;
	s19 =	sadd.s32 s6, s15;
	[dreg:$0x9] =	wrdreg s12  }
0x15: {  	s18 =	sadd.s32 $0x2400, s1;
	s23 =	sadd.s32 s6, s16;
	[dreg:$0xa] =	wrdreg s19  }
0x16: {  	s15 =	sshrl.u32 s24, $0x3;
	s16 =	sadd.s32 $0x7400, s1;
	[dreg:$0xb] =	wrdreg s23  }
0x17: {  	s12 =	rddreg [dreg:$0x2];
	s15 =	sadd.s32 s6, s15;
	s6 =	sadd.s32 s6, s9  }
0x18: {  	s19 =	sadd.s32 $0x188800, s1;
	s9 =	simm.s32 $0x2;
	[dreg:$0xc] =	wrdreg s15  }
0x19: {  	[dreg:$0xd] =	wrdreg s6;
	s15 =	sadd.s32 $0x11200, s1;
	s1 =	sor.u32 s22, s25  }
0x1a: {  	s22 =	sadd.s32 s4, s12;
	s23 =	sadd.s32 s5, s12;
	s24 =	sadd.s32 s7, s12  }
0x1b: {  	s25 =	sadd.s32 s8, s12;
	s26 =	sadd.s32 s10, s12;
	s28 =	sadd.s32 s11, s12  }
0x1c: {  	v0 =	vimm.s32 $0xFEDCBA98;
	v1 =	vimm.s32 $0x76543210;
	vm0 =	vmmov $0xff;
	s29 =	sadd.s32 s13, s12;
	_ =	strace $0x8000004D;
	[dreg:$0xe] =	wrdreg s26  }
0x1d: {  	vm2 =	vcmask $0x2724;
	vm1 =	vcmask $0x1F24;
	v0 =	vunpack.c.l.s4.s8 v0;
	s30 =	sadd.s32 s14, s12;
	s20 =	sadd.s32 s20, s12;
	[dreg:$0xf] =	wrdreg s28  }
0x1e: {  	v4 =	vimm.s32 $0x1;
	v5 =	vimm.s32 $0x2;
	v1 =	vunpack.c.l.s4.s8 v1;
	s21 =	sadd.s32 s21, s12;
	s4 =	simm.s32 $0x163C0;
	[dreg:$0x10] =	wrdreg s29  }
0x1f: {  	v6 =	vimm.s32 $0x3;
	v7 =	vimm.s32 $0x4;
	v2 =	vunpack.c.0.s8.s32 v0;
	s5 =	simm.s32 $0x16400;
	s6 =	simm.s32 $0x1;
	[dreg:$0x11] =	wrdreg s30  }
0x20: {  	v8 =	vimm.s32 $0x5;
	v9 =	vimm.s32 $0x6;
	v3 =	vunpack.c.0.s8.s32 v1;
	s7 =	simm.s32 $0x40;
	s8 =	simm.s32 $0x16C40;
	[dreg:$0x14] =	wrdreg s0  }
0x21: {  	v10 =	vimm.s32 $0x7;
	v0 =	vimm.f32 $0.0e+00;
	v2 =	vand.u32 $0xF, v2;
	s11 =	simm.s32 $0x3;
	s31 =	smul.u32 $0x2780, s1;
	[dreg:$0x12] =	wrdreg s20  }
0x22: {  	v1 =	vimm.s32 $0x0;
	v2 =	vcombine.low v2, v3;
	v3 =	vsel vm2, $0x3F800000, v0;
	s1 =	simm.s32 $0x18C40;
	s0 =	simm.s32 $0x4;
	[dreg:$0x13] =	wrdreg s21  }
.LBB2_1:
0x23: {  	s10 =	simm.s32 $0x0;
	s13 =	simm.s32 $0x240  }
.LBB2_2:
0x24: {  	p0 =	sne.s32 s13, $0x8DC0;
	[tilespmem:s10+$0x18CC0] =	vst v0  }
0x25: {  	[tilespmem:s10+$0x18C40] =	vst v0  }
0x26: {  	[tilespmem:s10+$0x18C50] =	vst v0  }
0x27: {  	[tilespmem:s10+$0x18C60] =	vst v0  }
.Ltmp0:
0x28: {  	[tilespmem:s10+$0x18C70] =	vst v0;
	(pc) =	sbr.rel @p0 .LBB2_2-.Ltmp0, $4  }
0x29: {  	[tilespmem:s10+$0x18C80] =	vst v0  }
0x2a: {  	[tilespmem:s10+$0x18C90] =	vst v0  }
0x2b: {  	[tilespmem:s10+$0x18CA0] =	vst v0  }
0x2c: {  	[tilespmem:s10+$0x18CB0] =	vst v0;
	s10 =	sshra.s32 s13, $0x2;
	s13 =	sadd.s32 $0x240, s13  }
0x2d: {  	[tilespmem:s10+$0x18CC0] =	vst v0  }
0x2e: {  	[tilespmem:s10+$0x18C40] =	vst v0  }
0x2f: {  	[tilespmem:s10+$0x18C50] =	vst v0  }
0x30: {  	[tilespmem:s10+$0x18C60] =	vst v0  }
0x31: {  	[tilespmem:s10+$0x18C70] =	vst v0  }
0x32: {  	[tilespmem:s10+$0x18C80] =	vst v0  }
0x33: {  	[tilespmem:s10+$0x18C90] =	vst v0  }
0x34: {  	[tilespmem:s10+$0x18CA0] =	vst v0  }
0x35: {  	[tilespmem:s10+$0x18CB0] =	vst v0  }
0x36: {  	[spmem:s22] =	stream.linear.scatter [tilespmem:s1], [sflag:$0x4], $0x2400, $0x38;
	[tilespmem:$0x1B050] =	vst v63  }
0x37: {  	_ =	swait.ge [sflag:s0], $0x2400  }
0x38: {  	[sflag:s0] =	ssyncset.done $0x0  }
0x39: {  	[sflag:s0] =	ssyncadd.s32 $0xFFFFDC00  }
0x3a: {  	[spmem:s23] =	stream.linear.scatter [tilespmem:s1], [sflag:$0x4], $0x2400, $0x38;
	[tilespmem:$0x1B050] =	vst v63  }
0x3b: {  	_ =	swait.ge [sflag:s0], $0x2400  }
0x3c: {  	[sflag:s0] =	ssyncset.done $0x0  }
0x3d: {  	[sflag:s0] =	ssyncadd.s32 $0xFFFFDC00  }
0x3e: {  	[spmem:s24] =	stream.linear.scatter [tilespmem:s1], [sflag:$0x4], $0x2400, $0x38;
	[tilespmem:$0x1B050] =	vst v63  }
0x3f: {  	_ =	swait.ge [sflag:s0], $0x2400  }
0x40: {  	[sflag:s0] =	ssyncset.done $0x0  }
0x41: {  	[sflag:s0] =	ssyncadd.s32 $0xFFFFDC00  }
0x42: {  	[spmem:s25] =	stream.linear.scatter [tilespmem:s1], [sflag:$0x4], $0x2400, $0x38;
	[tilespmem:$0x1B050] =	vst v63  }
0x43: {  	_ =	swait.ge [sflag:s0], $0x2400  }
0x44: {  	[sflag:s0] =	ssyncset.done $0x0  }
0x45: {  	s14 =	rddreg [dreg:$0xe];
	[sflag:s0] =	ssyncadd.s32 $0xFFFFDC00  }
0x46: {  	[spmem:s14] =	stream.linear.scatter [tilespmem:s1], [sflag:$0x4], $0x2400, $0x38;
	[tilespmem:$0x1B050] =	vst v63  }
0x47: {  	_ =	swait.ge [sflag:s0], $0x2400  }
0x48: {  	[sflag:s0] =	ssyncset.done $0x0  }
0x49: {  	s26 =	smov.u32 s22;
	s22 =	rddreg [dreg:$0xf];
	[sflag:s0] =	ssyncadd.s32 $0xFFFFDC00  }
0x4a: {  	[spmem:s22] =	stream.linear.scatter [tilespmem:s1], [sflag:$0x4], $0x2400, $0x38;
	[tilespmem:$0x1B050] =	vst v63  }
0x4b: {  	_ =	swait.ge [sflag:s0], $0x2400  }
0x4c: {  	[sflag:s0] =	ssyncset.done $0x0  }
0x4d: {  	s28 =	smov.u32 s23;
	s23 =	rddreg [dreg:$0x10];
	[sflag:s0] =	ssyncadd.s32 $0xFFFFDC00  }
0x4e: {  	[spmem:s23] =	stream.linear.scatter [tilespmem:s1], [sflag:$0x4], $0x2400, $0x38;
	[tilespmem:$0x1B050] =	vst v63  }
0x4f: {  	_ =	swait.ge [sflag:s0], $0x2400  }
0x50: {  	[sflag:s0] =	ssyncset.done $0x0  }
0x51: {  	s29 =	smov.u32 s24;
	s24 =	rddreg [dreg:$0x11];
	[sflag:s0] =	ssyncadd.s32 $0xFFFFDC00  }
0x52: {  	[spmem:s24] =	stream.linear.scatter [tilespmem:s1], [sflag:$0x4], $0x2400, $0x38;
	[tilespmem:$0x1B050] =	vst v63  }
0x53: {  	_ =	swait.ge [sflag:s0], $0x2400  }
0x54: {  	[sflag:s0] =	ssyncset.done $0x0  }
0x55: {  	[sflag:s0] =	ssyncadd.s32 $0xFFFFDC00  }
0x56: {  	[spmem:s20] =	stream.linear.scatter [tilespmem:s1], [sflag:$0x4], $0x2400, $0x38;
	[tilespmem:$0x1B050] =	vst v63  }
0x57: {  	_ =	swait.ge [sflag:s0], $0x2400  }
0x58: {  	[sflag:s0] =	ssyncset.done $0x0  }
0x59: {  	[sflag:s0] =	ssyncadd.s32 $0xFFFFDC00  }
0x5a: {  	[spmem:s21] =	stream.linear.scatter [tilespmem:s1], [sflag:$0x4], $0x1F80, $0x38;
	[tilespmem:$0x1B050] =	vst v63  }
0x5b: {  	_ =	swait.ge [sflag:s0], $0x1F80  }
0x5c: {  	[sflag:s0] =	ssyncset.done $0x0  }
0x5d: {  	s30 =	smov.u32 s25;
	[sflag:s0] =	ssyncadd.s32 $0xFFFFE080  }
0x5e: {  	s13 =	simm.s32 $0x0;
	s14 =	simm.s32 $0x1B040;
	s25 =	rddreg [dreg:$0x1]  }
0x5f: {  	[tilespmem:s14], [sflag:$0x4] =	stream.linear.gather [hbm4b:s25+s13], $0x10, $0x38;
	[tilespmem:$0x1B050] =	vst v63  }
0x60: {  	_ =	swait.ge [sflag:s0], $0x10  }
0x61: {  	[sflag:s0] =	ssyncset.done $0x0  }
0x62: {  	[sflag:s0] =	ssyncadd.s32 $0xFFFFFFF0  }
0x63: {  	s14 =	simm.s32 $0x0;
	[bflag:$0x0] =	sbarrier.arrive $0xFFFF  }
.LBB2_4:
0x64: {  	s10 =	sshll.u32 s14, $0x6  }
0x65: {  	s10 =	sadd.s32 s31, s10  }
0x66: {  	s10 =	sshrl.u32 s10, $0x3  }
0x67: {  	s20 =	sadd.s32 s15, s10  }
0x68: {  	[tilespmem:s3], [sflag:$0x1] =	stream.linear.gather [hbm4b:s20+s13], $0x40, $0x38;
	[tilespmem:$0x1B050] =	vst v63  }
0x69: {  	s25 =	sadd.s32 s16, s10  }
0x6a: {  	[tilespmem:s4], [sflag:$0x1] =	stream.linear.gather [hbm4b:s25+s13], $0x40, $0x38;
	[tilespmem:$0x1B050] =	vst v63  }
0x6b: {  	s10 =	sadd.s32 s17, s10  }
0x6c: {  	[tilespmem:s5], [sflag:$0x1] =	stream.linear.gather [hbm4b:s10+s13], $0x40, $0x38;
	[tilespmem:$0x1B050] =	vst v63  }
0x6d: {  	_ =	swait.ge [sflag:s6], $0x40  }
0x6e: {  	[sflag:s6] =	ssyncset.done $0x0  }
0x6f: {  	[sflag:s6] =	ssyncadd.s32 $0xFFFFFFC0  }
0x70: {  	_ =	swait.ge [sflag:s6], $0x40  }
0x71: {  	[sflag:s6] =	ssyncset.done $0x0  }
0x72: {  	[sflag:s6] =	ssyncadd.s32 $0xFFFFFFC0  }
0x73: {  	_ =	swait.ge [sflag:s6], $0x40  }
0x74: {  	[sflag:s6] =	ssyncset.done $0x0  }
0x75: {  	s10 =	simm.s32 $0x16440;
	[sflag:s6] =	ssyncadd.s32 $0xFFFFFFC0  }
0x76: {  	[tilespmem:s10], [sflag:$0x2] =	stream.indirect.gather [hbm4b:s18+s7], $0x10, s3, s7, $0xb8;
	[tilespmem:$0x1B050] =	vst v63  }
0x77: {  	s20 =	simm.s32 $0x16840  }
0x78: {  	[tilespmem:s20], [sflag:$0x2] =	stream.indirect.gather [hbm4b:s18+s7], $0x10, s4, s7, $0xb8;
	[tilespmem:$0x1B050] =	vst v63  }
0x79: {  	_ = 	snop  }
0x7a: {  	[tilespmem:s8], [sflag:$0x3] =	stream.indirect.gather [hbm4b:s19+s7], $0x80, s3, s7, $0xb8;
	[tilespmem:$0x1B050] =	vst v63  }
0x7b: {  	_ =	swait.ge [sflag:s9], $0x400  }
0x7c: {  	[sflag:s9] =	ssyncset.done $0x0  }
0x7d: {  	[sflag:s9] =	ssyncadd.s32 $0xFFFFFC00  }
0x7e: {  	_ =	swait.ge [sflag:s9], $0x400  }
0x7f: {  	[sflag:s9] =	ssyncset.done $0x0  }
0x80: {  	[sflag:s9] =	ssyncadd.s32 $0xFFFFFC00  }
0x81: {  	_ =	swait.ge [sflag:s11], $0x2000  }
0x82: {  	[sflag:s11] =	ssyncset.done $0x0  }
0x83: {  	[sflag:s11] =	ssyncadd.s32 $0xFFFFE000  }
0x84: {  	v11 =	vld [tilespmem:$0x16410]  }
0x85: {  	v12 =	vld [tilespmem:$0x16420]  }
0x86: {  	v13 =	vld [tilespmem:$0x16430]  }
0x87: {  	v14 =	vld [tilespmem:$0x16400];
	_ =	sdelay $0x1  }
0x88: {  	v16 =	vmov s13;
	v15 =	vld [tilespmem:s20+$0x0]  }
0x89: {  	v18 =	vand.u32 $0xF, v16;
	v17 =	vld [tilespmem:s10+$0x0]  }
0x8a: {  	v19 =	vld [tilespmem:$0x1B040];
	v11 =	vperm.xlane v11, v18;
	v13 =	vperm.xlane v13, v18  }
0x8b: {  	v20 =	vand.u32 $0x10, v16;
	v14 =	vperm.xlane v14, v18;
	v12 =	vperm.xlane v12, v18  }
0x8c: {  	vm3 =	vlt.u32 v16, $0x20;
	vm2 =	veq.s32 v20, $0x0  }
0x8d: {  	v53 =	vperm.xlane v15, v2;
	v11 =	vsel vm2, v14, v11;
	v12 =	vsel vm2, v12, v13  }
0x8e: {  	v11 =	vsel vm3, v11, v12  }
0x8f: {  	v54 =	vadd.f32 v53, v17;
	v55 =	vmul.f32 v19, v11;
	_ =	sdelay $0x1  }
0x90: {  	v12 =	vadd.f32 v55, v54;
	_ =	sdelay $0x1  }
0x91: {  	v13 =	vmul.f32 $2.000000030e-01, v12  }
0x92: {  	vm2 =	vgt.f32 v12, $0.0e+00  }
0x93: {  	v12 =	vsel vm2, v12, v13  }
0x94: {  	v12 =	vmul.f32 $1.442695020e+00, v12;
	_ =	sdelay $0x1  }
0x95: {  	(erf) = vpow2.f32 v12;
	_ =	sdelay $0x8  }
0x96: {  	v12 =	vpop (erf)  }
0x97: {  	v11 =	vsel vm1, $0x0, v11;
	v56 =	vnsel vm0, $0x0, v12  }
0x98: {  	v11 =	vadd.f32 v56, v11;
	_ =	sdelay $0x1  }
0x99: {  	v11 =	vadd.f32 v3, v11  }
0x9a: {  	s22 =	simm.s32 $0x18C80  }
0x9b: {  	s21 =	simm.s32 $0x16C80;
	[tilespmem:s22+$0x40] =	vst v11  }
0x9c: {  	v11 =	vld [tilespmem:s21+$0xFFFFFFC0];
	_ =	sdelay $0x2  }
0x9d: {  	v57 =	vperm.xlane v12, v1;
	_ =	sdelay $0x1  }
0x9e: {  	v11 =	vmul.f32 v11, v57;
	_ =	sdelay $0x1  }
0x9f: {  	[tilespmem:s22+$0xFFFFFFC0] =	vst v11  }
0xa0: {  	v11 =	vld [tilespmem:s21+$0xFFFFFFD0];
	_ =	sdelay $0x2  }
0xa1: {  	v58 =	vperm.xlane v12, v4;
	_ =	sdelay $0x1  }
0xa2: {  	v11 =	vmul.f32 v11, v58;
	_ =	sdelay $0x1  }
0xa3: {  	[tilespmem:s22+$0xFFFFFFD0] =	vst v11  }
0xa4: {  	v11 =	vld [tilespmem:s21+$0xFFFFFFE0];
	_ =	sdelay $0x2  }
0xa5: {  	v59 =	vperm.xlane v12, v5;
	_ =	sdelay $0x1  }
0xa6: {  	v11 =	vmul.f32 v11, v59;
	_ =	sdelay $0x1  }
0xa7: {  	[tilespmem:s22+$0xFFFFFFE0] =	vst v11  }
0xa8: {  	v11 =	vld [tilespmem:s21+$0xFFFFFFF0];
	_ =	sdelay $0x2  }
0xa9: {  	v60 =	vperm.xlane v12, v6;
	_ =	sdelay $0x1  }
0xaa: {  	v11 =	vmul.f32 v11, v60;
	_ =	sdelay $0x1  }
0xab: {  	[tilespmem:s22+$0xFFFFFFF0] =	vst v11  }
0xac: {  	v11 =	vld [tilespmem:s21+$0x0];
	_ =	sdelay $0x2  }
0xad: {  	v61 =	vperm.xlane v12, v7;
	_ =	sdelay $0x1  }
0xae: {  	v11 =	vmul.f32 v11, v61;
	_ =	sdelay $0x1  }
0xaf: {  	[tilespmem:s22+$0x0] =	vst v11  }
0xb0: {  	v11 =	vld [tilespmem:s21+$0x10];
	_ =	sdelay $0x2  }
0xb1: {  	v62 =	vperm.xlane v12, v8;
	_ =	sdelay $0x1  }
0xb2: {  	v11 =	vmul.f32 v11, v62;
	_ =	sdelay $0x1  }
0xb3: {  	[tilespmem:s22+$0x10] =	vst v11  }
0xb4: {  	v11 =	vld [tilespmem:s21+$0x20];
	_ =	sdelay $0x2  }
0xb5: {  	v63 =	vperm.xlane v12, v9;
	_ =	sdelay $0x1  }
0xb6: {  	v11 =	vmul.f32 v11, v63;
	_ =	sdelay $0x1  }
0xb7: {  	[tilespmem:s22+$0x20] =	vst v11  }
0xb8: {  	v11 =	vld [tilespmem:s21+$0x30];
	_ =	sdelay $0x2  }
0xb9: {  	v12 =	vperm.xlane v12, v10;
	_ =	sdelay $0x1  }
0xba: {  	v11 =	vmul.f32 v11, v12  }
0xbb: {  	s23 =	simm.s32 $0x1;
	s24 =	simm.s32 $0x18D10  }
.LBB2_5:
0xbc: {  	[tilespmem:s22+$0x30] =	vst v11;
	s10 =	sadd.s32 $0x10, s10;
	s20 =	sadd.s32 $0x10, s20;
	s21 =	sadd.s32 $0x80, s21  }
0xbd: {  	p0 =	sne.s32 s23, $0x3F;
	s25 =	smov.u32 s23;
	s23 =	sadd.s32 $0x1, s23;
	v11 =	vld [tilespmem:$0x16410]  }
0xbe: {  	s22 =	smov.u32 s24;
	v12 =	vld [tilespmem:$0x16420]  }
0xbf: {  	v13 =	vld [tilespmem:$0x16430]  }
0xc0: {  	v14 =	vld [tilespmem:$0x16400];
	_ =	sdelay $0x1  }
0xc1: {  	v16 =	vmov s25;
	v15 =	vld [tilespmem:s20+$0x0]  }
0xc2: {  	v18 =	vand.u32 $0xF, v16;
	v19 =	vand.u32 $0x10, v16;
	v17 =	vld [tilespmem:s10+$0x0]  }
0xc3: {  	v11 =	vperm.xlane v11, v18;
	v13 =	vperm.xlane v13, v18;
	v20 =	vld [tilespmem:$0x1B040]  }
0xc4: {  	v12 =	vperm.xlane v12, v18;
	v14 =	vperm.xlane v14, v18  }
0xc5: {  	vm3 =	vlt.u32 v16, $0x20;
	vm2 =	veq.s32 v19, $0x0  }
0xc6: {  	v12 =	vsel vm2, v12, v13;
	v11 =	vsel vm2, v14, v11;
	v13 =	vperm.xlane v15, v2  }
0xc7: {  	v11 =	vsel vm3, v11, v12  }
0xc8: {  	v12 =	vadd.f32 v13, v17;
	v13 =	vmul.f32 v20, v11;
	_ =	sdelay $0x1  }
0xc9: {  	v12 =	vadd.f32 v13, v12;
	_ =	sdelay $0x1  }
0xca: {  	vm2 =	vgt.f32 v12, $0.0e+00;
	v13 =	vmul.f32 $2.000000030e-01, v12;
	_ =	sdelay $0x1  }
0xcb: {  	v12 =	vsel vm2, v12, v13  }
0xcc: {  	v12 =	vmul.f32 $1.442695020e+00, v12;
	_ =	sdelay $0x1  }
0xcd: {  	(erf) = vpow2.f32 v12;
	_ =	sdelay $0x8  }
0xce: {  	v12 =	vpop (erf)  }
0xcf: {  	v11 =	vsel vm1, $0x0, v11;
	v13 =	vnsel vm0, $0x0, v12  }
0xd0: {  	v11 =	vadd.f32 v13, v11;
	_ =	sdelay $0x1  }
0xd1: {  	v11 =	vadd.f32 v3, v11;
	_ =	sdelay $0x1  }
0xd2: {  	[tilespmem:s24+$0x40] =	vst v11  }
0xd3: {  	v11 =	vld [tilespmem:s21+$0xFFFFFFC0];
	_ =	sdelay $0x2  }
0xd4: {  	v13 =	vperm.xlane v12, v1;
	_ =	sdelay $0x1  }
0xd5: {  	v11 =	vmul.f32 v11, v13;
	_ =	sdelay $0x1  }
0xd6: {  	[tilespmem:s24+$0xFFFFFFC0] =	vst v11  }
0xd7: {  	v11 =	vld [tilespmem:s21+$0xFFFFFFD0];
	_ =	sdelay $0x2  }
0xd8: {  	v13 =	vperm.xlane v12, v4;
	_ =	sdelay $0x1  }
0xd9: {  	v11 =	vmul.f32 v11, v13;
	_ =	sdelay $0x1  }
0xda: {  	[tilespmem:s24+$0xFFFFFFD0] =	vst v11  }
0xdb: {  	v11 =	vld [tilespmem:s21+$0xFFFFFFE0];
	_ =	sdelay $0x2  }
0xdc: {  	v13 =	vperm.xlane v12, v5;
	_ =	sdelay $0x1  }
0xdd: {  	v11 =	vmul.f32 v11, v13;
	_ =	sdelay $0x1  }
0xde: {  	[tilespmem:s24+$0xFFFFFFE0] =	vst v11  }
0xdf: {  	v11 =	vld [tilespmem:s21+$0xFFFFFFF0];
	_ =	sdelay $0x2  }
0xe0: {  	v13 =	vperm.xlane v12, v6;
	_ =	sdelay $0x1  }
0xe1: {  	v11 =	vmul.f32 v11, v13;
	_ =	sdelay $0x1  }
0xe2: {  	[tilespmem:s24+$0xFFFFFFF0] =	vst v11  }
0xe3: {  	v11 =	vld [tilespmem:s21+$0x0];
	_ =	sdelay $0x2  }
0xe4: {  	v13 =	vperm.xlane v12, v7;
	_ =	sdelay $0x1  }
0xe5: {  	v11 =	vmul.f32 v11, v13;
	_ =	sdelay $0x1  }
0xe6: {  	[tilespmem:s24+$0x0] =	vst v11  }
0xe7: {  	v11 =	vld [tilespmem:s21+$0x10];
	_ =	sdelay $0x2  }
0xe8: {  	v13 =	vperm.xlane v12, v8;
	_ =	sdelay $0x1  }
0xe9: {  	v11 =	vmul.f32 v11, v13;
	_ =	sdelay $0x1  }
0xea: {  	[tilespmem:s24+$0x10] =	vst v11  }
0xeb: {  	v11 =	vld [tilespmem:s21+$0x20];
	_ =	sdelay $0x2  }
0xec: {  	v13 =	vperm.xlane v12, v9;
	_ =	sdelay $0x1  }
0xed: {  	v11 =	vmul.f32 v11, v13;
	_ =	sdelay $0x1  }
0xee: {  	[tilespmem:s24+$0x20] =	vst v11  }
0xef: {  	v11 =	vld [tilespmem:s21+$0x30];
	_ =	sdelay $0x1  }
.Ltmp1:
0xf0: {  	(pc) =	sbr.rel @p0 .LBB2_5-.Ltmp1, $3  }
0xf1: {  	v12 =	vperm.xlane v12, v10;
	_ =	sdelay $0x1  }
0xf2: {  	v11 =	vmul.f32 v11, v12  }
0xf3: {  	s24 =	sadd.s32 $0x90, s24  }
0xf4: {  	s14 =	sadd.s32 $0x1, s14  }
0xf5: {  	p0 =	sne.s32 s14, $0x9E  }
.Ltmp2:
0xf6: {  	[tilespmem:s22+$0x30] =	vst v11;
	(pc) =	sbr.rel @p0 .LBB2_4-.Ltmp2, $4  }
0xf7: {  	[spmem:s12] =	stream.indirect.scatter.add.f32 [tilespmem:s1], [sflag:$0x4], $0x90, s4, s7, $0xb8;
	[tilespmem:$0x1B050] =	vst v63  }
0xf8: {  	_ =	swait.ge [sflag:s0], $0x2400  }
0xf9: {  	[sflag:s0] =	ssyncset.done $0x0  }
0xfa: {  	[sflag:s0] =	ssyncadd.s32 $0xFFFFDC00  }
0xfb: {  	s10 =	stileid.u32  }
0xfc: {  	[bflag:$0x0] =	sbarrier.arrive $0xFFFF;
	s10 =	sshll.u32 s10, $0x6  }
0xfd: {  	s13 =	sshrl.u32 s26, $0x3;
	s14 =	rddreg [dreg:$0x4];
	s10 =	sor.u32 $0x1C04, s10  }
0xfe: {  	[hbm:s14], [sflag:s10] =	dma.local [spmem:s13], $0x480  }
0xff: {  	_ =	swait.ge [sflag:s0], $0x480  }
0x100: {  	[sflag:s0] =	ssyncset.done $0x0  }
0x101: {  	s24 =	sshrl.u32 s28, $0x3;
	s25 =	rddreg [dreg:$0x5];
	[sflag:s0] =	ssyncadd.s32 $0xFFFFFB80  }
0x102: {  	[hbm:s25], [sflag:s10] =	dma.local [spmem:s24], $0x480  }
0x103: {  	_ =	swait.ge [sflag:s0], $0x480  }
0x104: {  	s22 =	smov.u32 s26;
	s23 =	smov.u32 s28;
	[sflag:s0] =	ssyncset.done $0x0  }
0x105: {  	s26 =	sshrl.u32 s29, $0x3;
	s28 =	rddreg [dreg:$0x6];
	[sflag:s0] =	ssyncadd.s32 $0xFFFFFB80  }
0x106: {  	[hbm:s28], [sflag:s10] =	dma.local [spmem:s26], $0x480  }
0x107: {  	_ =	swait.ge [sflag:s0], $0x480  }
0x108: {  	s24 =	smov.u32 s29;
	s25 =	smov.u32 s30;
	[sflag:s0] =	ssyncset.done $0x0  }
0x109: {  	s29 =	sshrl.u32 s30, $0x3;
	s30 =	rddreg [dreg:$0x7];
	[sflag:s0] =	ssyncadd.s32 $0xFFFFFB80  }
0x10a: {  	[hbm:s30], [sflag:s10] =	dma.local [spmem:s29], $0x480  }
0x10b: {  	_ =	swait.ge [sflag:s0], $0x480  }
0x10c: {  	[sflag:s0] =	ssyncset.done $0x0;
	s20 =	rddreg [dreg:$0xe]  }
0x10d: {  	s21 =	rddreg [dreg:$0x8];
	[sflag:s0] =	ssyncadd.s32 $0xFFFFFB80;
	s13 =	sshrl.u32 s20, $0x3  }
0x10e: {  	[hbm:s21], [sflag:s10] =	dma.local [spmem:s13], $0x480  }
0x10f: {  	_ =	swait.ge [sflag:s0], $0x480  }
0x110: {  	[sflag:s0] =	ssyncset.done $0x0;
	s26 =	rddreg [dreg:$0xf]  }
0x111: {  	s28 =	rddreg [dreg:$0x9];
	[sflag:s0] =	ssyncadd.s32 $0xFFFFFB80;
	s13 =	sshrl.u32 s26, $0x3  }
0x112: {  	[hbm:s28], [sflag:s10] =	dma.local [spmem:s13], $0x480  }
0x113: {  	_ =	swait.ge [sflag:s0], $0x480  }
0x114: {  	[sflag:s0] =	ssyncset.done $0x0;
	s29 =	rddreg [dreg:$0x10]  }
0x115: {  	s30 =	rddreg [dreg:$0xa];
	[sflag:s0] =	ssyncadd.s32 $0xFFFFFB80;
	s13 =	sshrl.u32 s29, $0x3  }
0x116: {  	[hbm:s30], [sflag:s10] =	dma.local [spmem:s13], $0x480  }
0x117: {  	_ =	swait.ge [sflag:s0], $0x480  }
0x118: {  	[sflag:s0] =	ssyncset.done $0x0;
	s14 =	rddreg [dreg:$0x11]  }
0x119: {  	s20 =	rddreg [dreg:$0xb];
	[sflag:s0] =	ssyncadd.s32 $0xFFFFFB80;
	s13 =	sshrl.u32 s14, $0x3  }
0x11a: {  	[hbm:s20], [sflag:s10] =	dma.local [spmem:s13], $0x480  }
0x11b: {  	_ =	swait.ge [sflag:s0], $0x480  }
0x11c: {  	[sflag:s0] =	ssyncset.done $0x0;
	s20 =	rddreg [dreg:$0x12]  }
0x11d: {  	s26 =	rddreg [dreg:$0xc];
	[sflag:s0] =	ssyncadd.s32 $0xFFFFFB80;
	s21 =	sshrl.u32 s20, $0x3  }
0x11e: {  	[hbm:s26], [sflag:s10] =	dma.local [spmem:s21], $0x480  }
0x11f: {  	_ =	swait.ge [sflag:s0], $0x480  }
0x120: {  	[sflag:s0] =	ssyncset.done $0x0;
	s21 =	rddreg [dreg:$0x13]  }
0x121: {  	s29 =	rddreg [dreg:$0xd];
	[sflag:s0] =	ssyncadd.s32 $0xFFFFFB80;
	s28 =	sshrl.u32 s21, $0x3  }
0x122: {  	[hbm:s29], [sflag:s10] =	dma.local [spmem:s28], $0x3F0  }
0x123: {  	_ =	swait.ge [sflag:s0], $0x3F0  }
0x124: {  	s2 =	sadd.s32 $0x1, s2;
	s30 =	rddreg [dreg:$0x14]  }
0x125: {  	p0 =	sne.s32 s2, s30  }
.Ltmp3:
0x126: {  	_ = 	snop;
	(pc) =	sbr.rel @p0 .LBB2_1-.Ltmp3, $3  }
0x127: {  	_ =	sdelay $0x1  }
0x128: {  	[sflag:s0] =	ssyncset.done $0x0  }
0x129: {  	[sflag:s0] =	ssyncadd.s32 $0xFFFFFC10  }
0x12a: {  	_ =	sfence.sel $0x180000  }
0x12b: {  	[bflag:$0x0] =	sbarrier.arrive $0xFFFF  }
0x12c: {  	_ =	strace $0x9000004D  }
0x12d: {  	s0 =	stileid.u32;
	[bflag:$0x2] =	sbarrier.arrive $0xFFFF  }
0x12e: {  	p0 =	sne.s32 s0, $0x0;
	s0 =	rddreg [dreg:$0x3]  }
0x12f: {  	s0 =	sadd.s32 @!p0 $0x100000, s0  }
0x130: {  	[sflag:s0] =	ssyncadd.tile.s32 @!p0 $0x1;
	_ =	shalt  }
.Lfunc_end2:
_tile_overlayer_lowered:
.L_overlay_start_2:
0x131: {  	(tag) =	ssettag $0x2  }
0x132: {  	s0 =	rddreg [dreg:$0x0];
	s2 =	stileid.u32  }
0x133: {  	s1 =	rddreg [dreg:$0x1];
	p0 =	sne.s32 s2, $0x0  }
0x134: {  	s3 =	rddreg [dreg:$0x2];
	[bflag:$0x3] =	sbarrier.arrive $0xFFFF;
	s2 =	simm.s32 @!p0 $0x1C04  }
0x135: {  	[timem:s3], [sflag:s2] =	dma.local @!p0 [hbm:s0], s1  }
0x136: {  	s0 =	simm.s32 @!p0 $0x4  }
0x137: {  	_ =	swait.ge @!p0 [sflag:s0], s1  }
0x138: {  	s1 =	ssub.s32 @!p0 $0x0, s1;
	[sflag:s0] =	ssyncset.done @!p0 $0x0  }
0x139: {  	[sflag:s0] =	ssyncadd.s32 @!p0 s1  }
0x13a: {  	[bflag:$0x3] =	sbarrier.arrive $0xFFFF  }
0x13b: {  	_ =	shalt  }

</sc_bundles>
